<compile_context>
chip_gen: v7x
topology: tpu7x:2x2x1
jax: 0.10.2.dev20260603
libtpu: 0.0.44.dev20260713+nightly
codegen_flags: <defaults>
</compile_context>

<pallas_src>
import jax
import jax.numpy as jnp
from jax import lax
from jax.experimental import pallas as pl
from jax.experimental.pallas import tpu as pltpu
from jax.experimental.pallas import tpu_sc as plsc

_B, _S, _H = 4, 8192, 768
_NW = 32
_SPW = _S // _NW
_CS = 8
_NCHUNK = _SPW // _CS
_NVROW = _H // 16


def _sc_body(x_hbm, pe_hbm, out_hbm, xin, pein, obuf, in0, in1, out0, out1):
    wid = lax.axis_index("s") * 2 + lax.axis_index("c")
    s0 = wid * _SPW
    in_sems = (in0, in1)
    out_sems = (out0, out1)

    def issue_in(c, nb):
        s_off = s0 + c * _CS
        pltpu.async_copy(
            pe_hbm.at[pl.ds(s_off, _CS), :], pein.at[nb], in_sems[nb])
        pltpu.async_copy(
            x_hbm.at[:, pl.ds(s_off, _CS), :], xin.at[nb], in_sems[nb])

    def wait_in(nb):
        pltpu.make_async_copy(
            pe_hbm.at[pl.ds(0, _CS), :], pein.at[nb], in_sems[nb]).wait()
        pltpu.make_async_copy(
            x_hbm.at[:, pl.ds(0, _CS), :], xin.at[nb], in_sems[nb]).wait()

    def issue_out(c, nb):
        s_off = s0 + c * _CS
        pltpu.async_copy(
            obuf.at[nb], out_hbm.at[:, pl.ds(s_off, _CS), :], out_sems[nb])

    def wait_out(nb):
        pltpu.make_async_copy(
            obuf.at[nb], out_hbm.at[:, pl.ds(0, _CS), :], out_sems[nb]).wait()

    issue_in(0, 0)
    issue_in(1, 1)

    def group(g, carry):
        for nb in range(2):
            c = g * 2 + nb
            wait_in(nb)

            @pl.when(g >= 1)
            def _():
                wait_out(nb)

            @plsc.parallel_loop(0, _NVROW, unroll=2)
            def _add(j):
                sl = pl.ds(j * 16, 16)
                for r in range(_CS):
                    pev = pein[nb, r, sl]
                    for bb in range(_B):
                        obuf[nb, bb, r, sl] = xin[nb, bb, r, sl] + pev

            @pl.when(c + 2 < _NCHUNK)
            def _():
                issue_in(c + 2, nb)

            issue_out(c, nb)
        return carry

    lax.fori_loop(0, _NCHUNK // 2, group, 0)
    wait_out(0)
    wait_out(1)


@jax.jit
def kernel(x_tok, pos_emb):
    return pl.kernel(
        _sc_body,
        out_type=jax.ShapeDtypeStruct((_B, _S, _H), jnp.float32),
        mesh=plsc.VectorSubcoreMesh(core_axis_name="c", subcore_axis_name="s"),
        scratch_types=[
            pltpu.VMEM((2, _B, _CS, _H), jnp.float32),
            pltpu.VMEM((2, _CS, _H), jnp.float32),
            pltpu.VMEM((2, _B, _CS, _H), jnp.float32),
            pltpu.SemaphoreType.DMA,
            pltpu.SemaphoreType.DMA,
            pltpu.SemaphoreType.DMA,
            pltpu.SemaphoreType.DMA,
        ],
    )(x_tok, pos_emb)

# --- scband reference (transcript-rebuilt; emitter-appended) ---
"""Pipeline reference for scband-pos-embedding-44220983280222 (READ-ONLY COPY).

The authoritative reference and input builder live on the scoring server;
editing this copy changes nothing except your own understanding.
"""

import jax, jax.numpy as jnp
import numpy as np

B, S, H = 4, 8192, 768
MAX_LEN = 8192

def setup_inputs(seed: int = 0) -> dict:
    key = jax.random.key(seed)
    k1, k2 = jax.random.split(key)
    x_tok = jax.random.normal(k1, (B, S, H), dtype=jnp.float32)
    pos_emb = jax.random.normal(k2, (MAX_LEN, H), dtype=jnp.float32) * 0.02
    return {"x_tok": x_tok, "pos_emb": pos_emb}

def reference(x_tok, pos_emb):
    # pos = arange(S) repeated over batch; embedding lookup is a gather
    b, s, h = x_tok.shape
    pos = jnp.arange(s, dtype=jnp.int32)
    pe = jnp.take(pos_emb, pos, axis=0)  # (S, H)
    # dropout in eval mode is identity
    return x_tok + pe[None, :, :]

if __name__ == "__main__":
    import jax
    _d = setup_inputs()
    print(jax.jit(kernel)(*tuple(_d.values())))

</pallas_src>

<mosaic_0001>
#map = affine_map<(d0, d1) -> (0, 0, 0)>
#map1 = affine_map<(d0, d1) -> (0, 0)>
module attributes {stable_mosaic.version = 14 : i64} {
  func.func @_sc_body(%arg0: i32, %arg1: i32, %arg2: memref<4x8192x768xf32, #tpu.memory_space<hbm>>, %arg3: memref<8192x768xf32, #tpu.memory_space<hbm>>, %arg4: memref<4x8192x768xf32, #tpu.memory_space<hbm>>, %arg5: memref<2x4x8x768xf32, #tpu.memory_space<vmem>>, %arg6: memref<2x8x768xf32, #tpu.memory_space<vmem>>, %arg7: memref<2x4x8x768xf32, #tpu.memory_space<vmem>>, %arg8: memref<!tpu.dma_semaphore, #tpu.memory_space<semaphore_mem>>, %arg9: memref<!tpu.dma_semaphore, #tpu.memory_space<semaphore_mem>>, %arg10: memref<!tpu.dma_semaphore, #tpu.memory_space<semaphore_mem>>, %arg11: memref<!tpu.dma_semaphore, #tpu.memory_space<semaphore_mem>>) attributes {dimension_semantics = [#tpu.dimension_semantics<core_parallel>, #tpu.dimension_semantics<subcore_parallel>], iteration_bounds = array<i64: 2, 16>, scalar_prefetch = 0 : i64, scratch_operands = 7 : i64, tpu.core_type = #tpu.core_type<sc_vector_subcore>, window_params = [{transform_indices = #map}, {transform_indices = #map1}, {transform_indices = #map}]} {
    %mul3A = arith.constant 2 : i32
    %mul3A_0 = arith.muli %arg1, %mul3A : i32
    %add3A = arith.addi %mul3A_0, %arg0 : i32
    %mul3A_1 = arith.constant 256 : i32
    %mul3A_2 = arith.muli %add3A, %mul3A_1 : i32
    %add3A_3 = arith.constant 0 : i32
    %add3A_4 = arith.addi %mul3A_2, %add3A_3 : i32
    %dma_start3A = arith.constant 0 : i32
    %dma_start3A_5 = arith.constant 0 : i32
    %dma_start3A_6 = arith.constant 0 : i32
    %dma_start3A_7 = tpu.memref_slice %arg6[%dma_start3A, %dma_start3A_5, %dma_start3A_6] : memref<2x8x768xf32, #tpu.memory_space<vmem>> -> memref<1x8x768xf32, #tpu.memory_space<vmem>>
    %dma_start3A_8 = tpu.memref_squeeze %dma_start3A_7 : memref<1x8x768xf32, #tpu.memory_space<vmem>> -> memref<8x768xf32, #tpu.memory_space<vmem>>
    %dma_start3A_9 = arith.constant 0 : i32
    %dma_start3A_10 = tpu.memref_slice %arg3[%add3A_4, %dma_start3A_9] : memref<8192x768xf32, #tpu.memory_space<hbm>> -> memref<8x768xf32, #tpu.memory_space<hbm>>
    %dma_start3A_11 = arith.constant 0 : i32
    %dma_start3A_12 = arith.constant 0 : i32
    %dma_start3A_13 = tpu.memref_slice %arg6[%dma_start3A, %dma_start3A_11, %dma_start3A_12] : memref<2x8x768xf32, #tpu.memory_space<vmem>> -> memref<1x8x768xf32, #tpu.memory_space<vmem>>
    %dma_start3A_14 = tpu.memref_squeeze %dma_start3A_13 : memref<1x8x768xf32, #tpu.memory_space<vmem>> -> memref<8x768xf32, #tpu.memory_space<vmem>>
    %dma_start3A_15 = arith.constant 0 : i32
    %dma_start3A_16 = tpu.memref_slice %arg3[%add3A_4, %dma_start3A_15] : memref<8192x768xf32, #tpu.memory_space<hbm>> -> memref<8x768xf32, #tpu.memory_space<hbm>>
    tpu.enqueue_dma source(%dma_start3A_16 : memref<8x768xf32, #tpu.memory_space<hbm>>) target(%dma_start3A_14 : memref<8x768xf32, #tpu.memory_space<vmem>>) target_semaphore(%arg8 : memref<!tpu.dma_semaphore, #tpu.memory_space<semaphore_mem>>)
    %dma_start3A_17 = arith.constant 0 : i32
    %dma_start3A_18 = arith.constant 0 : i32
    %dma_start3A_19 = arith.constant 0 : i32
    %dma_start3A_20 = arith.constant 0 : i32
    %dma_start3A_21 = tpu.memref_slice %arg5[%dma_start3A_17, %dma_start3A_18, %dma_start3A_19, %dma_start3A_20] : memref<2x4x8x768xf32, #tpu.memory_space<vmem>> -> memref<1x4x8x768xf32, #tpu.memory_space<vmem>>
    %dma_start3A_22 = tpu.memref_squeeze %dma_start3A_21 : memref<1x4x8x768xf32, #tpu.memory_space<vmem>> -> memref<4x8x768xf32, #tpu.memory_space<vmem>>
    %dma_start3A_23 = arith.constant 0 : i32
    %dma_start3A_24 = arith.constant 0 : i32
    %dma_start3A_25 = tpu.memref_slice %arg2[%dma_start3A_23, %add3A_4, %dma_start3A_24] : memref<4x8192x768xf32, #tpu.memory_space<hbm>> -> memref<4x8x768xf32, #tpu.memory_space<hbm>>
    %dma_start3A_26 = arith.constant 0 : i32
    %dma_start3A_27 = arith.constant 0 : i32
    %dma_start3A_28 = arith.constant 0 : i32
    %dma_start3A_29 = tpu.memref_slice %arg5[%dma_start3A_17, %dma_start3A_26, %dma_start3A_27, %dma_start3A_28] : memref<2x4x8x768xf32, #tpu.memory_space<vmem>> -> memref<1x4x8x768xf32, #tpu.memory_space<vmem>>
    %dma_start3A_30 = tpu.memref_squeeze %dma_start3A_29 : memref<1x4x8x768xf32, #tpu.memory_space<vmem>> -> memref<4x8x768xf32, #tpu.memory_space<vmem>>
    %dma_start3A_31 = arith.constant 0 : i32
    %dma_start3A_32 = arith.constant 0 : i32
    %dma_start3A_33 = tpu.memref_slice %arg2[%dma_start3A_31, %add3A_4, %dma_start3A_32] : memref<4x8192x768xf32, #tpu.memory_space<hbm>> -> memref<4x8x768xf32, #tpu.memory_space<hbm>>
    tpu.enqueue_dma source(%dma_start3A_33 : memref<4x8x768xf32, #tpu.memory_space<hbm>>) target(%dma_start3A_30 : memref<4x8x768xf32, #tpu.memory_space<vmem>>) target_semaphore(%arg8 : memref<!tpu.dma_semaphore, #tpu.memory_space<semaphore_mem>>)
    %add3A_34 = arith.constant 8 : i32
    %add3A_35 = arith.addi %mul3A_2, %add3A_34 : i32
    %dma_start3A_36 = arith.constant 1 : i32
    %dma_start3A_37 = arith.constant 0 : i32
    %dma_start3A_38 = arith.constant 0 : i32
    %dma_start3A_39 = tpu.memref_slice %arg6[%dma_start3A_36, %dma_start3A_37, %dma_start3A_38] : memref<2x8x768xf32, #tpu.memory_space<vmem>> -> memref<1x8x768xf32, #tpu.memory_space<vmem>>
    %dma_start3A_40 = tpu.memref_squeeze %dma_start3A_39 : memref<1x8x768xf32, #tpu.memory_space<vmem>> -> memref<8x768xf32, #tpu.memory_space<vmem>>
    %dma_start3A_41 = arith.constant 0 : i32
    %dma_start3A_42 = tpu.memref_slice %arg3[%add3A_35, %dma_start3A_41] : memref<8192x768xf32, #tpu.memory_space<hbm>> -> memref<8x768xf32, #tpu.memory_space<hbm>>
    %dma_start3A_43 = arith.constant 0 : i32
    %dma_start3A_44 = arith.constant 0 : i32
    %dma_start3A_45 = tpu.memref_slice %arg6[%dma_start3A_36, %dma_start3A_43, %dma_start3A_44] : memref<2x8x768xf32, #tpu.memory_space<vmem>> -> memref<1x8x768xf32, #tpu.memory_space<vmem>>
    %dma_start3A_46 = tpu.memref_squeeze %dma_start3A_45 : memref<1x8x768xf32, #tpu.memory_space<vmem>> -> memref<8x768xf32, #tpu.memory_space<vmem>>
    %dma_start3A_47 = arith.constant 0 : i32
    %dma_start3A_48 = tpu.memref_slice %arg3[%add3A_35, %dma_start3A_47] : memref<8192x768xf32, #tpu.memory_space<hbm>> -> memref<8x768xf32, #tpu.memory_space<hbm>>
    tpu.enqueue_dma source(%dma_start3A_48 : memref<8x768xf32, #tpu.memory_space<hbm>>) target(%dma_start3A_46 : memref<8x768xf32, #tpu.memory_space<vmem>>) target_semaphore(%arg9 : memref<!tpu.dma_semaphore, #tpu.memory_space<semaphore_mem>>)
    %dma_start3A_49 = arith.constant 1 : i32
    %dma_start3A_50 = arith.constant 0 : i32
    %dma_start3A_51 = arith.constant 0 : i32
    %dma_start3A_52 = arith.constant 0 : i32
    %dma_start3A_53 = tpu.memref_slice %arg5[%dma_start3A_49, %dma_start3A_50, %dma_start3A_51, %dma_start3A_52] : memref<2x4x8x768xf32, #tpu.memory_space<vmem>> -> memref<1x4x8x768xf32, #tpu.memory_space<vmem>>
    %dma_start3A_54 = tpu.memref_squeeze %dma_start3A_53 : memref<1x4x8x768xf32, #tpu.memory_space<vmem>> -> memref<4x8x768xf32, #tpu.memory_space<vmem>>
    %dma_start3A_55 = arith.constant 0 : i32
    %dma_start3A_56 = arith.constant 0 : i32
    %dma_start3A_57 = tpu.memref_slice %arg2[%dma_start3A_55, %add3A_35, %dma_start3A_56] : memref<4x8192x768xf32, #tpu.memory_space<hbm>> -> memref<4x8x768xf32, #tpu.memory_space<hbm>>
    %dma_start3A_58 = arith.constant 0 : i32
    %dma_start3A_59 = arith.constant 0 : i32
    %dma_start3A_60 = arith.constant 0 : i32
    %dma_start3A_61 = tpu.memref_slice %arg5[%dma_start3A_49, %dma_start3A_58, %dma_start3A_59, %dma_start3A_60] : memref<2x4x8x768xf32, #tpu.memory_space<vmem>> -> memref<1x4x8x768xf32, #tpu.memory_space<vmem>>
    %dma_start3A_62 = tpu.memref_squeeze %dma_start3A_61 : memref<1x4x8x768xf32, #tpu.memory_space<vmem>> -> memref<4x8x768xf32, #tpu.memory_space<vmem>>
    %dma_start3A_63 = arith.constant 0 : i32
    %dma_start3A_64 = arith.constant 0 : i32
    %dma_start3A_65 = tpu.memref_slice %arg2[%dma_start3A_63, %add3A_35, %dma_start3A_64] : memref<4x8192x768xf32, #tpu.memory_space<hbm>> -> memref<4x8x768xf32, #tpu.memory_space<hbm>>
    tpu.enqueue_dma source(%dma_start3A_65 : memref<4x8x768xf32, #tpu.memory_space<hbm>>) target(%dma_start3A_62 : memref<4x8x768xf32, #tpu.memory_space<vmem>>) target_semaphore(%arg9 : memref<!tpu.dma_semaphore, #tpu.memory_space<semaphore_mem>>)
    %scan3A = arith.constant 0 : i32
    %scan3A_66 = arith.constant 0 : i32
    %scan3A_67 = arith.constant 16 : i32
    %scan3A_68 = arith.addi %scan3A_66, %scan3A_67 : i32
    %scan3A_69 = arith.constant 1 : i32
    scf.for %scan3A_108 = %scan3A_66 to %scan3A_68 step %scan3A_69  : i32 {
      %mul3A_109 = arith.constant 2 : i32
      %mul3A_110 = arith.muli %scan3A_108, %mul3A_109 : i32
      %add3A_111 = arith.constant 0 : i32
      %add3A_112 = arith.addi %mul3A_110, %add3A_111 : i32
      %dma_wait3A_113 = arith.constant 0 : i32
      %dma_wait3A_114 = arith.constant 0 : i32
      %dma_wait3A_115 = arith.constant 0 : i32
      %dma_wait3A_116 = tpu.memref_slice %arg6[%dma_wait3A_113, %dma_wait3A_114, %dma_wait3A_115] : memref<2x8x768xf32, #tpu.memory_space<vmem>> -> memref<1x8x768xf32, #tpu.memory_space<vmem>>
      %dma_wait3A_117 = tpu.memref_squeeze %dma_wait3A_116 : memref<1x8x768xf32, #tpu.memory_space<vmem>> -> memref<8x768xf32, #tpu.memory_space<vmem>>
      %dma_wait3A_118 = arith.constant 0 : i32
      %dma_wait3A_119 = arith.constant 0 : i32
      %dma_wait3A_120 = tpu.memref_slice %arg3[%dma_wait3A_118, %dma_wait3A_119] : memref<8192x768xf32, #tpu.memory_space<hbm>> -> memref<8x768xf32, #tpu.memory_space<hbm>>
      %dma_wait3A_121 = arith.constant 0 : i32
      %dma_wait3A_122 = arith.constant 0 : i32
      %dma_wait3A_123 = tpu.memref_slice %arg6[%dma_wait3A_113, %dma_wait3A_121, %dma_wait3A_122] : memref<2x8x768xf32, #tpu.memory_space<vmem>> -> memref<1x8x768xf32, #tpu.memory_space<vmem>>
      %dma_wait3A_124 = tpu.memref_squeeze %dma_wait3A_123 : memref<1x8x768xf32, #tpu.memory_space<vmem>> -> memref<8x768xf32, #tpu.memory_space<vmem>>
      %dma_wait3A_125 = arith.constant 0 : i32
      %dma_wait3A_126 = arith.constant 0 : i32
      %dma_wait3A_127 = tpu.memref_slice %arg3[%dma_wait3A_125, %dma_wait3A_126] : memref<8192x768xf32, #tpu.memory_space<hbm>> -> memref<8x768xf32, #tpu.memory_space<hbm>>
      tpu.wait_dma2 semaphore(%arg8 : memref<!tpu.dma_semaphore, #tpu.memory_space<semaphore_mem>>) src(%dma_wait3A_127 : memref<8x768xf32, #tpu.memory_space<hbm>>) dst(%dma_wait3A_124 : memref<8x768xf32, #tpu.memory_space<vmem>>)
      %dma_wait3A_128 = arith.constant 0 : i32
      %dma_wait3A_129 = arith.constant 0 : i32
      %dma_wait3A_130 = arith.constant 0 : i32
      %dma_wait3A_131 = arith.constant 0 : i32
      %dma_wait3A_132 = tpu.memref_slice %arg5[%dma_wait3A_128, %dma_wait3A_129, %dma_wait3A_130, %dma_wait3A_131] : memref<2x4x8x768xf32, #tpu.memory_space<vmem>> -> memref<1x4x8x768xf32, #tpu.memory_space<vmem>>
      %dma_wait3A_133 = tpu.memref_squeeze %dma_wait3A_132 : memref<1x4x8x768xf32, #tpu.memory_space<vmem>> -> memref<4x8x768xf32, #tpu.memory_space<vmem>>
      %dma_wait3A_134 = arith.constant 0 : i32
      %dma_wait3A_135 = arith.constant 0 : i32
      %dma_wait3A_136 = arith.constant 0 : i32
      %dma_wait3A_137 = tpu.memref_slice %arg2[%dma_wait3A_134, %dma_wait3A_135, %dma_wait3A_136] : memref<4x8192x768xf32, #tpu.memory_space<hbm>> -> memref<4x8x768xf32, #tpu.memory_space<hbm>>
      %dma_wait3A_138 = arith.constant 0 : i32
      %dma_wait3A_139 = arith.constant 0 : i32
      %dma_wait3A_140 = arith.constant 0 : i32
      %dma_wait3A_141 = tpu.memref_slice %arg5[%dma_wait3A_128, %dma_wait3A_138, %dma_wait3A_139, %dma_wait3A_140] : memref<2x4x8x768xf32, #tpu.memory_space<vmem>> -> memref<1x4x8x768xf32, #tpu.memory_space<vmem>>
      %dma_wait3A_142 = tpu.memref_squeeze %dma_wait3A_141 : memref<1x4x8x768xf32, #tpu.memory_space<vmem>> -> memref<4x8x768xf32, #tpu.memory_space<vmem>>
      %dma_wait3A_143 = arith.constant 0 : i32
      %dma_wait3A_144 = arith.constant 0 : i32
      %dma_wait3A_145 = arith.constant 0 : i32
      %dma_wait3A_146 = tpu.memref_slice %arg2[%dma_wait3A_143, %dma_wait3A_144, %dma_wait3A_145] : memref<4x8192x768xf32, #tpu.memory_space<hbm>> -> memref<4x8x768xf32, #tpu.memory_space<hbm>>
      tpu.wait_dma2 semaphore(%arg8 : memref<!tpu.dma_semaphore, #tpu.memory_space<semaphore_mem>>) src(%dma_wait3A_146 : memref<4x8x768xf32, #tpu.memory_space<hbm>>) dst(%dma_wait3A_142 : memref<4x8x768xf32, #tpu.memory_space<vmem>>)
      %ge3A = arith.constant 1 : i32
      %ge3A_147 = arith.cmpi sge, %scan3A_108, %ge3A : i32
      %convert_element_type3A = arith.extui %ge3A_147 : i1 to i32
      %cond3A = arith.constant 0 : i32
      %cond3A_148 = arith.cmpi ne, %convert_element_type3A, %cond3A : i32
      scf.if %cond3A_148 {
        %dma_wait3A_250 = arith.constant 0 : i32
        %dma_wait3A_251 = arith.constant 0 : i32
        %dma_wait3A_252 = arith.constant 0 : i32
        %dma_wait3A_253 = arith.constant 0 : i32
        %dma_wait3A_254 = tpu.memref_slice %arg7[%dma_wait3A_250, %dma_wait3A_251, %dma_wait3A_252, %dma_wait3A_253] : memref<2x4x8x768xf32, #tpu.memory_space<vmem>> -> memref<1x4x8x768xf32, #tpu.memory_space<vmem>>
        %dma_wait3A_255 = tpu.memref_squeeze %dma_wait3A_254 : memref<1x4x8x768xf32, #tpu.memory_space<vmem>> -> memref<4x8x768xf32, #tpu.memory_space<vmem>>
        %dma_wait3A_256 = arith.constant 0 : i32
        %dma_wait3A_257 = arith.constant 0 : i32
        %dma_wait3A_258 = arith.constant 0 : i32
        %dma_wait3A_259 = tpu.memref_slice %arg4[%dma_wait3A_256, %dma_wait3A_257, %dma_wait3A_258] : memref<4x8192x768xf32, #tpu.memory_space<hbm>> -> memref<4x8x768xf32, #tpu.memory_space<hbm>>
        %dma_wait3A_260 = arith.constant 0 : i32
        %dma_wait3A_261 = arith.constant 0 : i32
        %dma_wait3A_262 = arith.constant 0 : i32
        %dma_wait3A_263 = tpu.memref_slice %arg4[%dma_wait3A_260, %dma_wait3A_261, %dma_wait3A_262] : memref<4x8192x768xf32, #tpu.memory_space<hbm>> -> memref<4x8x768xf32, #tpu.memory_space<hbm>>
        %dma_wait3A_264 = arith.constant 0 : i32
        %dma_wait3A_265 = arith.constant 0 : i32
        %dma_wait3A_266 = arith.constant 0 : i32
        %dma_wait3A_267 = tpu.memref_slice %arg7[%dma_wait3A_250, %dma_wait3A_264, %dma_wait3A_265, %dma_wait3A_266] : memref<2x4x8x768xf32, #tpu.memory_space<vmem>> -> memref<1x4x8x768xf32, #tpu.memory_space<vmem>>
        %dma_wait3A_268 = tpu.memref_squeeze %dma_wait3A_267 : memref<1x4x8x768xf32, #tpu.memory_space<vmem>> -> memref<4x8x768xf32, #tpu.memory_space<vmem>>
        tpu.wait_dma2 semaphore(%arg10 : memref<!tpu.dma_semaphore, #tpu.memory_space<semaphore_mem>>) src(%dma_wait3A_268 : memref<4x8x768xf32, #tpu.memory_space<vmem>>) dst(%dma_wait3A_263 : memref<4x8x768xf32, #tpu.memory_space<hbm>>)
      } else {
      }
      %parallel_loop3A = arith.constant 0 : i32
      %parallel_loop3A_149 = arith.constant 48 : i32
      %parallel_loop3A_150 = arith.constant 1 : i32
      scf.for %parallel_loop3A_250 = %parallel_loop3A to %parallel_loop3A_149 step %parallel_loop3A_150  : i32 {
        %parallel_loop3A_251 = arith.constant 16 : i32
        %parallel_loop3A_252 = arith.muli %parallel_loop3A_250, %parallel_loop3A_251 : i32
        %parallel_loop3A_253 = arith.constant 0 : i32
        %parallel_loop3A_254 = arith.constant 0 : i32
        %parallel_loop3A_255 = arith.index_cast %parallel_loop3A_253 : i32 to index
        %parallel_loop3A_256 = arith.index_cast %parallel_loop3A_254 : i32 to index
        %parallel_loop3A_257 = arith.index_cast %parallel_loop3A_252 : i32 to index
        %parallel_loop3A_258 = tpu.vector_load %arg6[%parallel_loop3A_255, %parallel_loop3A_256, %parallel_loop3A_257] {strides = array<i32>} : memref<2x8x768xf32, #tpu.memory_space<vmem>>, vector<1x1x16xf32>,
        %parallel_loop3A_259 = vector.shape_cast %parallel_loop3A_258 : vector<1x1x16xf32> to vector<16xf32>
        %parallel_loop3A_260 = arith.constant 0 : i32
        %parallel_loop3A_261 = arith.constant 0 : i32
        %parallel_loop3A_262 = arith.constant 0 : i32
        %parallel_loop3A_263 = arith.index_cast %parallel_loop3A_260 : i32 to index
        %parallel_loop3A_264 = arith.index_cast %parallel_loop3A_261 : i32 to index
        %parallel_loop3A_265 = arith.index_cast %parallel_loop3A_262 : i32 to index
        %parallel_loop3A_266 = arith.index_cast %parallel_loop3A_252 : i32 to index
        %parallel_loop3A_267 = tpu.vector_load %arg5[%parallel_loop3A_263, %parallel_loop3A_264, %parallel_loop3A_265, %parallel_loop3A_266] {strides = array<i32>} : memref<2x4x8x768xf32, #tpu.memory_space<vmem>>, vector<1x1x1x16xf32>,
        %parallel_loop3A_268 = vector.shape_cast %parallel_loop3A_267 : vector<1x1x1x16xf32> to vector<16xf32>
        %parallel_loop3A_269 = arith.addf %parallel_loop3A_268, %parallel_loop3A_259 : vector<16xf32>
        %parallel_loop3A_270 = arith.constant 0 : i32
        %parallel_loop3A_271 = arith.constant 0 : i32
        %parallel_loop3A_272 = arith.constant 0 : i32
        %parallel_loop3A_273 = arith.index_cast %parallel_loop3A_270 : i32 to index
        %parallel_loop3A_274 = arith.index_cast %parallel_loop3A_271 : i32 to index
        %parallel_loop3A_275 = arith.index_cast %parallel_loop3A_272 : i32 to index
        %parallel_loop3A_276 = arith.index_cast %parallel_loop3A_252 : i32 to index
        %parallel_loop3A_277 = tpu.vector_load %arg7[%parallel_loop3A_273, %parallel_loop3A_274, %parallel_loop3A_275, %parallel_loop3A_276] {strides = array<i32>} : memref<2x4x8x768xf32, #tpu.memory_space<vmem>>, vector<1x1x1x16xf32>,
        %parallel_loop3A_278 = vector.shape_cast %parallel_loop3A_277 : vector<1x1x1x16xf32> to vector<16xf32>
        %parallel_loop3A_279 = vector.shape_cast %parallel_loop3A_269 : vector<16xf32> to vector<1x1x1x16xf32>
        tpu.vector_store %arg7[%parallel_loop3A_273, %parallel_loop3A_274, %parallel_loop3A_275, %parallel_loop3A_276], %parallel_loop3A_279 {strides = array<i32>} : memref<2x4x8x768xf32, #tpu.memory_space<vmem>>, vector<1x1x1x16xf32>,
        %parallel_loop3A_280 = arith.constant 0 : i32
        %parallel_loop3A_281 = arith.constant 1 : i32
        %parallel_loop3A_282 = arith.constant 0 : i32
        %parallel_loop3A_283 = arith.index_cast %parallel_loop3A_280 : i32 to index
        %parallel_loop3A_284 = arith.index_cast %parallel_loop3A_281 : i32 to index
        %parallel_loop3A_285 = arith.index_cast %parallel_loop3A_282 : i32 to index
        %parallel_loop3A_286 = arith.index_cast %parallel_loop3A_252 : i32 to index
        %parallel_loop3A_287 = tpu.vector_load %arg5[%parallel_loop3A_283, %parallel_loop3A_284, %parallel_loop3A_285, %parallel_loop3A_286] {strides = array<i32>} : memref<2x4x8x768xf32, #tpu.memory_space<vmem>>, vector<1x1x1x16xf32>,
        %parallel_loop3A_288 = vector.shape_cast %parallel_loop3A_287 : vector<1x1x1x16xf32> to vector<16xf32>
        %parallel_loop3A_289 = arith.addf %parallel_loop3A_288, %parallel_loop3A_259 : vector<16xf32>
        %parallel_loop3A_290 = arith.constant 0 : i32
        %parallel_loop3A_291 = arith.constant 1 : i32
        %parallel_loop3A_292 = arith.constant 0 : i32
        %parallel_loop3A_293 = arith.index_cast %parallel_loop3A_290 : i32 to index
        %parallel_loop3A_294 = arith.index_cast %parallel_loop3A_291 : i32 to index
        %parallel_loop3A_295 = arith.index_cast %parallel_loop3A_292 : i32 to index
        %parallel_loop3A_296 = arith.index_cast %parallel_loop3A_252 : i32 to index
        %parallel_loop3A_297 = tpu.vector_load %arg7[%parallel_loop3A_293, %parallel_loop3A_294, %parallel_loop3A_295, %parallel_loop3A_296] {strides = array<i32>} : memref<2x4x8x768xf32, #tpu.memory_space<vmem>>, vector<1x1x1x16xf32>,
        %parallel_loop3A_298 = vector.shape_cast %parallel_loop3A_297 : vector<1x1x1x16xf32> to vector<16xf32>
        %parallel_loop3A_299 = vector.shape_cast %parallel_loop3A_289 : vector<16xf32> to vector<1x1x1x16xf32>
        tpu.vector_store %arg7[%parallel_loop3A_293, %parallel_loop3A_294, %parallel_loop3A_295, %parallel_loop3A_296], %parallel_loop3A_299 {strides = array<i32>} : memref<2x4x8x768xf32, #tpu.memory_space<vmem>>, vector<1x1x1x16xf32>,
        %parallel_loop3A_300 = arith.constant 0 : i32
        %parallel_loop3A_301 = arith.constant 2 : i32
        %parallel_loop3A_302 = arith.constant 0 : i32
        %parallel_loop3A_303 = arith.index_cast %parallel_loop3A_300 : i32 to index
        %parallel_loop3A_304 = arith.index_cast %parallel_loop3A_301 : i32 to index
        %parallel_loop3A_305 = arith.index_cast %parallel_loop3A_302 : i32 to index
        %parallel_loop3A_306 = arith.index_cast %parallel_loop3A_252 : i32 to index
        %parallel_loop3A_307 = tpu.vector_load %arg5[%parallel_loop3A_303, %parallel_loop3A_304, %parallel_loop3A_305, %parallel_loop3A_306] {strides = array<i32>} : memref<2x4x8x768xf32, #tpu.memory_space<vmem>>, vector<1x1x1x16xf32>,
        %parallel_loop3A_308 = vector.shape_cast %parallel_loop3A_307 : vector<1x1x1x16xf32> to vector<16xf32>
        %parallel_loop3A_309 = arith.addf %parallel_loop3A_308, %parallel_loop3A_259 : vector<16xf32>
        %parallel_loop3A_310 = arith.constant 0 : i32
        %parallel_loop3A_311 = arith.constant 2 : i32
        %parallel_loop3A_312 = arith.constant 0 : i32
        %parallel_loop3A_313 = arith.index_cast %parallel_loop3A_310 : i32 to index
        %parallel_loop3A_314 = arith.index_cast %parallel_loop3A_311 : i32 to index
        %parallel_loop3A_315 = arith.index_cast %parallel_loop3A_312 : i32 to index
        %parallel_loop3A_316 = arith.index_cast %parallel_loop3A_252 : i32 to index
        %parallel_loop3A_317 = tpu.vector_load %arg7[%parallel_loop3A_313, %parallel_loop3A_314, %parallel_loop3A_315, %parallel_loop3A_316] {strides = array<i32>} : memref<2x4x8x768xf32, #tpu.memory_space<vmem>>, vector<1x1x1x16xf32>,
        %parallel_loop3A_318 = vector.shape_cast %parallel_loop3A_317 : vector<1x1x1x16xf32> to vector<16xf32>
        %parallel_loop3A_319 = vector.shape_cast %parallel_loop3A_309 : vector<16xf32> to vector<1x1x1x16xf32>
        tpu.vector_store %arg7[%parallel_loop3A_313, %parallel_loop3A_314, %parallel_loop3A_315, %parallel_loop3A_316], %parallel_loop3A_319 {strides = array<i32>} : memref<2x4x8x768xf32, #tpu.memory_space<vmem>>, vector<1x1x1x16xf32>,
        %parallel_loop3A_320 = arith.constant 0 : i32
        %parallel_loop3A_321 = arith.constant 3 : i32
        %parallel_loop3A_322 = arith.constant 0 : i32
        %parallel_loop3A_323 = arith.index_cast %parallel_loop3A_320 : i32 to index
        %parallel_loop3A_324 = arith.index_cast %parallel_loop3A_321 : i32 to index
        %parallel_loop3A_325 = arith.index_cast %parallel_loop3A_322 : i32 to index
        %parallel_loop3A_326 = arith.index_cast %parallel_loop3A_252 : i32 to index
        %parallel_loop3A_327 = tpu.vector_load %arg5[%parallel_loop3A_323, %parallel_loop3A_324, %parallel_loop3A_325, %parallel_loop3A_326] {strides = array<i32>} : memref<2x4x8x768xf32, #tpu.memory_space<vmem>>, vector<1x1x1x16xf32>,
        %parallel_loop3A_328 = vector.shape_cast %parallel_loop3A_327 : vector<1x1x1x16xf32> to vector<16xf32>
        %parallel_loop3A_329 = arith.addf %parallel_loop3A_328, %parallel_loop3A_259 : vector<16xf32>
        %parallel_loop3A_330 = arith.constant 0 : i32
        %parallel_loop3A_331 = arith.constant 3 : i32
        %parallel_loop3A_332 = arith.constant 0 : i32
        %parallel_loop3A_333 = arith.index_cast %parallel_loop3A_330 : i32 to index
        %parallel_loop3A_334 = arith.index_cast %parallel_loop3A_331 : i32 to index
        %parallel_loop3A_335 = arith.index_cast %parallel_loop3A_332 : i32 to index
        %parallel_loop3A_336 = arith.index_cast %parallel_loop3A_252 : i32 to index
        %parallel_loop3A_337 = tpu.vector_load %arg7[%parallel_loop3A_333, %parallel_loop3A_334, %parallel_loop3A_335, %parallel_loop3A_336] {strides = array<i32>} : memref<2x4x8x768xf32, #tpu.memory_space<vmem>>, vector<1x1x1x16xf32>,
        %parallel_loop3A_338 = vector.shape_cast %parallel_loop3A_337 : vector<1x1x1x16xf32> to vector<16xf32>
        %parallel_loop3A_339 = vector.shape_cast %parallel_loop3A_329 : vector<16xf32> to vector<1x1x1x16xf32>
        tpu.vector_store %arg7[%parallel_loop3A_333, %parallel_loop3A_334, %parallel_loop3A_335, %parallel_loop3A_336], %parallel_loop3A_339 {strides = array<i32>} : memref<2x4x8x768xf32, #tpu.memory_space<vmem>>, vector<1x1x1x16xf32>,
        %parallel_loop3A_340 = arith.constant 0 : i32
        %parallel_loop3A_341 = arith.constant 1 : i32
        %parallel_loop3A_342 = arith.index_cast %parallel_loop3A_340 : i32 to index
        %parallel_loop3A_343 = arith.index_cast %parallel_loop3A_341 : i32 to index
        %parallel_loop3A_344 = arith.index_cast %parallel_loop3A_252 : i32 to index
        %parallel_loop3A_345 = tpu.vector_load %arg6[%parallel_loop3A_342, %parallel_loop3A_343, %parallel_loop3A_344] {strides = array<i32>} : memref<2x8x768xf32, #tpu.memory_space<vmem>>, vector<1x1x16xf32>,
        %parallel_loop3A_346 = vector.shape_cast %parallel_loop3A_345 : vector<1x1x16xf32> to vector<16xf32>
        %parallel_loop3A_347 = arith.constant 0 : i32
        %parallel_loop3A_348 = arith.constant 0 : i32
        %parallel_loop3A_349 = arith.constant 1 : i32
        %parallel_loop3A_350 = arith.index_cast %parallel_loop3A_347 : i32 to index
        %parallel_loop3A_351 = arith.index_cast %parallel_loop3A_348 : i32 to index
        %parallel_loop3A_352 = arith.index_cast %parallel_loop3A_349 : i32 to index
        %parallel_loop3A_353 = arith.index_cast %parallel_loop3A_252 : i32 to index
        %parallel_loop3A_354 = tpu.vector_load %arg5[%parallel_loop3A_350, %parallel_loop3A_351, %parallel_loop3A_352, %parallel_loop3A_353] {strides = array<i32>} : memref<2x4x8x768xf32, #tpu.memory_space<vmem>>, vector<1x1x1x16xf32>,
        %parallel_loop3A_355 = vector.shape_cast %parallel_loop3A_354 : vector<1x1x1x16xf32> to vector<16xf32>
        %parallel_loop3A_356 = arith.addf %parallel_loop3A_355, %parallel_loop3A_346 : vector<16xf32>
        %parallel_loop3A_357 = arith.constant 0 : i32
        %parallel_loop3A_358 = arith.constant 0 : i32
        %parallel_loop3A_359 = arith.constant 1 : i32
        %parallel_loop3A_360 = arith.index_cast %parallel_loop3A_357 : i32 to index
        %parallel_loop3A_361 = arith.index_cast %parallel_loop3A_358 : i32 to index
        %parallel_loop3A_362 = arith.index_cast %parallel_loop3A_359 : i32 to index
        %parallel_loop3A_363 = arith.index_cast %parallel_loop3A_252 : i32 to index
        %parallel_loop3A_364 = tpu.vector_load %arg7[%parallel_loop3A_360, %parallel_loop3A_361, %parallel_loop3A_362, %parallel_loop3A_363] {strides = array<i32>} : memref<2x4x8x768xf32, #tpu.memory_space<vmem>>, vector<1x1x1x16xf32>,
        %parallel_loop3A_365 = vector.shape_cast %parallel_loop3A_364 : vector<1x1x1x16xf32> to vector<16xf32>
        %parallel_loop3A_366 = vector.shape_cast %parallel_loop3A_356 : vector<16xf32> to vector<1x1x1x16xf32>
        tpu.vector_store %arg7[%parallel_loop3A_360, %parallel_loop3A_361, %parallel_loop3A_362, %parallel_loop3A_363], %parallel_loop3A_366 {strides = array<i32>} : memref<2x4x8x768xf32, #tpu.memory_space<vmem>>, vector<1x1x1x16xf32>,
        %parallel_loop3A_367 = arith.constant 0 : i32
        %parallel_loop3A_368 = arith.constant 1 : i32
        %parallel_loop3A_369 = arith.constant 1 : i32
        %parallel_loop3A_370 = arith.index_cast %parallel_loop3A_367 : i32 to index
        %parallel_loop3A_371 = arith.index_cast %parallel_loop3A_368 : i32 to index
        %parallel_loop3A_372 = arith.index_cast %parallel_loop3A_369 : i32 to index
        %parallel_loop3A_373 = arith.index_cast %parallel_loop3A_252 : i32 to index
        %parallel_loop3A_374 = tpu.vector_load %arg5[%parallel_loop3A_370, %parallel_loop3A_371, %parallel_loop3A_372, %parallel_loop3A_373] {strides = array<i32>} : memref<2x4x8x768xf32, #tpu.memory_space<vmem>>, vector<1x1x1x16xf32>,
        %parallel_loop3A_375 = vector.shape_cast %parallel_loop3A_374 : vector<1x1x1x16xf32> to vector<16xf32>
        %parallel_loop3A_376 = arith.addf %parallel_loop3A_375, %parallel_loop3A_346 : vector<16xf32>
        %parallel_loop3A_377 = arith.constant 0 : i32
        %parallel_loop3A_378 = arith.constant 1 : i32
        %parallel_loop3A_379 = arith.constant 1 : i32
        %parallel_loop3A_380 = arith.index_cast %parallel_loop3A_377 : i32 to index
        %parallel_loop3A_381 = arith.index_cast %parallel_loop3A_378 : i32 to index
        %parallel_loop3A_382 = arith.index_cast %parallel_loop3A_379 : i32 to index
        %parallel_loop3A_383 = arith.index_cast %parallel_loop3A_252 : i32 to index
        %parallel_loop3A_384 = tpu.vector_load %arg7[%parallel_loop3A_380, %parallel_loop3A_381, %parallel_loop3A_382, %parallel_loop3A_383] {strides = array<i32>} : memref<2x4x8x768xf32, #tpu.memory_space<vmem>>, vector<1x1x1x16xf32>,
        %parallel_loop3A_385 = vector.shape_cast %parallel_loop3A_384 : vector<1x1x1x16xf32> to vector<16xf32>
        %parallel_loop3A_386 = vector.shape_cast %parallel_loop3A_376 : vector<16xf32> to vector<1x1x1x16xf32>
        tpu.vector_store %arg7[%parallel_loop3A_380, %parallel_loop3A_381, %parallel_loop3A_382, %parallel_loop3A_383], %parallel_loop3A_386 {strides = array<i32>} : memref<2x4x8x768xf32, #tpu.memory_space<vmem>>, vector<1x1x1x16xf32>,
        %parallel_loop3A_387 = arith.constant 0 : i32
        %parallel_loop3A_388 = arith.constant 2 : i32
        %parallel_loop3A_389 = arith.constant 1 : i32
        %parallel_loop3A_390 = arith.index_cast %parallel_loop3A_387 : i32 to index
        %parallel_loop3A_391 = arith.index_cast %parallel_loop3A_388 : i32 to index
        %parallel_loop3A_392 = arith.index_cast %parallel_loop3A_389 : i32 to index
        %parallel_loop3A_393 = arith.index_cast %parallel_loop3A_252 : i32 to index
        %parallel_loop3A_394 = tpu.vector_load %arg5[%parallel_loop3A_390, %parallel_loop3A_391, %parallel_loop3A_392, %parallel_loop3A_393] {strides = array<i32>} : memref<2x4x8x768xf32, #tpu.memory_space<vmem>>, vector<1x1x1x16xf32>,
        %parallel_loop3A_395 = vector.shape_cast %parallel_loop3A_394 : vector<1x1x1x16xf32> to vector<16xf32>
        %parallel_loop3A_396 = arith.addf %parallel_loop3A_395, %parallel_loop3A_346 : vector<16xf32>
        %parallel_loop3A_397 = arith.constant 0 : i32
        %parallel_loop3A_398 = arith.constant 2 : i32
        %parallel_loop3A_399 = arith.constant 1 : i32
        %parallel_loop3A_400 = arith.index_cast %parallel_loop3A_397 : i32 to index
        %parallel_loop3A_401 = arith.index_cast %parallel_loop3A_398 : i32 to index
        %parallel_loop3A_402 = arith.index_cast %parallel_loop3A_399 : i32 to index
        %parallel_loop3A_403 = arith.index_cast %parallel_loop3A_252 : i32 to index
        %parallel_loop3A_404 = tpu.vector_load %arg7[%parallel_loop3A_400, %parallel_loop3A_401, %parallel_loop3A_402, %parallel_loop3A_403] {strides = array<i32>} : memref<2x4x8x768xf32, #tpu.memory_space<vmem>>, vector<1x1x1x16xf32>,
        %parallel_loop3A_405 = vector.shape_cast %parallel_loop3A_404 : vector<1x1x1x16xf32> to vector<16xf32>
        %parallel_loop3A_406 = vector.shape_cast %parallel_loop3A_396 : vector<16xf32> to vector<1x1x1x16xf32>
        tpu.vector_store %arg7[%parallel_loop3A_400, %parallel_loop3A_401, %parallel_loop3A_402, %parallel_loop3A_403], %parallel_loop3A_406 {strides = array<i32>} : memref<2x4x8x768xf32, #tpu.memory_space<vmem>>, vector<1x1x1x16xf32>,
        %parallel_loop3A_407 = arith.constant 0 : i32
        %parallel_loop3A_408 = arith.constant 3 : i32
        %parallel_loop3A_409 = arith.constant 1 : i32
        %parallel_loop3A_410 = arith.index_cast %parallel_loop3A_407 : i32 to index
        %parallel_loop3A_411 = arith.index_cast %parallel_loop3A_408 : i32 to index
        %parallel_loop3A_412 = arith.index_cast %parallel_loop3A_409 : i32 to index
        %parallel_loop3A_413 = arith.index_cast %parallel_loop3A_252 : i32 to index
        %parallel_loop3A_414 = tpu.vector_load %arg5[%parallel_loop3A_410, %parallel_loop3A_411, %parallel_loop3A_412, %parallel_loop3A_413] {strides = array<i32>} : memref<2x4x8x768xf32, #tpu.memory_space<vmem>>, vector<1x1x1x16xf32>,
        %parallel_loop3A_415 = vector.shape_cast %parallel_loop3A_414 : vector<1x1x1x16xf32> to vector<16xf32>
        %parallel_loop3A_416 = arith.addf %parallel_loop3A_415, %parallel_loop3A_346 : vector<16xf32>
        %parallel_loop3A_417 = arith.constant 0 : i32
        %parallel_loop3A_418 = arith.constant 3 : i32
        %parallel_loop3A_419 = arith.constant 1 : i32
        %parallel_loop3A_420 = arith.index_cast %parallel_loop3A_417 : i32 to index
        %parallel_loop3A_421 = arith.index_cast %parallel_loop3A_418 : i32 to index
        %parallel_loop3A_422 = arith.index_cast %parallel_loop3A_419 : i32 to index
        %parallel_loop3A_423 = arith.index_cast %parallel_loop3A_252 : i32 to index
        %parallel_loop3A_424 = tpu.vector_load %arg7[%parallel_loop3A_420, %parallel_loop3A_421, %parallel_loop3A_422, %parallel_loop3A_423] {strides = array<i32>} : memref<2x4x8x768xf32, #tpu.memory_space<vmem>>, vector<1x1x1x16xf32>,
        %parallel_loop3A_425 = vector.shape_cast %parallel_loop3A_424 : vector<1x1x1x16xf32> to vector<16xf32>
        %parallel_loop3A_426 = vector.shape_cast %parallel_loop3A_416 : vector<16xf32> to vector<1x1x1x16xf32>
        tpu.vector_store %arg7[%parallel_loop3A_420, %parallel_loop3A_421, %parallel_loop3A_422, %parallel_loop3A_423], %parallel_loop3A_426 {strides = array<i32>} : memref<2x4x8x768xf32, #tpu.memory_space<vmem>>, vector<1x1x1x16xf32>,
        %parallel_loop3A_427 = arith.constant 0 : i32
        %parallel_loop3A_428 = arith.constant 2 : i32
        %parallel_loop3A_429 = arith.index_cast %parallel_loop3A_427 : i32 to index
        %parallel_loop3A_430 = arith.index_cast %parallel_loop3A_428 : i32 to index
        %parallel_loop3A_431 = arith.index_cast %parallel_loop3A_252 : i32 to index
        %parallel_loop3A_432 = tpu.vector_load %arg6[%parallel_loop3A_429, %parallel_loop3A_430, %parallel_loop3A_431] {strides = array<i32>} : memref<2x8x768xf32, #tpu.memory_space<vmem>>, vector<1x1x16xf32>,
        %parallel_loop3A_433 = vector.shape_cast %parallel_loop3A_432 : vector<1x1x16xf32> to vector<16xf32>
        %parallel_loop3A_434 = arith.constant 0 : i32
        %parallel_loop3A_435 = arith.constant 0 : i32
        %parallel_loop3A_436 = arith.constant 2 : i32
        %parallel_loop3A_437 = arith.index_cast %parallel_loop3A_434 : i32 to index
        %parallel_loop3A_438 = arith.index_cast %parallel_loop3A_435 : i32 to index
        %parallel_loop3A_439 = arith.index_cast %parallel_loop3A_436 : i32 to index
        %parallel_loop3A_440 = arith.index_cast %parallel_loop3A_252 : i32 to index
        %parallel_loop3A_441 = tpu.vector_load %arg5[%parallel_loop3A_437, %parallel_loop3A_438, %parallel_loop3A_439, %parallel_loop3A_440] {strides = array<i32>} : memref<2x4x8x768xf32, #tpu.memory_space<vmem>>, vector<1x1x1x16xf32>,
        %parallel_loop3A_442 = vector.shape_cast %parallel_loop3A_441 : vector<1x1x1x16xf32> to vector<16xf32>
        %parallel_loop3A_443 = arith.addf %parallel_loop3A_442, %parallel_loop3A_433 : vector<16xf32>
        %parallel_loop3A_444 = arith.constant 0 : i32
        %parallel_loop3A_445 = arith.constant 0 : i32
        %parallel_loop3A_446 = arith.constant 2 : i32
        %parallel_loop3A_447 = arith.index_cast %parallel_loop3A_444 : i32 to index
        %parallel_loop3A_448 = arith.index_cast %parallel_loop3A_445 : i32 to index
        %parallel_loop3A_449 = arith.index_cast %parallel_loop3A_446 : i32 to index
        %parallel_loop3A_450 = arith.index_cast %parallel_loop3A_252 : i32 to index
        %parallel_loop3A_451 = tpu.vector_load %arg7[%parallel_loop3A_447, %parallel_loop3A_448, %parallel_loop3A_449, %parallel_loop3A_450] {strides = array<i32>} : memref<2x4x8x768xf32, #tpu.memory_space<vmem>>, vector<1x1x1x16xf32>,
        %parallel_loop3A_452 = vector.shape_cast %parallel_loop3A_451 : vector<1x1x1x16xf32> to vector<16xf32>
        %parallel_loop3A_453 = vector.shape_cast %parallel_loop3A_443 : vector<16xf32> to vector<1x1x1x16xf32>
        tpu.vector_store %arg7[%parallel_loop3A_447, %parallel_loop3A_448, %parallel_loop3A_449, %parallel_loop3A_450], %parallel_loop3A_453 {strides = array<i32>} : memref<2x4x8x768xf32, #tpu.memory_space<vmem>>, vector<1x1x1x16xf32>,
        %parallel_loop3A_454 = arith.constant 0 : i32
        %parallel_loop3A_455 = arith.constant 1 : i32
        %parallel_loop3A_456 = arith.constant 2 : i32
        %parallel_loop3A_457 = arith.index_cast %parallel_loop3A_454 : i32 to index
        %parallel_loop3A_458 = arith.index_cast %parallel_loop3A_455 : i32 to index
        %parallel_loop3A_459 = arith.index_cast %parallel_loop3A_456 : i32 to index
        %parallel_loop3A_460 = arith.index_cast %parallel_loop3A_252 : i32 to index
        %parallel_loop3A_461 = tpu.vector_load %arg5[%parallel_loop3A_457, %parallel_loop3A_458, %parallel_loop3A_459, %parallel_loop3A_460] {strides = array<i32>} : memref<2x4x8x768xf32, #tpu.memory_space<vmem>>, vector<1x1x1x16xf32>,
        %parallel_loop3A_462 = vector.shape_cast %parallel_loop3A_461 : vector<1x1x1x16xf32> to vector<16xf32>
        %parallel_loop3A_463 = arith.addf %parallel_loop3A_462, %parallel_loop3A_433 : vector<16xf32>
        %parallel_loop3A_464 = arith.constant 0 : i32
        %parallel_loop3A_465 = arith.constant 1 : i32
        %parallel_loop3A_466 = arith.constant 2 : i32
        %parallel_loop3A_467 = arith.index_cast %parallel_loop3A_464 : i32 to index
        %parallel_loop3A_468 = arith.index_cast %parallel_loop3A_465 : i32 to index
        %parallel_loop3A_469 = arith.index_cast %parallel_loop3A_466 : i32 to index
        %parallel_loop3A_470 = arith.index_cast %parallel_loop3A_252 : i32 to index
        %parallel_loop3A_471 = tpu.vector_load %arg7[%parallel_loop3A_467, %parallel_loop3A_468, %parallel_loop3A_469, %parallel_loop3A_470] {strides = array<i32>} : memref<2x4x8x768xf32, #tpu.memory_space<vmem>>, vector<1x1x1x16xf32>,
        %parallel_loop3A_472 = vector.shape_cast %parallel_loop3A_471 : vector<1x1x1x16xf32> to vector<16xf32>
        %parallel_loop3A_473 = vector.shape_cast %parallel_loop3A_463 : vector<16xf32> to vector<1x1x1x16xf32>
        tpu.vector_store %arg7[%parallel_loop3A_467, %parallel_loop3A_468, %parallel_loop3A_469, %parallel_loop3A_470], %parallel_loop3A_473 {strides = array<i32>} : memref<2x4x8x768xf32, #tpu.memory_space<vmem>>, vector<1x1x1x16xf32>,
        %parallel_loop3A_474 = arith.constant 0 : i32
        %parallel_loop3A_475 = arith.constant 2 : i32
        %parallel_loop3A_476 = arith.constant 2 : i32
        %parallel_loop3A_477 = arith.index_cast %parallel_loop3A_474 : i32 to index
        %parallel_loop3A_478 = arith.index_cast %parallel_loop3A_475 : i32 to index
        %parallel_loop3A_479 = arith.index_cast %parallel_loop3A_476 : i32 to index
        %parallel_loop3A_480 = arith.index_cast %parallel_loop3A_252 : i32 to index
        %parallel_loop3A_481 = tpu.vector_load %arg5[%parallel_loop3A_477, %parallel_loop3A_478, %parallel_loop3A_479, %parallel_loop3A_480] {strides = array<i32>} : memref<2x4x8x768xf32, #tpu.memory_space<vmem>>, vector<1x1x1x16xf32>,
        %parallel_loop3A_482 = vector.shape_cast %parallel_loop3A_481 : vector<1x1x1x16xf32> to vector<16xf32>
        %parallel_loop3A_483 = arith.addf %parallel_loop3A_482, %parallel_loop3A_433 : vector<16xf32>
        %parallel_loop3A_484 = arith.constant 0 : i32
        %parallel_loop3A_485 = arith.constant 2 : i32
        %parallel_loop3A_486 = arith.constant 2 : i32
        %parallel_loop3A_487 = arith.index_cast %parallel_loop3A_484 : i32 to index
        %parallel_loop3A_488 = arith.index_cast %parallel_loop3A_485 : i32 to index
        %parallel_loop3A_489 = arith.index_cast %parallel_loop3A_486 : i32 to index
        %parallel_loop3A_490 = arith.index_cast %parallel_loop3A_252 : i32 to index
        %parallel_loop3A_491 = tpu.vector_load %arg7[%parallel_loop3A_487, %parallel_loop3A_488, %parallel_loop3A_489, %parallel_loop3A_490] {strides = array<i32>} : memref<2x4x8x768xf32, #tpu.memory_space<vmem>>, vector<1x1x1x16xf32>,
        %parallel_loop3A_492 = vector.shape_cast %parallel_loop3A_491 : vector<1x1x1x16xf32> to vector<16xf32>
        %parallel_loop3A_493 = vector.shape_cast %parallel_loop3A_483 : vector<16xf32> to vector<1x1x1x16xf32>
        tpu.vector_store %arg7[%parallel_loop3A_487, %parallel_loop3A_488, %parallel_loop3A_489, %parallel_loop3A_490], %parallel_loop3A_493 {strides = array<i32>} : memref<2x4x8x768xf32, #tpu.memory_space<vmem>>, vector<1x1x1x16xf32>,
        %parallel_loop3A_494 = arith.constant 0 : i32
        %parallel_loop3A_495 = arith.constant 3 : i32
        %parallel_loop3A_496 = arith.constant 2 : i32
        %parallel_loop3A_497 = arith.index_cast %parallel_loop3A_494 : i32 to index
        %parallel_loop3A_498 = arith.index_cast %parallel_loop3A_495 : i32 to index
        %parallel_loop3A_499 = arith.index_cast %parallel_loop3A_496 : i32 to index
        %parallel_loop3A_500 = arith.index_cast %parallel_loop3A_252 : i32 to index
        %parallel_loop3A_501 = tpu.vector_load %arg5[%parallel_loop3A_497, %parallel_loop3A_498, %parallel_loop3A_499, %parallel_loop3A_500] {strides = array<i32>} : memref<2x4x8x768xf32, #tpu.memory_space<vmem>>, vector<1x1x1x16xf32>,
        %parallel_loop3A_502 = vector.shape_cast %parallel_loop3A_501 : vector<1x1x1x16xf32> to vector<16xf32>
        %parallel_loop3A_503 = arith.addf %parallel_loop3A_502, %parallel_loop3A_433 : vector<16xf32>
        %parallel_loop3A_504 = arith.constant 0 : i32
        %parallel_loop3A_505 = arith.constant 3 : i32
        %parallel_loop3A_506 = arith.constant 2 : i32
        %parallel_loop3A_507 = arith.index_cast %parallel_loop3A_504 : i32 to index
        %parallel_loop3A_508 = arith.index_cast %parallel_loop3A_505 : i32 to index
        %parallel_loop3A_509 = arith.index_cast %parallel_loop3A_506 : i32 to index
        %parallel_loop3A_510 = arith.index_cast %parallel_loop3A_252 : i32 to index
        %parallel_loop3A_511 = tpu.vector_load %arg7[%parallel_loop3A_507, %parallel_loop3A_508, %parallel_loop3A_509, %parallel_loop3A_510] {strides = array<i32>} : memref<2x4x8x768xf32, #tpu.memory_space<vmem>>, vector<1x1x1x16xf32>,
        %parallel_loop3A_512 = vector.shape_cast %parallel_loop3A_511 : vector<1x1x1x16xf32> to vector<16xf32>
        %parallel_loop3A_513 = vector.shape_cast %parallel_loop3A_503 : vector<16xf32> to vector<1x1x1x16xf32>
        tpu.vector_store %arg7[%parallel_loop3A_507, %parallel_loop3A_508, %parallel_loop3A_509, %parallel_loop3A_510], %parallel_loop3A_513 {strides = array<i32>} : memref<2x4x8x768xf32, #tpu.memory_space<vmem>>, vector<1x1x1x16xf32>,
        %parallel_loop3A_514 = arith.constant 0 : i32
        %parallel_loop3A_515 = arith.constant 3 : i32
        %parallel_loop3A_516 = arith.index_cast %parallel_loop3A_514 : i32 to index
        %parallel_loop3A_517 = arith.index_cast %parallel_loop3A_515 : i32 to index
        %parallel_loop3A_518 = arith.index_cast %parallel_loop3A_252 : i32 to index
        %parallel_loop3A_519 = tpu.vector_load %arg6[%parallel_loop3A_516, %parallel_loop3A_517, %parallel_loop3A_518] {strides = array<i32>} : memref<2x8x768xf32, #tpu.memory_space<vmem>>, vector<1x1x16xf32>,
        %parallel_loop3A_520 = vector.shape_cast %parallel_loop3A_519 : vector<1x1x16xf32> to vector<16xf32>
        %parallel_loop3A_521 = arith.constant 0 : i32
        %parallel_loop3A_522 = arith.constant 0 : i32
        %parallel_loop3A_523 = arith.constant 3 : i32
        %parallel_loop3A_524 = arith.index_cast %parallel_loop3A_521 : i32 to index
        %parallel_loop3A_525 = arith.index_cast %parallel_loop3A_522 : i32 to index
        %parallel_loop3A_526 = arith.index_cast %parallel_loop3A_523 : i32 to index
        %parallel_loop3A_527 = arith.index_cast %parallel_loop3A_252 : i32 to index
        %parallel_loop3A_528 = tpu.vector_load %arg5[%parallel_loop3A_524, %parallel_loop3A_525, %parallel_loop3A_526, %parallel_loop3A_527] {strides = array<i32>} : memref<2x4x8x768xf32, #tpu.memory_space<vmem>>, vector<1x1x1x16xf32>,
        %parallel_loop3A_529 = vector.shape_cast %parallel_loop3A_528 : vector<1x1x1x16xf32> to vector<16xf32>
        %parallel_loop3A_530 = arith.addf %parallel_loop3A_529, %parallel_loop3A_520 : vector<16xf32>
        %parallel_loop3A_531 = arith.constant 0 : i32
        %parallel_loop3A_532 = arith.constant 0 : i32
        %parallel_loop3A_533 = arith.constant 3 : i32
        %parallel_loop3A_534 = arith.index_cast %parallel_loop3A_531 : i32 to index
        %parallel_loop3A_535 = arith.index_cast %parallel_loop3A_532 : i32 to index
        %parallel_loop3A_536 = arith.index_cast %parallel_loop3A_533 : i32 to index
        %parallel_loop3A_537 = arith.index_cast %parallel_loop3A_252 : i32 to index
        %parallel_loop3A_538 = tpu.vector_load %arg7[%parallel_loop3A_534, %parallel_loop3A_535, %parallel_loop3A_536, %parallel_loop3A_537] {strides = array<i32>} : memref<2x4x8x768xf32, #tpu.memory_space<vmem>>, vector<1x1x1x16xf32>,
        %parallel_loop3A_539 = vector.shape_cast %parallel_loop3A_538 : vector<1x1x1x16xf32> to vector<16xf32>
        %parallel_loop3A_540 = vector.shape_cast %parallel_loop3A_530 : vector<16xf32> to vector<1x1x1x16xf32>
        tpu.vector_store %arg7[%parallel_loop3A_534, %parallel_loop3A_535, %parallel_loop3A_536, %parallel_loop3A_537], %parallel_loop3A_540 {strides = array<i32>} : memref<2x4x8x768xf32, #tpu.memory_space<vmem>>, vector<1x1x1x16xf32>,
        %parallel_loop3A_541 = arith.constant 0 : i32
        %parallel_loop3A_542 = arith.constant 1 : i32
        %parallel_loop3A_543 = arith.constant 3 : i32
        %parallel_loop3A_544 = arith.index_cast %parallel_loop3A_541 : i32 to index
        %parallel_loop3A_545 = arith.index_cast %parallel_loop3A_542 : i32 to index
        %parallel_loop3A_546 = arith.index_cast %parallel_loop3A_543 : i32 to index
        %parallel_loop3A_547 = arith.index_cast %parallel_loop3A_252 : i32 to index
        %parallel_loop3A_548 = tpu.vector_load %arg5[%parallel_loop3A_544, %parallel_loop3A_545, %parallel_loop3A_546, %parallel_loop3A_547] {strides = array<i32>} : memref<2x4x8x768xf32, #tpu.memory_space<vmem>>, vector<1x1x1x16xf32>,
        %parallel_loop3A_549 = vector.shape_cast %parallel_loop3A_548 : vector<1x1x1x16xf32> to vector<16xf32>
        %parallel_loop3A_550 = arith.addf %parallel_loop3A_549, %parallel_loop3A_520 : vector<16xf32>
        %parallel_loop3A_551 = arith.constant 0 : i32
        %parallel_loop3A_552 = arith.constant 1 : i32
        %parallel_loop3A_553 = arith.constant 3 : i32
        %parallel_loop3A_554 = arith.index_cast %parallel_loop3A_551 : i32 to index
        %parallel_loop3A_555 = arith.index_cast %parallel_loop3A_552 : i32 to index
        %parallel_loop3A_556 = arith.index_cast %parallel_loop3A_553 : i32 to index
        %parallel_loop3A_557 = arith.index_cast %parallel_loop3A_252 : i32 to index
        %parallel_loop3A_558 = tpu.vector_load %arg7[%parallel_loop3A_554, %parallel_loop3A_555, %parallel_loop3A_556, %parallel_loop3A_557] {strides = array<i32>} : memref<2x4x8x768xf32, #tpu.memory_space<vmem>>, vector<1x1x1x16xf32>,
        %parallel_loop3A_559 = vector.shape_cast %parallel_loop3A_558 : vector<1x1x1x16xf32> to vector<16xf32>
        %parallel_loop3A_560 = vector.shape_cast %parallel_loop3A_550 : vector<16xf32> to vector<1x1x1x16xf32>
        tpu.vector_store %arg7[%parallel_loop3A_554, %parallel_loop3A_555, %parallel_loop3A_556, %parallel_loop3A_557], %parallel_loop3A_560 {strides = array<i32>} : memref<2x4x8x768xf32, #tpu.memory_space<vmem>>, vector<1x1x1x16xf32>,
        %parallel_loop3A_561 = arith.constant 0 : i32
        %parallel_loop3A_562 = arith.constant 2 : i32
        %parallel_loop3A_563 = arith.constant 3 : i32
        %parallel_loop3A_564 = arith.index_cast %parallel_loop3A_561 : i32 to index
        %parallel_loop3A_565 = arith.index_cast %parallel_loop3A_562 : i32 to index
        %parallel_loop3A_566 = arith.index_cast %parallel_loop3A_563 : i32 to index
        %parallel_loop3A_567 = arith.index_cast %parallel_loop3A_252 : i32 to index
        %parallel_loop3A_568 = tpu.vector_load %arg5[%parallel_loop3A_564, %parallel_loop3A_565, %parallel_loop3A_566, %parallel_loop3A_567] {strides = array<i32>} : memref<2x4x8x768xf32, #tpu.memory_space<vmem>>, vector<1x1x1x16xf32>,
        %parallel_loop3A_569 = vector.shape_cast %parallel_loop3A_568 : vector<1x1x1x16xf32> to vector<16xf32>
        %parallel_loop3A_570 = arith.addf %parallel_loop3A_569, %parallel_loop3A_520 : vector<16xf32>
        %parallel_loop3A_571 = arith.constant 0 : i32
        %parallel_loop3A_572 = arith.constant 2 : i32
        %parallel_loop3A_573 = arith.constant 3 : i32
        %parallel_loop3A_574 = arith.index_cast %parallel_loop3A_571 : i32 to index
        %parallel_loop3A_575 = arith.index_cast %parallel_loop3A_572 : i32 to index
        %parallel_loop3A_576 = arith.index_cast %parallel_loop3A_573 : i32 to index
        %parallel_loop3A_577 = arith.index_cast %parallel_loop3A_252 : i32 to index
        %parallel_loop3A_578 = tpu.vector_load %arg7[%parallel_loop3A_574, %parallel_loop3A_575, %parallel_loop3A_576, %parallel_loop3A_577] {strides = array<i32>} : memref<2x4x8x768xf32, #tpu.memory_space<vmem>>, vector<1x1x1x16xf32>,
        %parallel_loop3A_579 = vector.shape_cast %parallel_loop3A_578 : vector<1x1x1x16xf32> to vector<16xf32>
        %parallel_loop3A_580 = vector.shape_cast %parallel_loop3A_570 : vector<16xf32> to vector<1x1x1x16xf32>
        tpu.vector_store %arg7[%parallel_loop3A_574, %parallel_loop3A_575, %parallel_loop3A_576, %parallel_loop3A_577], %parallel_loop3A_580 {strides = array<i32>} : memref<2x4x8x768xf32, #tpu.memory_space<vmem>>, vector<1x1x1x16xf32>,
        %parallel_loop3A_581 = arith.constant 0 : i32
        %parallel_loop3A_582 = arith.constant 3 : i32
        %parallel_loop3A_583 = arith.constant 3 : i32
        %parallel_loop3A_584 = arith.index_cast %parallel_loop3A_581 : i32 to index
        %parallel_loop3A_585 = arith.index_cast %parallel_loop3A_582 : i32 to index
        %parallel_loop3A_586 = arith.index_cast %parallel_loop3A_583 : i32 to index
        %parallel_loop3A_587 = arith.index_cast %parallel_loop3A_252 : i32 to index
        %parallel_loop3A_588 = tpu.vector_load %arg5[%parallel_loop3A_584, %parallel_loop3A_585, %parallel_loop3A_586, %parallel_loop3A_587] {strides = array<i32>} : memref<2x4x8x768xf32, #tpu.memory_space<vmem>>, vector<1x1x1x16xf32>,
        %parallel_loop3A_589 = vector.shape_cast %parallel_loop3A_588 : vector<1x1x1x16xf32> to vector<16xf32>
        %parallel_loop3A_590 = arith.addf %parallel_loop3A_589, %parallel_loop3A_520 : vector<16xf32>
        %parallel_loop3A_591 = arith.constant 0 : i32
        %parallel_loop3A_592 = arith.constant 3 : i32
        %parallel_loop3A_593 = arith.constant 3 : i32
        %parallel_loop3A_594 = arith.index_cast %parallel_loop3A_591 : i32 to index
        %parallel_loop3A_595 = arith.index_cast %parallel_loop3A_592 : i32 to index
        %parallel_loop3A_596 = arith.index_cast %parallel_loop3A_593 : i32 to index
        %parallel_loop3A_597 = arith.index_cast %parallel_loop3A_252 : i32 to index
        %parallel_loop3A_598 = tpu.vector_load %arg7[%parallel_loop3A_594, %parallel_loop3A_595, %parallel_loop3A_596, %parallel_loop3A_597] {strides = array<i32>} : memref<2x4x8x768xf32, #tpu.memory_space<vmem>>, vector<1x1x1x16xf32>,
        %parallel_loop3A_599 = vector.shape_cast %parallel_loop3A_598 : vector<1x1x1x16xf32> to vector<16xf32>
        %parallel_loop3A_600 = vector.shape_cast %parallel_loop3A_590 : vector<16xf32> to vector<1x1x1x16xf32>
        tpu.vector_store %arg7[%parallel_loop3A_594, %parallel_loop3A_595, %parallel_loop3A_596, %parallel_loop3A_597], %parallel_loop3A_600 {strides = array<i32>} : memref<2x4x8x768xf32, #tpu.memory_space<vmem>>, vector<1x1x1x16xf32>,
        %parallel_loop3A_601 = arith.constant 0 : i32
        %parallel_loop3A_602 = arith.constant 4 : i32
        %parallel_loop3A_603 = arith.index_cast %parallel_loop3A_601 : i32 to index
        %parallel_loop3A_604 = arith.index_cast %parallel_loop3A_602 : i32 to index
        %parallel_loop3A_605 = arith.index_cast %parallel_loop3A_252 : i32 to index
        %parallel_loop3A_606 = tpu.vector_load %arg6[%parallel_loop3A_603, %parallel_loop3A_604, %parallel_loop3A_605] {strides = array<i32>} : memref<2x8x768xf32, #tpu.memory_space<vmem>>, vector<1x1x16xf32>,
        %parallel_loop3A_607 = vector.shape_cast %parallel_loop3A_606 : vector<1x1x16xf32> to vector<16xf32>
        %parallel_loop3A_608 = arith.constant 0 : i32
        %parallel_loop3A_609 = arith.constant 0 : i32
        %parallel_loop3A_610 = arith.constant 4 : i32
        %parallel_loop3A_611 = arith.index_cast %parallel_loop3A_608 : i32 to index
        %parallel_loop3A_612 = arith.index_cast %parallel_loop3A_609 : i32 to index
        %parallel_loop3A_613 = arith.index_cast %parallel_loop3A_610 : i32 to index
        %parallel_loop3A_614 = arith.index_cast %parallel_loop3A_252 : i32 to index
        %parallel_loop3A_615 = tpu.vector_load %arg5[%parallel_loop3A_611, %parallel_loop3A_612, %parallel_loop3A_613, %parallel_loop3A_614] {strides = array<i32>} : memref<2x4x8x768xf32, #tpu.memory_space<vmem>>, vector<1x1x1x16xf32>,
        %parallel_loop3A_616 = vector.shape_cast %parallel_loop3A_615 : vector<1x1x1x16xf32> to vector<16xf32>
        %parallel_loop3A_617 = arith.addf %parallel_loop3A_616, %parallel_loop3A_607 : vector<16xf32>
        %parallel_loop3A_618 = arith.constant 0 : i32
        %parallel_loop3A_619 = arith.constant 0 : i32
        %parallel_loop3A_620 = arith.constant 4 : i32
        %parallel_loop3A_621 = arith.index_cast %parallel_loop3A_618 : i32 to index
        %parallel_loop3A_622 = arith.index_cast %parallel_loop3A_619 : i32 to index
        %parallel_loop3A_623 = arith.index_cast %parallel_loop3A_620 : i32 to index
        %parallel_loop3A_624 = arith.index_cast %parallel_loop3A_252 : i32 to index
        %parallel_loop3A_625 = tpu.vector_load %arg7[%parallel_loop3A_621, %parallel_loop3A_622, %parallel_loop3A_623, %parallel_loop3A_624] {strides = array<i32>} : memref<2x4x8x768xf32, #tpu.memory_space<vmem>>, vector<1x1x1x16xf32>,
        %parallel_loop3A_626 = vector.shape_cast %parallel_loop3A_625 : vector<1x1x1x16xf32> to vector<16xf32>
        %parallel_loop3A_627 = vector.shape_cast %parallel_loop3A_617 : vector<16xf32> to vector<1x1x1x16xf32>
        tpu.vector_store %arg7[%parallel_loop3A_621, %parallel_loop3A_622, %parallel_loop3A_623, %parallel_loop3A_624], %parallel_loop3A_627 {strides = array<i32>} : memref<2x4x8x768xf32, #tpu.memory_space<vmem>>, vector<1x1x1x16xf32>,
        %parallel_loop3A_628 = arith.constant 0 : i32
        %parallel_loop3A_629 = arith.constant 1 : i32
        %parallel_loop3A_630 = arith.constant 4 : i32
        %parallel_loop3A_631 = arith.index_cast %parallel_loop3A_628 : i32 to index
        %parallel_loop3A_632 = arith.index_cast %parallel_loop3A_629 : i32 to index
        %parallel_loop3A_633 = arith.index_cast %parallel_loop3A_630 : i32 to index
        %parallel_loop3A_634 = arith.index_cast %parallel_loop3A_252 : i32 to index
        %parallel_loop3A_635 = tpu.vector_load %arg5[%parallel_loop3A_631, %parallel_loop3A_632, %parallel_loop3A_633, %parallel_loop3A_634] {strides = array<i32>} : memref<2x4x8x768xf32, #tpu.memory_space<vmem>>, vector<1x1x1x16xf32>,
        %parallel_loop3A_636 = vector.shape_cast %parallel_loop3A_635 : vector<1x1x1x16xf32> to vector<16xf32>
        %parallel_loop3A_637 = arith.addf %parallel_loop3A_636, %parallel_loop3A_607 : vector<16xf32>
        %parallel_loop3A_638 = arith.constant 0 : i32
        %parallel_loop3A_639 = arith.constant 1 : i32
        %parallel_loop3A_640 = arith.constant 4 : i32
        %parallel_loop3A_641 = arith.index_cast %parallel_loop3A_638 : i32 to index
        %parallel_loop3A_642 = arith.index_cast %parallel_loop3A_639 : i32 to index
        %parallel_loop3A_643 = arith.index_cast %parallel_loop3A_640 : i32 to index
        %parallel_loop3A_644 = arith.index_cast %parallel_loop3A_252 : i32 to index
        %parallel_loop3A_645 = tpu.vector_load %arg7[%parallel_loop3A_641, %parallel_loop3A_642, %parallel_loop3A_643, %parallel_loop3A_644] {strides = array<i32>} : memref<2x4x8x768xf32, #tpu.memory_space<vmem>>, vector<1x1x1x16xf32>,
        %parallel_loop3A_646 = vector.shape_cast %parallel_loop3A_645 : vector<1x1x1x16xf32> to vector<16xf32>
        %parallel_loop3A_647 = vector.shape_cast %parallel_loop3A_637 : vector<16xf32> to vector<1x1x1x16xf32>
        tpu.vector_store %arg7[%parallel_loop3A_641, %parallel_loop3A_642, %parallel_loop3A_643, %parallel_loop3A_644], %parallel_loop3A_647 {strides = array<i32>} : memref<2x4x8x768xf32, #tpu.memory_space<vmem>>, vector<1x1x1x16xf32>,
        %parallel_loop3A_648 = arith.constant 0 : i32
        %parallel_loop3A_649 = arith.constant 2 : i32
        %parallel_loop3A_650 = arith.constant 4 : i32
        %parallel_loop3A_651 = arith.index_cast %parallel_loop3A_648 : i32 to index
        %parallel_loop3A_652 = arith.index_cast %parallel_loop3A_649 : i32 to index
        %parallel_loop3A_653 = arith.index_cast %parallel_loop3A_650 : i32 to index
        %parallel_loop3A_654 = arith.index_cast %parallel_loop3A_252 : i32 to index
        %parallel_loop3A_655 = tpu.vector_load %arg5[%parallel_loop3A_651, %parallel_loop3A_652, %parallel_loop3A_653, %parallel_loop3A_654] {strides = array<i32>} : memref<2x4x8x768xf32, #tpu.memory_space<vmem>>, vector<1x1x1x16xf32>,
        %parallel_loop3A_656 = vector.shape_cast %parallel_loop3A_655 : vector<1x1x1x16xf32> to vector<16xf32>
        %parallel_loop3A_657 = arith.addf %parallel_loop3A_656, %parallel_loop3A_607 : vector<16xf32>
        %parallel_loop3A_658 = arith.constant 0 : i32
        %parallel_loop3A_659 = arith.constant 2 : i32
        %parallel_loop3A_660 = arith.constant 4 : i32
        %parallel_loop3A_661 = arith.index_cast %parallel_loop3A_658 : i32 to index
        %parallel_loop3A_662 = arith.index_cast %parallel_loop3A_659 : i32 to index
        %parallel_loop3A_663 = arith.index_cast %parallel_loop3A_660 : i32 to index
        %parallel_loop3A_664 = arith.index_cast %parallel_loop3A_252 : i32 to index
        %parallel_loop3A_665 = tpu.vector_load %arg7[%parallel_loop3A_661, %parallel_loop3A_662, %parallel_loop3A_663, %parallel_loop3A_664] {strides = array<i32>} : memref<2x4x8x768xf32, #tpu.memory_space<vmem>>, vector<1x1x1x16xf32>,
        %parallel_loop3A_666 = vector.shape_cast %parallel_loop3A_665 : vector<1x1x1x16xf32> to vector<16xf32>
        %parallel_loop3A_667 = vector.shape_cast %parallel_loop3A_657 : vector<16xf32> to vector<1x1x1x16xf32>
        tpu.vector_store %arg7[%parallel_loop3A_661, %parallel_loop3A_662, %parallel_loop3A_663, %parallel_loop3A_664], %parallel_loop3A_667 {strides = array<i32>} : memref<2x4x8x768xf32, #tpu.memory_space<vmem>>, vector<1x1x1x16xf32>,
        %parallel_loop3A_668 = arith.constant 0 : i32
        %parallel_loop3A_669 = arith.constant 3 : i32
        %parallel_loop3A_670 = arith.constant 4 : i32
        %parallel_loop3A_671 = arith.index_cast %parallel_loop3A_668 : i32 to index
        %parallel_loop3A_672 = arith.index_cast %parallel_loop3A_669 : i32 to index
        %parallel_loop3A_673 = arith.index_cast %parallel_loop3A_670 : i32 to index
        %parallel_loop3A_674 = arith.index_cast %parallel_loop3A_252 : i32 to index
        %parallel_loop3A_675 = tpu.vector_load %arg5[%parallel_loop3A_671, %parallel_loop3A_672, %parallel_loop3A_673, %parallel_loop3A_674] {strides = array<i32>} : memref<2x4x8x768xf32, #tpu.memory_space<vmem>>, vector<1x1x1x16xf32>,
        %parallel_loop3A_676 = vector.shape_cast %parallel_loop3A_675 : vector<1x1x1x16xf32> to vector<16xf32>
        %parallel_loop3A_677 = arith.addf %parallel_loop3A_676, %parallel_loop3A_607 : vector<16xf32>
        %parallel_loop3A_678 = arith.constant 0 : i32
        %parallel_loop3A_679 = arith.constant 3 : i32
        %parallel_loop3A_680 = arith.constant 4 : i32
        %parallel_loop3A_681 = arith.index_cast %parallel_loop3A_678 : i32 to index
        %parallel_loop3A_682 = arith.index_cast %parallel_loop3A_679 : i32 to index
        %parallel_loop3A_683 = arith.index_cast %parallel_loop3A_680 : i32 to index
        %parallel_loop3A_684 = arith.index_cast %parallel_loop3A_252 : i32 to index
        %parallel_loop3A_685 = tpu.vector_load %arg7[%parallel_loop3A_681, %parallel_loop3A_682, %parallel_loop3A_683, %parallel_loop3A_684] {strides = array<i32>} : memref<2x4x8x768xf32, #tpu.memory_space<vmem>>, vector<1x1x1x16xf32>,
        %parallel_loop3A_686 = vector.shape_cast %parallel_loop3A_685 : vector<1x1x1x16xf32> to vector<16xf32>
        %parallel_loop3A_687 = vector.shape_cast %parallel_loop3A_677 : vector<16xf32> to vector<1x1x1x16xf32>
        tpu.vector_store %arg7[%parallel_loop3A_681, %parallel_loop3A_682, %parallel_loop3A_683, %parallel_loop3A_684], %parallel_loop3A_687 {strides = array<i32>} : memref<2x4x8x768xf32, #tpu.memory_space<vmem>>, vector<1x1x1x16xf32>,
        %parallel_loop3A_688 = arith.constant 0 : i32
        %parallel_loop3A_689 = arith.constant 5 : i32
        %parallel_loop3A_690 = arith.index_cast %parallel_loop3A_688 : i32 to index
        %parallel_loop3A_691 = arith.index_cast %parallel_loop3A_689 : i32 to index
        %parallel_loop3A_692 = arith.index_cast %parallel_loop3A_252 : i32 to index
        %parallel_loop3A_693 = tpu.vector_load %arg6[%parallel_loop3A_690, %parallel_loop3A_691, %parallel_loop3A_692] {strides = array<i32>} : memref<2x8x768xf32, #tpu.memory_space<vmem>>, vector<1x1x16xf32>,
        %parallel_loop3A_694 = vector.shape_cast %parallel_loop3A_693 : vector<1x1x16xf32> to vector<16xf32>
        %parallel_loop3A_695 = arith.constant 0 : i32
        %parallel_loop3A_696 = arith.constant 0 : i32
        %parallel_loop3A_697 = arith.constant 5 : i32
        %parallel_loop3A_698 = arith.index_cast %parallel_loop3A_695 : i32 to index
        %parallel_loop3A_699 = arith.index_cast %parallel_loop3A_696 : i32 to index
        %parallel_loop3A_700 = arith.index_cast %parallel_loop3A_697 : i32 to index
        %parallel_loop3A_701 = arith.index_cast %parallel_loop3A_252 : i32 to index
        %parallel_loop3A_702 = tpu.vector_load %arg5[%parallel_loop3A_698, %parallel_loop3A_699, %parallel_loop3A_700, %parallel_loop3A_701] {strides = array<i32>} : memref<2x4x8x768xf32, #tpu.memory_space<vmem>>, vector<1x1x1x16xf32>,
        %parallel_loop3A_703 = vector.shape_cast %parallel_loop3A_702 : vector<1x1x1x16xf32> to vector<16xf32>
        %parallel_loop3A_704 = arith.addf %parallel_loop3A_703, %parallel_loop3A_694 : vector<16xf32>
        %parallel_loop3A_705 = arith.constant 0 : i32
        %parallel_loop3A_706 = arith.constant 0 : i32
        %parallel_loop3A_707 = arith.constant 5 : i32
        %parallel_loop3A_708 = arith.index_cast %parallel_loop3A_705 : i32 to index
        %parallel_loop3A_709 = arith.index_cast %parallel_loop3A_706 : i32 to index
        %parallel_loop3A_710 = arith.index_cast %parallel_loop3A_707 : i32 to index
        %parallel_loop3A_711 = arith.index_cast %parallel_loop3A_252 : i32 to index
        %parallel_loop3A_712 = tpu.vector_load %arg7[%parallel_loop3A_708, %parallel_loop3A_709, %parallel_loop3A_710, %parallel_loop3A_711] {strides = array<i32>} : memref<2x4x8x768xf32, #tpu.memory_space<vmem>>, vector<1x1x1x16xf32>,
        %parallel_loop3A_713 = vector.shape_cast %parallel_loop3A_712 : vector<1x1x1x16xf32> to vector<16xf32>
        %parallel_loop3A_714 = vector.shape_cast %parallel_loop3A_704 : vector<16xf32> to vector<1x1x1x16xf32>
        tpu.vector_store %arg7[%parallel_loop3A_708, %parallel_loop3A_709, %parallel_loop3A_710, %parallel_loop3A_711], %parallel_loop3A_714 {strides = array<i32>} : memref<2x4x8x768xf32, #tpu.memory_space<vmem>>, vector<1x1x1x16xf32>,
        %parallel_loop3A_715 = arith.constant 0 : i32
        %parallel_loop3A_716 = arith.constant 1 : i32
        %parallel_loop3A_717 = arith.constant 5 : i32
        %parallel_loop3A_718 = arith.index_cast %parallel_loop3A_715 : i32 to index
        %parallel_loop3A_719 = arith.index_cast %parallel_loop3A_716 : i32 to index
        %parallel_loop3A_720 = arith.index_cast %parallel_loop3A_717 : i32 to index
        %parallel_loop3A_721 = arith.index_cast %parallel_loop3A_252 : i32 to index
        %parallel_loop3A_722 = tpu.vector_load %arg5[%parallel_loop3A_718, %parallel_loop3A_719, %parallel_loop3A_720, %parallel_loop3A_721] {strides = array<i32>} : memref<2x4x8x768xf32, #tpu.memory_space<vmem>>, vector<1x1x1x16xf32>,
        %parallel_loop3A_723 = vector.shape_cast %parallel_loop3A_722 : vector<1x1x1x16xf32> to vector<16xf32>
        %parallel_loop3A_724 = arith.addf %parallel_loop3A_723, %parallel_loop3A_694 : vector<16xf32>
        %parallel_loop3A_725 = arith.constant 0 : i32
        %parallel_loop3A_726 = arith.constant 1 : i32
        %parallel_loop3A_727 = arith.constant 5 : i32
        %parallel_loop3A_728 = arith.index_cast %parallel_loop3A_725 : i32 to index
        %parallel_loop3A_729 = arith.index_cast %parallel_loop3A_726 : i32 to index
        %parallel_loop3A_730 = arith.index_cast %parallel_loop3A_727 : i32 to index
        %parallel_loop3A_731 = arith.index_cast %parallel_loop3A_252 : i32 to index
        %parallel_loop3A_732 = tpu.vector_load %arg7[%parallel_loop3A_728, %parallel_loop3A_729, %parallel_loop3A_730, %parallel_loop3A_731] {strides = array<i32>} : memref<2x4x8x768xf32, #tpu.memory_space<vmem>>, vector<1x1x1x16xf32>,
        %parallel_loop3A_733 = vector.shape_cast %parallel_loop3A_732 : vector<1x1x1x16xf32> to vector<16xf32>
        %parallel_loop3A_734 = vector.shape_cast %parallel_loop3A_724 : vector<16xf32> to vector<1x1x1x16xf32>
        tpu.vector_store %arg7[%parallel_loop3A_728, %parallel_loop3A_729, %parallel_loop3A_730, %parallel_loop3A_731], %parallel_loop3A_734 {strides = array<i32>} : memref<2x4x8x768xf32, #tpu.memory_space<vmem>>, vector<1x1x1x16xf32>,
        %parallel_loop3A_735 = arith.constant 0 : i32
        %parallel_loop3A_736 = arith.constant 2 : i32
        %parallel_loop3A_737 = arith.constant 5 : i32
        %parallel_loop3A_738 = arith.index_cast %parallel_loop3A_735 : i32 to index
        %parallel_loop3A_739 = arith.index_cast %parallel_loop3A_736 : i32 to index
        %parallel_loop3A_740 = arith.index_cast %parallel_loop3A_737 : i32 to index
        %parallel_loop3A_741 = arith.index_cast %parallel_loop3A_252 : i32 to index
        %parallel_loop3A_742 = tpu.vector_load %arg5[%parallel_loop3A_738, %parallel_loop3A_739, %parallel_loop3A_740, %parallel_loop3A_741] {strides = array<i32>} : memref<2x4x8x768xf32, #tpu.memory_space<vmem>>, vector<1x1x1x16xf32>,
        %parallel_loop3A_743 = vector.shape_cast %parallel_loop3A_742 : vector<1x1x1x16xf32> to vector<16xf32>
        %parallel_loop3A_744 = arith.addf %parallel_loop3A_743, %parallel_loop3A_694 : vector<16xf32>
        %parallel_loop3A_745 = arith.constant 0 : i32
        %parallel_loop3A_746 = arith.constant 2 : i32
        %parallel_loop3A_747 = arith.constant 5 : i32
        %parallel_loop3A_748 = arith.index_cast %parallel_loop3A_745 : i32 to index
        %parallel_loop3A_749 = arith.index_cast %parallel_loop3A_746 : i32 to index
        %parallel_loop3A_750 = arith.index_cast %parallel_loop3A_747 : i32 to index
        %parallel_loop3A_751 = arith.index_cast %parallel_loop3A_252 : i32 to index
        %parallel_loop3A_752 = tpu.vector_load %arg7[%parallel_loop3A_748, %parallel_loop3A_749, %parallel_loop3A_750, %parallel_loop3A_751] {strides = array<i32>} : memref<2x4x8x768xf32, #tpu.memory_space<vmem>>, vector<1x1x1x16xf32>,
        %parallel_loop3A_753 = vector.shape_cast %parallel_loop3A_752 : vector<1x1x1x16xf32> to vector<16xf32>
        %parallel_loop3A_754 = vector.shape_cast %parallel_loop3A_744 : vector<16xf32> to vector<1x1x1x16xf32>
        tpu.vector_store %arg7[%parallel_loop3A_748, %parallel_loop3A_749, %parallel_loop3A_750, %parallel_loop3A_751], %parallel_loop3A_754 {strides = array<i32>} : memref<2x4x8x768xf32, #tpu.memory_space<vmem>>, vector<1x1x1x16xf32>,
        %parallel_loop3A_755 = arith.constant 0 : i32
        %parallel_loop3A_756 = arith.constant 3 : i32
        %parallel_loop3A_757 = arith.constant 5 : i32
        %parallel_loop3A_758 = arith.index_cast %parallel_loop3A_755 : i32 to index
        %parallel_loop3A_759 = arith.index_cast %parallel_loop3A_756 : i32 to index
        %parallel_loop3A_760 = arith.index_cast %parallel_loop3A_757 : i32 to index
        %parallel_loop3A_761 = arith.index_cast %parallel_loop3A_252 : i32 to index
        %parallel_loop3A_762 = tpu.vector_load %arg5[%parallel_loop3A_758, %parallel_loop3A_759, %parallel_loop3A_760, %parallel_loop3A_761] {strides = array<i32>} : memref<2x4x8x768xf32, #tpu.memory_space<vmem>>, vector<1x1x1x16xf32>,
        %parallel_loop3A_763 = vector.shape_cast %parallel_loop3A_762 : vector<1x1x1x16xf32> to vector<16xf32>
        %parallel_loop3A_764 = arith.addf %parallel_loop3A_763, %parallel_loop3A_694 : vector<16xf32>
        %parallel_loop3A_765 = arith.constant 0 : i32
        %parallel_loop3A_766 = arith.constant 3 : i32
        %parallel_loop3A_767 = arith.constant 5 : i32
        %parallel_loop3A_768 = arith.index_cast %parallel_loop3A_765 : i32 to index
        %parallel_loop3A_769 = arith.index_cast %parallel_loop3A_766 : i32 to index
        %parallel_loop3A_770 = arith.index_cast %parallel_loop3A_767 : i32 to index
        %parallel_loop3A_771 = arith.index_cast %parallel_loop3A_252 : i32 to index
        %parallel_loop3A_772 = tpu.vector_load %arg7[%parallel_loop3A_768, %parallel_loop3A_769, %parallel_loop3A_770, %parallel_loop3A_771] {strides = array<i32>} : memref<2x4x8x768xf32, #tpu.memory_space<vmem>>, vector<1x1x1x16xf32>,
        %parallel_loop3A_773 = vector.shape_cast %parallel_loop3A_772 : vector<1x1x1x16xf32> to vector<16xf32>
        %parallel_loop3A_774 = vector.shape_cast %parallel_loop3A_764 : vector<16xf32> to vector<1x1x1x16xf32>
        tpu.vector_store %arg7[%parallel_loop3A_768, %parallel_loop3A_769, %parallel_loop3A_770, %parallel_loop3A_771], %parallel_loop3A_774 {strides = array<i32>} : memref<2x4x8x768xf32, #tpu.memory_space<vmem>>, vector<1x1x1x16xf32>,
        %parallel_loop3A_775 = arith.constant 0 : i32
        %parallel_loop3A_776 = arith.constant 6 : i32
        %parallel_loop3A_777 = arith.index_cast %parallel_loop3A_775 : i32 to index
        %parallel_loop3A_778 = arith.index_cast %parallel_loop3A_776 : i32 to index
        %parallel_loop3A_779 = arith.index_cast %parallel_loop3A_252 : i32 to index
        %parallel_loop3A_780 = tpu.vector_load %arg6[%parallel_loop3A_777, %parallel_loop3A_778, %parallel_loop3A_779] {strides = array<i32>} : memref<2x8x768xf32, #tpu.memory_space<vmem>>, vector<1x1x16xf32>,
        %parallel_loop3A_781 = vector.shape_cast %parallel_loop3A_780 : vector<1x1x16xf32> to vector<16xf32>
        %parallel_loop3A_782 = arith.constant 0 : i32
        %parallel_loop3A_783 = arith.constant 0 : i32
        %parallel_loop3A_784 = arith.constant 6 : i32
        %parallel_loop3A_785 = arith.index_cast %parallel_loop3A_782 : i32 to index
        %parallel_loop3A_786 = arith.index_cast %parallel_loop3A_783 : i32 to index
        %parallel_loop3A_787 = arith.index_cast %parallel_loop3A_784 : i32 to index
        %parallel_loop3A_788 = arith.index_cast %parallel_loop3A_252 : i32 to index
        %parallel_loop3A_789 = tpu.vector_load %arg5[%parallel_loop3A_785, %parallel_loop3A_786, %parallel_loop3A_787, %parallel_loop3A_788] {strides = array<i32>} : memref<2x4x8x768xf32, #tpu.memory_space<vmem>>, vector<1x1x1x16xf32>,
        %parallel_loop3A_790 = vector.shape_cast %parallel_loop3A_789 : vector<1x1x1x16xf32> to vector<16xf32>
        %parallel_loop3A_791 = arith.addf %parallel_loop3A_790, %parallel_loop3A_781 : vector<16xf32>
        %parallel_loop3A_792 = arith.constant 0 : i32
        %parallel_loop3A_793 = arith.constant 0 : i32
        %parallel_loop3A_794 = arith.constant 6 : i32
        %parallel_loop3A_795 = arith.index_cast %parallel_loop3A_792 : i32 to index
        %parallel_loop3A_796 = arith.index_cast %parallel_loop3A_793 : i32 to index
        %parallel_loop3A_797 = arith.index_cast %parallel_loop3A_794 : i32 to index
        %parallel_loop3A_798 = arith.index_cast %parallel_loop3A_252 : i32 to index
        %parallel_loop3A_799 = tpu.vector_load %arg7[%parallel_loop3A_795, %parallel_loop3A_796, %parallel_loop3A_797, %parallel_loop3A_798] {strides = array<i32>} : memref<2x4x8x768xf32, #tpu.memory_space<vmem>>, vector<1x1x1x16xf32>,
        %parallel_loop3A_800 = vector.shape_cast %parallel_loop3A_799 : vector<1x1x1x16xf32> to vector<16xf32>
        %parallel_loop3A_801 = vector.shape_cast %parallel_loop3A_791 : vector<16xf32> to vector<1x1x1x16xf32>
        tpu.vector_store %arg7[%parallel_loop3A_795, %parallel_loop3A_796, %parallel_loop3A_797, %parallel_loop3A_798], %parallel_loop3A_801 {strides = array<i32>} : memref<2x4x8x768xf32, #tpu.memory_space<vmem>>, vector<1x1x1x16xf32>,
        %parallel_loop3A_802 = arith.constant 0 : i32
        %parallel_loop3A_803 = arith.constant 1 : i32
        %parallel_loop3A_804 = arith.constant 6 : i32
        %parallel_loop3A_805 = arith.index_cast %parallel_loop3A_802 : i32 to index
        %parallel_loop3A_806 = arith.index_cast %parallel_loop3A_803 : i32 to index
        %parallel_loop3A_807 = arith.index_cast %parallel_loop3A_804 : i32 to index
        %parallel_loop3A_808 = arith.index_cast %parallel_loop3A_252 : i32 to index
        %parallel_loop3A_809 = tpu.vector_load %arg5[%parallel_loop3A_805, %parallel_loop3A_806, %parallel_loop3A_807, %parallel_loop3A_808] {strides = array<i32>} : memref<2x4x8x768xf32, #tpu.memory_space<vmem>>, vector<1x1x1x16xf32>,
        %parallel_loop3A_810 = vector.shape_cast %parallel_loop3A_809 : vector<1x1x1x16xf32> to vector<16xf32>
        %parallel_loop3A_811 = arith.addf %parallel_loop3A_810, %parallel_loop3A_781 : vector<16xf32>
        %parallel_loop3A_812 = arith.constant 0 : i32
        %parallel_loop3A_813 = arith.constant 1 : i32
        %parallel_loop3A_814 = arith.constant 6 : i32
        %parallel_loop3A_815 = arith.index_cast %parallel_loop3A_812 : i32 to index
        %parallel_loop3A_816 = arith.index_cast %parallel_loop3A_813 : i32 to index
        %parallel_loop3A_817 = arith.index_cast %parallel_loop3A_814 : i32 to index
        %parallel_loop3A_818 = arith.index_cast %parallel_loop3A_252 : i32 to index
        %parallel_loop3A_819 = tpu.vector_load %arg7[%parallel_loop3A_815, %parallel_loop3A_816, %parallel_loop3A_817, %parallel_loop3A_818] {strides = array<i32>} : memref<2x4x8x768xf32, #tpu.memory_space<vmem>>, vector<1x1x1x16xf32>,
        %parallel_loop3A_820 = vector.shape_cast %parallel_loop3A_819 : vector<1x1x1x16xf32> to vector<16xf32>
        %parallel_loop3A_821 = vector.shape_cast %parallel_loop3A_811 : vector<16xf32> to vector<1x1x1x16xf32>
        tpu.vector_store %arg7[%parallel_loop3A_815, %parallel_loop3A_816, %parallel_loop3A_817, %parallel_loop3A_818], %parallel_loop3A_821 {strides = array<i32>} : memref<2x4x8x768xf32, #tpu.memory_space<vmem>>, vector<1x1x1x16xf32>,
        %parallel_loop3A_822 = arith.constant 0 : i32
        %parallel_loop3A_823 = arith.constant 2 : i32
        %parallel_loop3A_824 = arith.constant 6 : i32
        %parallel_loop3A_825 = arith.index_cast %parallel_loop3A_822 : i32 to index
        %parallel_loop3A_826 = arith.index_cast %parallel_loop3A_823 : i32 to index
        %parallel_loop3A_827 = arith.index_cast %parallel_loop3A_824 : i32 to index
        %parallel_loop3A_828 = arith.index_cast %parallel_loop3A_252 : i32 to index
        %parallel_loop3A_829 = tpu.vector_load %arg5[%parallel_loop3A_825, %parallel_loop3A_826, %parallel_loop3A_827, %parallel_loop3A_828] {strides = array<i32>} : memref<2x4x8x768xf32, #tpu.memory_space<vmem>>, vector<1x1x1x16xf32>,
        %parallel_loop3A_830 = vector.shape_cast %parallel_loop3A_829 : vector<1x1x1x16xf32> to vector<16xf32>
        %parallel_loop3A_831 = arith.addf %parallel_loop3A_830, %parallel_loop3A_781 : vector<16xf32>
        %parallel_loop3A_832 = arith.constant 0 : i32
        %parallel_loop3A_833 = arith.constant 2 : i32
        %parallel_loop3A_834 = arith.constant 6 : i32
        %parallel_loop3A_835 = arith.index_cast %parallel_loop3A_832 : i32 to index
        %parallel_loop3A_836 = arith.index_cast %parallel_loop3A_833 : i32 to index
        %parallel_loop3A_837 = arith.index_cast %parallel_loop3A_834 : i32 to index
        %parallel_loop3A_838 = arith.index_cast %parallel_loop3A_252 : i32 to index
        %parallel_loop3A_839 = tpu.vector_load %arg7[%parallel_loop3A_835, %parallel_loop3A_836, %parallel_loop3A_837, %parallel_loop3A_838] {strides = array<i32>} : memref<2x4x8x768xf32, #tpu.memory_space<vmem>>, vector<1x1x1x16xf32>,
        %parallel_loop3A_840 = vector.shape_cast %parallel_loop3A_839 : vector<1x1x1x16xf32> to vector<16xf32>
        %parallel_loop3A_841 = vector.shape_cast %parallel_loop3A_831 : vector<16xf32> to vector<1x1x1x16xf32>
        tpu.vector_store %arg7[%parallel_loop3A_835, %parallel_loop3A_836, %parallel_loop3A_837, %parallel_loop3A_838], %parallel_loop3A_841 {strides = array<i32>} : memref<2x4x8x768xf32, #tpu.memory_space<vmem>>, vector<1x1x1x16xf32>,
        %parallel_loop3A_842 = arith.constant 0 : i32
        %parallel_loop3A_843 = arith.constant 3 : i32
        %parallel_loop3A_844 = arith.constant 6 : i32
        %parallel_loop3A_845 = arith.index_cast %parallel_loop3A_842 : i32 to index
        %parallel_loop3A_846 = arith.index_cast %parallel_loop3A_843 : i32 to index
        %parallel_loop3A_847 = arith.index_cast %parallel_loop3A_844 : i32 to index
        %parallel_loop3A_848 = arith.index_cast %parallel_loop3A_252 : i32 to index
        %parallel_loop3A_849 = tpu.vector_load %arg5[%parallel_loop3A_845, %parallel_loop3A_846, %parallel_loop3A_847, %parallel_loop3A_848] {strides = array<i32>} : memref<2x4x8x768xf32, #tpu.memory_space<vmem>>, vector<1x1x1x16xf32>,
        %parallel_loop3A_850 = vector.shape_cast %parallel_loop3A_849 : vector<1x1x1x16xf32> to vector<16xf32>
        %parallel_loop3A_851 = arith.addf %parallel_loop3A_850, %parallel_loop3A_781 : vector<16xf32>
        %parallel_loop3A_852 = arith.constant 0 : i32
        %parallel_loop3A_853 = arith.constant 3 : i32
        %parallel_loop3A_854 = arith.constant 6 : i32
        %parallel_loop3A_855 = arith.index_cast %parallel_loop3A_852 : i32 to index
        %parallel_loop3A_856 = arith.index_cast %parallel_loop3A_853 : i32 to index
        %parallel_loop3A_857 = arith.index_cast %parallel_loop3A_854 : i32 to index
        %parallel_loop3A_858 = arith.index_cast %parallel_loop3A_252 : i32 to index
        %parallel_loop3A_859 = tpu.vector_load %arg7[%parallel_loop3A_855, %parallel_loop3A_856, %parallel_loop3A_857, %parallel_loop3A_858] {strides = array<i32>} : memref<2x4x8x768xf32, #tpu.memory_space<vmem>>, vector<1x1x1x16xf32>,
        %parallel_loop3A_860 = vector.shape_cast %parallel_loop3A_859 : vector<1x1x1x16xf32> to vector<16xf32>
        %parallel_loop3A_861 = vector.shape_cast %parallel_loop3A_851 : vector<16xf32> to vector<1x1x1x16xf32>
        tpu.vector_store %arg7[%parallel_loop3A_855, %parallel_loop3A_856, %parallel_loop3A_857, %parallel_loop3A_858], %parallel_loop3A_861 {strides = array<i32>} : memref<2x4x8x768xf32, #tpu.memory_space<vmem>>, vector<1x1x1x16xf32>,
        %parallel_loop3A_862 = arith.constant 0 : i32
        %parallel_loop3A_863 = arith.constant 7 : i32
        %parallel_loop3A_864 = arith.index_cast %parallel_loop3A_862 : i32 to index
        %parallel_loop3A_865 = arith.index_cast %parallel_loop3A_863 : i32 to index
        %parallel_loop3A_866 = arith.index_cast %parallel_loop3A_252 : i32 to index
        %parallel_loop3A_867 = tpu.vector_load %arg6[%parallel_loop3A_864, %parallel_loop3A_865, %parallel_loop3A_866] {strides = array<i32>} : memref<2x8x768xf32, #tpu.memory_space<vmem>>, vector<1x1x16xf32>,
        %parallel_loop3A_868 = vector.shape_cast %parallel_loop3A_867 : vector<1x1x16xf32> to vector<16xf32>
        %parallel_loop3A_869 = arith.constant 0 : i32
        %parallel_loop3A_870 = arith.constant 0 : i32
        %parallel_loop3A_871 = arith.constant 7 : i32
        %parallel_loop3A_872 = arith.index_cast %parallel_loop3A_869 : i32 to index
        %parallel_loop3A_873 = arith.index_cast %parallel_loop3A_870 : i32 to index
        %parallel_loop3A_874 = arith.index_cast %parallel_loop3A_871 : i32 to index
        %parallel_loop3A_875 = arith.index_cast %parallel_loop3A_252 : i32 to index
        %parallel_loop3A_876 = tpu.vector_load %arg5[%parallel_loop3A_872, %parallel_loop3A_873, %parallel_loop3A_874, %parallel_loop3A_875] {strides = array<i32>} : memref<2x4x8x768xf32, #tpu.memory_space<vmem>>, vector<1x1x1x16xf32>,
        %parallel_loop3A_877 = vector.shape_cast %parallel_loop3A_876 : vector<1x1x1x16xf32> to vector<16xf32>
        %parallel_loop3A_878 = arith.addf %parallel_loop3A_877, %parallel_loop3A_868 : vector<16xf32>
        %parallel_loop3A_879 = arith.constant 0 : i32
        %parallel_loop3A_880 = arith.constant 0 : i32
        %parallel_loop3A_881 = arith.constant 7 : i32
        %parallel_loop3A_882 = arith.index_cast %parallel_loop3A_879 : i32 to index
        %parallel_loop3A_883 = arith.index_cast %parallel_loop3A_880 : i32 to index
        %parallel_loop3A_884 = arith.index_cast %parallel_loop3A_881 : i32 to index
        %parallel_loop3A_885 = arith.index_cast %parallel_loop3A_252 : i32 to index
        %parallel_loop3A_886 = tpu.vector_load %arg7[%parallel_loop3A_882, %parallel_loop3A_883, %parallel_loop3A_884, %parallel_loop3A_885] {strides = array<i32>} : memref<2x4x8x768xf32, #tpu.memory_space<vmem>>, vector<1x1x1x16xf32>,
        %parallel_loop3A_887 = vector.shape_cast %parallel_loop3A_886 : vector<1x1x1x16xf32> to vector<16xf32>
        %parallel_loop3A_888 = vector.shape_cast %parallel_loop3A_878 : vector<16xf32> to vector<1x1x1x16xf32>
        tpu.vector_store %arg7[%parallel_loop3A_882, %parallel_loop3A_883, %parallel_loop3A_884, %parallel_loop3A_885], %parallel_loop3A_888 {strides = array<i32>} : memref<2x4x8x768xf32, #tpu.memory_space<vmem>>, vector<1x1x1x16xf32>,
        %parallel_loop3A_889 = arith.constant 0 : i32
        %parallel_loop3A_890 = arith.constant 1 : i32
        %parallel_loop3A_891 = arith.constant 7 : i32
        %parallel_loop3A_892 = arith.index_cast %parallel_loop3A_889 : i32 to index
        %parallel_loop3A_893 = arith.index_cast %parallel_loop3A_890 : i32 to index
        %parallel_loop3A_894 = arith.index_cast %parallel_loop3A_891 : i32 to index
        %parallel_loop3A_895 = arith.index_cast %parallel_loop3A_252 : i32 to index
        %parallel_loop3A_896 = tpu.vector_load %arg5[%parallel_loop3A_892, %parallel_loop3A_893, %parallel_loop3A_894, %parallel_loop3A_895] {strides = array<i32>} : memref<2x4x8x768xf32, #tpu.memory_space<vmem>>, vector<1x1x1x16xf32>,
        %parallel_loop3A_897 = vector.shape_cast %parallel_loop3A_896 : vector<1x1x1x16xf32> to vector<16xf32>
        %parallel_loop3A_898 = arith.addf %parallel_loop3A_897, %parallel_loop3A_868 : vector<16xf32>
        %parallel_loop3A_899 = arith.constant 0 : i32
        %parallel_loop3A_900 = arith.constant 1 : i32
        %parallel_loop3A_901 = arith.constant 7 : i32
        %parallel_loop3A_902 = arith.index_cast %parallel_loop3A_899 : i32 to index
        %parallel_loop3A_903 = arith.index_cast %parallel_loop3A_900 : i32 to index
        %parallel_loop3A_904 = arith.index_cast %parallel_loop3A_901 : i32 to index
        %parallel_loop3A_905 = arith.index_cast %parallel_loop3A_252 : i32 to index
        %parallel_loop3A_906 = tpu.vector_load %arg7[%parallel_loop3A_902, %parallel_loop3A_903, %parallel_loop3A_904, %parallel_loop3A_905] {strides = array<i32>} : memref<2x4x8x768xf32, #tpu.memory_space<vmem>>, vector<1x1x1x16xf32>,
        %parallel_loop3A_907 = vector.shape_cast %parallel_loop3A_906 : vector<1x1x1x16xf32> to vector<16xf32>
        %parallel_loop3A_908 = vector.shape_cast %parallel_loop3A_898 : vector<16xf32> to vector<1x1x1x16xf32>
        tpu.vector_store %arg7[%parallel_loop3A_902, %parallel_loop3A_903, %parallel_loop3A_904, %parallel_loop3A_905], %parallel_loop3A_908 {strides = array<i32>} : memref<2x4x8x768xf32, #tpu.memory_space<vmem>>, vector<1x1x1x16xf32>,
        %parallel_loop3A_909 = arith.constant 0 : i32
        %parallel_loop3A_910 = arith.constant 2 : i32
        %parallel_loop3A_911 = arith.constant 7 : i32
        %parallel_loop3A_912 = arith.index_cast %parallel_loop3A_909 : i32 to index
        %parallel_loop3A_913 = arith.index_cast %parallel_loop3A_910 : i32 to index
        %parallel_loop3A_914 = arith.index_cast %parallel_loop3A_911 : i32 to index
        %parallel_loop3A_915 = arith.index_cast %parallel_loop3A_252 : i32 to index
        %parallel_loop3A_916 = tpu.vector_load %arg5[%parallel_loop3A_912, %parallel_loop3A_913, %parallel_loop3A_914, %parallel_loop3A_915] {strides = array<i32>} : memref<2x4x8x768xf32, #tpu.memory_space<vmem>>, vector<1x1x1x16xf32>,
        %parallel_loop3A_917 = vector.shape_cast %parallel_loop3A_916 : vector<1x1x1x16xf32> to vector<16xf32>
        %parallel_loop3A_918 = arith.addf %parallel_loop3A_917, %parallel_loop3A_868 : vector<16xf32>
        %parallel_loop3A_919 = arith.constant 0 : i32
        %parallel_loop3A_920 = arith.constant 2 : i32
        %parallel_loop3A_921 = arith.constant 7 : i32
        %parallel_loop3A_922 = arith.index_cast %parallel_loop3A_919 : i32 to index
        %parallel_loop3A_923 = arith.index_cast %parallel_loop3A_920 : i32 to index
        %parallel_loop3A_924 = arith.index_cast %parallel_loop3A_921 : i32 to index
        %parallel_loop3A_925 = arith.index_cast %parallel_loop3A_252 : i32 to index
        %parallel_loop3A_926 = tpu.vector_load %arg7[%parallel_loop3A_922, %parallel_loop3A_923, %parallel_loop3A_924, %parallel_loop3A_925] {strides = array<i32>} : memref<2x4x8x768xf32, #tpu.memory_space<vmem>>, vector<1x1x1x16xf32>,
        %parallel_loop3A_927 = vector.shape_cast %parallel_loop3A_926 : vector<1x1x1x16xf32> to vector<16xf32>
        %parallel_loop3A_928 = vector.shape_cast %parallel_loop3A_918 : vector<16xf32> to vector<1x1x1x16xf32>
        tpu.vector_store %arg7[%parallel_loop3A_922, %parallel_loop3A_923, %parallel_loop3A_924, %parallel_loop3A_925], %parallel_loop3A_928 {strides = array<i32>} : memref<2x4x8x768xf32, #tpu.memory_space<vmem>>, vector<1x1x1x16xf32>,
        %parallel_loop3A_929 = arith.constant 0 : i32
        %parallel_loop3A_930 = arith.constant 3 : i32
        %parallel_loop3A_931 = arith.constant 7 : i32
        %parallel_loop3A_932 = arith.index_cast %parallel_loop3A_929 : i32 to index
        %parallel_loop3A_933 = arith.index_cast %parallel_loop3A_930 : i32 to index
        %parallel_loop3A_934 = arith.index_cast %parallel_loop3A_931 : i32 to index
        %parallel_loop3A_935 = arith.index_cast %parallel_loop3A_252 : i32 to index
        %parallel_loop3A_936 = tpu.vector_load %arg5[%parallel_loop3A_932, %parallel_loop3A_933, %parallel_loop3A_934, %parallel_loop3A_935] {strides = array<i32>} : memref<2x4x8x768xf32, #tpu.memory_space<vmem>>, vector<1x1x1x16xf32>,
        %parallel_loop3A_937 = vector.shape_cast %parallel_loop3A_936 : vector<1x1x1x16xf32> to vector<16xf32>
        %parallel_loop3A_938 = arith.addf %parallel_loop3A_937, %parallel_loop3A_868 : vector<16xf32>
        %parallel_loop3A_939 = arith.constant 0 : i32
        %parallel_loop3A_940 = arith.constant 3 : i32
        %parallel_loop3A_941 = arith.constant 7 : i32
        %parallel_loop3A_942 = arith.index_cast %parallel_loop3A_939 : i32 to index
        %parallel_loop3A_943 = arith.index_cast %parallel_loop3A_940 : i32 to index
        %parallel_loop3A_944 = arith.index_cast %parallel_loop3A_941 : i32 to index
        %parallel_loop3A_945 = arith.index_cast %parallel_loop3A_252 : i32 to index
        %parallel_loop3A_946 = tpu.vector_load %arg7[%parallel_loop3A_942, %parallel_loop3A_943, %parallel_loop3A_944, %parallel_loop3A_945] {strides = array<i32>} : memref<2x4x8x768xf32, #tpu.memory_space<vmem>>, vector<1x1x1x16xf32>,
        %parallel_loop3A_947 = vector.shape_cast %parallel_loop3A_946 : vector<1x1x1x16xf32> to vector<16xf32>
        %parallel_loop3A_948 = vector.shape_cast %parallel_loop3A_938 : vector<16xf32> to vector<1x1x1x16xf32>
        tpu.vector_store %arg7[%parallel_loop3A_942, %parallel_loop3A_943, %parallel_loop3A_944, %parallel_loop3A_945], %parallel_loop3A_948 {strides = array<i32>} : memref<2x4x8x768xf32, #tpu.memory_space<vmem>>, vector<1x1x1x16xf32>,
      } {sc.loop_unroll_factor = 2 : i64, sc.parallel_access}
      %add3A_151 = arith.constant 2 : i32
      %add3A_152 = arith.addi %add3A_112, %add3A_151 : i32
      %lt3A = arith.constant 32 : i32
      %lt3A_153 = arith.cmpi slt, %add3A_152, %lt3A : i32
      %convert_element_type3A_154 = arith.extui %lt3A_153 : i1 to i32
      %cond3A_155 = arith.constant 0 : i32
      %cond3A_156 = arith.cmpi ne, %convert_element_type3A_154, %cond3A_155 : i32
      scf.if %cond3A_156 {
        %add3A_250 = arith.constant 2 : i32
        %add3A_251 = arith.addi %add3A_112, %add3A_250 : i32
        %mul3A_252 = arith.constant 8 : i32
        %mul3A_253 = arith.muli %add3A_251, %mul3A_252 : i32
        %add3A_254 = arith.addi %mul3A_2, %mul3A_253 : i32
        %dma_start3A_255 = arith.constant 0 : i32
        %dma_start3A_256 = arith.constant 0 : i32
        %dma_start3A_257 = arith.constant 0 : i32
        %dma_start3A_258 = tpu.memref_slice %arg6[%dma_start3A_255, %dma_start3A_256, %dma_start3A_257] : memref<2x8x768xf32, #tpu.memory_space<vmem>> -> memref<1x8x768xf32, #tpu.memory_space<vmem>>
        %dma_start3A_259 = tpu.memref_squeeze %dma_start3A_258 : memref<1x8x768xf32, #tpu.memory_space<vmem>> -> memref<8x768xf32, #tpu.memory_space<vmem>>
        %dma_start3A_260 = arith.constant 0 : i32
        %dma_start3A_261 = tpu.memref_slice %arg3[%add3A_254, %dma_start3A_260] : memref<8192x768xf32, #tpu.memory_space<hbm>> -> memref<8x768xf32, #tpu.memory_space<hbm>>
        %dma_start3A_262 = arith.constant 0 : i32
        %dma_start3A_263 = arith.constant 0 : i32
        %dma_start3A_264 = tpu.memref_slice %arg6[%dma_start3A_255, %dma_start3A_262, %dma_start3A_263] : memref<2x8x768xf32, #tpu.memory_space<vmem>> -> memref<1x8x768xf32, #tpu.memory_space<vmem>>
        %dma_start3A_265 = tpu.memref_squeeze %dma_start3A_264 : memref<1x8x768xf32, #tpu.memory_space<vmem>> -> memref<8x768xf32, #tpu.memory_space<vmem>>
        %dma_start3A_266 = arith.constant 0 : i32
        %dma_start3A_267 = tpu.memref_slice %arg3[%add3A_254, %dma_start3A_266] : memref<8192x768xf32, #tpu.memory_space<hbm>> -> memref<8x768xf32, #tpu.memory_space<hbm>>
        tpu.enqueue_dma source(%dma_start3A_267 : memref<8x768xf32, #tpu.memory_space<hbm>>) target(%dma_start3A_265 : memref<8x768xf32, #tpu.memory_space<vmem>>) target_semaphore(%arg8 : memref<!tpu.dma_semaphore, #tpu.memory_space<semaphore_mem>>)
        %dma_start3A_268 = arith.constant 0 : i32
        %dma_start3A_269 = arith.constant 0 : i32
        %dma_start3A_270 = arith.constant 0 : i32
        %dma_start3A_271 = arith.constant 0 : i32
        %dma_start3A_272 = tpu.memref_slice %arg5[%dma_start3A_268, %dma_start3A_269, %dma_start3A_270, %dma_start3A_271] : memref<2x4x8x768xf32, #tpu.memory_space<vmem>> -> memref<1x4x8x768xf32, #tpu.memory_space<vmem>>
        %dma_start3A_273 = tpu.memref_squeeze %dma_start3A_272 : memref<1x4x8x768xf32, #tpu.memory_space<vmem>> -> memref<4x8x768xf32, #tpu.memory_space<vmem>>
        %dma_start3A_274 = arith.constant 0 : i32
        %dma_start3A_275 = arith.constant 0 : i32
        %dma_start3A_276 = tpu.memref_slice %arg2[%dma_start3A_274, %add3A_254, %dma_start3A_275] : memref<4x8192x768xf32, #tpu.memory_space<hbm>> -> memref<4x8x768xf32, #tpu.memory_space<hbm>>
        %dma_start3A_277 = arith.constant 0 : i32
        %dma_start3A_278 = arith.constant 0 : i32
        %dma_start3A_279 = arith.constant 0 : i32
        %dma_start3A_280 = tpu.memref_slice %arg5[%dma_start3A_268, %dma_start3A_277, %dma_start3A_278, %dma_start3A_279] : memref<2x4x8x768xf32, #tpu.memory_space<vmem>> -> memref<1x4x8x768xf32, #tpu.memory_space<vmem>>
        %dma_start3A_281 = tpu.memref_squeeze %dma_start3A_280 : memref<1x4x8x768xf32, #tpu.memory_space<vmem>> -> memref<4x8x768xf32, #tpu.memory_space<vmem>>
        %dma_start3A_282 = arith.constant 0 : i32
        %dma_start3A_283 = arith.constant 0 : i32
        %dma_start3A_284 = tpu.memref_slice %arg2[%dma_start3A_282, %add3A_254, %dma_start3A_283] : memref<4x8192x768xf32, #tpu.memory_space<hbm>> -> memref<4x8x768xf32, #tpu.memory_space<hbm>>
        tpu.enqueue_dma source(%dma_start3A_284 : memref<4x8x768xf32, #tpu.memory_space<hbm>>) target(%dma_start3A_281 : memref<4x8x768xf32, #tpu.memory_space<vmem>>) target_semaphore(%arg8 : memref<!tpu.dma_semaphore, #tpu.memory_space<semaphore_mem>>)
      } else {
      }
      %mul3A_157 = arith.constant 8 : i32
      %mul3A_158 = arith.muli %add3A_112, %mul3A_157 : i32
      %add3A_159 = arith.addi %mul3A_2, %mul3A_158 : i32
      %dma_start3A_160 = arith.constant 0 : i32
      %dma_start3A_161 = arith.constant 0 : i32
      %dma_start3A_162 = arith.constant 0 : i32
      %dma_start3A_163 = arith.constant 0 : i32
      %dma_start3A_164 = tpu.memref_slice %arg7[%dma_start3A_160, %dma_start3A_161, %dma_start3A_162, %dma_start3A_163] : memref<2x4x8x768xf32, #tpu.memory_space<vmem>> -> memref<1x4x8x768xf32, #tpu.memory_space<vmem>>
      %dma_start3A_165 = tpu.memref_squeeze %dma_start3A_164 : memref<1x4x8x768xf32, #tpu.memory_space<vmem>> -> memref<4x8x768xf32, #tpu.memory_space<vmem>>
      %dma_start3A_166 = arith.constant 0 : i32
      %dma_start3A_167 = arith.constant 0 : i32
      %dma_start3A_168 = tpu.memref_slice %arg4[%dma_start3A_166, %add3A_159, %dma_start3A_167] : memref<4x8192x768xf32, #tpu.memory_space<hbm>> -> memref<4x8x768xf32, #tpu.memory_space<hbm>>
      %dma_start3A_169 = arith.constant 0 : i32
      %dma_start3A_170 = arith.constant 0 : i32
      %dma_start3A_171 = tpu.memref_slice %arg4[%dma_start3A_169, %add3A_159, %dma_start3A_170] : memref<4x8192x768xf32, #tpu.memory_space<hbm>> -> memref<4x8x768xf32, #tpu.memory_space<hbm>>
      %dma_start3A_172 = arith.constant 0 : i32
      %dma_start3A_173 = arith.constant 0 : i32
      %dma_start3A_174 = arith.constant 0 : i32
      %dma_start3A_175 = tpu.memref_slice %arg7[%dma_start3A_160, %dma_start3A_172, %dma_start3A_173, %dma_start3A_174] : memref<2x4x8x768xf32, #tpu.memory_space<vmem>> -> memref<1x4x8x768xf32, #tpu.memory_space<vmem>>
      %dma_start3A_176 = tpu.memref_squeeze %dma_start3A_175 : memref<1x4x8x768xf32, #tpu.memory_space<vmem>> -> memref<4x8x768xf32, #tpu.memory_space<vmem>>
      tpu.enqueue_dma source(%dma_start3A_176 : memref<4x8x768xf32, #tpu.memory_space<vmem>>) target(%dma_start3A_171 : memref<4x8x768xf32, #tpu.memory_space<hbm>>) target_semaphore(%arg10 : memref<!tpu.dma_semaphore, #tpu.memory_space<semaphore_mem>>)
      %mul3A_177 = arith.constant 2 : i32
      %mul3A_178 = arith.muli %scan3A_108, %mul3A_177 : i32
      %add3A_179 = arith.constant 1 : i32
      %add3A_180 = arith.addi %mul3A_178, %add3A_179 : i32
      %dma_wait3A_181 = arith.constant 1 : i32
      %dma_wait3A_182 = arith.constant 0 : i32
      %dma_wait3A_183 = arith.constant 0 : i32
      %dma_wait3A_184 = tpu.memref_slice %arg6[%dma_wait3A_181, %dma_wait3A_182, %dma_wait3A_183] : memref<2x8x768xf32, #tpu.memory_space<vmem>> -> memref<1x8x768xf32, #tpu.memory_space<vmem>>
      %dma_wait3A_185 = tpu.memref_squeeze %dma_wait3A_184 : memref<1x8x768xf32, #tpu.memory_space<vmem>> -> memref<8x768xf32, #tpu.memory_space<vmem>>
      %dma_wait3A_186 = arith.constant 0 : i32
      %dma_wait3A_187 = arith.constant 0 : i32
      %dma_wait3A_188 = tpu.memref_slice %arg3[%dma_wait3A_186, %dma_wait3A_187] : memref<8192x768xf32, #tpu.memory_space<hbm>> -> memref<8x768xf32, #tpu.memory_space<hbm>>
      %dma_wait3A_189 = arith.constant 0 : i32
      %dma_wait3A_190 = arith.constant 0 : i32
      %dma_wait3A_191 = tpu.memref_slice %arg6[%dma_wait3A_181, %dma_wait3A_189, %dma_wait3A_190] : memref<2x8x768xf32, #tpu.memory_space<vmem>> -> memref<1x8x768xf32, #tpu.memory_space<vmem>>
      %dma_wait3A_192 = tpu.memref_squeeze %dma_wait3A_191 : memref<1x8x768xf32, #tpu.memory_space<vmem>> -> memref<8x768xf32, #tpu.memory_space<vmem>>
      %dma_wait3A_193 = arith.constant 0 : i32
      %dma_wait3A_194 = arith.constant 0 : i32
      %dma_wait3A_195 = tpu.memref_slice %arg3[%dma_wait3A_193, %dma_wait3A_194] : memref<8192x768xf32, #tpu.memory_space<hbm>> -> memref<8x768xf32, #tpu.memory_space<hbm>>
      tpu.wait_dma2 semaphore(%arg9 : memref<!tpu.dma_semaphore, #tpu.memory_space<semaphore_mem>>) src(%dma_wait3A_195 : memref<8x768xf32, #tpu.memory_space<hbm>>) dst(%dma_wait3A_192 : memref<8x768xf32, #tpu.memory_space<vmem>>)
      %dma_wait3A_196 = arith.constant 1 : i32
      %dma_wait3A_197 = arith.constant 0 : i32
      %dma_wait3A_198 = arith.constant 0 : i32
      %dma_wait3A_199 = arith.constant 0 : i32
      %dma_wait3A_200 = tpu.memref_slice %arg5[%dma_wait3A_196, %dma_wait3A_197, %dma_wait3A_198, %dma_wait3A_199] : memref<2x4x8x768xf32, #tpu.memory_space<vmem>> -> memref<1x4x8x768xf32, #tpu.memory_space<vmem>>
      %dma_wait3A_201 = tpu.memref_squeeze %dma_wait3A_200 : memref<1x4x8x768xf32, #tpu.memory_space<vmem>> -> memref<4x8x768xf32, #tpu.memory_space<vmem>>
      %dma_wait3A_202 = arith.constant 0 : i32
      %dma_wait3A_203 = arith.constant 0 : i32
      %dma_wait3A_204 = arith.constant 0 : i32
      %dma_wait3A_205 = tpu.memref_slice %arg2[%dma_wait3A_202, %dma_wait3A_203, %dma_wait3A_204] : memref<4x8192x768xf32, #tpu.memory_space<hbm>> -> memref<4x8x768xf32, #tpu.memory_space<hbm>>
      %dma_wait3A_206 = arith.constant 0 : i32
      %dma_wait3A_207 = arith.constant 0 : i32
      %dma_wait3A_208 = arith.constant 0 : i32
      %dma_wait3A_209 = tpu.memref_slice %arg5[%dma_wait3A_196, %dma_wait3A_206, %dma_wait3A_207, %dma_wait3A_208] : memref<2x4x8x768xf32, #tpu.memory_space<vmem>> -> memref<1x4x8x768xf32, #tpu.memory_space<vmem>>
      %dma_wait3A_210 = tpu.memref_squeeze %dma_wait3A_209 : memref<1x4x8x768xf32, #tpu.memory_space<vmem>> -> memref<4x8x768xf32, #tpu.memory_space<vmem>>
      %dma_wait3A_211 = arith.constant 0 : i32
      %dma_wait3A_212 = arith.constant 0 : i32
      %dma_wait3A_213 = arith.constant 0 : i32
      %dma_wait3A_214 = tpu.memref_slice %arg2[%dma_wait3A_211, %dma_wait3A_212, %dma_wait3A_213] : memref<4x8192x768xf32, #tpu.memory_space<hbm>> -> memref<4x8x768xf32, #tpu.memory_space<hbm>>
      tpu.wait_dma2 semaphore(%arg9 : memref<!tpu.dma_semaphore, #tpu.memory_space<semaphore_mem>>) src(%dma_wait3A_214 : memref<4x8x768xf32, #tpu.memory_space<hbm>>) dst(%dma_wait3A_210 : memref<4x8x768xf32, #tpu.memory_space<vmem>>)
      %ge3A_215 = arith.constant 1 : i32
      %ge3A_216 = arith.cmpi sge, %scan3A_108, %ge3A_215 : i32
      %convert_element_type3A_217 = arith.extui %ge3A_216 : i1 to i32
      %cond3A_218 = arith.constant 0 : i32
      %cond3A_219 = arith.cmpi ne, %convert_element_type3A_217, %cond3A_218 : i32
      scf.if %cond3A_219 {
        %dma_wait3A_250 = arith.constant 1 : i32
        %dma_wait3A_251 = arith.constant 0 : i32
        %dma_wait3A_252 = arith.constant 0 : i32
        %dma_wait3A_253 = arith.constant 0 : i32
        %dma_wait3A_254 = tpu.memref_slice %arg7[%dma_wait3A_250, %dma_wait3A_251, %dma_wait3A_252, %dma_wait3A_253] : memref<2x4x8x768xf32, #tpu.memory_space<vmem>> -> memref<1x4x8x768xf32, #tpu.memory_space<vmem>>
        %dma_wait3A_255 = tpu.memref_squeeze %dma_wait3A_254 : memref<1x4x8x768xf32, #tpu.memory_space<vmem>> -> memref<4x8x768xf32, #tpu.memory_space<vmem>>
        %dma_wait3A_256 = arith.constant 0 : i32
        %dma_wait3A_257 = arith.constant 0 : i32
        %dma_wait3A_258 = arith.constant 0 : i32
        %dma_wait3A_259 = tpu.memref_slice %arg4[%dma_wait3A_256, %dma_wait3A_257, %dma_wait3A_258] : memref<4x8192x768xf32, #tpu.memory_space<hbm>> -> memref<4x8x768xf32, #tpu.memory_space<hbm>>
        %dma_wait3A_260 = arith.constant 0 : i32
        %dma_wait3A_261 = arith.constant 0 : i32
        %dma_wait3A_262 = arith.constant 0 : i32
        %dma_wait3A_263 = tpu.memref_slice %arg4[%dma_wait3A_260, %dma_wait3A_261, %dma_wait3A_262] : memref<4x8192x768xf32, #tpu.memory_space<hbm>> -> memref<4x8x768xf32, #tpu.memory_space<hbm>>
        %dma_wait3A_264 = arith.constant 0 : i32
        %dma_wait3A_265 = arith.constant 0 : i32
        %dma_wait3A_266 = arith.constant 0 : i32
        %dma_wait3A_267 = tpu.memref_slice %arg7[%dma_wait3A_250, %dma_wait3A_264, %dma_wait3A_265, %dma_wait3A_266] : memref<2x4x8x768xf32, #tpu.memory_space<vmem>> -> memref<1x4x8x768xf32, #tpu.memory_space<vmem>>
        %dma_wait3A_268 = tpu.memref_squeeze %dma_wait3A_267 : memref<1x4x8x768xf32, #tpu.memory_space<vmem>> -> memref<4x8x768xf32, #tpu.memory_space<vmem>>
        tpu.wait_dma2 semaphore(%arg11 : memref<!tpu.dma_semaphore, #tpu.memory_space<semaphore_mem>>) src(%dma_wait3A_268 : memref<4x8x768xf32, #tpu.memory_space<vmem>>) dst(%dma_wait3A_263 : memref<4x8x768xf32, #tpu.memory_space<hbm>>)
      } else {
      }
      %parallel_loop3A_220 = arith.constant 0 : i32
      %parallel_loop3A_221 = arith.constant 48 : i32
      %parallel_loop3A_222 = arith.constant 1 : i32
      scf.for %parallel_loop3A_250 = %parallel_loop3A_220 to %parallel_loop3A_221 step %parallel_loop3A_222  : i32 {
        %parallel_loop3A_251 = arith.constant 16 : i32
        %parallel_loop3A_252 = arith.muli %parallel_loop3A_250, %parallel_loop3A_251 : i32
        %parallel_loop3A_253 = arith.constant 1 : i32
        %parallel_loop3A_254 = arith.constant 0 : i32
        %parallel_loop3A_255 = arith.index_cast %parallel_loop3A_253 : i32 to index
        %parallel_loop3A_256 = arith.index_cast %parallel_loop3A_254 : i32 to index
        %parallel_loop3A_257 = arith.index_cast %parallel_loop3A_252 : i32 to index
        %parallel_loop3A_258 = tpu.vector_load %arg6[%parallel_loop3A_255, %parallel_loop3A_256, %parallel_loop3A_257] {strides = array<i32>} : memref<2x8x768xf32, #tpu.memory_space<vmem>>, vector<1x1x16xf32>,
        %parallel_loop3A_259 = vector.shape_cast %parallel_loop3A_258 : vector<1x1x16xf32> to vector<16xf32>
        %parallel_loop3A_260 = arith.constant 1 : i32
        %parallel_loop3A_261 = arith.constant 0 : i32
        %parallel_loop3A_262 = arith.constant 0 : i32
        %parallel_loop3A_263 = arith.index_cast %parallel_loop3A_260 : i32 to index
        %parallel_loop3A_264 = arith.index_cast %parallel_loop3A_261 : i32 to index
        %parallel_loop3A_265 = arith.index_cast %parallel_loop3A_262 : i32 to index
        %parallel_loop3A_266 = arith.index_cast %parallel_loop3A_252 : i32 to index
        %parallel_loop3A_267 = tpu.vector_load %arg5[%parallel_loop3A_263, %parallel_loop3A_264, %parallel_loop3A_265, %parallel_loop3A_266] {strides = array<i32>} : memref<2x4x8x768xf32, #tpu.memory_space<vmem>>, vector<1x1x1x16xf32>,
        %parallel_loop3A_268 = vector.shape_cast %parallel_loop3A_267 : vector<1x1x1x16xf32> to vector<16xf32>
        %parallel_loop3A_269 = arith.addf %parallel_loop3A_268, %parallel_loop3A_259 : vector<16xf32>
        %parallel_loop3A_270 = arith.constant 1 : i32
        %parallel_loop3A_271 = arith.constant 0 : i32
        %parallel_loop3A_272 = arith.constant 0 : i32
        %parallel_loop3A_273 = arith.index_cast %parallel_loop3A_270 : i32 to index
        %parallel_loop3A_274 = arith.index_cast %parallel_loop3A_271 : i32 to index
        %parallel_loop3A_275 = arith.index_cast %parallel_loop3A_272 : i32 to index
        %parallel_loop3A_276 = arith.index_cast %parallel_loop3A_252 : i32 to index
        %parallel_loop3A_277 = tpu.vector_load %arg7[%parallel_loop3A_273, %parallel_loop3A_274, %parallel_loop3A_275, %parallel_loop3A_276] {strides = array<i32>} : memref<2x4x8x768xf32, #tpu.memory_space<vmem>>, vector<1x1x1x16xf32>,
        %parallel_loop3A_278 = vector.shape_cast %parallel_loop3A_277 : vector<1x1x1x16xf32> to vector<16xf32>
        %parallel_loop3A_279 = vector.shape_cast %parallel_loop3A_269 : vector<16xf32> to vector<1x1x1x16xf32>
        tpu.vector_store %arg7[%parallel_loop3A_273, %parallel_loop3A_274, %parallel_loop3A_275, %parallel_loop3A_276], %parallel_loop3A_279 {strides = array<i32>} : memref<2x4x8x768xf32, #tpu.memory_space<vmem>>, vector<1x1x1x16xf32>,
        %parallel_loop3A_280 = arith.constant 1 : i32
        %parallel_loop3A_281 = arith.constant 1 : i32
        %parallel_loop3A_282 = arith.constant 0 : i32
        %parallel_loop3A_283 = arith.index_cast %parallel_loop3A_280 : i32 to index
        %parallel_loop3A_284 = arith.index_cast %parallel_loop3A_281 : i32 to index
        %parallel_loop3A_285 = arith.index_cast %parallel_loop3A_282 : i32 to index
        %parallel_loop3A_286 = arith.index_cast %parallel_loop3A_252 : i32 to index
        %parallel_loop3A_287 = tpu.vector_load %arg5[%parallel_loop3A_283, %parallel_loop3A_284, %parallel_loop3A_285, %parallel_loop3A_286] {strides = array<i32>} : memref<2x4x8x768xf32, #tpu.memory_space<vmem>>, vector<1x1x1x16xf32>,
        %parallel_loop3A_288 = vector.shape_cast %parallel_loop3A_287 : vector<1x1x1x16xf32> to vector<16xf32>
        %parallel_loop3A_289 = arith.addf %parallel_loop3A_288, %parallel_loop3A_259 : vector<16xf32>
        %parallel_loop3A_290 = arith.constant 1 : i32
        %parallel_loop3A_291 = arith.constant 1 : i32
        %parallel_loop3A_292 = arith.constant 0 : i32
        %parallel_loop3A_293 = arith.index_cast %parallel_loop3A_290 : i32 to index
        %parallel_loop3A_294 = arith.index_cast %parallel_loop3A_291 : i32 to index
        %parallel_loop3A_295 = arith.index_cast %parallel_loop3A_292 : i32 to index
        %parallel_loop3A_296 = arith.index_cast %parallel_loop3A_252 : i32 to index
        %parallel_loop3A_297 = tpu.vector_load %arg7[%parallel_loop3A_293, %parallel_loop3A_294, %parallel_loop3A_295, %parallel_loop3A_296] {strides = array<i32>} : memref<2x4x8x768xf32, #tpu.memory_space<vmem>>, vector<1x1x1x16xf32>,
        %parallel_loop3A_298 = vector.shape_cast %parallel_loop3A_297 : vector<1x1x1x16xf32> to vector<16xf32>
        %parallel_loop3A_299 = vector.shape_cast %parallel_loop3A_289 : vector<16xf32> to vector<1x1x1x16xf32>
        tpu.vector_store %arg7[%parallel_loop3A_293, %parallel_loop3A_294, %parallel_loop3A_295, %parallel_loop3A_296], %parallel_loop3A_299 {strides = array<i32>} : memref<2x4x8x768xf32, #tpu.memory_space<vmem>>, vector<1x1x1x16xf32>,
        %parallel_loop3A_300 = arith.constant 1 : i32
        %parallel_loop3A_301 = arith.constant 2 : i32
        %parallel_loop3A_302 = arith.constant 0 : i32
        %parallel_loop3A_303 = arith.index_cast %parallel_loop3A_300 : i32 to index
        %parallel_loop3A_304 = arith.index_cast %parallel_loop3A_301 : i32 to index
        %parallel_loop3A_305 = arith.index_cast %parallel_loop3A_302 : i32 to index
        %parallel_loop3A_306 = arith.index_cast %parallel_loop3A_252 : i32 to index
        %parallel_loop3A_307 = tpu.vector_load %arg5[%parallel_loop3A_303, %parallel_loop3A_304, %parallel_loop3A_305, %parallel_loop3A_306] {strides = array<i32>} : memref<2x4x8x768xf32, #tpu.memory_space<vmem>>, vector<1x1x1x16xf32>,
        %parallel_loop3A_308 = vector.shape_cast %parallel_loop3A_307 : vector<1x1x1x16xf32> to vector<16xf32>
        %parallel_loop3A_309 = arith.addf %parallel_loop3A_308, %parallel_loop3A_259 : vector<16xf32>
        %parallel_loop3A_310 = arith.constant 1 : i32
        %parallel_loop3A_311 = arith.constant 2 : i32
        %parallel_loop3A_312 = arith.constant 0 : i32
        %parallel_loop3A_313 = arith.index_cast %parallel_loop3A_310 : i32 to index
        %parallel_loop3A_314 = arith.index_cast %parallel_loop3A_311 : i32 to index
        %parallel_loop3A_315 = arith.index_cast %parallel_loop3A_312 : i32 to index
        %parallel_loop3A_316 = arith.index_cast %parallel_loop3A_252 : i32 to index
        %parallel_loop3A_317 = tpu.vector_load %arg7[%parallel_loop3A_313, %parallel_loop3A_314, %parallel_loop3A_315, %parallel_loop3A_316] {strides = array<i32>} : memref<2x4x8x768xf32, #tpu.memory_space<vmem>>, vector<1x1x1x16xf32>,
        %parallel_loop3A_318 = vector.shape_cast %parallel_loop3A_317 : vector<1x1x1x16xf32> to vector<16xf32>
        %parallel_loop3A_319 = vector.shape_cast %parallel_loop3A_309 : vector<16xf32> to vector<1x1x1x16xf32>
        tpu.vector_store %arg7[%parallel_loop3A_313, %parallel_loop3A_314, %parallel_loop3A_315, %parallel_loop3A_316], %parallel_loop3A_319 {strides = array<i32>} : memref<2x4x8x768xf32, #tpu.memory_space<vmem>>, vector<1x1x1x16xf32>,
        %parallel_loop3A_320 = arith.constant 1 : i32
        %parallel_loop3A_321 = arith.constant 3 : i32
        %parallel_loop3A_322 = arith.constant 0 : i32
        %parallel_loop3A_323 = arith.index_cast %parallel_loop3A_320 : i32 to index
        %parallel_loop3A_324 = arith.index_cast %parallel_loop3A_321 : i32 to index
        %parallel_loop3A_325 = arith.index_cast %parallel_loop3A_322 : i32 to index
        %parallel_loop3A_326 = arith.index_cast %parallel_loop3A_252 : i32 to index
        %parallel_loop3A_327 = tpu.vector_load %arg5[%parallel_loop3A_323, %parallel_loop3A_324, %parallel_loop3A_325, %parallel_loop3A_326] {strides = array<i32>} : memref<2x4x8x768xf32, #tpu.memory_space<vmem>>, vector<1x1x1x16xf32>,
        %parallel_loop3A_328 = vector.shape_cast %parallel_loop3A_327 : vector<1x1x1x16xf32> to vector<16xf32>
        %parallel_loop3A_329 = arith.addf %parallel_loop3A_328, %parallel_loop3A_259 : vector<16xf32>
        %parallel_loop3A_330 = arith.constant 1 : i32
        %parallel_loop3A_331 = arith.constant 3 : i32
        %parallel_loop3A_332 = arith.constant 0 : i32
        %parallel_loop3A_333 = arith.index_cast %parallel_loop3A_330 : i32 to index
        %parallel_loop3A_334 = arith.index_cast %parallel_loop3A_331 : i32 to index
        %parallel_loop3A_335 = arith.index_cast %parallel_loop3A_332 : i32 to index
        %parallel_loop3A_336 = arith.index_cast %parallel_loop3A_252 : i32 to index
        %parallel_loop3A_337 = tpu.vector_load %arg7[%parallel_loop3A_333, %parallel_loop3A_334, %parallel_loop3A_335, %parallel_loop3A_336] {strides = array<i32>} : memref<2x4x8x768xf32, #tpu.memory_space<vmem>>, vector<1x1x1x16xf32>,
        %parallel_loop3A_338 = vector.shape_cast %parallel_loop3A_337 : vector<1x1x1x16xf32> to vector<16xf32>
        %parallel_loop3A_339 = vector.shape_cast %parallel_loop3A_329 : vector<16xf32> to vector<1x1x1x16xf32>
        tpu.vector_store %arg7[%parallel_loop3A_333, %parallel_loop3A_334, %parallel_loop3A_335, %parallel_loop3A_336], %parallel_loop3A_339 {strides = array<i32>} : memref<2x4x8x768xf32, #tpu.memory_space<vmem>>, vector<1x1x1x16xf32>,
        %parallel_loop3A_340 = arith.constant 1 : i32
        %parallel_loop3A_341 = arith.constant 1 : i32
        %parallel_loop3A_342 = arith.index_cast %parallel_loop3A_340 : i32 to index
        %parallel_loop3A_343 = arith.index_cast %parallel_loop3A_341 : i32 to index
        %parallel_loop3A_344 = arith.index_cast %parallel_loop3A_252 : i32 to index
        %parallel_loop3A_345 = tpu.vector_load %arg6[%parallel_loop3A_342, %parallel_loop3A_343, %parallel_loop3A_344] {strides = array<i32>} : memref<2x8x768xf32, #tpu.memory_space<vmem>>, vector<1x1x16xf32>,
        %parallel_loop3A_346 = vector.shape_cast %parallel_loop3A_345 : vector<1x1x16xf32> to vector<16xf32>
        %parallel_loop3A_347 = arith.constant 1 : i32
        %parallel_loop3A_348 = arith.constant 0 : i32
        %parallel_loop3A_349 = arith.constant 1 : i32
        %parallel_loop3A_350 = arith.index_cast %parallel_loop3A_347 : i32 to index
        %parallel_loop3A_351 = arith.index_cast %parallel_loop3A_348 : i32 to index
        %parallel_loop3A_352 = arith.index_cast %parallel_loop3A_349 : i32 to index
        %parallel_loop3A_353 = arith.index_cast %parallel_loop3A_252 : i32 to index
        %parallel_loop3A_354 = tpu.vector_load %arg5[%parallel_loop3A_350, %parallel_loop3A_351, %parallel_loop3A_352, %parallel_loop3A_353] {strides = array<i32>} : memref<2x4x8x768xf32, #tpu.memory_space<vmem>>, vector<1x1x1x16xf32>,
        %parallel_loop3A_355 = vector.shape_cast %parallel_loop3A_354 : vector<1x1x1x16xf32> to vector<16xf32>
        %parallel_loop3A_356 = arith.addf %parallel_loop3A_355, %parallel_loop3A_346 : vector<16xf32>
        %parallel_loop3A_357 = arith.constant 1 : i32
        %parallel_loop3A_358 = arith.constant 0 : i32
        %parallel_loop3A_359 = arith.constant 1 : i32
        %parallel_loop3A_360 = arith.index_cast %parallel_loop3A_357 : i32 to index
        %parallel_loop3A_361 = arith.index_cast %parallel_loop3A_358 : i32 to index
        %parallel_loop3A_362 = arith.index_cast %parallel_loop3A_359 : i32 to index
        %parallel_loop3A_363 = arith.index_cast %parallel_loop3A_252 : i32 to index
        %parallel_loop3A_364 = tpu.vector_load %arg7[%parallel_loop3A_360, %parallel_loop3A_361, %parallel_loop3A_362, %parallel_loop3A_363] {strides = array<i32>} : memref<2x4x8x768xf32, #tpu.memory_space<vmem>>, vector<1x1x1x16xf32>,
        %parallel_loop3A_365 = vector.shape_cast %parallel_loop3A_364 : vector<1x1x1x16xf32> to vector<16xf32>
        %parallel_loop3A_366 = vector.shape_cast %parallel_loop3A_356 : vector<16xf32> to vector<1x1x1x16xf32>
        tpu.vector_store %arg7[%parallel_loop3A_360, %parallel_loop3A_361, %parallel_loop3A_362, %parallel_loop3A_363], %parallel_loop3A_366 {strides = array<i32>} : memref<2x4x8x768xf32, #tpu.memory_space<vmem>>, vector<1x1x1x16xf32>,
        %parallel_loop3A_367 = arith.constant 1 : i32
        %parallel_loop3A_368 = arith.constant 1 : i32
        %parallel_loop3A_369 = arith.constant 1 : i32
        %parallel_loop3A_370 = arith.index_cast %parallel_loop3A_367 : i32 to index
        %parallel_loop3A_371 = arith.index_cast %parallel_loop3A_368 : i32 to index
        %parallel_loop3A_372 = arith.index_cast %parallel_loop3A_369 : i32 to index
        %parallel_loop3A_373 = arith.index_cast %parallel_loop3A_252 : i32 to index
        %parallel_loop3A_374 = tpu.vector_load %arg5[%parallel_loop3A_370, %parallel_loop3A_371, %parallel_loop3A_372, %parallel_loop3A_373] {strides = array<i32>} : memref<2x4x8x768xf32, #tpu.memory_space<vmem>>, vector<1x1x1x16xf32>,
        %parallel_loop3A_375 = vector.shape_cast %parallel_loop3A_374 : vector<1x1x1x16xf32> to vector<16xf32>
        %parallel_loop3A_376 = arith.addf %parallel_loop3A_375, %parallel_loop3A_346 : vector<16xf32>
        %parallel_loop3A_377 = arith.constant 1 : i32
        %parallel_loop3A_378 = arith.constant 1 : i32
        %parallel_loop3A_379 = arith.constant 1 : i32
        %parallel_loop3A_380 = arith.index_cast %parallel_loop3A_377 : i32 to index
        %parallel_loop3A_381 = arith.index_cast %parallel_loop3A_378 : i32 to index
        %parallel_loop3A_382 = arith.index_cast %parallel_loop3A_379 : i32 to index
        %parallel_loop3A_383 = arith.index_cast %parallel_loop3A_252 : i32 to index
        %parallel_loop3A_384 = tpu.vector_load %arg7[%parallel_loop3A_380, %parallel_loop3A_381, %parallel_loop3A_382, %parallel_loop3A_383] {strides = array<i32>} : memref<2x4x8x768xf32, #tpu.memory_space<vmem>>, vector<1x1x1x16xf32>,
        %parallel_loop3A_385 = vector.shape_cast %parallel_loop3A_384 : vector<1x1x1x16xf32> to vector<16xf32>
        %parallel_loop3A_386 = vector.shape_cast %parallel_loop3A_376 : vector<16xf32> to vector<1x1x1x16xf32>
        tpu.vector_store %arg7[%parallel_loop3A_380, %parallel_loop3A_381, %parallel_loop3A_382, %parallel_loop3A_383], %parallel_loop3A_386 {strides = array<i32>} : memref<2x4x8x768xf32, #tpu.memory_space<vmem>>, vector<1x1x1x16xf32>,
        %parallel_loop3A_387 = arith.constant 1 : i32
        %parallel_loop3A_388 = arith.constant 2 : i32
        %parallel_loop3A_389 = arith.constant 1 : i32
        %parallel_loop3A_390 = arith.index_cast %parallel_loop3A_387 : i32 to index
        %parallel_loop3A_391 = arith.index_cast %parallel_loop3A_388 : i32 to index
        %parallel_loop3A_392 = arith.index_cast %parallel_loop3A_389 : i32 to index
        %parallel_loop3A_393 = arith.index_cast %parallel_loop3A_252 : i32 to index
        %parallel_loop3A_394 = tpu.vector_load %arg5[%parallel_loop3A_390, %parallel_loop3A_391, %parallel_loop3A_392, %parallel_loop3A_393] {strides = array<i32>} : memref<2x4x8x768xf32, #tpu.memory_space<vmem>>, vector<1x1x1x16xf32>,
        %parallel_loop3A_395 = vector.shape_cast %parallel_loop3A_394 : vector<1x1x1x16xf32> to vector<16xf32>
        %parallel_loop3A_396 = arith.addf %parallel_loop3A_395, %parallel_loop3A_346 : vector<16xf32>
        %parallel_loop3A_397 = arith.constant 1 : i32
        %parallel_loop3A_398 = arith.constant 2 : i32
        %parallel_loop3A_399 = arith.constant 1 : i32
        %parallel_loop3A_400 = arith.index_cast %parallel_loop3A_397 : i32 to index
        %parallel_loop3A_401 = arith.index_cast %parallel_loop3A_398 : i32 to index
        %parallel_loop3A_402 = arith.index_cast %parallel_loop3A_399 : i32 to index
        %parallel_loop3A_403 = arith.index_cast %parallel_loop3A_252 : i32 to index
        %parallel_loop3A_404 = tpu.vector_load %arg7[%parallel_loop3A_400, %parallel_loop3A_401, %parallel_loop3A_402, %parallel_loop3A_403] {strides = array<i32>} : memref<2x4x8x768xf32, #tpu.memory_space<vmem>>, vector<1x1x1x16xf32>,
        %parallel_loop3A_405 = vector.shape_cast %parallel_loop3A_404 : vector<1x1x1x16xf32> to vector<16xf32>
        %parallel_loop3A_406 = vector.shape_cast %parallel_loop3A_396 : vector<16xf32> to vector<1x1x1x16xf32>
        tpu.vector_store %arg7[%parallel_loop3A_400, %parallel_loop3A_401, %parallel_loop3A_402, %parallel_loop3A_403], %parallel_loop3A_406 {strides = array<i32>} : memref<2x4x8x768xf32, #tpu.memory_space<vmem>>, vector<1x1x1x16xf32>,
        %parallel_loop3A_407 = arith.constant 1 : i32
        %parallel_loop3A_408 = arith.constant 3 : i32
        %parallel_loop3A_409 = arith.constant 1 : i32
        %parallel_loop3A_410 = arith.index_cast %parallel_loop3A_407 : i32 to index
        %parallel_loop3A_411 = arith.index_cast %parallel_loop3A_408 : i32 to index
        %parallel_loop3A_412 = arith.index_cast %parallel_loop3A_409 : i32 to index
        %parallel_loop3A_413 = arith.index_cast %parallel_loop3A_252 : i32 to index
        %parallel_loop3A_414 = tpu.vector_load %arg5[%parallel_loop3A_410, %parallel_loop3A_411, %parallel_loop3A_412, %parallel_loop3A_413] {strides = array<i32>} : memref<2x4x8x768xf32, #tpu.memory_space<vmem>>, vector<1x1x1x16xf32>,
        %parallel_loop3A_415 = vector.shape_cast %parallel_loop3A_414 : vector<1x1x1x16xf32> to vector<16xf32>
        %parallel_loop3A_416 = arith.addf %parallel_loop3A_415, %parallel_loop3A_346 : vector<16xf32>
        %parallel_loop3A_417 = arith.constant 1 : i32
        %parallel_loop3A_418 = arith.constant 3 : i32
        %parallel_loop3A_419 = arith.constant 1 : i32
        %parallel_loop3A_420 = arith.index_cast %parallel_loop3A_417 : i32 to index
        %parallel_loop3A_421 = arith.index_cast %parallel_loop3A_418 : i32 to index
        %parallel_loop3A_422 = arith.index_cast %parallel_loop3A_419 : i32 to index
        %parallel_loop3A_423 = arith.index_cast %parallel_loop3A_252 : i32 to index
        %parallel_loop3A_424 = tpu.vector_load %arg7[%parallel_loop3A_420, %parallel_loop3A_421, %parallel_loop3A_422, %parallel_loop3A_423] {strides = array<i32>} : memref<2x4x8x768xf32, #tpu.memory_space<vmem>>, vector<1x1x1x16xf32>,
        %parallel_loop3A_425 = vector.shape_cast %parallel_loop3A_424 : vector<1x1x1x16xf32> to vector<16xf32>
        %parallel_loop3A_426 = vector.shape_cast %parallel_loop3A_416 : vector<16xf32> to vector<1x1x1x16xf32>
        tpu.vector_store %arg7[%parallel_loop3A_420, %parallel_loop3A_421, %parallel_loop3A_422, %parallel_loop3A_423], %parallel_loop3A_426 {strides = array<i32>} : memref<2x4x8x768xf32, #tpu.memory_space<vmem>>, vector<1x1x1x16xf32>,
        %parallel_loop3A_427 = arith.constant 1 : i32
        %parallel_loop3A_428 = arith.constant 2 : i32
        %parallel_loop3A_429 = arith.index_cast %parallel_loop3A_427 : i32 to index
        %parallel_loop3A_430 = arith.index_cast %parallel_loop3A_428 : i32 to index
        %parallel_loop3A_431 = arith.index_cast %parallel_loop3A_252 : i32 to index
        %parallel_loop3A_432 = tpu.vector_load %arg6[%parallel_loop3A_429, %parallel_loop3A_430, %parallel_loop3A_431] {strides = array<i32>} : memref<2x8x768xf32, #tpu.memory_space<vmem>>, vector<1x1x16xf32>,
        %parallel_loop3A_433 = vector.shape_cast %parallel_loop3A_432 : vector<1x1x16xf32> to vector<16xf32>
        %parallel_loop3A_434 = arith.constant 1 : i32
        %parallel_loop3A_435 = arith.constant 0 : i32
        %parallel_loop3A_436 = arith.constant 2 : i32
        %parallel_loop3A_437 = arith.index_cast %parallel_loop3A_434 : i32 to index
        %parallel_loop3A_438 = arith.index_cast %parallel_loop3A_435 : i32 to index
        %parallel_loop3A_439 = arith.index_cast %parallel_loop3A_436 : i32 to index
        %parallel_loop3A_440 = arith.index_cast %parallel_loop3A_252 : i32 to index
        %parallel_loop3A_441 = tpu.vector_load %arg5[%parallel_loop3A_437, %parallel_loop3A_438, %parallel_loop3A_439, %parallel_loop3A_440] {strides = array<i32>} : memref<2x4x8x768xf32, #tpu.memory_space<vmem>>, vector<1x1x1x16xf32>,
        %parallel_loop3A_442 = vector.shape_cast %parallel_loop3A_441 : vector<1x1x1x16xf32> to vector<16xf32>
        %parallel_loop3A_443 = arith.addf %parallel_loop3A_442, %parallel_loop3A_433 : vector<16xf32>
        %parallel_loop3A_444 = arith.constant 1 : i32
        %parallel_loop3A_445 = arith.constant 0 : i32
        %parallel_loop3A_446 = arith.constant 2 : i32
        %parallel_loop3A_447 = arith.index_cast %parallel_loop3A_444 : i32 to index
        %parallel_loop3A_448 = arith.index_cast %parallel_loop3A_445 : i32 to index
        %parallel_loop3A_449 = arith.index_cast %parallel_loop3A_446 : i32 to index
        %parallel_loop3A_450 = arith.index_cast %parallel_loop3A_252 : i32 to index
        %parallel_loop3A_451 = tpu.vector_load %arg7[%parallel_loop3A_447, %parallel_loop3A_448, %parallel_loop3A_449, %parallel_loop3A_450] {strides = array<i32>} : memref<2x4x8x768xf32, #tpu.memory_space<vmem>>, vector<1x1x1x16xf32>,
        %parallel_loop3A_452 = vector.shape_cast %parallel_loop3A_451 : vector<1x1x1x16xf32> to vector<16xf32>
        %parallel_loop3A_453 = vector.shape_cast %parallel_loop3A_443 : vector<16xf32> to vector<1x1x1x16xf32>
        tpu.vector_store %arg7[%parallel_loop3A_447, %parallel_loop3A_448, %parallel_loop3A_449, %parallel_loop3A_450], %parallel_loop3A_453 {strides = array<i32>} : memref<2x4x8x768xf32, #tpu.memory_space<vmem>>, vector<1x1x1x16xf32>,
        %parallel_loop3A_454 = arith.constant 1 : i32
        %parallel_loop3A_455 = arith.constant 1 : i32
        %parallel_loop3A_456 = arith.constant 2 : i32
        %parallel_loop3A_457 = arith.index_cast %parallel_loop3A_454 : i32 to index
        %parallel_loop3A_458 = arith.index_cast %parallel_loop3A_455 : i32 to index
        %parallel_loop3A_459 = arith.index_cast %parallel_loop3A_456 : i32 to index
        %parallel_loop3A_460 = arith.index_cast %parallel_loop3A_252 : i32 to index
        %parallel_loop3A_461 = tpu.vector_load %arg5[%parallel_loop3A_457, %parallel_loop3A_458, %parallel_loop3A_459, %parallel_loop3A_460] {strides = array<i32>} : memref<2x4x8x768xf32, #tpu.memory_space<vmem>>, vector<1x1x1x16xf32>,
        %parallel_loop3A_462 = vector.shape_cast %parallel_loop3A_461 : vector<1x1x1x16xf32> to vector<16xf32>
        %parallel_loop3A_463 = arith.addf %parallel_loop3A_462, %parallel_loop3A_433 : vector<16xf32>
        %parallel_loop3A_464 = arith.constant 1 : i32
        %parallel_loop3A_465 = arith.constant 1 : i32
        %parallel_loop3A_466 = arith.constant 2 : i32
        %parallel_loop3A_467 = arith.index_cast %parallel_loop3A_464 : i32 to index
        %parallel_loop3A_468 = arith.index_cast %parallel_loop3A_465 : i32 to index
        %parallel_loop3A_469 = arith.index_cast %parallel_loop3A_466 : i32 to index
        %parallel_loop3A_470 = arith.index_cast %parallel_loop3A_252 : i32 to index
        %parallel_loop3A_471 = tpu.vector_load %arg7[%parallel_loop3A_467, %parallel_loop3A_468, %parallel_loop3A_469, %parallel_loop3A_470] {strides = array<i32>} : memref<2x4x8x768xf32, #tpu.memory_space<vmem>>, vector<1x1x1x16xf32>,
        %parallel_loop3A_472 = vector.shape_cast %parallel_loop3A_471 : vector<1x1x1x16xf32> to vector<16xf32>
        %parallel_loop3A_473 = vector.shape_cast %parallel_loop3A_463 : vector<16xf32> to vector<1x1x1x16xf32>
        tpu.vector_store %arg7[%parallel_loop3A_467, %parallel_loop3A_468, %parallel_loop3A_469, %parallel_loop3A_470], %parallel_loop3A_473 {strides = array<i32>} : memref<2x4x8x768xf32, #tpu.memory_space<vmem>>, vector<1x1x1x16xf32>,
        %parallel_loop3A_474 = arith.constant 1 : i32
        %parallel_loop3A_475 = arith.constant 2 : i32
        %parallel_loop3A_476 = arith.constant 2 : i32
        %parallel_loop3A_477 = arith.index_cast %parallel_loop3A_474 : i32 to index
        %parallel_loop3A_478 = arith.index_cast %parallel_loop3A_475 : i32 to index
        %parallel_loop3A_479 = arith.index_cast %parallel_loop3A_476 : i32 to index
        %parallel_loop3A_480 = arith.index_cast %parallel_loop3A_252 : i32 to index
        %parallel_loop3A_481 = tpu.vector_load %arg5[%parallel_loop3A_477, %parallel_loop3A_478, %parallel_loop3A_479, %parallel_loop3A_480] {strides = array<i32>} : memref<2x4x8x768xf32, #tpu.memory_space<vmem>>, vector<1x1x1x16xf32>,
        %parallel_loop3A_482 = vector.shape_cast %parallel_loop3A_481 : vector<1x1x1x16xf32> to vector<16xf32>
        %parallel_loop3A_483 = arith.addf %parallel_loop3A_482, %parallel_loop3A_433 : vector<16xf32>
        %parallel_loop3A_484 = arith.constant 1 : i32
        %parallel_loop3A_485 = arith.constant 2 : i32
        %parallel_loop3A_486 = arith.constant 2 : i32
        %parallel_loop3A_487 = arith.index_cast %parallel_loop3A_484 : i32 to index
        %parallel_loop3A_488 = arith.index_cast %parallel_loop3A_485 : i32 to index
        %parallel_loop3A_489 = arith.index_cast %parallel_loop3A_486 : i32 to index
        %parallel_loop3A_490 = arith.index_cast %parallel_loop3A_252 : i32 to index
        %parallel_loop3A_491 = tpu.vector_load %arg7[%parallel_loop3A_487, %parallel_loop3A_488, %parallel_loop3A_489, %parallel_loop3A_490] {strides = array<i32>} : memref<2x4x8x768xf32, #tpu.memory_space<vmem>>, vector<1x1x1x16xf32>,
        %parallel_loop3A_492 = vector.shape_cast %parallel_loop3A_491 : vector<1x1x1x16xf32> to vector<16xf32>
        %parallel_loop3A_493 = vector.shape_cast %parallel_loop3A_483 : vector<16xf32> to vector<1x1x1x16xf32>
        tpu.vector_store %arg7[%parallel_loop3A_487, %parallel_loop3A_488, %parallel_loop3A_489, %parallel_loop3A_490], %parallel_loop3A_493 {strides = array<i32>} : memref<2x4x8x768xf32, #tpu.memory_space<vmem>>, vector<1x1x1x16xf32>,
        %parallel_loop3A_494 = arith.constant 1 : i32
        %parallel_loop3A_495 = arith.constant 3 : i32
        %parallel_loop3A_496 = arith.constant 2 : i32
        %parallel_loop3A_497 = arith.index_cast %parallel_loop3A_494 : i32 to index
        %parallel_loop3A_498 = arith.index_cast %parallel_loop3A_495 : i32 to index
        %parallel_loop3A_499 = arith.index_cast %parallel_loop3A_496 : i32 to index
        %parallel_loop3A_500 = arith.index_cast %parallel_loop3A_252 : i32 to index
        %parallel_loop3A_501 = tpu.vector_load %arg5[%parallel_loop3A_497, %parallel_loop3A_498, %parallel_loop3A_499, %parallel_loop3A_500] {strides = array<i32>} : memref<2x4x8x768xf32, #tpu.memory_space<vmem>>, vector<1x1x1x16xf32>,
        %parallel_loop3A_502 = vector.shape_cast %parallel_loop3A_501 : vector<1x1x1x16xf32> to vector<16xf32>
        %parallel_loop3A_503 = arith.addf %parallel_loop3A_502, %parallel_loop3A_433 : vector<16xf32>
        %parallel_loop3A_504 = arith.constant 1 : i32
        %parallel_loop3A_505 = arith.constant 3 : i32
        %parallel_loop3A_506 = arith.constant 2 : i32
        %parallel_loop3A_507 = arith.index_cast %parallel_loop3A_504 : i32 to index
        %parallel_loop3A_508 = arith.index_cast %parallel_loop3A_505 : i32 to index
        %parallel_loop3A_509 = arith.index_cast %parallel_loop3A_506 : i32 to index
        %parallel_loop3A_510 = arith.index_cast %parallel_loop3A_252 : i32 to index
        %parallel_loop3A_511 = tpu.vector_load %arg7[%parallel_loop3A_507, %parallel_loop3A_508, %parallel_loop3A_509, %parallel_loop3A_510] {strides = array<i32>} : memref<2x4x8x768xf32, #tpu.memory_space<vmem>>, vector<1x1x1x16xf32>,
        %parallel_loop3A_512 = vector.shape_cast %parallel_loop3A_511 : vector<1x1x1x16xf32> to vector<16xf32>
        %parallel_loop3A_513 = vector.shape_cast %parallel_loop3A_503 : vector<16xf32> to vector<1x1x1x16xf32>
        tpu.vector_store %arg7[%parallel_loop3A_507, %parallel_loop3A_508, %parallel_loop3A_509, %parallel_loop3A_510], %parallel_loop3A_513 {strides = array<i32>} : memref<2x4x8x768xf32, #tpu.memory_space<vmem>>, vector<1x1x1x16xf32>,
        %parallel_loop3A_514 = arith.constant 1 : i32
        %parallel_loop3A_515 = arith.constant 3 : i32
        %parallel_loop3A_516 = arith.index_cast %parallel_loop3A_514 : i32 to index
        %parallel_loop3A_517 = arith.index_cast %parallel_loop3A_515 : i32 to index
        %parallel_loop3A_518 = arith.index_cast %parallel_loop3A_252 : i32 to index
        %parallel_loop3A_519 = tpu.vector_load %arg6[%parallel_loop3A_516, %parallel_loop3A_517, %parallel_loop3A_518] {strides = array<i32>} : memref<2x8x768xf32, #tpu.memory_space<vmem>>, vector<1x1x16xf32>,
        %parallel_loop3A_520 = vector.shape_cast %parallel_loop3A_519 : vector<1x1x16xf32> to vector<16xf32>
        %parallel_loop3A_521 = arith.constant 1 : i32
        %parallel_loop3A_522 = arith.constant 0 : i32
        %parallel_loop3A_523 = arith.constant 3 : i32
        %parallel_loop3A_524 = arith.index_cast %parallel_loop3A_521 : i32 to index
        %parallel_loop3A_525 = arith.index_cast %parallel_loop3A_522 : i32 to index
        %parallel_loop3A_526 = arith.index_cast %parallel_loop3A_523 : i32 to index
        %parallel_loop3A_527 = arith.index_cast %parallel_loop3A_252 : i32 to index
        %parallel_loop3A_528 = tpu.vector_load %arg5[%parallel_loop3A_524, %parallel_loop3A_525, %parallel_loop3A_526, %parallel_loop3A_527] {strides = array<i32>} : memref<2x4x8x768xf32, #tpu.memory_space<vmem>>, vector<1x1x1x16xf32>,
        %parallel_loop3A_529 = vector.shape_cast %parallel_loop3A_528 : vector<1x1x1x16xf32> to vector<16xf32>
        %parallel_loop3A_530 = arith.addf %parallel_loop3A_529, %parallel_loop3A_520 : vector<16xf32>
        %parallel_loop3A_531 = arith.constant 1 : i32
        %parallel_loop3A_532 = arith.constant 0 : i32
        %parallel_loop3A_533 = arith.constant 3 : i32
        %parallel_loop3A_534 = arith.index_cast %parallel_loop3A_531 : i32 to index
        %parallel_loop3A_535 = arith.index_cast %parallel_loop3A_532 : i32 to index
        %parallel_loop3A_536 = arith.index_cast %parallel_loop3A_533 : i32 to index
        %parallel_loop3A_537 = arith.index_cast %parallel_loop3A_252 : i32 to index
        %parallel_loop3A_538 = tpu.vector_load %arg7[%parallel_loop3A_534, %parallel_loop3A_535, %parallel_loop3A_536, %parallel_loop3A_537] {strides = array<i32>} : memref<2x4x8x768xf32, #tpu.memory_space<vmem>>, vector<1x1x1x16xf32>,
        %parallel_loop3A_539 = vector.shape_cast %parallel_loop3A_538 : vector<1x1x1x16xf32> to vector<16xf32>
        %parallel_loop3A_540 = vector.shape_cast %parallel_loop3A_530 : vector<16xf32> to vector<1x1x1x16xf32>
        tpu.vector_store %arg7[%parallel_loop3A_534, %parallel_loop3A_535, %parallel_loop3A_536, %parallel_loop3A_537], %parallel_loop3A_540 {strides = array<i32>} : memref<2x4x8x768xf32, #tpu.memory_space<vmem>>, vector<1x1x1x16xf32>,
        %parallel_loop3A_541 = arith.constant 1 : i32
        %parallel_loop3A_542 = arith.constant 1 : i32
        %parallel_loop3A_543 = arith.constant 3 : i32
        %parallel_loop3A_544 = arith.index_cast %parallel_loop3A_541 : i32 to index
        %parallel_loop3A_545 = arith.index_cast %parallel_loop3A_542 : i32 to index
        %parallel_loop3A_546 = arith.index_cast %parallel_loop3A_543 : i32 to index
        %parallel_loop3A_547 = arith.index_cast %parallel_loop3A_252 : i32 to index
        %parallel_loop3A_548 = tpu.vector_load %arg5[%parallel_loop3A_544, %parallel_loop3A_545, %parallel_loop3A_546, %parallel_loop3A_547] {strides = array<i32>} : memref<2x4x8x768xf32, #tpu.memory_space<vmem>>, vector<1x1x1x16xf32>,
        %parallel_loop3A_549 = vector.shape_cast %parallel_loop3A_548 : vector<1x1x1x16xf32> to vector<16xf32>
        %parallel_loop3A_550 = arith.addf %parallel_loop3A_549, %parallel_loop3A_520 : vector<16xf32>
        %parallel_loop3A_551 = arith.constant 1 : i32
        %parallel_loop3A_552 = arith.constant 1 : i32
        %parallel_loop3A_553 = arith.constant 3 : i32
        %parallel_loop3A_554 = arith.index_cast %parallel_loop3A_551 : i32 to index
        %parallel_loop3A_555 = arith.index_cast %parallel_loop3A_552 : i32 to index
        %parallel_loop3A_556 = arith.index_cast %parallel_loop3A_553 : i32 to index
        %parallel_loop3A_557 = arith.index_cast %parallel_loop3A_252 : i32 to index
        %parallel_loop3A_558 = tpu.vector_load %arg7[%parallel_loop3A_554, %parallel_loop3A_555, %parallel_loop3A_556, %parallel_loop3A_557] {strides = array<i32>} : memref<2x4x8x768xf32, #tpu.memory_space<vmem>>, vector<1x1x1x16xf32>,
        %parallel_loop3A_559 = vector.shape_cast %parallel_loop3A_558 : vector<1x1x1x16xf32> to vector<16xf32>
        %parallel_loop3A_560 = vector.shape_cast %parallel_loop3A_550 : vector<16xf32> to vector<1x1x1x16xf32>
        tpu.vector_store %arg7[%parallel_loop3A_554, %parallel_loop3A_555, %parallel_loop3A_556, %parallel_loop3A_557], %parallel_loop3A_560 {strides = array<i32>} : memref<2x4x8x768xf32, #tpu.memory_space<vmem>>, vector<1x1x1x16xf32>,
        %parallel_loop3A_561 = arith.constant 1 : i32
        %parallel_loop3A_562 = arith.constant 2 : i32
        %parallel_loop3A_563 = arith.constant 3 : i32
        %parallel_loop3A_564 = arith.index_cast %parallel_loop3A_561 : i32 to index
        %parallel_loop3A_565 = arith.index_cast %parallel_loop3A_562 : i32 to index
        %parallel_loop3A_566 = arith.index_cast %parallel_loop3A_563 : i32 to index
        %parallel_loop3A_567 = arith.index_cast %parallel_loop3A_252 : i32 to index
        %parallel_loop3A_568 = tpu.vector_load %arg5[%parallel_loop3A_564, %parallel_loop3A_565, %parallel_loop3A_566, %parallel_loop3A_567] {strides = array<i32>} : memref<2x4x8x768xf32, #tpu.memory_space<vmem>>, vector<1x1x1x16xf32>,
        %parallel_loop3A_569 = vector.shape_cast %parallel_loop3A_568 : vector<1x1x1x16xf32> to vector<16xf32>
        %parallel_loop3A_570 = arith.addf %parallel_loop3A_569, %parallel_loop3A_520 : vector<16xf32>
        %parallel_loop3A_571 = arith.constant 1 : i32
        %parallel_loop3A_572 = arith.constant 2 : i32
        %parallel_loop3A_573 = arith.constant 3 : i32
        %parallel_loop3A_574 = arith.index_cast %parallel_loop3A_571 : i32 to index
        %parallel_loop3A_575 = arith.index_cast %parallel_loop3A_572 : i32 to index
        %parallel_loop3A_576 = arith.index_cast %parallel_loop3A_573 : i32 to index
        %parallel_loop3A_577 = arith.index_cast %parallel_loop3A_252 : i32 to index
        %parallel_loop3A_578 = tpu.vector_load %arg7[%parallel_loop3A_574, %parallel_loop3A_575, %parallel_loop3A_576, %parallel_loop3A_577] {strides = array<i32>} : memref<2x4x8x768xf32, #tpu.memory_space<vmem>>, vector<1x1x1x16xf32>,
        %parallel_loop3A_579 = vector.shape_cast %parallel_loop3A_578 : vector<1x1x1x16xf32> to vector<16xf32>
        %parallel_loop3A_580 = vector.shape_cast %parallel_loop3A_570 : vector<16xf32> to vector<1x1x1x16xf32>
        tpu.vector_store %arg7[%parallel_loop3A_574, %parallel_loop3A_575, %parallel_loop3A_576, %parallel_loop3A_577], %parallel_loop3A_580 {strides = array<i32>} : memref<2x4x8x768xf32, #tpu.memory_space<vmem>>, vector<1x1x1x16xf32>,
        %parallel_loop3A_581 = arith.constant 1 : i32
        %parallel_loop3A_582 = arith.constant 3 : i32
        %parallel_loop3A_583 = arith.constant 3 : i32
        %parallel_loop3A_584 = arith.index_cast %parallel_loop3A_581 : i32 to index
        %parallel_loop3A_585 = arith.index_cast %parallel_loop3A_582 : i32 to index
        %parallel_loop3A_586 = arith.index_cast %parallel_loop3A_583 : i32 to index
        %parallel_loop3A_587 = arith.index_cast %parallel_loop3A_252 : i32 to index
        %parallel_loop3A_588 = tpu.vector_load %arg5[%parallel_loop3A_584, %parallel_loop3A_585, %parallel_loop3A_586, %parallel_loop3A_587] {strides = array<i32>} : memref<2x4x8x768xf32, #tpu.memory_space<vmem>>, vector<1x1x1x16xf32>,
        %parallel_loop3A_589 = vector.shape_cast %parallel_loop3A_588 : vector<1x1x1x16xf32> to vector<16xf32>
        %parallel_loop3A_590 = arith.addf %parallel_loop3A_589, %parallel_loop3A_520 : vector<16xf32>
        %parallel_loop3A_591 = arith.constant 1 : i32
        %parallel_loop3A_592 = arith.constant 3 : i32
        %parallel_loop3A_593 = arith.constant 3 : i32
        %parallel_loop3A_594 = arith.index_cast %parallel_loop3A_591 : i32 to index
        %parallel_loop3A_595 = arith.index_cast %parallel_loop3A_592 : i32 to index
        %parallel_loop3A_596 = arith.index_cast %parallel_loop3A_593 : i32 to index
        %parallel_loop3A_597 = arith.index_cast %parallel_loop3A_252 : i32 to index
        %parallel_loop3A_598 = tpu.vector_load %arg7[%parallel_loop3A_594, %parallel_loop3A_595, %parallel_loop3A_596, %parallel_loop3A_597] {strides = array<i32>} : memref<2x4x8x768xf32, #tpu.memory_space<vmem>>, vector<1x1x1x16xf32>,
        %parallel_loop3A_599 = vector.shape_cast %parallel_loop3A_598 : vector<1x1x1x16xf32> to vector<16xf32>
        %parallel_loop3A_600 = vector.shape_cast %parallel_loop3A_590 : vector<16xf32> to vector<1x1x1x16xf32>
        tpu.vector_store %arg7[%parallel_loop3A_594, %parallel_loop3A_595, %parallel_loop3A_596, %parallel_loop3A_597], %parallel_loop3A_600 {strides = array<i32>} : memref<2x4x8x768xf32, #tpu.memory_space<vmem>>, vector<1x1x1x16xf32>,
        %parallel_loop3A_601 = arith.constant 1 : i32
        %parallel_loop3A_602 = arith.constant 4 : i32
        %parallel_loop3A_603 = arith.index_cast %parallel_loop3A_601 : i32 to index
        %parallel_loop3A_604 = arith.index_cast %parallel_loop3A_602 : i32 to index
        %parallel_loop3A_605 = arith.index_cast %parallel_loop3A_252 : i32 to index
        %parallel_loop3A_606 = tpu.vector_load %arg6[%parallel_loop3A_603, %parallel_loop3A_604, %parallel_loop3A_605] {strides = array<i32>} : memref<2x8x768xf32, #tpu.memory_space<vmem>>, vector<1x1x16xf32>,
        %parallel_loop3A_607 = vector.shape_cast %parallel_loop3A_606 : vector<1x1x16xf32> to vector<16xf32>
        %parallel_loop3A_608 = arith.constant 1 : i32
        %parallel_loop3A_609 = arith.constant 0 : i32
        %parallel_loop3A_610 = arith.constant 4 : i32
        %parallel_loop3A_611 = arith.index_cast %parallel_loop3A_608 : i32 to index
        %parallel_loop3A_612 = arith.index_cast %parallel_loop3A_609 : i32 to index
        %parallel_loop3A_613 = arith.index_cast %parallel_loop3A_610 : i32 to index
        %parallel_loop3A_614 = arith.index_cast %parallel_loop3A_252 : i32 to index
        %parallel_loop3A_615 = tpu.vector_load %arg5[%parallel_loop3A_611, %parallel_loop3A_612, %parallel_loop3A_613, %parallel_loop3A_614] {strides = array<i32>} : memref<2x4x8x768xf32, #tpu.memory_space<vmem>>, vector<1x1x1x16xf32>,
        %parallel_loop3A_616 = vector.shape_cast %parallel_loop3A_615 : vector<1x1x1x16xf32> to vector<16xf32>
        %parallel_loop3A_617 = arith.addf %parallel_loop3A_616, %parallel_loop3A_607 : vector<16xf32>
        %parallel_loop3A_618 = arith.constant 1 : i32
        %parallel_loop3A_619 = arith.constant 0 : i32
        %parallel_loop3A_620 = arith.constant 4 : i32
        %parallel_loop3A_621 = arith.index_cast %parallel_loop3A_618 : i32 to index
        %parallel_loop3A_622 = arith.index_cast %parallel_loop3A_619 : i32 to index
        %parallel_loop3A_623 = arith.index_cast %parallel_loop3A_620 : i32 to index
        %parallel_loop3A_624 = arith.index_cast %parallel_loop3A_252 : i32 to index
        %parallel_loop3A_625 = tpu.vector_load %arg7[%parallel_loop3A_621, %parallel_loop3A_622, %parallel_loop3A_623, %parallel_loop3A_624] {strides = array<i32>} : memref<2x4x8x768xf32, #tpu.memory_space<vmem>>, vector<1x1x1x16xf32>,
        %parallel_loop3A_626 = vector.shape_cast %parallel_loop3A_625 : vector<1x1x1x16xf32> to vector<16xf32>
        %parallel_loop3A_627 = vector.shape_cast %parallel_loop3A_617 : vector<16xf32> to vector<1x1x1x16xf32>
        tpu.vector_store %arg7[%parallel_loop3A_621, %parallel_loop3A_622, %parallel_loop3A_623, %parallel_loop3A_624], %parallel_loop3A_627 {strides = array<i32>} : memref<2x4x8x768xf32, #tpu.memory_space<vmem>>, vector<1x1x1x16xf32>,
        %parallel_loop3A_628 = arith.constant 1 : i32
        %parallel_loop3A_629 = arith.constant 1 : i32
        %parallel_loop3A_630 = arith.constant 4 : i32
        %parallel_loop3A_631 = arith.index_cast %parallel_loop3A_628 : i32 to index
        %parallel_loop3A_632 = arith.index_cast %parallel_loop3A_629 : i32 to index
        %parallel_loop3A_633 = arith.index_cast %parallel_loop3A_630 : i32 to index
        %parallel_loop3A_634 = arith.index_cast %parallel_loop3A_252 : i32 to index
        %parallel_loop3A_635 = tpu.vector_load %arg5[%parallel_loop3A_631, %parallel_loop3A_632, %parallel_loop3A_633, %parallel_loop3A_634] {strides = array<i32>} : memref<2x4x8x768xf32, #tpu.memory_space<vmem>>, vector<1x1x1x16xf32>,
        %parallel_loop3A_636 = vector.shape_cast %parallel_loop3A_635 : vector<1x1x1x16xf32> to vector<16xf32>
        %parallel_loop3A_637 = arith.addf %parallel_loop3A_636, %parallel_loop3A_607 : vector<16xf32>
        %parallel_loop3A_638 = arith.constant 1 : i32
        %parallel_loop3A_639 = arith.constant 1 : i32
        %parallel_loop3A_640 = arith.constant 4 : i32
        %parallel_loop3A_641 = arith.index_cast %parallel_loop3A_638 : i32 to index
        %parallel_loop3A_642 = arith.index_cast %parallel_loop3A_639 : i32 to index
        %parallel_loop3A_643 = arith.index_cast %parallel_loop3A_640 : i32 to index
        %parallel_loop3A_644 = arith.index_cast %parallel_loop3A_252 : i32 to index
        %parallel_loop3A_645 = tpu.vector_load %arg7[%parallel_loop3A_641, %parallel_loop3A_642, %parallel_loop3A_643, %parallel_loop3A_644] {strides = array<i32>} : memref<2x4x8x768xf32, #tpu.memory_space<vmem>>, vector<1x1x1x16xf32>,
        %parallel_loop3A_646 = vector.shape_cast %parallel_loop3A_645 : vector<1x1x1x16xf32> to vector<16xf32>
        %parallel_loop3A_647 = vector.shape_cast %parallel_loop3A_637 : vector<16xf32> to vector<1x1x1x16xf32>
        tpu.vector_store %arg7[%parallel_loop3A_641, %parallel_loop3A_642, %parallel_loop3A_643, %parallel_loop3A_644], %parallel_loop3A_647 {strides = array<i32>} : memref<2x4x8x768xf32, #tpu.memory_space<vmem>>, vector<1x1x1x16xf32>,
        %parallel_loop3A_648 = arith.constant 1 : i32
        %parallel_loop3A_649 = arith.constant 2 : i32
        %parallel_loop3A_650 = arith.constant 4 : i32
        %parallel_loop3A_651 = arith.index_cast %parallel_loop3A_648 : i32 to index
        %parallel_loop3A_652 = arith.index_cast %parallel_loop3A_649 : i32 to index
        %parallel_loop3A_653 = arith.index_cast %parallel_loop3A_650 : i32 to index
        %parallel_loop3A_654 = arith.index_cast %parallel_loop3A_252 : i32 to index
        %parallel_loop3A_655 = tpu.vector_load %arg5[%parallel_loop3A_651, %parallel_loop3A_652, %parallel_loop3A_653, %parallel_loop3A_654] {strides = array<i32>} : memref<2x4x8x768xf32, #tpu.memory_space<vmem>>, vector<1x1x1x16xf32>,
        %parallel_loop3A_656 = vector.shape_cast %parallel_loop3A_655 : vector<1x1x1x16xf32> to vector<16xf32>
        %parallel_loop3A_657 = arith.addf %parallel_loop3A_656, %parallel_loop3A_607 : vector<16xf32>
        %parallel_loop3A_658 = arith.constant 1 : i32
        %parallel_loop3A_659 = arith.constant 2 : i32
        %parallel_loop3A_660 = arith.constant 4 : i32
        %parallel_loop3A_661 = arith.index_cast %parallel_loop3A_658 : i32 to index
        %parallel_loop3A_662 = arith.index_cast %parallel_loop3A_659 : i32 to index
        %parallel_loop3A_663 = arith.index_cast %parallel_loop3A_660 : i32 to index
        %parallel_loop3A_664 = arith.index_cast %parallel_loop3A_252 : i32 to index
        %parallel_loop3A_665 = tpu.vector_load %arg7[%parallel_loop3A_661, %parallel_loop3A_662, %parallel_loop3A_663, %parallel_loop3A_664] {strides = array<i32>} : memref<2x4x8x768xf32, #tpu.memory_space<vmem>>, vector<1x1x1x16xf32>,
        %parallel_loop3A_666 = vector.shape_cast %parallel_loop3A_665 : vector<1x1x1x16xf32> to vector<16xf32>
        %parallel_loop3A_667 = vector.shape_cast %parallel_loop3A_657 : vector<16xf32> to vector<1x1x1x16xf32>
        tpu.vector_store %arg7[%parallel_loop3A_661, %parallel_loop3A_662, %parallel_loop3A_663, %parallel_loop3A_664], %parallel_loop3A_667 {strides = array<i32>} : memref<2x4x8x768xf32, #tpu.memory_space<vmem>>, vector<1x1x1x16xf32>,
        %parallel_loop3A_668 = arith.constant 1 : i32
        %parallel_loop3A_669 = arith.constant 3 : i32
        %parallel_loop3A_670 = arith.constant 4 : i32
        %parallel_loop3A_671 = arith.index_cast %parallel_loop3A_668 : i32 to index
        %parallel_loop3A_672 = arith.index_cast %parallel_loop3A_669 : i32 to index
        %parallel_loop3A_673 = arith.index_cast %parallel_loop3A_670 : i32 to index
        %parallel_loop3A_674 = arith.index_cast %parallel_loop3A_252 : i32 to index
        %parallel_loop3A_675 = tpu.vector_load %arg5[%parallel_loop3A_671, %parallel_loop3A_672, %parallel_loop3A_673, %parallel_loop3A_674] {strides = array<i32>} : memref<2x4x8x768xf32, #tpu.memory_space<vmem>>, vector<1x1x1x16xf32>,
        %parallel_loop3A_676 = vector.shape_cast %parallel_loop3A_675 : vector<1x1x1x16xf32> to vector<16xf32>
        %parallel_loop3A_677 = arith.addf %parallel_loop3A_676, %parallel_loop3A_607 : vector<16xf32>
        %parallel_loop3A_678 = arith.constant 1 : i32
        %parallel_loop3A_679 = arith.constant 3 : i32
        %parallel_loop3A_680 = arith.constant 4 : i32
        %parallel_loop3A_681 = arith.index_cast %parallel_loop3A_678 : i32 to index
        %parallel_loop3A_682 = arith.index_cast %parallel_loop3A_679 : i32 to index
        %parallel_loop3A_683 = arith.index_cast %parallel_loop3A_680 : i32 to index
        %parallel_loop3A_684 = arith.index_cast %parallel_loop3A_252 : i32 to index
        %parallel_loop3A_685 = tpu.vector_load %arg7[%parallel_loop3A_681, %parallel_loop3A_682, %parallel_loop3A_683, %parallel_loop3A_684] {strides = array<i32>} : memref<2x4x8x768xf32, #tpu.memory_space<vmem>>, vector<1x1x1x16xf32>,
        %parallel_loop3A_686 = vector.shape_cast %parallel_loop3A_685 : vector<1x1x1x16xf32> to vector<16xf32>
        %parallel_loop3A_687 = vector.shape_cast %parallel_loop3A_677 : vector<16xf32> to vector<1x1x1x16xf32>
        tpu.vector_store %arg7[%parallel_loop3A_681, %parallel_loop3A_682, %parallel_loop3A_683, %parallel_loop3A_684], %parallel_loop3A_687 {strides = array<i32>} : memref<2x4x8x768xf32, #tpu.memory_space<vmem>>, vector<1x1x1x16xf32>,
        %parallel_loop3A_688 = arith.constant 1 : i32
        %parallel_loop3A_689 = arith.constant 5 : i32
        %parallel_loop3A_690 = arith.index_cast %parallel_loop3A_688 : i32 to index
        %parallel_loop3A_691 = arith.index_cast %parallel_loop3A_689 : i32 to index
        %parallel_loop3A_692 = arith.index_cast %parallel_loop3A_252 : i32 to index
        %parallel_loop3A_693 = tpu.vector_load %arg6[%parallel_loop3A_690, %parallel_loop3A_691, %parallel_loop3A_692] {strides = array<i32>} : memref<2x8x768xf32, #tpu.memory_space<vmem>>, vector<1x1x16xf32>,
        %parallel_loop3A_694 = vector.shape_cast %parallel_loop3A_693 : vector<1x1x16xf32> to vector<16xf32>
        %parallel_loop3A_695 = arith.constant 1 : i32
        %parallel_loop3A_696 = arith.constant 0 : i32
        %parallel_loop3A_697 = arith.constant 5 : i32
        %parallel_loop3A_698 = arith.index_cast %parallel_loop3A_695 : i32 to index
        %parallel_loop3A_699 = arith.index_cast %parallel_loop3A_696 : i32 to index
        %parallel_loop3A_700 = arith.index_cast %parallel_loop3A_697 : i32 to index
        %parallel_loop3A_701 = arith.index_cast %parallel_loop3A_252 : i32 to index
        %parallel_loop3A_702 = tpu.vector_load %arg5[%parallel_loop3A_698, %parallel_loop3A_699, %parallel_loop3A_700, %parallel_loop3A_701] {strides = array<i32>} : memref<2x4x8x768xf32, #tpu.memory_space<vmem>>, vector<1x1x1x16xf32>,
        %parallel_loop3A_703 = vector.shape_cast %parallel_loop3A_702 : vector<1x1x1x16xf32> to vector<16xf32>
        %parallel_loop3A_704 = arith.addf %parallel_loop3A_703, %parallel_loop3A_694 : vector<16xf32>
        %parallel_loop3A_705 = arith.constant 1 : i32
        %parallel_loop3A_706 = arith.constant 0 : i32
        %parallel_loop3A_707 = arith.constant 5 : i32
        %parallel_loop3A_708 = arith.index_cast %parallel_loop3A_705 : i32 to index
        %parallel_loop3A_709 = arith.index_cast %parallel_loop3A_706 : i32 to index
        %parallel_loop3A_710 = arith.index_cast %parallel_loop3A_707 : i32 to index
        %parallel_loop3A_711 = arith.index_cast %parallel_loop3A_252 : i32 to index
        %parallel_loop3A_712 = tpu.vector_load %arg7[%parallel_loop3A_708, %parallel_loop3A_709, %parallel_loop3A_710, %parallel_loop3A_711] {strides = array<i32>} : memref<2x4x8x768xf32, #tpu.memory_space<vmem>>, vector<1x1x1x16xf32>,
        %parallel_loop3A_713 = vector.shape_cast %parallel_loop3A_712 : vector<1x1x1x16xf32> to vector<16xf32>
        %parallel_loop3A_714 = vector.shape_cast %parallel_loop3A_704 : vector<16xf32> to vector<1x1x1x16xf32>
        tpu.vector_store %arg7[%parallel_loop3A_708, %parallel_loop3A_709, %parallel_loop3A_710, %parallel_loop3A_711], %parallel_loop3A_714 {strides = array<i32>} : memref<2x4x8x768xf32, #tpu.memory_space<vmem>>, vector<1x1x1x16xf32>,
        %parallel_loop3A_715 = arith.constant 1 : i32
        %parallel_loop3A_716 = arith.constant 1 : i32
        %parallel_loop3A_717 = arith.constant 5 : i32
        %parallel_loop3A_718 = arith.index_cast %parallel_loop3A_715 : i32 to index
        %parallel_loop3A_719 = arith.index_cast %parallel_loop3A_716 : i32 to index
        %parallel_loop3A_720 = arith.index_cast %parallel_loop3A_717 : i32 to index
        %parallel_loop3A_721 = arith.index_cast %parallel_loop3A_252 : i32 to index
        %parallel_loop3A_722 = tpu.vector_load %arg5[%parallel_loop3A_718, %parallel_loop3A_719, %parallel_loop3A_720, %parallel_loop3A_721] {strides = array<i32>} : memref<2x4x8x768xf32, #tpu.memory_space<vmem>>, vector<1x1x1x16xf32>,
        %parallel_loop3A_723 = vector.shape_cast %parallel_loop3A_722 : vector<1x1x1x16xf32> to vector<16xf32>
        %parallel_loop3A_724 = arith.addf %parallel_loop3A_723, %parallel_loop3A_694 : vector<16xf32>
        %parallel_loop3A_725 = arith.constant 1 : i32
        %parallel_loop3A_726 = arith.constant 1 : i32
        %parallel_loop3A_727 = arith.constant 5 : i32
        %parallel_loop3A_728 = arith.index_cast %parallel_loop3A_725 : i32 to index
        %parallel_loop3A_729 = arith.index_cast %parallel_loop3A_726 : i32 to index
        %parallel_loop3A_730 = arith.index_cast %parallel_loop3A_727 : i32 to index
        %parallel_loop3A_731 = arith.index_cast %parallel_loop3A_252 : i32 to index
        %parallel_loop3A_732 = tpu.vector_load %arg7[%parallel_loop3A_728, %parallel_loop3A_729, %parallel_loop3A_730, %parallel_loop3A_731] {strides = array<i32>} : memref<2x4x8x768xf32, #tpu.memory_space<vmem>>, vector<1x1x1x16xf32>,
        %parallel_loop3A_733 = vector.shape_cast %parallel_loop3A_732 : vector<1x1x1x16xf32> to vector<16xf32>
        %parallel_loop3A_734 = vector.shape_cast %parallel_loop3A_724 : vector<16xf32> to vector<1x1x1x16xf32>
        tpu.vector_store %arg7[%parallel_loop3A_728, %parallel_loop3A_729, %parallel_loop3A_730, %parallel_loop3A_731], %parallel_loop3A_734 {strides = array<i32>} : memref<2x4x8x768xf32, #tpu.memory_space<vmem>>, vector<1x1x1x16xf32>,
        %parallel_loop3A_735 = arith.constant 1 : i32
        %parallel_loop3A_736 = arith.constant 2 : i32
        %parallel_loop3A_737 = arith.constant 5 : i32
        %parallel_loop3A_738 = arith.index_cast %parallel_loop3A_735 : i32 to index
        %parallel_loop3A_739 = arith.index_cast %parallel_loop3A_736 : i32 to index
        %parallel_loop3A_740 = arith.index_cast %parallel_loop3A_737 : i32 to index
        %parallel_loop3A_741 = arith.index_cast %parallel_loop3A_252 : i32 to index
        %parallel_loop3A_742 = tpu.vector_load %arg5[%parallel_loop3A_738, %parallel_loop3A_739, %parallel_loop3A_740, %parallel_loop3A_741] {strides = array<i32>} : memref<2x4x8x768xf32, #tpu.memory_space<vmem>>, vector<1x1x1x16xf32>,
        %parallel_loop3A_743 = vector.shape_cast %parallel_loop3A_742 : vector<1x1x1x16xf32> to vector<16xf32>
        %parallel_loop3A_744 = arith.addf %parallel_loop3A_743, %parallel_loop3A_694 : vector<16xf32>
        %parallel_loop3A_745 = arith.constant 1 : i32
        %parallel_loop3A_746 = arith.constant 2 : i32
        %parallel_loop3A_747 = arith.constant 5 : i32
        %parallel_loop3A_748 = arith.index_cast %parallel_loop3A_745 : i32 to index
        %parallel_loop3A_749 = arith.index_cast %parallel_loop3A_746 : i32 to index
        %parallel_loop3A_750 = arith.index_cast %parallel_loop3A_747 : i32 to index
        %parallel_loop3A_751 = arith.index_cast %parallel_loop3A_252 : i32 to index
        %parallel_loop3A_752 = tpu.vector_load %arg7[%parallel_loop3A_748, %parallel_loop3A_749, %parallel_loop3A_750, %parallel_loop3A_751] {strides = array<i32>} : memref<2x4x8x768xf32, #tpu.memory_space<vmem>>, vector<1x1x1x16xf32>,
        %parallel_loop3A_753 = vector.shape_cast %parallel_loop3A_752 : vector<1x1x1x16xf32> to vector<16xf32>
        %parallel_loop3A_754 = vector.shape_cast %parallel_loop3A_744 : vector<16xf32> to vector<1x1x1x16xf32>
        tpu.vector_store %arg7[%parallel_loop3A_748, %parallel_loop3A_749, %parallel_loop3A_750, %parallel_loop3A_751], %parallel_loop3A_754 {strides = array<i32>} : memref<2x4x8x768xf32, #tpu.memory_space<vmem>>, vector<1x1x1x16xf32>,
        %parallel_loop3A_755 = arith.constant 1 : i32
        %parallel_loop3A_756 = arith.constant 3 : i32
        %parallel_loop3A_757 = arith.constant 5 : i32
        %parallel_loop3A_758 = arith.index_cast %parallel_loop3A_755 : i32 to index
        %parallel_loop3A_759 = arith.index_cast %parallel_loop3A_756 : i32 to index
        %parallel_loop3A_760 = arith.index_cast %parallel_loop3A_757 : i32 to index
        %parallel_loop3A_761 = arith.index_cast %parallel_loop3A_252 : i32 to index
        %parallel_loop3A_762 = tpu.vector_load %arg5[%parallel_loop3A_758, %parallel_loop3A_759, %parallel_loop3A_760, %parallel_loop3A_761] {strides = array<i32>} : memref<2x4x8x768xf32, #tpu.memory_space<vmem>>, vector<1x1x1x16xf32>,
        %parallel_loop3A_763 = vector.shape_cast %parallel_loop3A_762 : vector<1x1x1x16xf32> to vector<16xf32>
        %parallel_loop3A_764 = arith.addf %parallel_loop3A_763, %parallel_loop3A_694 : vector<16xf32>
        %parallel_loop3A_765 = arith.constant 1 : i32
        %parallel_loop3A_766 = arith.constant 3 : i32
        %parallel_loop3A_767 = arith.constant 5 : i32
        %parallel_loop3A_768 = arith.index_cast %parallel_loop3A_765 : i32 to index
        %parallel_loop3A_769 = arith.index_cast %parallel_loop3A_766 : i32 to index
        %parallel_loop3A_770 = arith.index_cast %parallel_loop3A_767 : i32 to index
        %parallel_loop3A_771 = arith.index_cast %parallel_loop3A_252 : i32 to index
        %parallel_loop3A_772 = tpu.vector_load %arg7[%parallel_loop3A_768, %parallel_loop3A_769, %parallel_loop3A_770, %parallel_loop3A_771] {strides = array<i32>} : memref<2x4x8x768xf32, #tpu.memory_space<vmem>>, vector<1x1x1x16xf32>,
        %parallel_loop3A_773 = vector.shape_cast %parallel_loop3A_772 : vector<1x1x1x16xf32> to vector<16xf32>
        %parallel_loop3A_774 = vector.shape_cast %parallel_loop3A_764 : vector<16xf32> to vector<1x1x1x16xf32>
        tpu.vector_store %arg7[%parallel_loop3A_768, %parallel_loop3A_769, %parallel_loop3A_770, %parallel_loop3A_771], %parallel_loop3A_774 {strides = array<i32>} : memref<2x4x8x768xf32, #tpu.memory_space<vmem>>, vector<1x1x1x16xf32>,
        %parallel_loop3A_775 = arith.constant 1 : i32
        %parallel_loop3A_776 = arith.constant 6 : i32
        %parallel_loop3A_777 = arith.index_cast %parallel_loop3A_775 : i32 to index
        %parallel_loop3A_778 = arith.index_cast %parallel_loop3A_776 : i32 to index
        %parallel_loop3A_779 = arith.index_cast %parallel_loop3A_252 : i32 to index
        %parallel_loop3A_780 = tpu.vector_load %arg6[%parallel_loop3A_777, %parallel_loop3A_778, %parallel_loop3A_779] {strides = array<i32>} : memref<2x8x768xf32, #tpu.memory_space<vmem>>, vector<1x1x16xf32>,
        %parallel_loop3A_781 = vector.shape_cast %parallel_loop3A_780 : vector<1x1x16xf32> to vector<16xf32>
        %parallel_loop3A_782 = arith.constant 1 : i32
        %parallel_loop3A_783 = arith.constant 0 : i32
        %parallel_loop3A_784 = arith.constant 6 : i32
        %parallel_loop3A_785 = arith.index_cast %parallel_loop3A_782 : i32 to index
        %parallel_loop3A_786 = arith.index_cast %parallel_loop3A_783 : i32 to index
        %parallel_loop3A_787 = arith.index_cast %parallel_loop3A_784 : i32 to index
        %parallel_loop3A_788 = arith.index_cast %parallel_loop3A_252 : i32 to index
        %parallel_loop3A_789 = tpu.vector_load %arg5[%parallel_loop3A_785, %parallel_loop3A_786, %parallel_loop3A_787, %parallel_loop3A_788] {strides = array<i32>} : memref<2x4x8x768xf32, #tpu.memory_space<vmem>>, vector<1x1x1x16xf32>,
        %parallel_loop3A_790 = vector.shape_cast %parallel_loop3A_789 : vector<1x1x1x16xf32> to vector<16xf32>
        %parallel_loop3A_791 = arith.addf %parallel_loop3A_790, %parallel_loop3A_781 : vector<16xf32>
        %parallel_loop3A_792 = arith.constant 1 : i32
        %parallel_loop3A_793 = arith.constant 0 : i32
        %parallel_loop3A_794 = arith.constant 6 : i32
        %parallel_loop3A_795 = arith.index_cast %parallel_loop3A_792 : i32 to index
        %parallel_loop3A_796 = arith.index_cast %parallel_loop3A_793 : i32 to index
        %parallel_loop3A_797 = arith.index_cast %parallel_loop3A_794 : i32 to index
        %parallel_loop3A_798 = arith.index_cast %parallel_loop3A_252 : i32 to index
        %parallel_loop3A_799 = tpu.vector_load %arg7[%parallel_loop3A_795, %parallel_loop3A_796, %parallel_loop3A_797, %parallel_loop3A_798] {strides = array<i32>} : memref<2x4x8x768xf32, #tpu.memory_space<vmem>>, vector<1x1x1x16xf32>,
        %parallel_loop3A_800 = vector.shape_cast %parallel_loop3A_799 : vector<1x1x1x16xf32> to vector<16xf32>
        %parallel_loop3A_801 = vector.shape_cast %parallel_loop3A_791 : vector<16xf32> to vector<1x1x1x16xf32>
        tpu.vector_store %arg7[%parallel_loop3A_795, %parallel_loop3A_796, %parallel_loop3A_797, %parallel_loop3A_798], %parallel_loop3A_801 {strides = array<i32>} : memref<2x4x8x768xf32, #tpu.memory_space<vmem>>, vector<1x1x1x16xf32>,
        %parallel_loop3A_802 = arith.constant 1 : i32
        %parallel_loop3A_803 = arith.constant 1 : i32
        %parallel_loop3A_804 = arith.constant 6 : i32
        %parallel_loop3A_805 = arith.index_cast %parallel_loop3A_802 : i32 to index
        %parallel_loop3A_806 = arith.index_cast %parallel_loop3A_803 : i32 to index
        %parallel_loop3A_807 = arith.index_cast %parallel_loop3A_804 : i32 to index
        %parallel_loop3A_808 = arith.index_cast %parallel_loop3A_252 : i32 to index
        %parallel_loop3A_809 = tpu.vector_load %arg5[%parallel_loop3A_805, %parallel_loop3A_806, %parallel_loop3A_807, %parallel_loop3A_808] {strides = array<i32>} : memref<2x4x8x768xf32, #tpu.memory_space<vmem>>, vector<1x1x1x16xf32>,
        %parallel_loop3A_810 = vector.shape_cast %parallel_loop3A_809 : vector<1x1x1x16xf32> to vector<16xf32>
        %parallel_loop3A_811 = arith.addf %parallel_loop3A_810, %parallel_loop3A_781 : vector<16xf32>
        %parallel_loop3A_812 = arith.constant 1 : i32
        %parallel_loop3A_813 = arith.constant 1 : i32
        %parallel_loop3A_814 = arith.constant 6 : i32
        %parallel_loop3A_815 = arith.index_cast %parallel_loop3A_812 : i32 to index
        %parallel_loop3A_816 = arith.index_cast %parallel_loop3A_813 : i32 to index
        %parallel_loop3A_817 = arith.index_cast %parallel_loop3A_814 : i32 to index
        %parallel_loop3A_818 = arith.index_cast %parallel_loop3A_252 : i32 to index
        %parallel_loop3A_819 = tpu.vector_load %arg7[%parallel_loop3A_815, %parallel_loop3A_816, %parallel_loop3A_817, %parallel_loop3A_818] {strides = array<i32>} : memref<2x4x8x768xf32, #tpu.memory_space<vmem>>, vector<1x1x1x16xf32>,
        %parallel_loop3A_820 = vector.shape_cast %parallel_loop3A_819 : vector<1x1x1x16xf32> to vector<16xf32>
        %parallel_loop3A_821 = vector.shape_cast %parallel_loop3A_811 : vector<16xf32> to vector<1x1x1x16xf32>
        tpu.vector_store %arg7[%parallel_loop3A_815, %parallel_loop3A_816, %parallel_loop3A_817, %parallel_loop3A_818], %parallel_loop3A_821 {strides = array<i32>} : memref<2x4x8x768xf32, #tpu.memory_space<vmem>>, vector<1x1x1x16xf32>,
        %parallel_loop3A_822 = arith.constant 1 : i32
        %parallel_loop3A_823 = arith.constant 2 : i32
        %parallel_loop3A_824 = arith.constant 6 : i32
        %parallel_loop3A_825 = arith.index_cast %parallel_loop3A_822 : i32 to index
        %parallel_loop3A_826 = arith.index_cast %parallel_loop3A_823 : i32 to index
        %parallel_loop3A_827 = arith.index_cast %parallel_loop3A_824 : i32 to index
        %parallel_loop3A_828 = arith.index_cast %parallel_loop3A_252 : i32 to index
        %parallel_loop3A_829 = tpu.vector_load %arg5[%parallel_loop3A_825, %parallel_loop3A_826, %parallel_loop3A_827, %parallel_loop3A_828] {strides = array<i32>} : memref<2x4x8x768xf32, #tpu.memory_space<vmem>>, vector<1x1x1x16xf32>,
        %parallel_loop3A_830 = vector.shape_cast %parallel_loop3A_829 : vector<1x1x1x16xf32> to vector<16xf32>
        %parallel_loop3A_831 = arith.addf %parallel_loop3A_830, %parallel_loop3A_781 : vector<16xf32>
        %parallel_loop3A_832 = arith.constant 1 : i32
        %parallel_loop3A_833 = arith.constant 2 : i32
        %parallel_loop3A_834 = arith.constant 6 : i32
        %parallel_loop3A_835 = arith.index_cast %parallel_loop3A_832 : i32 to index
        %parallel_loop3A_836 = arith.index_cast %parallel_loop3A_833 : i32 to index
        %parallel_loop3A_837 = arith.index_cast %parallel_loop3A_834 : i32 to index
        %parallel_loop3A_838 = arith.index_cast %parallel_loop3A_252 : i32 to index
        %parallel_loop3A_839 = tpu.vector_load %arg7[%parallel_loop3A_835, %parallel_loop3A_836, %parallel_loop3A_837, %parallel_loop3A_838] {strides = array<i32>} : memref<2x4x8x768xf32, #tpu.memory_space<vmem>>, vector<1x1x1x16xf32>,
        %parallel_loop3A_840 = vector.shape_cast %parallel_loop3A_839 : vector<1x1x1x16xf32> to vector<16xf32>
        %parallel_loop3A_841 = vector.shape_cast %parallel_loop3A_831 : vector<16xf32> to vector<1x1x1x16xf32>
        tpu.vector_store %arg7[%parallel_loop3A_835, %parallel_loop3A_836, %parallel_loop3A_837, %parallel_loop3A_838], %parallel_loop3A_841 {strides = array<i32>} : memref<2x4x8x768xf32, #tpu.memory_space<vmem>>, vector<1x1x1x16xf32>,
        %parallel_loop3A_842 = arith.constant 1 : i32
        %parallel_loop3A_843 = arith.constant 3 : i32
        %parallel_loop3A_844 = arith.constant 6 : i32
        %parallel_loop3A_845 = arith.index_cast %parallel_loop3A_842 : i32 to index
        %parallel_loop3A_846 = arith.index_cast %parallel_loop3A_843 : i32 to index
        %parallel_loop3A_847 = arith.index_cast %parallel_loop3A_844 : i32 to index
        %parallel_loop3A_848 = arith.index_cast %parallel_loop3A_252 : i32 to index
        %parallel_loop3A_849 = tpu.vector_load %arg5[%parallel_loop3A_845, %parallel_loop3A_846, %parallel_loop3A_847, %parallel_loop3A_848] {strides = array<i32>} : memref<2x4x8x768xf32, #tpu.memory_space<vmem>>, vector<1x1x1x16xf32>,
        %parallel_loop3A_850 = vector.shape_cast %parallel_loop3A_849 : vector<1x1x1x16xf32> to vector<16xf32>
        %parallel_loop3A_851 = arith.addf %parallel_loop3A_850, %parallel_loop3A_781 : vector<16xf32>
        %parallel_loop3A_852 = arith.constant 1 : i32
        %parallel_loop3A_853 = arith.constant 3 : i32
        %parallel_loop3A_854 = arith.constant 6 : i32
        %parallel_loop3A_855 = arith.index_cast %parallel_loop3A_852 : i32 to index
        %parallel_loop3A_856 = arith.index_cast %parallel_loop3A_853 : i32 to index
        %parallel_loop3A_857 = arith.index_cast %parallel_loop3A_854 : i32 to index
        %parallel_loop3A_858 = arith.index_cast %parallel_loop3A_252 : i32 to index
        %parallel_loop3A_859 = tpu.vector_load %arg7[%parallel_loop3A_855, %parallel_loop3A_856, %parallel_loop3A_857, %parallel_loop3A_858] {strides = array<i32>} : memref<2x4x8x768xf32, #tpu.memory_space<vmem>>, vector<1x1x1x16xf32>,
        %parallel_loop3A_860 = vector.shape_cast %parallel_loop3A_859 : vector<1x1x1x16xf32> to vector<16xf32>
        %parallel_loop3A_861 = vector.shape_cast %parallel_loop3A_851 : vector<16xf32> to vector<1x1x1x16xf32>
        tpu.vector_store %arg7[%parallel_loop3A_855, %parallel_loop3A_856, %parallel_loop3A_857, %parallel_loop3A_858], %parallel_loop3A_861 {strides = array<i32>} : memref<2x4x8x768xf32, #tpu.memory_space<vmem>>, vector<1x1x1x16xf32>,
        %parallel_loop3A_862 = arith.constant 1 : i32
        %parallel_loop3A_863 = arith.constant 7 : i32
        %parallel_loop3A_864 = arith.index_cast %parallel_loop3A_862 : i32 to index
        %parallel_loop3A_865 = arith.index_cast %parallel_loop3A_863 : i32 to index
        %parallel_loop3A_866 = arith.index_cast %parallel_loop3A_252 : i32 to index
        %parallel_loop3A_867 = tpu.vector_load %arg6[%parallel_loop3A_864, %parallel_loop3A_865, %parallel_loop3A_866] {strides = array<i32>} : memref<2x8x768xf32, #tpu.memory_space<vmem>>, vector<1x1x16xf32>,
        %parallel_loop3A_868 = vector.shape_cast %parallel_loop3A_867 : vector<1x1x16xf32> to vector<16xf32>
        %parallel_loop3A_869 = arith.constant 1 : i32
        %parallel_loop3A_870 = arith.constant 0 : i32
        %parallel_loop3A_871 = arith.constant 7 : i32
        %parallel_loop3A_872 = arith.index_cast %parallel_loop3A_869 : i32 to index
        %parallel_loop3A_873 = arith.index_cast %parallel_loop3A_870 : i32 to index
        %parallel_loop3A_874 = arith.index_cast %parallel_loop3A_871 : i32 to index
        %parallel_loop3A_875 = arith.index_cast %parallel_loop3A_252 : i32 to index
        %parallel_loop3A_876 = tpu.vector_load %arg5[%parallel_loop3A_872, %parallel_loop3A_873, %parallel_loop3A_874, %parallel_loop3A_875] {strides = array<i32>} : memref<2x4x8x768xf32, #tpu.memory_space<vmem>>, vector<1x1x1x16xf32>,
        %parallel_loop3A_877 = vector.shape_cast %parallel_loop3A_876 : vector<1x1x1x16xf32> to vector<16xf32>
        %parallel_loop3A_878 = arith.addf %parallel_loop3A_877, %parallel_loop3A_868 : vector<16xf32>
        %parallel_loop3A_879 = arith.constant 1 : i32
        %parallel_loop3A_880 = arith.constant 0 : i32
        %parallel_loop3A_881 = arith.constant 7 : i32
        %parallel_loop3A_882 = arith.index_cast %parallel_loop3A_879 : i32 to index
        %parallel_loop3A_883 = arith.index_cast %parallel_loop3A_880 : i32 to index
        %parallel_loop3A_884 = arith.index_cast %parallel_loop3A_881 : i32 to index
        %parallel_loop3A_885 = arith.index_cast %parallel_loop3A_252 : i32 to index
        %parallel_loop3A_886 = tpu.vector_load %arg7[%parallel_loop3A_882, %parallel_loop3A_883, %parallel_loop3A_884, %parallel_loop3A_885] {strides = array<i32>} : memref<2x4x8x768xf32, #tpu.memory_space<vmem>>, vector<1x1x1x16xf32>,
        %parallel_loop3A_887 = vector.shape_cast %parallel_loop3A_886 : vector<1x1x1x16xf32> to vector<16xf32>
        %parallel_loop3A_888 = vector.shape_cast %parallel_loop3A_878 : vector<16xf32> to vector<1x1x1x16xf32>
        tpu.vector_store %arg7[%parallel_loop3A_882, %parallel_loop3A_883, %parallel_loop3A_884, %parallel_loop3A_885], %parallel_loop3A_888 {strides = array<i32>} : memref<2x4x8x768xf32, #tpu.memory_space<vmem>>, vector<1x1x1x16xf32>,
        %parallel_loop3A_889 = arith.constant 1 : i32
        %parallel_loop3A_890 = arith.constant 1 : i32
        %parallel_loop3A_891 = arith.constant 7 : i32
        %parallel_loop3A_892 = arith.index_cast %parallel_loop3A_889 : i32 to index
        %parallel_loop3A_893 = arith.index_cast %parallel_loop3A_890 : i32 to index
        %parallel_loop3A_894 = arith.index_cast %parallel_loop3A_891 : i32 to index
        %parallel_loop3A_895 = arith.index_cast %parallel_loop3A_252 : i32 to index
        %parallel_loop3A_896 = tpu.vector_load %arg5[%parallel_loop3A_892, %parallel_loop3A_893, %parallel_loop3A_894, %parallel_loop3A_895] {strides = array<i32>} : memref<2x4x8x768xf32, #tpu.memory_space<vmem>>, vector<1x1x1x16xf32>,
        %parallel_loop3A_897 = vector.shape_cast %parallel_loop3A_896 : vector<1x1x1x16xf32> to vector<16xf32>
        %parallel_loop3A_898 = arith.addf %parallel_loop3A_897, %parallel_loop3A_868 : vector<16xf32>
        %parallel_loop3A_899 = arith.constant 1 : i32
        %parallel_loop3A_900 = arith.constant 1 : i32
        %parallel_loop3A_901 = arith.constant 7 : i32
        %parallel_loop3A_902 = arith.index_cast %parallel_loop3A_899 : i32 to index
        %parallel_loop3A_903 = arith.index_cast %parallel_loop3A_900 : i32 to index
        %parallel_loop3A_904 = arith.index_cast %parallel_loop3A_901 : i32 to index
        %parallel_loop3A_905 = arith.index_cast %parallel_loop3A_252 : i32 to index
        %parallel_loop3A_906 = tpu.vector_load %arg7[%parallel_loop3A_902, %parallel_loop3A_903, %parallel_loop3A_904, %parallel_loop3A_905] {strides = array<i32>} : memref<2x4x8x768xf32, #tpu.memory_space<vmem>>, vector<1x1x1x16xf32>,
        %parallel_loop3A_907 = vector.shape_cast %parallel_loop3A_906 : vector<1x1x1x16xf32> to vector<16xf32>
        %parallel_loop3A_908 = vector.shape_cast %parallel_loop3A_898 : vector<16xf32> to vector<1x1x1x16xf32>
        tpu.vector_store %arg7[%parallel_loop3A_902, %parallel_loop3A_903, %parallel_loop3A_904, %parallel_loop3A_905], %parallel_loop3A_908 {strides = array<i32>} : memref<2x4x8x768xf32, #tpu.memory_space<vmem>>, vector<1x1x1x16xf32>,
        %parallel_loop3A_909 = arith.constant 1 : i32
        %parallel_loop3A_910 = arith.constant 2 : i32
        %parallel_loop3A_911 = arith.constant 7 : i32
        %parallel_loop3A_912 = arith.index_cast %parallel_loop3A_909 : i32 to index
        %parallel_loop3A_913 = arith.index_cast %parallel_loop3A_910 : i32 to index
        %parallel_loop3A_914 = arith.index_cast %parallel_loop3A_911 : i32 to index
        %parallel_loop3A_915 = arith.index_cast %parallel_loop3A_252 : i32 to index
        %parallel_loop3A_916 = tpu.vector_load %arg5[%parallel_loop3A_912, %parallel_loop3A_913, %parallel_loop3A_914, %parallel_loop3A_915] {strides = array<i32>} : memref<2x4x8x768xf32, #tpu.memory_space<vmem>>, vector<1x1x1x16xf32>,
        %parallel_loop3A_917 = vector.shape_cast %parallel_loop3A_916 : vector<1x1x1x16xf32> to vector<16xf32>
        %parallel_loop3A_918 = arith.addf %parallel_loop3A_917, %parallel_loop3A_868 : vector<16xf32>
        %parallel_loop3A_919 = arith.constant 1 : i32
        %parallel_loop3A_920 = arith.constant 2 : i32
        %parallel_loop3A_921 = arith.constant 7 : i32
        %parallel_loop3A_922 = arith.index_cast %parallel_loop3A_919 : i32 to index
        %parallel_loop3A_923 = arith.index_cast %parallel_loop3A_920 : i32 to index
        %parallel_loop3A_924 = arith.index_cast %parallel_loop3A_921 : i32 to index
        %parallel_loop3A_925 = arith.index_cast %parallel_loop3A_252 : i32 to index
        %parallel_loop3A_926 = tpu.vector_load %arg7[%parallel_loop3A_922, %parallel_loop3A_923, %parallel_loop3A_924, %parallel_loop3A_925] {strides = array<i32>} : memref<2x4x8x768xf32, #tpu.memory_space<vmem>>, vector<1x1x1x16xf32>,
        %parallel_loop3A_927 = vector.shape_cast %parallel_loop3A_926 : vector<1x1x1x16xf32> to vector<16xf32>
        %parallel_loop3A_928 = vector.shape_cast %parallel_loop3A_918 : vector<16xf32> to vector<1x1x1x16xf32>
        tpu.vector_store %arg7[%parallel_loop3A_922, %parallel_loop3A_923, %parallel_loop3A_924, %parallel_loop3A_925], %parallel_loop3A_928 {strides = array<i32>} : memref<2x4x8x768xf32, #tpu.memory_space<vmem>>, vector<1x1x1x16xf32>,
        %parallel_loop3A_929 = arith.constant 1 : i32
        %parallel_loop3A_930 = arith.constant 3 : i32
        %parallel_loop3A_931 = arith.constant 7 : i32
        %parallel_loop3A_932 = arith.index_cast %parallel_loop3A_929 : i32 to index
        %parallel_loop3A_933 = arith.index_cast %parallel_loop3A_930 : i32 to index
        %parallel_loop3A_934 = arith.index_cast %parallel_loop3A_931 : i32 to index
        %parallel_loop3A_935 = arith.index_cast %parallel_loop3A_252 : i32 to index
        %parallel_loop3A_936 = tpu.vector_load %arg5[%parallel_loop3A_932, %parallel_loop3A_933, %parallel_loop3A_934, %parallel_loop3A_935] {strides = array<i32>} : memref<2x4x8x768xf32, #tpu.memory_space<vmem>>, vector<1x1x1x16xf32>,
        %parallel_loop3A_937 = vector.shape_cast %parallel_loop3A_936 : vector<1x1x1x16xf32> to vector<16xf32>
        %parallel_loop3A_938 = arith.addf %parallel_loop3A_937, %parallel_loop3A_868 : vector<16xf32>
        %parallel_loop3A_939 = arith.constant 1 : i32
        %parallel_loop3A_940 = arith.constant 3 : i32
        %parallel_loop3A_941 = arith.constant 7 : i32
        %parallel_loop3A_942 = arith.index_cast %parallel_loop3A_939 : i32 to index
        %parallel_loop3A_943 = arith.index_cast %parallel_loop3A_940 : i32 to index
        %parallel_loop3A_944 = arith.index_cast %parallel_loop3A_941 : i32 to index
        %parallel_loop3A_945 = arith.index_cast %parallel_loop3A_252 : i32 to index
        %parallel_loop3A_946 = tpu.vector_load %arg7[%parallel_loop3A_942, %parallel_loop3A_943, %parallel_loop3A_944, %parallel_loop3A_945] {strides = array<i32>} : memref<2x4x8x768xf32, #tpu.memory_space<vmem>>, vector<1x1x1x16xf32>,
        %parallel_loop3A_947 = vector.shape_cast %parallel_loop3A_946 : vector<1x1x1x16xf32> to vector<16xf32>
        %parallel_loop3A_948 = vector.shape_cast %parallel_loop3A_938 : vector<16xf32> to vector<1x1x1x16xf32>
        tpu.vector_store %arg7[%parallel_loop3A_942, %parallel_loop3A_943, %parallel_loop3A_944, %parallel_loop3A_945], %parallel_loop3A_948 {strides = array<i32>} : memref<2x4x8x768xf32, #tpu.memory_space<vmem>>, vector<1x1x1x16xf32>,
      } {sc.loop_unroll_factor = 2 : i64, sc.parallel_access}
      %add3A_223 = arith.constant 2 : i32
      %add3A_224 = arith.addi %add3A_180, %add3A_223 : i32
      %lt3A_225 = arith.constant 32 : i32
      %lt3A_226 = arith.cmpi slt, %add3A_224, %lt3A_225 : i32
      %convert_element_type3A_227 = arith.extui %lt3A_226 : i1 to i32
      %cond3A_228 = arith.constant 0 : i32
      %cond3A_229 = arith.cmpi ne, %convert_element_type3A_227, %cond3A_228 : i32
      scf.if %cond3A_229 {
        %add3A_250 = arith.constant 2 : i32
        %add3A_251 = arith.addi %add3A_180, %add3A_250 : i32
        %mul3A_252 = arith.constant 8 : i32
        %mul3A_253 = arith.muli %add3A_251, %mul3A_252 : i32
        %add3A_254 = arith.addi %mul3A_2, %mul3A_253 : i32
        %dma_start3A_255 = arith.constant 1 : i32
        %dma_start3A_256 = arith.constant 0 : i32
        %dma_start3A_257 = arith.constant 0 : i32
        %dma_start3A_258 = tpu.memref_slice %arg6[%dma_start3A_255, %dma_start3A_256, %dma_start3A_257] : memref<2x8x768xf32, #tpu.memory_space<vmem>> -> memref<1x8x768xf32, #tpu.memory_space<vmem>>
        %dma_start3A_259 = tpu.memref_squeeze %dma_start3A_258 : memref<1x8x768xf32, #tpu.memory_space<vmem>> -> memref<8x768xf32, #tpu.memory_space<vmem>>
        %dma_start3A_260 = arith.constant 0 : i32
        %dma_start3A_261 = tpu.memref_slice %arg3[%add3A_254, %dma_start3A_260] : memref<8192x768xf32, #tpu.memory_space<hbm>> -> memref<8x768xf32, #tpu.memory_space<hbm>>
        %dma_start3A_262 = arith.constant 0 : i32
        %dma_start3A_263 = arith.constant 0 : i32
        %dma_start3A_264 = tpu.memref_slice %arg6[%dma_start3A_255, %dma_start3A_262, %dma_start3A_263] : memref<2x8x768xf32, #tpu.memory_space<vmem>> -> memref<1x8x768xf32, #tpu.memory_space<vmem>>
        %dma_start3A_265 = tpu.memref_squeeze %dma_start3A_264 : memref<1x8x768xf32, #tpu.memory_space<vmem>> -> memref<8x768xf32, #tpu.memory_space<vmem>>
        %dma_start3A_266 = arith.constant 0 : i32
        %dma_start3A_267 = tpu.memref_slice %arg3[%add3A_254, %dma_start3A_266] : memref<8192x768xf32, #tpu.memory_space<hbm>> -> memref<8x768xf32, #tpu.memory_space<hbm>>
        tpu.enqueue_dma source(%dma_start3A_267 : memref<8x768xf32, #tpu.memory_space<hbm>>) target(%dma_start3A_265 : memref<8x768xf32, #tpu.memory_space<vmem>>) target_semaphore(%arg9 : memref<!tpu.dma_semaphore, #tpu.memory_space<semaphore_mem>>)
        %dma_start3A_268 = arith.constant 1 : i32
        %dma_start3A_269 = arith.constant 0 : i32
        %dma_start3A_270 = arith.constant 0 : i32
        %dma_start3A_271 = arith.constant 0 : i32
        %dma_start3A_272 = tpu.memref_slice %arg5[%dma_start3A_268, %dma_start3A_269, %dma_start3A_270, %dma_start3A_271] : memref<2x4x8x768xf32, #tpu.memory_space<vmem>> -> memref<1x4x8x768xf32, #tpu.memory_space<vmem>>
        %dma_start3A_273 = tpu.memref_squeeze %dma_start3A_272 : memref<1x4x8x768xf32, #tpu.memory_space<vmem>> -> memref<4x8x768xf32, #tpu.memory_space<vmem>>
        %dma_start3A_274 = arith.constant 0 : i32
        %dma_start3A_275 = arith.constant 0 : i32
        %dma_start3A_276 = tpu.memref_slice %arg2[%dma_start3A_274, %add3A_254, %dma_start3A_275] : memref<4x8192x768xf32, #tpu.memory_space<hbm>> -> memref<4x8x768xf32, #tpu.memory_space<hbm>>
        %dma_start3A_277 = arith.constant 0 : i32
        %dma_start3A_278 = arith.constant 0 : i32
        %dma_start3A_279 = arith.constant 0 : i32
        %dma_start3A_280 = tpu.memref_slice %arg5[%dma_start3A_268, %dma_start3A_277, %dma_start3A_278, %dma_start3A_279] : memref<2x4x8x768xf32, #tpu.memory_space<vmem>> -> memref<1x4x8x768xf32, #tpu.memory_space<vmem>>
        %dma_start3A_281 = tpu.memref_squeeze %dma_start3A_280 : memref<1x4x8x768xf32, #tpu.memory_space<vmem>> -> memref<4x8x768xf32, #tpu.memory_space<vmem>>
        %dma_start3A_282 = arith.constant 0 : i32
        %dma_start3A_283 = arith.constant 0 : i32
        %dma_start3A_284 = tpu.memref_slice %arg2[%dma_start3A_282, %add3A_254, %dma_start3A_283] : memref<4x8192x768xf32, #tpu.memory_space<hbm>> -> memref<4x8x768xf32, #tpu.memory_space<hbm>>
        tpu.enqueue_dma source(%dma_start3A_284 : memref<4x8x768xf32, #tpu.memory_space<hbm>>) target(%dma_start3A_281 : memref<4x8x768xf32, #tpu.memory_space<vmem>>) target_semaphore(%arg9 : memref<!tpu.dma_semaphore, #tpu.memory_space<semaphore_mem>>)
      } else {
      }
      %mul3A_230 = arith.constant 8 : i32
      %mul3A_231 = arith.muli %add3A_180, %mul3A_230 : i32
      %add3A_232 = arith.addi %mul3A_2, %mul3A_231 : i32
      %dma_start3A_233 = arith.constant 1 : i32
      %dma_start3A_234 = arith.constant 0 : i32
      %dma_start3A_235 = arith.constant 0 : i32
      %dma_start3A_236 = arith.constant 0 : i32
      %dma_start3A_237 = tpu.memref_slice %arg7[%dma_start3A_233, %dma_start3A_234, %dma_start3A_235, %dma_start3A_236] : memref<2x4x8x768xf32, #tpu.memory_space<vmem>> -> memref<1x4x8x768xf32, #tpu.memory_space<vmem>>
      %dma_start3A_238 = tpu.memref_squeeze %dma_start3A_237 : memref<1x4x8x768xf32, #tpu.memory_space<vmem>> -> memref<4x8x768xf32, #tpu.memory_space<vmem>>
      %dma_start3A_239 = arith.constant 0 : i32
      %dma_start3A_240 = arith.constant 0 : i32
      %dma_start3A_241 = tpu.memref_slice %arg4[%dma_start3A_239, %add3A_232, %dma_start3A_240] : memref<4x8192x768xf32, #tpu.memory_space<hbm>> -> memref<4x8x768xf32, #tpu.memory_space<hbm>>
      %dma_start3A_242 = arith.constant 0 : i32
      %dma_start3A_243 = arith.constant 0 : i32
      %dma_start3A_244 = tpu.memref_slice %arg4[%dma_start3A_242, %add3A_232, %dma_start3A_243] : memref<4x8192x768xf32, #tpu.memory_space<hbm>> -> memref<4x8x768xf32, #tpu.memory_space<hbm>>
      %dma_start3A_245 = arith.constant 0 : i32
      %dma_start3A_246 = arith.constant 0 : i32
      %dma_start3A_247 = arith.constant 0 : i32
      %dma_start3A_248 = tpu.memref_slice %arg7[%dma_start3A_233, %dma_start3A_245, %dma_start3A_246, %dma_start3A_247] : memref<2x4x8x768xf32, #tpu.memory_space<vmem>> -> memref<1x4x8x768xf32, #tpu.memory_space<vmem>>
      %dma_start3A_249 = tpu.memref_squeeze %dma_start3A_248 : memref<1x4x8x768xf32, #tpu.memory_space<vmem>> -> memref<4x8x768xf32, #tpu.memory_space<vmem>>
      tpu.enqueue_dma source(%dma_start3A_249 : memref<4x8x768xf32, #tpu.memory_space<vmem>>) target(%dma_start3A_244 : memref<4x8x768xf32, #tpu.memory_space<hbm>>) target_semaphore(%arg11 : memref<!tpu.dma_semaphore, #tpu.memory_space<semaphore_mem>>)
    }
    %scan3A_70 = arith.constant 16 : i32
    %dma_wait3A = arith.constant 0 : i32
    %dma_wait3A_71 = arith.constant 0 : i32
    %dma_wait3A_72 = arith.constant 0 : i32
    %dma_wait3A_73 = arith.constant 0 : i32
    %dma_wait3A_74 = tpu.memref_slice %arg7[%dma_wait3A, %dma_wait3A_71, %dma_wait3A_72, %dma_wait3A_73] : memref<2x4x8x768xf32, #tpu.memory_space<vmem>> -> memref<1x4x8x768xf32, #tpu.memory_space<vmem>>
    %dma_wait3A_75 = tpu.memref_squeeze %dma_wait3A_74 : memref<1x4x8x768xf32, #tpu.memory_space<vmem>> -> memref<4x8x768xf32, #tpu.memory_space<vmem>>
    %dma_wait3A_76 = arith.constant 0 : i32
    %dma_wait3A_77 = arith.constant 0 : i32
    %dma_wait3A_78 = arith.constant 0 : i32
    %dma_wait3A_79 = tpu.memref_slice %arg4[%dma_wait3A_76, %dma_wait3A_77, %dma_wait3A_78] : memref<4x8192x768xf32, #tpu.memory_space<hbm>> -> memref<4x8x768xf32, #tpu.memory_space<hbm>>
    %dma_wait3A_80 = arith.constant 0 : i32
    %dma_wait3A_81 = arith.constant 0 : i32
    %dma_wait3A_82 = arith.constant 0 : i32
    %dma_wait3A_83 = tpu.memref_slice %arg4[%dma_wait3A_80, %dma_wait3A_81, %dma_wait3A_82] : memref<4x8192x768xf32, #tpu.memory_space<hbm>> -> memref<4x8x768xf32, #tpu.memory_space<hbm>>
    %dma_wait3A_84 = arith.constant 0 : i32
    %dma_wait3A_85 = arith.constant 0 : i32
    %dma_wait3A_86 = arith.constant 0 : i32
    %dma_wait3A_87 = tpu.memref_slice %arg7[%dma_wait3A, %dma_wait3A_84, %dma_wait3A_85, %dma_wait3A_86] : memref<2x4x8x768xf32, #tpu.memory_space<vmem>> -> memref<1x4x8x768xf32, #tpu.memory_space<vmem>>
    %dma_wait3A_88 = tpu.memref_squeeze %dma_wait3A_87 : memref<1x4x8x768xf32, #tpu.memory_space<vmem>> -> memref<4x8x768xf32, #tpu.memory_space<vmem>>
    tpu.wait_dma2 semaphore(%arg10 : memref<!tpu.dma_semaphore, #tpu.memory_space<semaphore_mem>>) src(%dma_wait3A_88 : memref<4x8x768xf32, #tpu.memory_space<vmem>>) dst(%dma_wait3A_83 : memref<4x8x768xf32, #tpu.memory_space<hbm>>)
    %dma_wait3A_89 = arith.constant 1 : i32
    %dma_wait3A_90 = arith.constant 0 : i32
    %dma_wait3A_91 = arith.constant 0 : i32
    %dma_wait3A_92 = arith.constant 0 : i32
    %dma_wait3A_93 = tpu.memref_slice %arg7[%dma_wait3A_89, %dma_wait3A_90, %dma_wait3A_91, %dma_wait3A_92] : memref<2x4x8x768xf32, #tpu.memory_space<vmem>> -> memref<1x4x8x768xf32, #tpu.memory_space<vmem>>
    %dma_wait3A_94 = tpu.memref_squeeze %dma_wait3A_93 : memref<1x4x8x768xf32, #tpu.memory_space<vmem>> -> memref<4x8x768xf32, #tpu.memory_space<vmem>>
    %dma_wait3A_95 = arith.constant 0 : i32
    %dma_wait3A_96 = arith.constant 0 : i32
    %dma_wait3A_97 = arith.constant 0 : i32
    %dma_wait3A_98 = tpu.memref_slice %arg4[%dma_wait3A_95, %dma_wait3A_96, %dma_wait3A_97] : memref<4x8192x768xf32, #tpu.memory_space<hbm>> -> memref<4x8x768xf32, #tpu.memory_space<hbm>>
    %dma_wait3A_99 = arith.constant 0 : i32
    %dma_wait3A_100 = arith.constant 0 : i32
    %dma_wait3A_101 = arith.constant 0 : i32
    %dma_wait3A_102 = tpu.memref_slice %arg4[%dma_wait3A_99, %dma_wait3A_100, %dma_wait3A_101] : memref<4x8192x768xf32, #tpu.memory_space<hbm>> -> memref<4x8x768xf32, #tpu.memory_space<hbm>>
    %dma_wait3A_103 = arith.constant 0 : i32
    %dma_wait3A_104 = arith.constant 0 : i32
    %dma_wait3A_105 = arith.constant 0 : i32
    %dma_wait3A_106 = tpu.memref_slice %arg7[%dma_wait3A_89, %dma_wait3A_103, %dma_wait3A_104, %dma_wait3A_105] : memref<2x4x8x768xf32, #tpu.memory_space<vmem>> -> memref<1x4x8x768xf32, #tpu.memory_space<vmem>>
    %dma_wait3A_107 = tpu.memref_squeeze %dma_wait3A_106 : memref<1x4x8x768xf32, #tpu.memory_space<vmem>> -> memref<4x8x768xf32, #tpu.memory_space<vmem>>
    tpu.wait_dma2 semaphore(%arg11 : memref<!tpu.dma_semaphore, #tpu.memory_space<semaphore_mem>>) src(%dma_wait3A_107 : memref<4x8x768xf32, #tpu.memory_space<vmem>>) dst(%dma_wait3A_102 : memref<4x8x768xf32, #tpu.memory_space<hbm>>)
    return
  }
}

</mosaic_0001>

<sc_bundles>
// kernel: kernel.3.cloned.1.call-start
scs
__scs_entry_jumppad:
0x0: {  	(pc) =	sbr.rel $0x88, $3  }
0x1: {  	(tag) =	ssettag $0x0;
	lr =	simm.s32 $0x1  }
0x2: {  	[smem:$0x3F9F] =	sst lr;
	_ =	strace $0xD0000000  }
0x3: {  	_ = 	snop  }
0x4: {  	_ = 	snop  }
0x5: {  	_ = 	snop  }
0x6: {  	_ = 	snop  }
0x7: {  	_ = 	snop  }
__scs_overlays_trampoline_lowered:
0x8: {  	[smem:$0x3FAE] =	sst s0  }
0x9: {  	[smem:$0x3FAF] =	sst s1  }
0xa: {  	[smem:$0x3FB0] =	sst s2  }
0xb: {  	[smem:$0x3FB1] =	sst s3  }
0xc: {  	[smem:$0x3FB2] =	sst s4  }
0xd: {  	[smem:$0x3FB3] =	sst s5  }
0xe: {  	[smem:$0x3FB4] =	sst s6  }
0xf: {  	[smem:$0x3FB5] =	sst s7  }
0x10: {  	[smem:$0x3FB6] =	sst s8  }
0x11: {  	[smem:$0x3FB7] =	sst s9;
	s0 =	simm.s32 @!p0 $0x0  }
0x12: {  	s1 =	sld [smem:$0x3F9D];
	s0 =	simm.s32 @p0 $0x1  }
0x13: {  	[smem:$0x3FB8] =	sst s0;
	s0 =	simm.s32 @!p1 $0x0  }
0x14: {  	s2 =	sld [smem:$0x3F9C];
	s0 =	simm.s32 @p1 $0x1  }
0x15: {  	[smem:$0x3FB9] =	sst s0;
	s0 =	simm.s32 @!p2 $0x0  }
0x16: {  	s3 =	sld [smem:$0x3FDB];
	s0 =	simm.s32 @p2 $0x1  }
0x17: {  	s4 =	simm.s32 $0x1BF5;
	[smem:$0x3FBB] =	sst s0  }
0x18: {  	s0 =	sld [smem:$0x3F9E];
	_ =	swait.ge [sflag:s4], $0x0  }
0x19: {  	s7 =	sld [smem:$0x3F9F]  }
0x1a: {  	s8 =	sadd.s32 $0xFFFFE003, lr  }
0x1b: {  	s9 =	sadd.s32 $0xFFFFFEF7, lr;
	s5 =	simm.s32 $0xFFFFFFFF;
	p2 =	slt.u32 s8, $0xFFFFF086  }
0x1c: {  	p1 =	slt.u32 s9, $0xF7A;
	s5 =	simm.s32 @!p2 $0x0  }
0x1d: {  	s5 =	simm.s32 @p1 $0x1;
	p0 =	seq.s32 s7, s2  }
0x1e: {  	s7 =	smul.u32 @!p0 $0xF7A, s2;
	p2 =	seq.s32 @!p0 s5, $0x0  }
0x1f: {  	s9 =	smul.u32 $0xF7A, s1;
	s8 =	simm.s32 @!p0 $0x1BF5;
	p2 =	por !p2, p0  }
0x20: {  	[sflag:s8] =	ssyncset.s32 @!p0 $0xFFFFF086;
	s6 =	sadd.s32 @!p0 s3, s7;
	s7 =	simm.s32 @!p0 $0x108  }
0x21: {  	s3 =	sadd.s32 s3, s9;
	s6 =	sadd.s32 @!p0 $0x88, s6;
	s7 =	simm.s32 @p2 $0x1082  }
0x22: {  	[simem:s7], [sflag:s8] =	dma.local @!p0 [hbm:s6], $0xF7A  }
0x23: {  	s9 =	sor.u32 $0xD0000000, s2;
	s6 =	simm.s32 $0x108;
	_ =	swait.ge @!p0 [sflag:s8], $0x0  }
0x24: {  	s3 =	sadd.s32 $0x88, s3;
	s6 =	simm.s32 @!p1 $0x1082;
	[sflag:s4] =	ssyncset.s32 $0xFFFFF086  }
0x25: {  	[simem:s6], [sflag:s4] =	dma.local [hbm:s3], $0xF7A  }
0x26: {  	[smem:$0x3F9F] =	sst s1;
	(tag) =	ssettag s2;
	_ =	strace s9  }
0x27: {  	s1 =	sld [smem:$0x3FAF]  }
0x28: {  	s2 =	sld [smem:$0x3FB0]  }
0x29: {  	s4 =	sld [smem:$0x3FB2]  }
0x2a: {  	p0 =	seq.s32 s5, $0x0;
	s5 =	sld [smem:$0x3FB3]  }
0x2b: {  	s6 =	sld [smem:$0x3FB4]  }
0x2c: {  	s7 =	sld [smem:$0x3FB5]  }
0x2d: {  	s3 =	simm.s32 $0x108;
	s8 =	sld [smem:$0x3FB6]  }
0x2e: {  	s3 =	simm.s32 @!p0 $0x1082;
	s9 =	sld [smem:$0x3FB7]  }
0x2f: {  	lr =	sadd.s32 s0, s3;
	s0 =	sld [smem:$0x3FAE]  }
0x30: {  	s3 =	sld [smem:$0x3FB1]  }
0x31: {  	[smem:$0x3FBA] =	sst s10  }
0x32: {  	s10 =	sld [smem:$0x3FB8];
	_ =	sdelay $0x3  }
0x33: {  	p0 =	seq.s32 s10, $0x1;
	s10 =	sld [smem:$0x3FBA];
	_ =	sdelay $0x3  }
0x34: {  	[smem:$0x3FBA] =	sst s10  }
0x35: {  	s10 =	sld [smem:$0x3FB9];
	_ =	sdelay $0x3  }
0x36: {  	p1 =	seq.s32 s10, $0x1;
	s10 =	sld [smem:$0x3FBA];
	_ =	sdelay $0x3  }
0x37: {  	[smem:$0x3FBA] =	sst s10  }
0x38: {  	s10 =	sld [smem:$0x3FBB]  }
0x39: {  	_ = 	snop;
	(pc) =	sbr.ind lr, $3  }
0x3a: {  	_ = 	snop  }
0x3b: {  	_ = 	snop  }
0x3c: {  	p2 =	seq.s32 s10, $0x1;
	s10 =	sld [smem:$0x3FBA]  }
0x3d: {  	_ =	shalt  }
0x3e: {  	_ =	shalt  }
0x3f: {  	_ =	shalt  }
0x40: {  	_ =	shalt  }
0x41: {  	_ =	shalt  }
0x42: {  	_ =	shalt  }
0x43: {  	_ =	shalt  }
0x44: {  	_ =	shalt  }
0x45: {  	_ =	shalt  }
0x46: {  	_ =	shalt  }
0x47: {  	_ =	shalt  }
0x48: {  	_ =	shalt  }
0x49: {  	_ =	shalt  }
0x4a: {  	_ =	shalt  }
0x4b: {  	_ =	shalt  }
0x4c: {  	_ =	shalt  }
0x4d: {  	_ =	shalt  }
0x4e: {  	_ =	shalt  }
0x4f: {  	_ =	shalt  }
0x50: {  	_ =	shalt  }
0x51: {  	_ =	shalt  }
0x52: {  	_ =	shalt  }
0x53: {  	_ =	shalt  }
0x54: {  	_ =	shalt  }
0x55: {  	_ =	shalt  }
0x56: {  	_ =	shalt  }
0x57: {  	_ =	shalt  }
0x58: {  	_ =	shalt  }
0x59: {  	_ =	shalt  }
0x5a: {  	_ =	shalt  }
0x5b: {  	_ =	shalt  }
0x5c: {  	_ =	shalt  }
0x5d: {  	_ =	shalt  }
0x5e: {  	_ =	shalt  }
0x5f: {  	_ =	shalt  }
0x60: {  	_ =	shalt  }
0x61: {  	_ =	shalt  }
0x62: {  	_ =	shalt  }
0x63: {  	_ =	shalt  }
0x64: {  	_ =	shalt  }
0x65: {  	_ =	shalt  }
0x66: {  	_ =	shalt  }
0x67: {  	_ =	shalt  }
0x68: {  	_ =	shalt  }
0x69: {  	_ =	shalt  }
0x6a: {  	_ =	shalt  }
0x6b: {  	_ =	shalt  }
0x6c: {  	_ =	shalt  }
0x6d: {  	_ =	shalt  }
0x6e: {  	_ =	shalt  }
0x6f: {  	_ =	shalt  }
0x70: {  	_ =	shalt  }
0x71: {  	_ =	shalt  }
0x72: {  	_ =	shalt  }
0x73: {  	_ =	shalt  }
0x74: {  	_ =	shalt  }
0x75: {  	_ =	shalt  }
0x76: {  	_ =	shalt  }
0x77: {  	_ =	shalt  }
0x78: {  	_ =	shalt  }
0x79: {  	_ =	shalt  }
0x7a: {  	_ =	shalt  }
0x7b: {  	_ =	shalt  }
0x7c: {  	_ =	shalt  }
0x7d: {  	_ =	shalt  }
0x7e: {  	_ =	shalt  }
0x7f: {  	_ =	shalt  }
0x80: {  	_ =	shalt  }
0x81: {  	_ =	shalt  }
0x82: {  	_ =	shalt  }
0x83: {  	_ =	shalt  }
0x84: {  	_ =	shalt  }
0x85: {  	_ =	shalt  }
0x86: {  	_ =	shalt  }
0x87: {  	_ =	shalt  }
.Lfunc_end0:
.L_simem_size_0:
called_computation_lowered:
.L_overlay_start_0:
0x88: {  	s2 =	sld [smem:$0x3FD9]  }
0x89: {  	s3 =	sld [smem:$0x3FFE];
	_ =	sdelay $0x1  }
0x8a: {  	s1 =	srdreg.scid  }
0x8b: {  	s0 =	sand.u32 $0x1, s1  }
0x8c: {  	s18 =	sshll.u32 s0, $0xA;
	s2 =	sadd.s32 s3, s2  }
0x8d: {  	s2 =	sadd.s32 s2, s18  }
0x8e: {  	[smem:$0x3FC6] =	sst s2  }
0x8f: {  	_ = 	snop  }
0x90: {  	s2 =	sld [smem:$0x3FC9]  }
0x91: {  	s19 =	sld [smem:$0x3FC8]  }
0x92: {  	s4 =	sld [smem:$0x3FD0];
	(tm) =	ssettm $0x1  }
0x93: {  	s5 =	sld [smem:$0x3FFB];
	_ =	sdelay $0x3  }
0x94: {  	_ =	strace s5  }
0x95: {  	s5 =	sld [smem:$0x3FFC];
	_ =	sdelay $0x3  }
0x96: {  	_ =	strace s5  }
0x97: {  	s5 =	sld [smem:$0x3FFD];
	_ =	sdelay $0x3  }
0x98: {  	_ =	strace s5  }
0x99: {  	_ =	strace $0x8FFFFFFF  }
0x9a: {  	s20 =	sld [smem:$0x3FDB];
	_ =	sdelay $0x1  }
0x9b: {  	s6 =	simm.s32 $_scs_section_size  }
0x9c: {  	s7 =	simm.s32 $_size__tile_overlayer_lowered;
	s8 =	simm.s32 $_tile_overlayer_lowered  }
0x9d: {  	s23 =	simm.s32 $0x1BFF;
	s22 =	sshll.u32 s8, $0x1;
	s5 =	sadd.s32 s6, s20  }
0x9e: {  	s9 =	simm.s32 $0x0;
	s21 =	sshll.u32 s7, $0x1;
	s7 =	sadd.s32 s22, s5  }
0x9f: {  	[timem:s9], [sflag:s23] =	dma.local [hbm:s7], s21  }
0xa0: {  	_ =	swait.ge [sflag:s23], s21  }
0xa1: {  	s6 =	ssub.s32 $0x0, s21;
	[sflag:s23] =	ssyncset.done $0x0  }
0xa2: {  	[sflag:s23] =	ssyncadd.s32 s6;
	_ =	sdelay $0x1  }
0xa3: {  	s24 =	simm.s32 $0x1B8B  }
0xa4: {  	_ =	swait.ge [sflag:s24], $0x1  }
0xa5: {  	[sflag:s24] =	ssyncset.done $0x0  }
0xa6: {  	s25 =	simm.s32 $0x1B8E;
	[sflag:s24] =	ssyncadd.s32 $0xFFFFFFFF  }
0xa7: {  	s26 =	simm.s32 $execute0_lowered;
	[smem:$0x3FD2] =	sst s25  }
0xa8: {  	s6 =	sshll.u32 s26, $0x1;
	_ =	strace $0x80000046;
	[dreg:$0x1] =	wrdreg $0xFFFFFFFF  }
0xa9: {  	s28 =	simm.s32 $_size_execute0_lowered;
	s5 =	sadd.s32 s5, s6;
	[dreg:$0x0] =	wrdreg $0x0  }
0xaa: {  	s6 =	sshll.u32 s28, $0x1;
	[dreg:$0x2] =	wrdreg s5  }
0xab: {  	[dreg:$0x3] =	wrdreg s6  }
0xac: {  	[dreg:$0x4] =	wrdreg $0xC0  }
0xad: {  	_ =	task [dreg:s9], $0x5FFFF  }
0xae: {  	[dreg:$0x1] =	wrdreg $0xFFFFFFFF  }
0xaf: {  	[dreg:$0x0] =	wrdreg $0x60  }
0xb0: {  	[dreg:$0x2] =	wrdreg s2  }
0xb1: {  	[dreg:$0x3] =	wrdreg s19  }
0xb2: {  	[dreg:$0x4] =	wrdreg s4  }
0xb3: {  	[dreg:$0x5] =	wrdreg $0x9  }
0xb4: {  	_ =	task.clear_ibuf [dreg:s9], $0x6FFFF;
	_ =	strace $0x90000046  }
0xb5: {  	s29 =	simm.s32 $0x9;
	_ =	strace $0x80000048  }
0xb6: {  	_ =	swait.ge [sflag:s29], $0x1  }
0xb7: {  	[sflag:s29] =	ssyncadd.s32 $0xFFFFFFFF  }
0xb8: {  	_ =	strace $0x90000048  }
0xb9: {  	_ =	sfence  }
0xba: {  	s30 =	sld [smem:$0x0];
	_ =	sdelay $0x2  }
0xbb: {  	s31 =	sshll.u32 s1, $0xD;
	s1 =	sshrl.u32 s1, $0x2  }
0xbc: {  	s3 =	sand.u32 $0x4000, s31;
	s1 =	sadd.s32 s1, s30  }
0xbd: {  	s0 =	sor.u32 s3, s0;
	s1 =	sshll.u32 s1, $0x11  }
0xbe: {  	s0 =	sor.u32 s1, s0  }
0xbf: {  	s0 =	sadd.s32 $0x8F2B, s0  }
0xc0: {  	[sflag:s0] =	ssyncadd.remote.s32 $0x1  }
0xc1: {  	_ =	sfence.sel $0xFFFF  }
0xc2: {  	[dreg:$0x0] =	wrdreg $0xFFFFFFFF;
	(pc) =	sbr.abs _section_cstart, $3  }
0xc3: {  	[dreg:$0x1] =	wrdreg $0xFFFFFFFF  }
0xc4: {  	_ =	task.clear_ibuf [dreg:s9], $0x2FFFF;
	_ =	strace $0x9FFFFFFF  }
0xc5: {  	(tm) =	ssettm $0x7FFFFFFF  }
tec
execute0_lowered:
.L_overlay_start_1:
0x0: {  	(tag) =	ssettag $0x1  }
0x1: {  	s4 =	rddreg [dreg:$0x0]  }
0x2: {  	s0 =	srdreg.scid;
	s5 =	rddreg [dreg:$0x1]  }
0x3: {  	s1 =	stileid.u32;
	s6 =	rddreg [dreg:$0x2]  }
0x4: {  	s24 =	simm.s32 $0x0;
	s0 =	sand.u32 $0x1, s0;
	s1 =	sshll.u32 s1, $0x9  }
0x5: {  	[smem:$0x7FF] =	sst s24;
	s2 =	sshll.u32 s0, $0x8;
	s0 =	ssub.s32 $0x2, s0  }
0x6: {  	s31 =	sadd.s32 $0x300, s6;
	s1 =	sor.u32 s2, s1;
	s25 =	sshrl.u32 s0, $0x1  }
0x7: {  	[smem:$0x7F5] =	sst s1;
	s1 =	sshrl.u32 s1, $0x3;
	s0 =	ssub.s32 s0, s25  }
0x8: {  	_ =	strace $0x80000047;
	s30 =	sor.u32 $0x2, s1;
	[smem:$0x7FD] =	sst s31  }
0x9: {  	s3 =	smul.u32 $0x300, s1;
	s1 =	sor.u32 $0x3, s1;
	[smem:$0x7FA] =	sst s30  }
0xa: {  	s0 =	smax.u32 s0, $0x1;
	[smem:$0x7FB] =	sst s1  }
0xb: {  	[smem:$0x7FC] =	sst s0;
	s26 =	sadd.s32 s5, s3  }
0xc: {  	s28 =	sadd.s32 s4, s3;
	s29 =	sor.u32 $0x300, s3;
	[smem:$0x7F6] =	sst s26  }
0xd: {  	[smem:$0x7F7] =	sst s28;
	s3 =	sadd.s32 s5, s29  }
0xe: {  	s2 =	sadd.s32 s4, s29;
	[smem:$0x7F8] =	sst s3  }
0xf: {  	[smem:$0x7F9] =	sst s2;
	s2 =	simm.s32 $0x0  }
.LBB2_1:
0x10: {  	s1 =	sld [smem:$0x7F6];
	_ =	sdelay $0x1  }
0x11: {  	s0 =	simm.s32 $0x0;
	s25 =	simm.s32 $0xC000;
	s26 =	sld [smem:$0x7F7]  }
0x12: {  	[tilespmem:s25], [sflag:$0x1] =	stream.linear.gather [hbm4b:s1+s0], $0x1800, $0x38;
	[tilespmem:$0x1B000] =	vst v63  }
0x13: {  	s28 =	simm.s32 $0x1800;
	s3 =	simm.s32 $0x600000;
	s29 =	sld [smem:$0x7F8]  }
0x14: {  	[tilespmem:s0], [sflag:$0x1] =	stream.strided.gather [hbm4b:s26+s28], $0x6000, s3, s28, $0x38;
	[tilespmem:$0x1B000] =	vst v63  }
0x15: {  	s4 =	simm.s32 $0xD800;
	s30 =	sld [smem:$0x7F9]  }
0x16: {  	[tilespmem:s4], [sflag:$0x2] =	stream.linear.gather [hbm4b:s29+s0], $0x1800, $0x38;
	[tilespmem:$0x1B000] =	vst v63  }
0x17: {  	[smem:$0x7F4] =	sst s2;
	s31 =	simm.s32 $0x6000;
	s1 =	simm.s32 $0x0  }
0x18: {  	[tilespmem:s31], [sflag:$0x2] =	stream.strided.gather [hbm4b:s30+s28], $0x6000, s3, s28, $0x38;
	[tilespmem:$0x1B000] =	vst v63  }
.LBB2_2:
0x19: {  	[smem:$0x7F2] =	sst s1;
	s0 =	simm.s32 $0x1  }
0x1a: {  	_ =	swait.ge [sflag:s0], $0x1800  }
0x1b: {  	[sflag:s0] =	ssyncset.done $0x0  }
0x1c: {  	[sflag:s0] =	ssyncadd.s32 $0xFFFFE800  }
0x1d: {  	_ =	swait.ge [sflag:s0], $0x6000  }
0x1e: {  	p1 =	seq.s32 s1, $0x0;
	[sflag:s0] =	ssyncset.done $0x0  }
0x1f: {  	s16 =	simm.s32 $0x0;
	[sflag:s0] =	ssyncadd.s32 $0xFFFFA000;
	s0 =	simm.s32 @!p1 $0x3  }
0x20: {  	s8 =	sand.u32 $0x60, s16;
	_ =	swait.ge @!p1 [sflag:s0], $0x6000  }
0x21: {  	s21 =	sand.u32 $0x1C00, s16;
	s12 =	sor.u32 $0x10, s8;
	[sflag:s0] =	ssyncset.done @!p1 $0x0  }
0x22: {  	s6 =	sor.u32 s21, s12;
	[sflag:s0] =	ssyncadd.s32 @!p1 $0xFFFFA000  }
0x23: {  	v0 =	vld [tilespmem:s6+$0xC000]  }
0x24: {  	v1 =	vld [tilespmem:s6+$0x0];
	_ =	sdelay $0x4  }
0x25: {  	v1 =	vadd.f32 v1, v0  }
0x26: {  	s17 =	sadd.s32 $0x1800, s21  }
0x27: {  	s2 =	sor.u32 s12, s17;
	[tilespmem:s6+$0xF000] =	vst v1  }
0x28: {  	v1 =	vld [tilespmem:s2+$0x0];
	_ =	sdelay $0x4  }
0x29: {  	v1 =	vadd.f32 v1, v0  }
0x2a: {  	s3 =	sadd.s32 $0x3000, s21  }
0x2b: {  	s18 =	sor.u32 s12, s3;
	[tilespmem:s2+$0xF000] =	vst v1  }
0x2c: {  	v1 =	vld [tilespmem:s18+$0x0];
	_ =	sdelay $0x2  }
0x2d: {  	s4 =	sor.u32 s8, s21  }
0x2e: {  	v2 =	vld [tilespmem:s4+$0xC000]  }
0x2f: {  	v3 =	vld [tilespmem:s4+$0x0];
	v1 =	vadd.f32 v1, v0  }
0x30: {  	s5 =	sadd.s32 $0x4800, s21  }
0x31: {  	s19 =	sor.u32 s12, s5;
	[tilespmem:s18+$0xF000] =	vst v1  }
0x32: {  	v1 =	vld [tilespmem:s19+$0x0];
	_ =	sdelay $0x1  }
0x33: {  	v3 =	vadd.f32 v3, v2;
	_ =	sdelay $0x1  }
0x34: {  	s0 =	sor.u32 s8, s17;
	[tilespmem:s4+$0xF000] =	vst v3  }
0x35: {  	v3 =	vld [tilespmem:s0+$0x0];
	v0 =	vadd.f32 v1, v0;
	_ =	sdelay $0x1  }
0x36: {  	[tilespmem:s19+$0xF000] =	vst v0  }
0x37: {  	v0 =	vld [tilespmem:s6+$0xC080]  }
0x38: {  	v1 =	vld [tilespmem:s6+$0x80]  }
0x39: {  	v3 =	vadd.f32 v3, v2;
	_ =	sdelay $0x1  }
0x3a: {  	s20 =	sor.u32 s8, s3;
	[tilespmem:s0+$0xF000] =	vst v3  }
0x3b: {  	v3 =	vld [tilespmem:s20+$0x0]  }
0x3c: {  	v1 =	vadd.f32 v1, v0  }
0x3d: {  	s22 =	sadd.s32 $0x1880, s21  }
0x3e: {  	s23 =	sor.u32 s12, s22;
	[tilespmem:s6+$0xF080] =	vst v1  }
0x3f: {  	v1 =	vld [tilespmem:s23+$0x0]  }
0x40: {  	v3 =	vadd.f32 v3, v2;
	_ =	sdelay $0x1  }
0x41: {  	s5 =	sor.u32 s8, s5;
	[tilespmem:s20+$0xF000] =	vst v3  }
0x42: {  	v3 =	vld [tilespmem:s5+$0x0]  }
0x43: {  	v1 =	vadd.f32 v1, v0  }
0x44: {  	s24 =	sadd.s32 $0x3080, s21  }
0x45: {  	s25 =	sor.u32 s12, s24;
	[tilespmem:s23+$0xF000] =	vst v1  }
0x46: {  	v1 =	vld [tilespmem:s25+$0x0]  }
0x47: {  	v2 =	vadd.f32 v3, v2;
	_ =	sdelay $0x1  }
0x48: {  	[tilespmem:s5+$0xF000] =	vst v2  }
0x49: {  	v2 =	vld [tilespmem:s4+$0xC080]  }
0x4a: {  	v3 =	vld [tilespmem:s4+$0x80];
	v1 =	vadd.f32 v1, v0  }
0x4b: {  	s7 =	sadd.s32 $0x4880, s21  }
0x4c: {  	s26 =	sor.u32 s12, s7;
	[tilespmem:s25+$0xF000] =	vst v1  }
0x4d: {  	v1 =	vld [tilespmem:s26+$0x0];
	_ =	sdelay $0x1  }
0x4e: {  	v3 =	vadd.f32 v3, v2;
	_ =	sdelay $0x1  }
0x4f: {  	s0 =	sor.u32 s8, s22;
	[tilespmem:s4+$0xF080] =	vst v3  }
0x50: {  	v3 =	vld [tilespmem:s0+$0x0];
	v0 =	vadd.f32 v1, v0;
	_ =	sdelay $0x1  }
0x51: {  	[tilespmem:s26+$0xF000] =	vst v0  }
0x52: {  	v0 =	vld [tilespmem:s6+$0xC100]  }
0x53: {  	v1 =	vld [tilespmem:s6+$0x100]  }
0x54: {  	v3 =	vadd.f32 v3, v2;
	_ =	sdelay $0x1  }
0x55: {  	s2 =	sor.u32 s8, s24;
	[tilespmem:s0+$0xF000] =	vst v3  }
0x56: {  	v3 =	vld [tilespmem:s2+$0x0]  }
0x57: {  	v1 =	vadd.f32 v1, v0  }
0x58: {  	s28 =	sadd.s32 $0x1900, s21  }
0x59: {  	s13 =	sor.u32 s12, s28;
	[tilespmem:s6+$0xF100] =	vst v1  }
0x5a: {  	v1 =	vld [tilespmem:s13+$0x0]  }
0x5b: {  	s14 =	simm.s32 $0x20;
	v3 =	vadd.f32 v3, v2  }
0x5c: {  	s15 =	simm.s32 $0x100;
	s3 =	smov.u32 s8;
	s19 =	sand.u32 $0x60, s14  }
0x5d: {  	s11 =	sand.u32 $0x1C00, s15;
	s9 =	sor.u32 s3, s7;
	[tilespmem:s2+$0xF000] =	vst v3;
	s26 =	sor.u32 $0x10, s19  }
0x5e: {  	v3 =	vld [tilespmem:s9+$0x0];
	s29 =	sor.u32 s11, s26  }
0x5f: {  	v4 =	vld [tilespmem:s29+$0xC000];
	v1 =	vadd.f32 v1, v0  }
0x60: {  	s16 =	sadd.s32 $0x3100, s21;
	v5 =	vld [tilespmem:s29+$0x0]  }
0x61: {  	s17 =	sor.u32 s12, s16;
	[tilespmem:s13+$0xF000] =	vst v1  }
0x62: {  	v1 =	vld [tilespmem:s17+$0x0]  }
0x63: {  	v2 =	vadd.f32 v3, v2;
	_ =	sdelay $0x1  }
0x64: {  	[tilespmem:s9+$0xF000] =	vst v2;
	v2 =	vadd.f32 v5, v4  }
0x65: {  	s18 =	sadd.s32 $0x1800, s11;
	v3 =	vld [tilespmem:s4+$0xC100]  }
0x66: {  	s10 =	sor.u32 s26, s18;
	v5 =	vld [tilespmem:s4+$0x100];
	[tilespmem:s29+$0xF000] =	vst v2;
	v1 =	vadd.f32 v1, v0  }
0x67: {  	v2 =	vld [tilespmem:s10+$0x0];
	s13 =	sadd.s32 $0x4900, s21  }
0x68: {  	s20 =	sor.u32 s12, s13;
	[tilespmem:s17+$0xF000] =	vst v1  }
0x69: {  	s14 =	sor.u32 s19, s11;
	v1 =	vld [tilespmem:s20+$0x0]  }
0x6a: {  	v6 =	vld [tilespmem:s14+$0xC000]  }
0x6b: {  	v7 =	vld [tilespmem:s14+$0x0];
	v5 =	vadd.f32 v5, v3  }
0x6c: {  	v2 =	vadd.f32 v2, v4  }
0x6d: {  	s15 =	sadd.s32 $0x3000, s11;
	s0 =	sor.u32 s3, s28;
	[tilespmem:s4+$0xF100] =	vst v5  }
0x6e: {  	s22 =	sor.u32 s26, s15;
	v5 =	vld [tilespmem:s0+$0x0];
	[tilespmem:s10+$0xF000] =	vst v2;
	v0 =	vadd.f32 v1, v0  }
0x6f: {  	v1 =	vld [tilespmem:s22+$0x0]  }
0x70: {  	v2 =	vadd.f32 v7, v6;
	[tilespmem:s20+$0xF000] =	vst v0  }
0x71: {  	v0 =	vld [tilespmem:s6+$0xC180]  }
0x72: {  	s23 =	sor.u32 s19, s18;
	[tilespmem:s14+$0xF000] =	vst v2;
	v2 =	vld [tilespmem:s6+$0x180]  }
0x73: {  	v7 =	vld [tilespmem:s23+$0x0];
	v5 =	vadd.f32 v5, v3  }
0x74: {  	v1 =	vadd.f32 v1, v4  }
0x75: {  	s24 =	sadd.s32 $0x4800, s11;
	s2 =	sor.u32 s3, s16;
	[tilespmem:s0+$0xF000] =	vst v5  }
0x76: {  	s25 =	sor.u32 s26, s24;
	v5 =	vld [tilespmem:s2+$0x0];
	[tilespmem:s22+$0xF000] =	vst v1  }
0x77: {  	v1 =	vld [tilespmem:s25+$0x0];
	v2 =	vadd.f32 v2, v0  }
0x78: {  	s28 =	sadd.s32 $0x1980, s21;
	v7 =	vadd.f32 v7, v6  }
0x79: {  	s16 =	sor.u32 s12, s28;
	[tilespmem:s6+$0xF180] =	vst v2  }
0x7a: {  	s15 =	sor.u32 s19, s15;
	[tilespmem:s23+$0xF000] =	vst v7;
	v2 =	vld [tilespmem:s16+$0x0]  }
0x7b: {  	v5 =	vadd.f32 v5, v3;
	v7 =	vld [tilespmem:s15+$0x0]  }
0x7c: {  	v1 =	vadd.f32 v1, v4  }
0x7d: {  	s5 =	sor.u32 s3, s13;
	[tilespmem:s2+$0xF000] =	vst v5  }
0x7e: {  	v4 =	vld [tilespmem:s5+$0x0];
	[tilespmem:s25+$0xF000] =	vst v1  }
0x7f: {  	v1 =	vld [tilespmem:s29+$0xC080];
	v2 =	vadd.f32 v2, v0  }
0x80: {  	s7 =	sadd.s32 $0x3180, s21;
	v5 =	vadd.f32 v7, v6;
	v7 =	vld [tilespmem:s29+$0x80]  }
0x81: {  	s13 =	sor.u32 s12, s7;
	[tilespmem:s16+$0xF000] =	vst v2  }
0x82: {  	s0 =	sor.u32 s19, s24;
	[tilespmem:s15+$0xF000] =	vst v5;
	v2 =	vld [tilespmem:s13+$0x0]  }
0x83: {  	v3 =	vadd.f32 v4, v3;
	v4 =	vld [tilespmem:s0+$0x0];
	_ =	sdelay $0x1  }
0x84: {  	[tilespmem:s5+$0xF000] =	vst v3;
	v3 =	vadd.f32 v7, v1  }
0x85: {  	s15 =	sadd.s32 $0x1880, s11;
	v5 =	vld [tilespmem:s4+$0xC180]  }
0x86: {  	s16 =	sor.u32 s26, s15;
	v7 =	vld [tilespmem:s4+$0x180];
	[tilespmem:s29+$0xF080] =	vst v3;
	v2 =	vadd.f32 v2, v0  }
0x87: {  	s17 =	sadd.s32 $0x4980, s21;
	v3 =	vadd.f32 v4, v6;
	v4 =	vld [tilespmem:s16+$0x0]  }
0x88: {  	s18 =	sor.u32 s12, s17;
	[tilespmem:s13+$0xF000] =	vst v2  }
0x89: {  	[tilespmem:s0+$0xF000] =	vst v3;
	v2 =	vld [tilespmem:s18+$0x0]  }
0x8a: {  	v3 =	vld [tilespmem:s14+$0xC080]  }
0x8b: {  	v6 =	vadd.f32 v7, v5;
	v7 =	vld [tilespmem:s14+$0x80]  }
0x8c: {  	v4 =	vadd.f32 v4, v1  }
0x8d: {  	s20 =	sor.u32 s3, s28;
	s22 =	sadd.s32 $0x3080, s11;
	[tilespmem:s4+$0xF180] =	vst v6  }
0x8e: {  	s23 =	sor.u32 s26, s22;
	v6 =	vld [tilespmem:s20+$0x0];
	[tilespmem:s16+$0xF000] =	vst v4;
	v0 =	vadd.f32 v2, v0  }
0x8f: {  	v2 =	vld [tilespmem:s23+$0x0]  }
0x90: {  	v4 =	vadd.f32 v7, v3;
	[tilespmem:s18+$0xF000] =	vst v0  }
0x91: {  	v0 =	vld [tilespmem:s6+$0xC200]  }
0x92: {  	s8 =	sor.u32 s19, s15;
	[tilespmem:s14+$0xF080] =	vst v4;
	v4 =	vld [tilespmem:s6+$0x200]  }
0x93: {  	v6 =	vadd.f32 v6, v5;
	v7 =	vld [tilespmem:s8+$0x0]  }
0x94: {  	v2 =	vadd.f32 v2, v1  }
0x95: {  	s24 =	sadd.s32 $0x4880, s11;
	s2 =	sor.u32 s3, s7;
	[tilespmem:s20+$0xF000] =	vst v6  }
0x96: {  	s25 =	sor.u32 s26, s24;
	v6 =	vld [tilespmem:s2+$0x0];
	[tilespmem:s23+$0xF000] =	vst v2  }
0x97: {  	v2 =	vld [tilespmem:s25+$0x0];
	v4 =	vadd.f32 v4, v0  }
0x98: {  	s13 =	sadd.s32 $0x1A00, s21;
	v7 =	vadd.f32 v7, v3  }
0x99: {  	s28 =	sor.u32 s12, s13;
	[tilespmem:s6+$0xF200] =	vst v4  }
0x9a: {  	s10 =	sor.u32 s19, s22;
	[tilespmem:s8+$0xF000] =	vst v7;
	v4 =	vld [tilespmem:s28+$0x0]  }
0x9b: {  	v6 =	vadd.f32 v6, v5;
	v7 =	vld [tilespmem:s10+$0x0]  }
0x9c: {  	v1 =	vadd.f32 v2, v1  }
0x9d: {  	s5 =	sor.u32 s3, s17;
	[tilespmem:s2+$0xF000] =	vst v6  }
0x9e: {  	v2 =	vld [tilespmem:s5+$0x0];
	[tilespmem:s25+$0xF000] =	vst v1  }
0x9f: {  	v1 =	vld [tilespmem:s29+$0xC100];
	v4 =	vadd.f32 v4, v0  }
0xa0: {  	s2 =	sadd.s32 $0x3200, s21;
	v6 =	vadd.f32 v7, v3;
	v7 =	vld [tilespmem:s29+$0x100]  }
0xa1: {  	s15 =	sor.u32 s12, s2;
	[tilespmem:s28+$0xF000] =	vst v4  }
0xa2: {  	v4 =	vld [tilespmem:s15+$0x0]  }
0xa3: {  	s16 =	sor.u32 s19, s24;
	[tilespmem:s10+$0xF000] =	vst v6;
	v2 =	vadd.f32 v2, v5  }
0xa4: {  	v5 =	vld [tilespmem:s16+$0x0]  }
0xa5: {  	[tilespmem:s5+$0xF000] =	vst v2;
	v2 =	vadd.f32 v7, v1  }
0xa6: {  	s17 =	sadd.s32 $0x1900, s11;
	v6 =	vld [tilespmem:s4+$0xC200]  }
0xa7: {  	s7 =	smov.u32 s3;
	s18 =	sor.u32 s26, s17;
	s20 =	simm.s32 $0x40;
	v7 =	vld [tilespmem:s4+$0x200];
	[tilespmem:s29+$0xF100] =	vst v2;
	v2 =	vadd.f32 v4, v0  }
0xa8: {  	s0 =	sadd.s32 $0x4A00, s21;
	s23 =	sand.u32 $0x60, s20;
	s25 =	simm.s32 $0x200;
	v4 =	vld [tilespmem:s18+$0x0]  }
0xa9: {  	s22 =	sor.u32 s12, s0;
	s3 =	sand.u32 $0x1C00, s25;
	s5 =	sor.u32 $0x10, s23;
	v3 =	vadd.f32 v5, v3;
	[tilespmem:s15+$0xF000] =	vst v2  }
0xaa: {  	s24 =	sor.u32 s3, s5;
	v2 =	vld [tilespmem:s22+$0x0]  }
0xab: {  	v8 =	vld [tilespmem:s24+$0xC000];
	[tilespmem:s16+$0xF000] =	vst v3  }
0xac: {  	v3 =	vld [tilespmem:s14+$0xC100];
	v5 =	vadd.f32 v7, v6  }
0xad: {  	v7 =	vld [tilespmem:s14+$0x100];
	v4 =	vadd.f32 v4, v1  }
0xae: {  	s13 =	sor.u32 s7, s13;
	s28 =	sadd.s32 $0x3100, s11;
	[tilespmem:s4+$0xF200] =	vst v5;
	v5 =	vld [tilespmem:s24+$0x0]  }
0xaf: {  	v9 =	vld [tilespmem:s13+$0x0];
	[tilespmem:s18+$0xF000] =	vst v4;
	s18 =	sor.u32 s26, s28;
	v0 =	vadd.f32 v2, v0  }
0xb0: {  	s20 =	sor.u32 s23, s3;
	v2 =	vld [tilespmem:s18+$0x0]  }
0xb1: {  	[tilespmem:s22+$0xF000] =	vst v0;
	v0 =	vld [tilespmem:s20+$0xC000]  }
0xb2: {  	v4 =	vadd.f32 v7, v3;
	v7 =	vld [tilespmem:s6+$0xC280]  }
0xb3: {  	v5 =	vadd.f32 v5, v8;
	v10 =	vld [tilespmem:s6+$0x280]  }
0xb4: {  	s8 =	sor.u32 s19, s17;
	s25 =	sadd.s32 $0x1800, s3;
	[tilespmem:s14+$0xF100] =	vst v4;
	v4 =	vadd.f32 v9, v6;
	v9 =	vld [tilespmem:s20+$0x0]  }
0xb5: {  	s17 =	sor.u32 s5, s25;
	v11 =	vld [tilespmem:s8+$0x0];
	[tilespmem:s24+$0xF000] =	vst v5;
	v2 =	vadd.f32 v2, v1  }
0xb6: {  	s2 =	sor.u32 s7, s2;
	[tilespmem:s13+$0xF000] =	vst v4;
	v4 =	vld [tilespmem:s17+$0x0];
	s13 =	sadd.s32 $0x4900, s11  }
0xb7: {  	s10 =	sor.u32 s26, s13;
	[tilespmem:s18+$0xF000] =	vst v2;
	v2 =	vld [tilespmem:s2+$0x0]  }
0xb8: {  	v5 =	vld [tilespmem:s10+$0x0];
	v10 =	vadd.f32 v10, v7  }
0xb9: {  	s9 =	sadd.s32 $0x1A80, s21;
	v9 =	vadd.f32 v9, v0  }
0xba: {  	[tilespmem:s6+$0xF280] =	vst v10;
	v10 =	vadd.f32 v11, v3;
	s6 =	sor.u32 s12, s9  }
0xbb: {  	s16 =	sor.u32 s23, s25;
	[tilespmem:s20+$0xF000] =	vst v9;
	v4 =	vadd.f32 v4, v8;
	v9 =	vld [tilespmem:s6+$0x0]  }
0xbc: {  	s28 =	sor.u32 s19, s28;
	s18 =	sadd.s32 $0x3000, s3;
	[tilespmem:s8+$0xF000] =	vst v10;
	v10 =	vld [tilespmem:s16+$0x0];
	v2 =	vadd.f32 v2, v6  }
0xbd: {  	s25 =	sor.u32 s5, s18;
	[tilespmem:s17+$0xF000] =	vst v4;
	v4 =	vld [tilespmem:s28+$0x0];
	v1 =	vadd.f32 v5, v1  }
0xbe: {  	s0 =	sor.u32 s7, s0;
	[tilespmem:s2+$0xF000] =	vst v2;
	v2 =	vld [tilespmem:s25+$0x0]  }
0xbf: {  	[tilespmem:s10+$0xF000] =	vst v1;
	v1 =	vld [tilespmem:s0+$0x0]  }
0xc0: {  	v5 =	vld [tilespmem:s29+$0xC180];
	v9 =	vadd.f32 v9, v7  }
0xc1: {  	s2 =	sadd.s32 $0x3280, s21;
	v11 =	vld [tilespmem:s29+$0x180];
	v10 =	vadd.f32 v10, v0  }
0xc2: {  	s10 =	sor.u32 s12, s2;
	[tilespmem:s6+$0xF000] =	vst v9;
	v4 =	vadd.f32 v4, v3  }
0xc3: {  	s15 =	sor.u32 s23, s18;
	[tilespmem:s16+$0xF000] =	vst v10;
	v2 =	vadd.f32 v2, v8;
	v9 =	vld [tilespmem:s10+$0x0]  }
0xc4: {  	s13 =	sor.u32 s19, s13;
	[tilespmem:s28+$0xF000] =	vst v4;
	v4 =	vld [tilespmem:s15+$0x0];
	s28 =	sadd.s32 $0x4800, s3  }
0xc5: {  	v1 =	vadd.f32 v1, v6;
	[tilespmem:s25+$0xF000] =	vst v2;
	v2 =	vld [tilespmem:s13+$0x0];
	s16 =	sor.u32 s5, s28  }
0xc6: {  	v10 =	vadd.f32 v11, v5;
	v6 =	vld [tilespmem:s16+$0x0]  }
0xc7: {  	s17 =	sadd.s32 $0x1980, s11;
	[tilespmem:s0+$0xF000] =	vst v1  }
0xc8: {  	s18 =	sor.u32 s26, s17;
	v1 =	vld [tilespmem:s4+$0xC280];
	[tilespmem:s29+$0xF180] =	vst v10;
	v9 =	vadd.f32 v9, v7  }
0xc9: {  	s8 =	sadd.s32 $0x4A80, s21;
	v10 =	vld [tilespmem:s18+$0x0];
	v4 =	vadd.f32 v4, v0  }
0xca: {  	s25 =	sor.u32 s12, s8;
	[tilespmem:s10+$0xF000] =	vst v9;
	v9 =	vld [tilespmem:s4+$0x280];
	v2 =	vadd.f32 v2, v3  }
0xcb: {  	s28 =	sor.u32 s23, s28;
	[tilespmem:s15+$0xF000] =	vst v4;
	v3 =	vadd.f32 v6, v8;
	v4 =	vld [tilespmem:s25+$0x0]  }
0xcc: {  	[tilespmem:s13+$0xF000] =	vst v2;
	v2 =	vld [tilespmem:s28+$0x0]  }
0xcd: {  	s1 =	simm.s32 $0x0;
	[tilespmem:s16+$0xF000] =	vst v3;
	v3 =	vld [tilespmem:s14+$0xC180]  }
0xce: {  	s15 =	sand.u32 $0x3, s1;
	v8 =	vadd.f32 v10, v5;
	v6 =	vld [tilespmem:s24+$0xC080]  }
0xcf: {  	s13 =	sshll.u32 s15, $0x5;
	s15 =	sadd.s32 $0x3180, s11;
	v10 =	vld [tilespmem:s24+$0x80];
	v9 =	vadd.f32 v9, v1  }
0xd0: {  	s0 =	sadd.s32 $0x0, s13;
	s16 =	sor.u32 s26, s15;
	[tilespmem:s18+$0xF000] =	vst v8;
	v8 =	vld [tilespmem:s14+$0x180];
	v4 =	vadd.f32 v4, v7  }
0xd1: {  	s9 =	sor.u32 s7, s9;
	v7 =	vld [tilespmem:s16+$0x0];
	[tilespmem:s4+$0xF280] =	vst v9;
	s4 =	sadd.s32 $0x10, s0  }
0xd2: {  	v0 =	vadd.f32 v2, v0;
	[tilespmem:s25+$0xF000] =	vst v4;
	v2 =	vld [tilespmem:s9+$0x0];
	s25 =	sor.u32 $0x300, s4  }
0xd3: {  	v4 =	vld [tilespmem:s25+$0xC000]  }
0xd4: {  	[tilespmem:s28+$0xF000] =	vst v0;
	v0 =	vadd.f32 v10, v6;
	v9 =	vld [tilespmem:s25+$0x0]  }
0xd5: {  	s28 =	sadd.s32 $0x1880, s3;
	v10 =	vld [tilespmem:s20+$0xC080];
	v8 =	vadd.f32 v8, v3  }
0xd6: {  	v11 =	vld [tilespmem:s20+$0x80];
	s18 =	sor.u32 s5, s28;
	[tilespmem:s24+$0xF080] =	vst v0;
	v0 =	vadd.f32 v7, v5  }
0xd7: {  	s17 =	sor.u32 s19, s17;
	s1 =	sadd.s32 $0x4980, s11;
	[tilespmem:s14+$0xF180] =	vst v8;
	v7 =	vld [tilespmem:s18+$0x0]  }
0xd8: {  	s6 =	sor.u32 s26, s1;
	[tilespmem:s16+$0xF000] =	vst v0;
	v0 =	vadd.f32 v2, v1;
	v2 =	vld [tilespmem:s17+$0x0]  }
0xd9: {  	v8 =	vld [tilespmem:s6+$0x0];
	v9 =	vadd.f32 v9, v4  }
0xda: {  	s22 =	smov.u32 s7;
	s2 =	sor.u32 s7, s2;
	s7 =	sadd.s32 $0x1B00, s21;
	[tilespmem:s9+$0xF000] =	vst v0  }
0xdb: {  	s16 =	sor.u32 s12, s7;
	[tilespmem:s25+$0xF000] =	vst v9;
	v0 =	vld [tilespmem:s2+$0x0];
	v9 =	vadd.f32 v11, v10  }
0xdc: {  	v7 =	vadd.f32 v7, v6;
	v11 =	vld [tilespmem:s16+$0x0]  }
0xdd: {  	s10 =	sor.u32 s23, s28;
	s25 =	sadd.s32 $0x3080, s3;
	v2 =	vadd.f32 v2, v3;
	[tilespmem:s20+$0xF080] =	vst v9  }
0xde: {  	s28 =	sor.u32 s5, s25;
	[tilespmem:s18+$0xF000] =	vst v7;
	v7 =	vld [tilespmem:s10+$0x0];
	v5 =	vadd.f32 v8, v5  }
0xdf: {  	s15 =	sor.u32 s19, s15;
	[tilespmem:s17+$0xF000] =	vst v2;
	v2 =	vld [tilespmem:s28+$0x0]  }
0xe0: {  	[tilespmem:s6+$0xF000] =	vst v5;
	v0 =	vadd.f32 v0, v1;
	v5 =	vld [tilespmem:s15+$0x0]  }
0xe1: {  	v8 =	vld [tilespmem:s29+$0xC200];
	v9 =	vadd.f32 v11, v4  }
0xe2: {  	s8 =	sor.u32 s22, s8;
	[tilespmem:s2+$0xF000] =	vst v0;
	v0 =	vld [tilespmem:s29+$0x200]  }
0xe3: {  	s2 =	sadd.s32 $0x3300, s21;
	[tilespmem:s16+$0xF000] =	vst v9;
	v9 =	vld [tilespmem:s8+$0x0];
	v7 =	vadd.f32 v7, v10  }
0xe4: {  	s6 =	sor.u32 s12, s2;
	v2 =	vadd.f32 v2, v6  }
0xe5: {  	v11 =	vld [tilespmem:s6+$0x0];
	[tilespmem:s10+$0xF000] =	vst v7  }
0xe6: {  	s13 =	sadd.s32 $0x4880, s3;
	s10 =	sor.u32 s23, s25;
	[tilespmem:s28+$0xF000] =	vst v2;
	v2 =	vadd.f32 v5, v3  }
0xe7: {  	s16 =	sor.u32 s5, s13;
	v5 =	vld [tilespmem:s10+$0x0];
	v0 =	vadd.f32 v0, v8  }
0xe8: {  	v7 =	vld [tilespmem:s16+$0x0];
	[tilespmem:s15+$0xF000] =	vst v2;
	v1 =	vadd.f32 v9, v1  }
0xe9: {  	s18 =	sor.u32 s19, s1;
	s17 =	sadd.s32 $0x1A00, s11;
	[tilespmem:s29+$0xF200] =	vst v0  }
0xea: {  	s1 =	sadd.s32 $0x4B00, s21;
	s25 =	sor.u32 s26, s17;
	v2 =	vld [tilespmem:s18+$0x0];
	v0 =	vadd.f32 v11, v4;
	[tilespmem:s8+$0xF000] =	vst v1  }
0xeb: {  	s28 =	sor.u32 $0x300, s0;
	v1 =	vld [tilespmem:s25+$0x0];
	[smem:$0x7EE] =	sst s1  }
0xec: {  	v5 =	vadd.f32 v5, v10;
	[tilespmem:s6+$0xF000] =	vst v0;
	v0 =	vld [tilespmem:s28+$0xC000];
	s6 =	sor.u32 s12, s1  }
0xed: {  	v6 =	vadd.f32 v7, v6;
	v7 =	vld [tilespmem:s6+$0x0]  }
0xee: {  	s13 =	sor.u32 s23, s13;
	[tilespmem:s10+$0xF000] =	vst v5;
	v5 =	vld [tilespmem:s28+$0x0]  }
0xef: {  	[tilespmem:s16+$0xF000] =	vst v6;
	v2 =	vadd.f32 v2, v3;
	v3 =	vld [tilespmem:s13+$0x0]  }
0xf0: {  	v6 =	vld [tilespmem:s24+$0xC100];
	v1 =	vadd.f32 v1, v8  }
0xf1: {  	s15 =	sadd.s32 $0x3200, s11;
	v9 =	vld [tilespmem:s24+$0x100];
	[tilespmem:s18+$0xF000] =	vst v2  }
0xf2: {  	s18 =	sor.u32 s26, s15;
	[tilespmem:s25+$0xF000] =	vst v1;
	v1 =	vld [tilespmem:s14+$0xC200];
	v2 =	vadd.f32 v7, v4  }
0xf3: {  	v4 =	vld [tilespmem:s18+$0x0]  }
0xf4: {  	s25 =	sor.u32 $0x380, s4;
	v5 =	vadd.f32 v5, v0;
	v7 =	vld [tilespmem:s14+$0x200];
	[tilespmem:s6+$0xF000] =	vst v2  }
0xf5: {  	v3 =	vadd.f32 v3, v10;
	v2 =	vld [tilespmem:s25+$0xC000]  }
0xf6: {  	s0 =	sor.u32 s22, s7;
	[tilespmem:s28+$0xF000] =	vst v5;
	v5 =	vadd.f32 v9, v6;
	v9 =	vld [tilespmem:s25+$0x0]  }
0xf7: {  	s6 =	smov.u32 s5;
	s5 =	smov.u32 s22;
	s22 =	sadd.s32 $0x1900, s3;
	v10 =	vld [tilespmem:s0+$0x0];
	[tilespmem:s13+$0xF000] =	vst v3  }
0xf8: {  	s28 =	sor.u32 s6, s22;
	v3 =	vld [tilespmem:s20+$0xC100];
	[tilespmem:s24+$0xF100] =	vst v5;
	v4 =	vadd.f32 v4, v8  }
0xf9: {  	s9 =	sadd.s32 $0x1B80, s21;
	s7 =	simm.s32 $0x60;
	s10 =	sadd.s32 $0x4A00, s11;
	v5 =	vadd.f32 v7, v1;
	v7 =	vld [tilespmem:s28+$0x0]  }
0xfa: {  	s8 =	simm.s32 $0x300;
	s16 =	sand.u32 $0x60, s7;
	s30 =	sor.u32 s26, s10;
	[tilespmem:s18+$0xF000] =	vst v4;
	v4 =	vld [tilespmem:s20+$0x100]  }
0xfb: {  	s31 =	sor.u32 s19, s17;
	s4 =	sand.u32 $0x1C00, s8;
	s8 =	sor.u32 $0x10, s16;
	[tilespmem:s14+$0xF200] =	vst v5;
	v5 =	vld [tilespmem:s30+$0x0]  }
0xfc: {  	s13 =	sor.u32 s4, s8;
	v9 =	vadd.f32 v9, v2;
	v11 =	vld [tilespmem:s31+$0x0];
	[smem:$0x7F0] =	sst s9  }
0xfd: {  	v13 =	vld [tilespmem:s13+$0x0]  }
0xfe: {  	s18 =	sor.u32 s12, s9;
	[tilespmem:s25+$0xF000] =	vst v9;
	v9 =	vld [tilespmem:s13+$0xC000];
	v7 =	vadd.f32 v7, v6  }
0xff: {  	s1 =	sadd.s32 $0x3100, s3;
	v10 =	vadd.f32 v10, v0;
	s25 =	sor.u32 s16, s4;
	v12 =	vld [tilespmem:s18+$0x0]  }
0x100: {  	[tilespmem:s28+$0xF000] =	vst v7;
	v7 =	vld [tilespmem:s25+$0xC000];
	s28 =	sor.u32 s6, s1;
	v5 =	vadd.f32 v5, v8  }
0x101: {  	[tilespmem:s0+$0xF000] =	vst v10;
	v4 =	vadd.f32 v4, v3;
	v8 =	vld [tilespmem:s28+$0x0]  }
0x102: {  	[tilespmem:s30+$0xF000] =	vst v5;
	v5 =	vld [tilespmem:s25+$0x0]  }
0x103: {  	[tilespmem:s20+$0xF100] =	vst v4;
	v14 =	vld [tilespmem:s29+$0xC280]  }
0x104: {  	s22 =	sor.u32 s23, s22;
	v4 =	vadd.f32 v13, v9;
	v47 =	vld [tilespmem:s29+$0x280];
	[smem:$0x7EF] =	sst s5  }
0x105: {  	v10 =	vadd.f32 v11, v1;
	s30 =	sor.u32 s5, s2;
	v11 =	vld [tilespmem:s22+$0x0]  }
0x106: {  	v15 =	vld [tilespmem:s30+$0x0];
	[tilespmem:s13+$0xF000] =	vst v4;
	v4 =	vadd.f32 v8, v6  }
0x107: {  	s17 =	sadd.s32 $0x1800, s4;
	[tilespmem:s31+$0xF000] =	vst v10;
	v8 =	vadd.f32 v12, v2  }
0x108: {  	s7 =	sor.u32 s8, s17;
	[tilespmem:s28+$0xF000] =	vst v4;
	v4 =	vadd.f32 v5, v7  }
0x109: {  	s15 =	sor.u32 s19, s15;
	s9 =	smov.u32 s5;
	s5 =	sadd.s32 $0x4900, s3;
	v10 =	vld [tilespmem:s7+$0x0];
	[tilespmem:s18+$0xF000] =	vst v8;
	v48 =	vadd.f32 v47, v14  }
0x10a: {  	v5 =	vld [tilespmem:s15+$0x0];
	s28 =	sor.u32 s6, s5;
	[tilespmem:s25+$0xF000] =	vst v4;
	v4 =	vadd.f32 v11, v3  }
0x10b: {  	v8 =	vld [tilespmem:s28+$0x0];
	v11 =	vadd.f32 v15, v0;
	[tilespmem:s29+$0xF280] =	vst v48  }
0x10c: {  	s0 =	sor.u32 s16, s17;
	s2 =	sadd.s32 $0x1A80, s11;
	[tilespmem:s22+$0xF000] =	vst v4  }
0x10d: {  	v50 =	vld [tilespmem:s0+$0x0];
	s29 =	sor.u32 s26, s2;
	[tilespmem:s30+$0xF000] =	vst v11  }
0x10e: {  	s1 =	sor.u32 s23, s1;
	s31 =	sadd.s32 $0x3380, s21;
	v4 =	vadd.f32 v10, v9;
	v10 =	vld [tilespmem:s29+$0x0];
	s22 =	sld [smem:$0x7EE]  }
0x10f: {  	s18 =	sor.u32 s12, s31;
	v11 =	vld [tilespmem:s1+$0x0];
	v5 =	vadd.f32 v5, v1  }
0x110: {  	v49 =	vld [tilespmem:s18+$0x0];
	[tilespmem:s7+$0xF000] =	vst v4;
	v4 =	vadd.f32 v8, v6  }
0x111: {  	s10 =	sor.u32 s19, s10;
	[tilespmem:s15+$0xF000] =	vst v5;
	s17 =	sor.u32 s9, s22;
	s22 =	sadd.s32 $0x3000, s4  }
0x112: {  	[tilespmem:s28+$0xF000] =	vst v4;
	v4 =	vadd.f32 v50, v7;
	v6 =	vld [tilespmem:s10+$0x0];
	s9 =	sor.u32 s8, s22  }
0x113: {  	v10 =	vadd.f32 v10, v14;
	v5 =	vld [tilespmem:s9+$0x0]  }
0x114: {  	v51 =	vld [tilespmem:s17+$0x0];
	[tilespmem:s0+$0xF000] =	vst v4;
	v4 =	vadd.f32 v11, v3  }
0x115: {  	v8 =	vld [tilespmem:s24+$0xC180];
	[tilespmem:s29+$0xF000] =	vst v10;
	v10 =	vadd.f32 v49, v2  }
0x116: {  	s15 =	sadd.s32 $0x3280, s11;
	s0 =	sor.u32 s16, s22;
	v11 =	vld [tilespmem:s24+$0x180];
	s22 =	sadd.s32 $0x4B80, s21;
	[tilespmem:s1+$0xF000] =	vst v4  }
0x117: {  	v52 =	vld [tilespmem:s0+$0x0];
	s29 =	sor.u32 s26, s15;
	s21 =	sor.u32 s12, s22;
	[tilespmem:s18+$0xF000] =	vst v10  }
0x118: {  	s1 =	sor.u32 s23, s5;
	v4 =	vadd.f32 v5, v9;
	v5 =	vld [tilespmem:s29+$0x0];
	[smem:$0x7F1] =	sst s21  }
0x119: {  	s28 =	sadd.s32 $0x4800, s4;
	v1 =	vadd.f32 v6, v1;
	v10 =	vld [tilespmem:s1+$0x0]  }
0x11a: {  	[tilespmem:s9+$0xF000] =	vst v4;
	v4 =	vld [tilespmem:s21+$0x0];
	s9 =	sor.u32 s8, s28  }
0x11b: {  	v6 =	vadd.f32 v11, v8;
	[tilespmem:s10+$0xF000] =	vst v1;
	v1 =	vld [tilespmem:s9+$0x0]  }
0x11c: {  	s7 =	sadd.s32 $0x1980, s3;
	v11 =	vadd.f32 v52, v7;
	v53 =	vld [tilespmem:s14+$0xC280]  }
0x11d: {  	s10 =	sor.u32 s6, s7;
	[tilespmem:s24+$0xF180] =	vst v6;
	v6 =	vld [tilespmem:s14+$0x280];
	v5 =	vadd.f32 v5, v14  }
0x11e: {  	[tilespmem:s0+$0xF000] =	vst v11;
	s0 =	sor.u32 s16, s28;
	s28 =	sadd.s32 $0x4A80, s11;
	v3 =	vadd.f32 v10, v3;
	v10 =	vld [tilespmem:s10+$0x0]  }
0x11f: {  	s5 =	sor.u32 s26, s28;
	[tilespmem:s29+$0xF000] =	vst v5;
	v5 =	vld [tilespmem:s0+$0x0]  }
0x120: {  	[tilespmem:s1+$0xF000] =	vst v3;
	v1 =	vadd.f32 v1, v9;
	v3 =	vld [tilespmem:s5+$0x0]  }
0x121: {  	v9 =	vld [tilespmem:s20+$0xC180]  }
0x122: {  	s12 =	simm.s32 $0x1;
	s18 =	simm.s32 $0x1;
	v6 =	vadd.f32 v6, v53;
	[tilespmem:s9+$0xF000] =	vst v1;
	v1 =	vld [tilespmem:s20+$0x180]  }
0x123: {  	s21 =	smov.u32 s20;
	s20 =	sand.u32 $0x3, s12;
	v11 =	vld [tilespmem:s13+$0xC080];
	v10 =	vadd.f32 v10, v8;
	[dreg:$0x12] =	wrdreg s18  }
0x124: {  	s1 =	sshll.u32 s20, $0x5;
	s18 =	sadd.s32 $0x3180, s3;
	[tilespmem:s14+$0xF280] =	vst v6;
	s14 =	sor.u32 s19, s2;
	v5 =	vadd.f32 v5, v7;
	v6 =	vld [tilespmem:s13+$0x80]  }
0x125: {  	s2 =	sadd.s32 $0x100, s1;
	s9 =	sor.u32 s6, s18;
	[tilespmem:s10+$0xF000] =	vst v10;
	v7 =	vld [tilespmem:s14+$0x0];
	v3 =	vadd.f32 v3, v14  }
0x126: {  	s12 =	sadd.s32 $0x10, s2;
	[tilespmem:s0+$0xF000] =	vst v5;
	v5 =	vld [tilespmem:s9+$0x0]  }
0x127: {  	[tilespmem:s5+$0xF000] =	vst v3;
	v10 =	vld [tilespmem:s25+$0xC080];
	s5 =	sor.u32 $0x300, s12  }
0x128: {  	v1 =	vadd.f32 v1, v9;
	v54 =	vld [tilespmem:s5+$0xC000]  }
0x129: {  	v3 =	vadd.f32 v6, v11;
	v6 =	vld [tilespmem:s5+$0x0]  }
0x12a: {  	s7 =	sor.u32 s23, s7;
	s29 =	sadd.s32 $0x1880, s4;
	[tilespmem:s21+$0xF180] =	vst v1;
	v1 =	vld [tilespmem:s25+$0x80];
	v7 =	vadd.f32 v7, v53  }
0x12b: {  	s30 =	sor.u32 s8, s29;
	[tilespmem:s13+$0xF080] =	vst v3;
	v3 =	vld [tilespmem:s7+$0x0];
	v5 =	vadd.f32 v5, v8  }
0x12c: {  	v0 =	vadd.f32 v51, v0;
	s1 =	simm.s32 $0x0;
	[tilespmem:s14+$0xF000] =	vst v7;
	s14 =	sor.u32 s19, s15;
	v7 =	vld [tilespmem:s30+$0x0];
	s15 =	sadd.s32 $0x4980, s3  }
0x12d: {  	s20 =	smov.u32 s3;
	s0 =	sor.u32 s1, s1;
	[tilespmem:s9+$0xF000] =	vst v5;
	v5 =	vld [tilespmem:s14+$0x0];
	s3 =	sor.u32 s6, s15  }
0x12e: {  	[tilespmem:s17+$0xF000] =	vst v0;
	s9 =	sor.u32 $0x380, s0;
	v55 =	vld [tilespmem:s3+$0x0];
	v6 =	vadd.f32 v6, v54  }
0x12f: {  	v0 =	vld [tilespmem:s9+$0xC000]  }
0x130: {  	v1 =	vadd.f32 v1, v10;
	[tilespmem:s5+$0xF000] =	vst v6;
	v6 =	vld [tilespmem:s9+$0x0]  }
0x131: {  	v3 =	vadd.f32 v3, v9  }
0x132: {  	[tilespmem:s25+$0xF080] =	vst v1;
	v1 =	vadd.f32 v7, v11  }
0x133: {  	[tilespmem:s7+$0xF000] =	vst v3;
	v5 =	vadd.f32 v5, v53  }
0x134: {  	s0 =	sadd.s32 $0x1B00, s11;
	[tilespmem:s30+$0xF000] =	vst v1;
	v8 =	vadd.f32 v55, v8  }
0x135: {  	s5 =	sor.u32 s26, s0;
	[tilespmem:s14+$0xF000] =	vst v5;
	v6 =	vadd.f32 v6, v0  }
0x136: {  	s10 =	smov.u32 s23;
	s23 =	sor.u32 s16, s29;
	v7 =	vld [tilespmem:s5+$0x0];
	[tilespmem:s3+$0xF000] =	vst v8  }
0x137: {  	s17 =	sadd.s32 $0x3080, s4;
	s18 =	sor.u32 s10, s18;
	v3 =	vld [tilespmem:s23+$0x0];
	[tilespmem:s9+$0xF000] =	vst v6  }
0x138: {  	s29 =	sor.u32 s8, s17;
	v1 =	vld [tilespmem:s18+$0x0];
	s30 =	sld [smem:$0x7EF]  }
0x139: {  	s28 =	sor.u32 s19, s28;
	v56 =	vld [tilespmem:s29+$0x0];
	s1 =	sld [smem:$0x7F0]  }
0x13a: {  	v8 =	vld [tilespmem:s28+$0x0]  }
0x13b: {  	v5 =	vld [tilespmem:s24+$0xC200];
	v7 =	vadd.f32 v7, v54  }
0x13c: {  	v6 =	vld [tilespmem:s24+$0x200];
	s9 =	sor.u32 s30, s1;
	s1 =	sadd.s32 $0x3300, s11  }
0x13d: {  	v3 =	vadd.f32 v3, v10;
	[tilespmem:s5+$0xF000] =	vst v7;
	v7 =	vld [tilespmem:s9+$0x0];
	s5 =	sor.u32 s26, s1  }
0x13e: {  	v1 =	vadd.f32 v1, v9;
	v57 =	vld [tilespmem:s5+$0x0]  }
0x13f: {  	s17 =	sor.u32 s16, s17;
	[tilespmem:s23+$0xF000] =	vst v3;
	v3 =	vadd.f32 v56, v11  }
0x140: {  	s15 =	sor.u32 s10, s15;
	[tilespmem:s18+$0xF000] =	vst v1;
	v58 =	vld [tilespmem:s17+$0x0];
	v1 =	vadd.f32 v8, v53;
	s18 =	sadd.s32 $0x4880, s4  }
0x141: {  	[tilespmem:s29+$0xF000] =	vst v3;
	v3 =	vld [tilespmem:s15+$0x0];
	s7 =	sor.u32 s8, s18;
	v6 =	vadd.f32 v6, v5  }
0x142: {  	s14 =	sor.u32 $0x300, s2;
	[tilespmem:s28+$0xF000] =	vst v1;
	v8 =	vld [tilespmem:s7+$0x0];
	v7 =	vadd.f32 v7, v0  }
0x143: {  	s23 =	sadd.s32 $0x1A00, s20;
	v1 =	vld [tilespmem:s14+$0xC000];
	[tilespmem:s24+$0xF200] =	vst v6;
	v6 =	vadd.f32 v57, v54  }
0x144: {  	s2 =	sor.u32 s6, s23;
	v59 =	vld [tilespmem:s14+$0x0];
	[tilespmem:s9+$0xF000] =	vst v7  }
0x145: {  	s3 =	sor.u32 s30, s31;
	s28 =	sadd.s32 $0x4B00, s11;
	v60 =	vld [tilespmem:s2+$0x0];
	v7 =	vadd.f32 v58, v10;
	[tilespmem:s5+$0xF000] =	vst v6  }
0x146: {  	v3 =	vadd.f32 v3, v9;
	v9 =	vld [tilespmem:s3+$0x0];
	[dreg:$0xa] =	wrdreg s26;
	s26 =	sor.u32 s26, s28  }
0x147: {  	[tilespmem:s17+$0xF000] =	vst v7;
	v7 =	vld [tilespmem:s26+$0x0];
	_ =	sdelay $0x1  }
0x148: {  	v6 =	vadd.f32 v8, v11;
	s17 =	sor.u32 s16, s18  }
0x149: {  	v11 =	vadd.f32 v60, v5;
	[tilespmem:s15+$0xF000] =	vst v3;
	v8 =	vld [tilespmem:s17+$0x0]  }
0x14a: {  	v12 =	vadd.f32 v59, v1;
	[tilespmem:s7+$0xF000] =	vst v6;
	v3 =	vld [tilespmem:s21+$0xC200]  }
0x14b: {  	s29 =	smov.u32 s20;
	[tilespmem:s2+$0xF000] =	vst v11;
	v6 =	vld [tilespmem:s13+$0xC100];
	v7 =	vadd.f32 v7, v54  }
0x14c: {  	s31 =	sor.u32 s30, s22;
	s15 =	sadd.s32 $0x3200, s29;
	[tilespmem:s14+$0xF000] =	vst v12;
	v61 =	vld [tilespmem:s13+$0x100]  }
0x14d: {  	s30 =	sor.u32 s19, s0;
	v11 =	vld [tilespmem:s21+$0x200];
	s2 =	sor.u32 s6, s15;
	[tilespmem:s26+$0xF000] =	vst v7;
	s26 =	simm.s32 $0x200  }
0x14e: {  	s22 =	simm.s32 $0x300;
	s9 =	smov.u32 s11;
	v62 =	vld [tilespmem:s2+$0x0];
	[dreg:$0x5] =	wrdreg s26  }
0x14f: {  	s7 =	simm.s32 $0x20;
	s18 =	simm.s32 $0x100;
	s26 =	sld [smem:$0x7F1]  }
0x150: {  	v2 =	vadd.f32 v4, v2;
	s11 =	smov.u32 s6;
	s18 =	sor.u32 s18, s7;
	s7 =	simm.s32 $0x300  }
0x151: {  	s5 =	simm.s32 $0x40;
	s6 =	simm.s32 $0x200;
	[dreg:$0x11] =	wrdreg s7  }
0x152: {  	s14 =	simm.s32 $0x60;
	s0 =	sor.u32 s6, s5;
	s7 =	sor.u32 $0x380, s18;
	[tilespmem:s26+$0xF000] =	vst v2  }
0x153: {  	s5 =	sor.u32 s22, s14;
	s0 =	sor.u32 $0x380, s0;
	v4 =	vadd.f32 v8, v10;
	v8 =	vld [tilespmem:s30+$0x0];
	[dreg:$0x14] =	wrdreg s7  }
0x154: {  	s22 =	sor.u32 $0x380, s12;
	s12 =	sor.u32 $0x380, s5;
	[dreg:$0x10] =	wrdreg s0  }
0x155: {  	v9 =	vadd.f32 v9, v0;
	[dreg:$0xf] =	wrdreg s12  }
0x156: {  	s20 =	smov.u32 s24;
	s24 =	smov.u32 s29;
	[tilespmem:s17+$0xF000] =	vst v4  }
0x157: {  	s29 =	sor.u32 s19, s1;
	s1 =	sor.u32 s10, s23;
	s23 =	sor.u32 s19, s28;
	v10 =	vadd.f32 v61, v6;
	v2 =	vld [tilespmem:s22+$0xC000];
	[tilespmem:s3+$0xF000] =	vst v9  }
0x158: {  	v7 =	vld [tilespmem:s22+$0x0];
	[dreg:$0x1d] =	wrdreg s23  }
0x159: {  	[tilespmem:s13+$0xF100] =	vst v10  }
0x15a: {  	s26 =	sld [smem:$0x7F2]  }
0x15b: {  	s28 =	simm.s32 $0x300;
	s6 =	smov.u32 s4  }
0x15c: {  	s14 =	sadd.s32 $0x1900, s4;
	s5 =	simm.s32 $0x80;
	s18 =	sor.u32 s10, s15  }
0x15d: {  	s15 =	sor.u32 s8, s14;
	s12 =	smov.u32 s10;
	v4 =	vld [tilespmem:s25+$0xC100];
	s0 =	sshll.u32 s26, $0x1  }
0x15e: {  	v63 =	vadd.f32 v11, v3;
	s7 =	smov.u32 s16;
	s10 =	sadd.s32 $0x4A00, s24;
	v9 =	vld [tilespmem:s25+$0x100];
	[smem:$0x7F3] =	sst s0  }
0x15f: {  	s17 =	smov.u32 s19;
	s3 =	sor.u32 s16, s14;
	v10 =	vld [tilespmem:s15+$0x0];
	[dreg:$0x6] =	wrdreg s21  }
0x160: {  	s19 =	smov.u32 s25;
	s16 =	smov.u32 s13;
	s13 =	smov.u32 s8;
	[tilespmem:s21+$0xF200] =	vst v63  }
0x161: {  	v11 =	vadd.f32 v62, v5;
	v8 =	vadd.f32 v8, v1;
	s8 =	simm.s32 $0x6;
	s21 =	smov.u32 s24;
	[dreg:$0x13] =	wrdreg s28  }
.LBB2_3:
0x162: {  	[smem:$0x7E7] =	sst s18  }
0x163: {  	[smem:$0x7E9] =	sst s31  }
0x164: {  	[dreg:$0x1c] =	wrdreg s5  }
0x165: {  	s31 =	rddreg [dreg:$0x11]  }
0x166: {  	s0 =	sand.u32 $0x60, s5;
	v12 =	vld [tilespmem:s1+$0x0];
	s18 =	sor.u32 s11, s10;
	s31 =	sadd.s32 $0x100, s31;
	[tilespmem:s2+$0xF000] =	vst v11  }
0x167: {  	s25 =	smov.u32 s11;
	s5 =	sor.u32 $0x10, s0;
	[tilespmem:s30+$0xF000] =	vst v8;
	s11 =	sand.u32 $0x1C00, s31;
	v11 =	vld [tilespmem:s18+$0x0];
	v7 =	vadd.f32 v7, v2  }
0x168: {  	s4 =	rddreg [dreg:$0x1c];
	v13 =	vld [tilespmem:s29+$0x0];
	s30 =	sor.u32 s11, s5  }
0x169: {  	s24 =	smov.u32 s12;
	s14 =	sadd.s32 $0x1B80, s9;
	v8 =	vld [tilespmem:s30+$0xC000];
	[tilespmem:s22+$0xF000] =	vst v7;
	s22 =	rddreg [dreg:$0xa]  }
0x16a: {  	s23 =	sor.u32 s31, s4;
	s4 =	smov.u32 s7;
	v9 =	vadd.f32 v9, v4;
	s7 =	sor.u32 s22, s14  }
0x16b: {  	s10 =	sor.u32 s12, s10;
	s12 =	smov.u32 s17;
	s17 =	sor.u32 s17, s14;
	v10 =	vadd.f32 v10, v6;
	v14 =	vld [tilespmem:s7+$0x0]  }
0x16c: {  	[smem:$0x7EC] =	sst s17;
	s17 =	smov.u32 s13;
	v15 =	vld [tilespmem:s30+$0x0];
	[tilespmem:s19+$0xF100] =	vst v9;
	v9 =	vadd.f32 v12, v3  }
0x16d: {  	s13 =	smov.u32 s6;
	s6 =	sadd.s32 $0x3100, s6;
	s28 =	sor.u32 s0, s11;
	[tilespmem:s15+$0xF000] =	vst v10;
	v5 =	vadd.f32 v11, v5  }
0x16e: {  	s14 =	smov.u32 s19;
	s19 =	sor.u32 s17, s6;
	v7 =	vld [tilespmem:s28+$0xC000];
	[tilespmem:s1+$0xF000] =	vst v9;
	v9 =	vadd.f32 v13, v1  }
0x16f: {  	s8 =	sadd.s32 $0x2, s8;
	v10 =	vld [tilespmem:s19+$0x0];
	[tilespmem:s18+$0xF000] =	vst v5  }
0x170: {  	s26 =	smov.u32 s9;
	[dreg:$0x1b] =	wrdreg s8;
	v11 =	vld [tilespmem:s28+$0x0];
	[tilespmem:s29+$0xF000] =	vst v9;
	v9 =	vadd.f32 v14, v2  }
0x171: {  	p0 =	slt.u32 s8, $0x2E;
	s8 =	sadd.s32 $0x3380, s9;
	s23 =	sor.u32 $0x380, s23;
	v5 =	vld [tilespmem:s20+$0xC280];
	v40 =	vadd.f32 v15, v8  }
0x172: {  	s9 =	sadd.s32 $0x1800, s11;
	[smem:$0x7EA] =	sst s23;
	s23 =	sadd.s32 $0x4900, s13;
	v41 =	vld [tilespmem:s20+$0x280];
	[tilespmem:s7+$0xF000] =	vst v9  }
0x173: {  	s15 =	sor.u32 s4, s23;
	s18 =	sor.u32 s12, s8;
	v42 =	vld [tilespmem:s3+$0x0];
	s7 =	sor.u32 s22, s8;
	[tilespmem:s30+$0xF000] =	vst v40  }
0x174: {  	s29 =	sor.u32 s5, s9;
	v9 =	vadd.f32 v10, v6;
	s8 =	sor.u32 s17, s23;
	s23 =	sld [smem:$0x7E7];
	v10 =	vld [tilespmem:s7+$0x0]  }
0x175: {  	v12 =	vld [tilespmem:s29+$0x0]  }
0x176: {  	v11 =	vadd.f32 v11, v7  }
0x177: {  	v13 =	vadd.f32 v41, v5;
	[tilespmem:s19+$0xF000] =	vst v9;
	v9 =	vld [tilespmem:s23+$0x0]  }
0x178: {  	[smem:$0x7ED] =	sst s18;
	s18 =	sor.u32 s0, s9;
	v14 =	vadd.f32 v42, v4;
	[tilespmem:s28+$0xF000] =	vst v11;
	v11 =	vld [tilespmem:s8+$0x0]  }
0x179: {  	s1 =	rddreg [dreg:$0x1d];
	s19 =	sadd.s32 $0x1A80, s21;
	[tilespmem:s20+$0xF280] =	vst v13;
	v43 =	vld [tilespmem:s18+$0x0];
	v10 =	vadd.f32 v10, v2  }
0x17a: {  	s20 =	sor.u32 s25, s19;
	v44 =	vld [tilespmem:s1+$0x0];
	[tilespmem:s3+$0xF000] =	vst v14;
	v12 =	vadd.f32 v12, v8  }
0x17b: {  	s2 =	sor.u32 s4, s6;
	s6 =	sor.u32 s24, s19;
	s19 =	sadd.s32 $0x4B80, s26;
	v45 =	vld [tilespmem:s20+$0x0];
	[tilespmem:s7+$0xF000] =	vst v10  }
0x17c: {  	s26 =	smov.u32 s21;
	s21 =	sadd.s32 $0x3000, s11;
	v16 =	vld [tilespmem:s2+$0x0];
	v9 =	vadd.f32 v9, v3;
	s7 =	sor.u32 s22, s19;
	[tilespmem:s29+$0xF000] =	vst v12  }
0x17d: {  	v6 =	vadd.f32 v11, v6;
	s29 =	sor.u32 s5, s21;
	v10 =	vld [tilespmem:s7+$0x0]  }
0x17e: {  	v11 =	vadd.f32 v43, v7;
	[tilespmem:s23+$0xF000] =	vst v9;
	v12 =	vld [tilespmem:s29+$0x0]  }
0x17f: {  	s9 =	smov.u32 s25;
	[smem:$0x7E8] =	sst s6;
	s6 =	smov.u32 s16;
	v1 =	vadd.f32 v44, v1;
	[tilespmem:s8+$0xF000] =	vst v6;
	v9 =	vld [tilespmem:s10+$0x0]  }
0x180: {  	s25 =	smov.u32 s13;
	s13 =	smov.u32 s0;
	s12 =	sor.u32 s12, s19;
	[tilespmem:s18+$0xF000] =	vst v11;
	v11 =	vadd.f32 v45, v5;
	v6 =	vld [tilespmem:s6+$0xC180]  }
0x181: {  	s3 =	sor.u32 s0, s21;
	s16 =	sadd.s32 $0x3280, s26;
	s19 =	smov.u32 s9;
	v46 =	vadd.f32 v16, v4;
	[tilespmem:s1+$0xF000] =	vst v1;
	v47 =	vld [tilespmem:s6+$0x180]  }
0x182: {  	[smem:$0x7EB] =	sst s12;
	s12 =	smov.u32 s24;
	s0 =	sor.u32 s19, s16;
	v1 =	vld [tilespmem:s3+$0x0];
	[tilespmem:s20+$0xF000] =	vst v11;
	v2 =	vadd.f32 v10, v2  }
0x183: {  	s24 =	smov.u32 s5;
	s9 =	sor.u32 s12, s16;
	s23 =	smov.u32 s11;
	[tilespmem:s2+$0xF000] =	vst v46;
	v11 =	vld [tilespmem:s0+$0x0];
	v10 =	vadd.f32 v12, v8  }
0x184: {  	s21 =	smov.u32 s17;
	s16 =	rddreg [dreg:$0x14];
	s17 =	sadd.s32 $0x4800, s23;
	v48 =	vld [tilespmem:s15+$0x0];
	v3 =	vadd.f32 v9, v3;
	[tilespmem:s7+$0xF000] =	vst v2  }
0x185: {  	s2 =	sor.u32 s24, s17;
	v9 =	vld [tilespmem:s16+$0xC000];
	[tilespmem:s29+$0xF000] =	vst v10  }
0x186: {  	s20 =	rddreg [dreg:$0x6];
	[tilespmem:s10+$0xF000] =	vst v3;
	v10 =	vadd.f32 v47, v6;
	v2 =	vld [tilespmem:s2+$0x0]  }
0x187: {  	s18 =	sadd.s32 $0x1980, s25;
	v3 =	vadd.f32 v1, v7;
	v1 =	vld [tilespmem:s20+$0xC280]  }
0x188: {  	s10 =	sor.u32 s21, s18;
	v11 =	vadd.f32 v11, v5;
	[tilespmem:s6+$0xF180] =	vst v10;
	v10 =	vld [tilespmem:s20+$0x280]  }
0x189: {  	s1 =	sadd.s32 $0x4A80, s26;
	s7 =	sor.u32 s13, s17;
	[tilespmem:s3+$0xF000] =	vst v3;
	v3 =	vadd.f32 v48, v4;
	v49 =	vld [tilespmem:s10+$0x0]  }
0x18a: {  	s11 =	sor.u32 s19, s1;
	v13 =	vld [tilespmem:s7+$0x0];
	[tilespmem:s0+$0xF000] =	vst v11  }
0x18b: {  	s22 =	smov.u32 s4;
	[tilespmem:s15+$0xF000] =	vst v3;
	v2 =	vadd.f32 v2, v8;
	v8 =	vld [tilespmem:s11+$0x0]  }
0x18c: {  	s22 =	smov.u32 s22;
	s8 =	smov.u32 s30;
	s3 =	rddreg [dreg:$0x12];
	v3 =	vld [tilespmem:s14+$0xC180]  }
0x18d: {  	s17 =	sor.u32 s12, s1;
	s1 =	sld [smem:$0x7E8];
	s0 =	sadd.s32 $0x1, s3;
	v11 =	vld [tilespmem:s14+$0x180];
	[tilespmem:s2+$0xF000] =	vst v2;
	v2 =	vadd.f32 v10, v1  }
0x18e: {  	s5 =	sor.u32 s22, s18;
	[dreg:$0x12] =	wrdreg s0;
	s0 =	sand.u32 $0x3, s0;
	v10 =	vadd.f32 v49, v6;
	v4 =	vld [tilespmem:s8+$0xC080]  }
0x18f: {  	s15 =	sadd.s32 $0x3180, s25;
	s18 =	sshll.u32 s0, $0x5;
	v7 =	vadd.f32 v13, v7;
	v50 =	vld [tilespmem:s8+$0x80];
	[tilespmem:s20+$0xF280] =	vst v2;
	s20 =	rddreg [dreg:$0x5]  }
0x190: {  	s0 =	sor.u32 s22, s15;
	s15 =	sor.u32 s21, s15;
	[tilespmem:s10+$0xF000] =	vst v10;
	v10 =	vld [tilespmem:s1+$0x0];
	s2 =	sadd.s32 s18, s20;
	v5 =	vadd.f32 v8, v5  }
0x191: {  	[tilespmem:s7+$0xF000] =	vst v7;
	v8 =	vld [tilespmem:s15+$0x0];
	s10 =	sadd.s32 $0x10, s2  }
0x192: {  	v11 =	vadd.f32 v11, v3;
	v2 =	vld [tilespmem:s28+$0xC080];
	[tilespmem:s11+$0xF000] =	vst v5;
	s7 =	sor.u32 $0x300, s10  }
0x193: {  	s4 =	smov.u32 s14;
	s3 =	sor.u32 $0x300, s2;
	s2 =	rddreg [dreg:$0x13];
	v7 =	vld [tilespmem:s7+$0xC000]  }
0x194: {  	[tilespmem:s4+$0xF180] =	vst v11;
	s14 =	smov.u32 s2;
	v11 =	vld [tilespmem:s7+$0x0]  }
0x195: {  	[dreg:$0x5] =	wrdreg s14;
	s14 =	smov.u32 s28;
	v5 =	vadd.f32 v50, v4  }
0x196: {  	s18 =	smov.u32 s31;
	s20 =	sadd.s32 $0x1880, s23;
	v51 =	vld [tilespmem:s14+$0x80];
	v10 =	vadd.f32 v10, v1  }
0x197: {  	[dreg:$0x13] =	wrdreg s18;
	s18 =	sor.u32 s24, s20;
	[tilespmem:s8+$0xF080] =	vst v5;
	v5 =	vld [tilespmem:s5+$0x0];
	v8 =	vadd.f32 v8, v6  }
0x198: {  	s28 =	sadd.s32 $0x4980, s25;
	v52 =	vld [tilespmem:s18+$0x0];
	[tilespmem:s1+$0xF000] =	vst v10  }
0x199: {  	[tilespmem:s15+$0xF000] =	vst v8;
	s1 =	sor.u32 s21, s28;
	v11 =	vadd.f32 v11, v7  }
0x19a: {  	s11 =	sor.u32 s13, s20;
	s20 =	sadd.s32 $0x1B00, s26;
	v10 =	vld [tilespmem:s1+$0x0]  }
0x19b: {  	s30 =	sor.u32 s12, s20;
	v8 =	vld [tilespmem:s9+$0x0];
	[tilespmem:s7+$0xF000] =	vst v11;
	s7 =	sor.u32 s19, s20;
	s20 =	sld [smem:$0x7E9]  }
0x19c: {  	v53 =	vld [tilespmem:s16+$0x0];
	v12 =	vadd.f32 v51, v2  }
0x19d: {  	v54 =	vadd.f32 v52, v4  }
0x19e: {  	v5 =	vadd.f32 v5, v3;
	v11 =	vld [tilespmem:s20+$0x0];
	[tilespmem:s14+$0xF080] =	vst v12  }
0x19f: {  	s2 =	sor.u32 s22, s28;
	s28 =	sadd.s32 $0x3080, s23;
	v55 =	vld [tilespmem:s7+$0x0];
	[tilespmem:s18+$0xF000] =	vst v54;
	v6 =	vadd.f32 v10, v6  }
0x1a0: {  	s15 =	sor.u32 s24, s28;
	v56 =	vld [tilespmem:s11+$0x0];
	[tilespmem:s5+$0xF000] =	vst v5;
	v5 =	vadd.f32 v8, v1  }
0x1a1: {  	v57 =	vadd.f32 v53, v9;
	v10 =	vld [tilespmem:s15+$0x0];
	[tilespmem:s1+$0xF000] =	vst v6;
	s1 =	sld [smem:$0x7EA]  }
0x1a2: {  	v8 =	vld [tilespmem:s0+$0x0];
	[tilespmem:s9+$0xF000] =	vst v5;
	s9 =	rddreg [dreg:$0x10]  }
0x1a3: {  	s18 =	rddreg [dreg:$0xf];
	v6 =	vld [tilespmem:s17+$0x0];
	[tilespmem:s16+$0xF000] =	vst v57;
	s16 =	smov.u32 s9  }
0x1a4: {  	[dreg:$0x14] =	wrdreg s16;
	s16 =	smov.u32 s1  }
0x1a5: {  	[dreg:$0xf] =	wrdreg s16  }
0x1a6: {  	v11 =	vadd.f32 v11, v0;
	s16 =	sld [smem:$0x7EC]  }
0x1a7: {  	v5 =	vld [tilespmem:s6+$0xC200];
	v0 =	vmov v9;
	v9 =	vadd.f32 v55, v7  }
0x1a8: {  	s5 =	sor.u32 s13, s28;
	s28 =	smov.u32 s18;
	s18 =	sadd.s32 $0x3300, s26;
	v59 =	vld [tilespmem:s6+$0x200];
	v10 =	vadd.f32 v10, v4;
	[tilespmem:s20+$0xF000] =	vst v11  }
0x1a9: {  	v58 =	vadd.f32 v56, v2;
	[tilespmem:s7+$0xF000] =	vst v9;
	s7 =	sor.u32 s19, s18;
	v9 =	vld [tilespmem:s16+$0x0]  }
0x1aa: {  	v8 =	vadd.f32 v8, v3;
	v11 =	vld [tilespmem:s7+$0x0];
	[tilespmem:s15+$0xF000] =	vst v10  }
0x1ab: {  	[dreg:$0x10] =	wrdreg s28;
	[tilespmem:s11+$0xF000] =	vst v58;
	s11 =	sadd.s32 $0x4880, s23  }
0x1ac: {  	s28 =	sld [smem:$0x7EB];
	v1 =	vadd.f32 v6, v1;
	v12 =	vld [tilespmem:s5+$0x0];
	[tilespmem:s0+$0xF000] =	vst v8;
	s0 =	sor.u32 s13, s11;
	s11 =	sor.u32 s24, s11  }
0x1ad: {  	[dreg:$0x11] =	wrdreg s31;
	v10 =	vadd.f32 v59, v5;
	v8 =	vld [tilespmem:s11+$0x0]  }
0x1ae: {  	[dreg:$0xa] =	wrdreg s19;
	v6 =	vld [tilespmem:s2+$0x0];
	[tilespmem:s17+$0xF000] =	vst v1;
	v9 =	vadd.f32 v9, v0  }
0x1af: {  	s29 =	sor.u32 s12, s18;
	s31 =	smov.u32 s28;
	s28 =	sadd.s32 $0x4B00, s26;
	[tilespmem:s6+$0xF200] =	vst v10;
	v1 =	vld [tilespmem:s3+$0xC000]  }
0x1b0: {  	s18 =	sadd.s32 $0x1A00, s25;
	v10 =	vld [tilespmem:s3+$0x0];
	[tilespmem:s16+$0xF000] =	vst v9;
	s16 =	sor.u32 s19, s28;
	s19 =	sld [smem:$0x7ED]  }
0x1b1: {  	s15 =	sor.u32 s21, s18;
	v11 =	vadd.f32 v11, v7  }
0x1b2: {  	v60 =	vld [tilespmem:s15+$0x0];
	v4 =	vadd.f32 v8, v4  }
0x1b3: {  	v12 =	vadd.f32 v12, v2;
	[tilespmem:s7+$0xF000] =	vst v11;
	v9 =	vld [tilespmem:s19+$0x0]  }
0x1b4: {  	v8 =	vld [tilespmem:s16+$0x0];
	[tilespmem:s11+$0xF000] =	vst v4  }
0x1b5: {  	v3 =	vadd.f32 v6, v3;
	[tilespmem:s5+$0xF000] =	vst v12;
	v6 =	vld [tilespmem:s8+$0xC100]  }
0x1b6: {  	v4 =	vadd.f32 v10, v1;
	v11 =	vld [tilespmem:s0+$0x0]  }
0x1b7: {  	v10 =	vadd.f32 v60, v5;
	v61 =	vld [tilespmem:s8+$0x100];
	[tilespmem:s2+$0xF000] =	vst v3  }
0x1b8: {  	[dreg:$0x6] =	wrdreg s4;
	s9 =	smov.u32 s26;
	s26 =	sadd.s32 $0x3200, s25;
	v3 =	vld [tilespmem:s4+$0xC200];
	[tilespmem:s3+$0xF000] =	vst v4;
	v4 =	vadd.f32 v9, v0  }
0x1b9: {  	s20 =	smov.u32 s6;
	s1 =	sor.u32 s22, s18;
	[tilespmem:s15+$0xF000] =	vst v10;
	s2 =	sor.u32 s21, s26;
	v7 =	vadd.f32 v8, v7;
	v9 =	vld [tilespmem:s4+$0x200]  }
0x1ba: {  	s18 =	sor.u32 s22, s26;
	s17 =	smov.u32 s12;
	s12 =	sor.u32 s12, s28;
	v8 =	vld [tilespmem:s2+$0x0];
	[tilespmem:s19+$0xF000] =	vst v4  }
0x1bb: {  	[dreg:$0x1d] =	wrdreg s12;
	s12 =	smov.u32 s22;
	s22 =	sor.u32 $0x380, s10;
	[tilespmem:s16+$0xF000] =	vst v7;
	v2 =	vadd.f32 v11, v2;
	v62 =	vld [tilespmem:s30+$0x0]  }
.Ltmp0:
0x1bc: {  	s6 =	smov.u32 s23;
	s10 =	sadd.s32 $0x4A00, s25;
	v10 =	vadd.f32 v61, v6;
	v7 =	vld [tilespmem:s22+$0x0];
	(pc) =	sbr.rel @p0 .LBB2_3-.Ltmp0, $4  }
0x1bd: {  	s7 =	smov.u32 s13;
	s28 =	sadd.s32 $0x1900, s23;
	s5 =	rddreg [dreg:$0x1c];
	[tilespmem:s0+$0xF000] =	vst v2;
	v2 =	vld [tilespmem:s22+$0xC000]  }
0x1be: {  	s11 =	smov.u32 s21;
	s15 =	sor.u32 s24, s28;
	s5 =	sadd.s32 $0x20, s5;
	[tilespmem:s8+$0xF100] =	vst v10;
	v4 =	vld [tilespmem:s14+$0xC100];
	v63 =	vadd.f32 v9, v3  }
0x1bf: {  	s21 =	smov.u32 s25;
	s3 =	sor.u32 s13, s28;
	s13 =	smov.u32 s24;
	v10 =	vld [tilespmem:s15+$0x0]  }
0x1c0: {  	s16 =	smov.u32 s8;
	s19 =	smov.u32 s14;
	s8 =	rddreg [dreg:$0x1b];
	v11 =	vadd.f32 v8, v5;
	v9 =	vld [tilespmem:s14+$0x100];
	[tilespmem:s4+$0xF200] =	vst v63;
	v8 =	vadd.f32 v62, v1  }
0x1c1: {  	_ = 	snop  }
0x1c2: {  	s0 =	sor.u32 s11, s10;
	[tilespmem:s2+$0xF000] =	vst v11  }
0x1c3: {  	v11 =	vld [tilespmem:s0+$0x0];
	_ =	sdelay $0x1  }
0x1c4: {  	v10 =	vadd.f32 v10, v6  }
0x1c5: {  	s8 =	sadd.s32 $0x3100, s6  }
0x1c6: {  	s4 =	sor.u32 s13, s8;
	[tilespmem:s15+$0xF000] =	vst v10;
	v10 =	vld [tilespmem:s1+$0x0]  }
0x1c7: {  	v5 =	vadd.f32 v11, v5;
	v11 =	vld [tilespmem:s4+$0x0];
	_ =	sdelay $0x1  }
0x1c8: {  	[tilespmem:s0+$0xF000] =	vst v5;
	v5 =	vadd.f32 v9, v4  }
0x1c9: {  	v9 =	vld [tilespmem:s20+$0xC280]  }
0x1ca: {  	v10 =	vadd.f32 v10, v3;
	[tilespmem:s19+$0xF100] =	vst v5;
	v5 =	vld [tilespmem:s20+$0x280]  }
0x1cb: {  	v12 =	vld [tilespmem:s3+$0x0];
	v11 =	vadd.f32 v11, v6  }
0x1cc: {  	s14 =	sadd.s32 $0x4900, s6;
	[tilespmem:s1+$0xF000] =	vst v10  }
0x1cd: {  	s15 =	sor.u32 s13, s14;
	v10 =	vld [tilespmem:s18+$0x0];
	[tilespmem:s4+$0xF000] =	vst v11  }
0x1ce: {  	v11 =	vld [tilespmem:s15+$0x0]  }
0x1cf: {  	v5 =	vadd.f32 v5, v9  }
0x1d0: {  	s4 =	sadd.s32 $0x1A80, s21;
	v12 =	vadd.f32 v12, v4  }
0x1d1: {  	s5 =	sor.u32 s11, s4;
	[tilespmem:s20+$0xF280] =	vst v5  }
0x1d2: {  	s2 =	sor.u32 s7, s8;
	v10 =	vadd.f32 v10, v3;
	[tilespmem:s3+$0xF000] =	vst v12;
	v5 =	vld [tilespmem:s5+$0x0]  }
0x1d3: {  	v12 =	vld [tilespmem:s2+$0x0];
	v6 =	vadd.f32 v11, v6  }
0x1d4: {  	[tilespmem:s18+$0xF000] =	vst v10;
	s18 =	sor.u32 s12, s10  }
0x1d5: {  	[tilespmem:s15+$0xF000] =	vst v6;
	v6 =	vld [tilespmem:s18+$0x0];
	_ =	sdelay $0x1  }
0x1d6: {  	v10 =	vld [tilespmem:s16+$0xC180];
	v5 =	vadd.f32 v5, v9  }
0x1d7: {  	s1 =	sadd.s32 $0x3280, s21;
	v34 =	vld [tilespmem:s16+$0x180];
	v11 =	vadd.f32 v12, v4  }
0x1d8: {  	s20 =	sor.u32 s11, s1;
	[tilespmem:s5+$0xF000] =	vst v5  }
0x1d9: {  	s8 =	sor.u32 s7, s14;
	[tilespmem:s2+$0xF000] =	vst v11;
	v5 =	vld [tilespmem:s20+$0x0];
	v3 =	vadd.f32 v6, v3  }
0x1da: {  	v11 =	vld [tilespmem:s8+$0x0]  }
0x1db: {  	[tilespmem:s18+$0xF000] =	vst v3  }
0x1dc: {  	s24 =	smov.u32 s6;
	v3 =	vadd.f32 v34, v10;
	s10 =	rddreg [dreg:$0x6]  }
0x1dd: {  	s25 =	smov.u32 s13;
	s6 =	smov.u32 s7;
	s7 =	sadd.s32 $0x1980, s24;
	v6 =	vld [tilespmem:s10+$0xC280]  }
0x1de: {  	s15 =	sor.u32 s25, s7;
	[tilespmem:s16+$0xF180] =	vst v3;
	v3 =	vld [tilespmem:s10+$0x280];
	v5 =	vadd.f32 v5, v9  }
0x1df: {  	s0 =	sadd.s32 $0x4A80, s21;
	[tilespmem:s30+$0xF000] =	vst v8;
	v8 =	vld [tilespmem:s15+$0x0];
	v4 =	vadd.f32 v11, v4  }
0x1e0: {  	s18 =	sor.u32 s11, s0;
	[tilespmem:s20+$0xF000] =	vst v5;
	v5 =	vld [tilespmem:s29+$0x0]  }
0x1e1: {  	[tilespmem:s8+$0xF000] =	vst v4;
	v4 =	vadd.f32 v7, v2;
	v7 =	vld [tilespmem:s18+$0x0];
	_ =	sdelay $0x1  }
0x1e2: {  	v3 =	vadd.f32 v3, v6;
	[tilespmem:s22+$0xF000] =	vst v4  }
0x1e3: {  	s28 =	smov.u32 s16;
	v8 =	vadd.f32 v8, v10;
	s2 =	rddreg [dreg:$0x12]  }
0x1e4: {  	s13 =	smov.u32 s12;
	s3 =	sadd.s32 $0x1B80, s9;
	v11 =	vld [tilespmem:s19+$0xC180];
	s20 =	rddreg [dreg:$0xa];
	[tilespmem:s10+$0xF280] =	vst v3;
	v3 =	vadd.f32 v5, v1  }
0x1e5: {  	s30 =	sor.u32 s13, s4;
	v4 =	vld [tilespmem:s19+$0x180];
	s14 =	sadd.s32 $0x1, s2;
	s22 =	sor.u32 s20, s3;
	[tilespmem:s15+$0xF000] =	vst v8;
	v7 =	vadd.f32 v7, v9  }
0x1e6: {  	s16 =	sadd.s32 $0x3180, s24;
	v35 =	vld [tilespmem:s22+$0x0];
	s2 =	sand.u32 $0x3, s14;
	s10 =	rddreg [dreg:$0x5];
	[tilespmem:s29+$0xF000] =	vst v3  }
0x1e7: {  	s12 =	sor.u32 s25, s16;
	v5 =	vld [tilespmem:s30+$0x0];
	s2 =	sshll.u32 s2, $0x5;
	[tilespmem:s18+$0xF000] =	vst v7  }
0x1e8: {  	v8 =	vld [tilespmem:s12+$0x0];
	s2 =	sadd.s32 s2, s10;
	s8 =	rddreg [dreg:$0x1d]  }
0x1e9: {  	s10 =	sadd.s32 $0x10, s2;
	v7 =	vld [tilespmem:s8+$0x0]  }
0x1ea: {  	v4 =	vadd.f32 v4, v11;
	s5 =	sor.u32 $0x300, s10  }
0x1eb: {  	v9 =	vadd.f32 v35, v2;
	v3 =	vld [tilespmem:s5+$0xC000]  }
0x1ec: {  	s7 =	sor.u32 s6, s7;
	s4 =	sadd.s32 $0x3380, s9;
	[tilespmem:s19+$0xF180] =	vst v4;
	v5 =	vadd.f32 v5, v6;
	v4 =	vld [tilespmem:s5+$0x0]  }
0x1ed: {  	s23 =	smov.u32 s11;
	s11 =	sor.u32 s20, s4;
	v8 =	vadd.f32 v8, v10;
	[tilespmem:s22+$0xF000] =	vst v9;
	v9 =	vld [tilespmem:s7+$0x0]  }
0x1ee: {  	[tilespmem:s30+$0xF000] =	vst v5;
	v36 =	vld [tilespmem:s11+$0x0];
	v1 =	vadd.f32 v7, v1  }
0x1ef: {  	s26 =	smov.u32 s19;
	s19 =	sadd.s32 $0x4980, s24;
	s22 =	sor.u32 s13, s1;
	[tilespmem:s12+$0xF000] =	vst v8  }
0x1f0: {  	s30 =	sor.u32 s25, s19;
	v5 =	vld [tilespmem:s22+$0x0];
	[tilespmem:s8+$0xF000] =	vst v1  }
0x1f1: {  	v7 =	vld [tilespmem:s30+$0x0];
	v4 =	vadd.f32 v4, v3;
	s12 =	rddreg [dreg:$0x14]  }
0x1f2: {  	s1 =	sadd.s32 $0x1B00, s21;
	v8 =	vadd.f32 v9, v11;
	v1 =	vld [tilespmem:s12+$0xC000]  }
0x1f3: {  	s8 =	sor.u32 s23, s1;
	[tilespmem:s5+$0xF000] =	vst v4;
	v4 =	vadd.f32 v36, v2;
	v9 =	vld [tilespmem:s12+$0x0]  }
0x1f4: {  	s16 =	sor.u32 s6, s16;
	[tilespmem:s7+$0xF000] =	vst v8;
	v8 =	vld [tilespmem:s8+$0x0]  }
0x1f5: {  	[tilespmem:s11+$0xF000] =	vst v4;
	v4 =	vadd.f32 v5, v6;
	v5 =	vld [tilespmem:s16+$0x0]  }
0x1f6: {  	s7 =	sadd.s32 $0x4B80, s9;
	v7 =	vadd.f32 v7, v10  }
0x1f7: {  	s9 =	sor.u32 s20, s7;
	s20 =	sor.u32 s13, s0;
	[tilespmem:s22+$0xF000] =	vst v4  }
0x1f8: {  	[tilespmem:s30+$0xF000] =	vst v7;
	v7 =	vadd.f32 v9, v1;
	v9 =	vld [tilespmem:s20+$0x0]  }
0x1f9: {  	v8 =	vadd.f32 v8, v3  }
0x1fa: {  	s3 =	sor.u32 s17, s3;
	v4 =	vld [tilespmem:s31+$0x0];
	[tilespmem:s12+$0xF000] =	vst v7;
	v5 =	vadd.f32 v5, v11  }
0x1fb: {  	[tilespmem:s8+$0xF000] =	vst v8;
	v8 =	vld [tilespmem:s3+$0x0]  }
0x1fc: {  	s30 =	sor.u32 s6, s19;
	[tilespmem:s16+$0xF000] =	vst v5  }
0x1fd: {  	s0 =	sadd.s32 $0x3300, s21;
	v5 =	vadd.f32 v9, v6;
	v6 =	vld [tilespmem:s30+$0x0]  }
0x1fe: {  	s22 =	sor.u32 s23, s0  }
0x1ff: {  	v38 =	vld [tilespmem:s22+$0x0]  }
0x200: {  	v0 =	vadd.f32 v4, v0;
	v4 =	vadd.f32 v8, v1;
	_ =	sdelay $0x1  }
0x201: {  	v37 =	vld [tilespmem:s9+$0x0];
	[tilespmem:s3+$0xF000] =	vst v4;
	v4 =	vadd.f32 v6, v11  }
0x202: {  	v10 =	vld [tilespmem:s28+$0xC200];
	[tilespmem:s20+$0xF000] =	vst v5  }
0x203: {  	v7 =	vld [tilespmem:s28+$0x200];
	v5 =	vadd.f32 v38, v3;
	[tilespmem:s30+$0xF000] =	vst v4  }
0x204: {  	v4 =	vld [tilespmem:s26+$0xC200]  }
0x205: {  	[tilespmem:s22+$0xF000] =	vst v5;
	v5 =	vld [tilespmem:s26+$0x200]  }
0x206: {  	v2 =	vadd.f32 v37, v2;
	_ =	sdelay $0x1  }
0x207: {  	[tilespmem:s9+$0xF000] =	vst v2;
	v2 =	vadd.f32 v7, v10  }
0x208: {  	s8 =	sadd.s32 $0x1A00, s24  }
0x209: {  	s9 =	sor.u32 s25, s8;
	[tilespmem:s28+$0xF200] =	vst v2;
	v5 =	vadd.f32 v5, v4  }
0x20a: {  	v7 =	vld [tilespmem:s9+$0x0]  }
0x20b: {  	s12 =	sor.u32 s6, s8;
	[tilespmem:s26+$0xF200] =	vst v5  }
0x20c: {  	v5 =	vld [tilespmem:s12+$0x0];
	_ =	sdelay $0x2  }
0x20d: {  	v6 =	vadd.f32 v7, v10  }
0x20e: {  	s16 =	sadd.s32 $0x3200, s24  }
0x20f: {  	s18 =	sor.u32 s25, s16;
	[tilespmem:s9+$0xF000] =	vst v6;
	v5 =	vadd.f32 v5, v4  }
0x210: {  	v6 =	vld [tilespmem:s18+$0x0]  }
0x211: {  	s5 =	sor.u32 s6, s16;
	[tilespmem:s12+$0xF000] =	vst v5  }
0x212: {  	v5 =	vld [tilespmem:s5+$0x0];
	_ =	sdelay $0x2  }
0x213: {  	v6 =	vadd.f32 v6, v10  }
0x214: {  	s19 =	sadd.s32 $0x4A00, s24  }
0x215: {  	s20 =	sor.u32 s25, s19;
	[tilespmem:s18+$0xF000] =	vst v6;
	v5 =	vadd.f32 v5, v4  }
0x216: {  	v6 =	vld [tilespmem:s20+$0x0]  }
0x217: {  	s3 =	sor.u32 s6, s19;
	[tilespmem:s5+$0xF000] =	vst v5  }
0x218: {  	v5 =	vld [tilespmem:s3+$0x0];
	_ =	sdelay $0x2  }
0x219: {  	v6 =	vadd.f32 v6, v10;
	_ =	sdelay $0x1  }
0x21a: {  	[tilespmem:s20+$0xF000] =	vst v6;
	v4 =	vadd.f32 v5, v4  }
0x21b: {  	v6 =	vld [tilespmem:s28+$0x280]  }
0x21c: {  	v5 =	vld [tilespmem:s28+$0xC280];
	[tilespmem:s3+$0xF000] =	vst v4  }
0x21d: {  	v4 =	vld [tilespmem:s26+$0xC280]  }
0x21e: {  	v7 =	vld [tilespmem:s26+$0x280];
	_ =	sdelay $0x2  }
0x21f: {  	v6 =	vadd.f32 v6, v5  }
0x220: {  	s22 =	sadd.s32 $0x1A80, s24  }
0x221: {  	s30 =	sor.u32 s25, s22;
	[tilespmem:s28+$0xF280] =	vst v6;
	v6 =	vadd.f32 v7, v4  }
0x222: {  	v7 =	vld [tilespmem:s30+$0x0]  }
0x223: {  	s3 =	sor.u32 s6, s22;
	[tilespmem:s26+$0xF280] =	vst v6  }
0x224: {  	v6 =	vld [tilespmem:s3+$0x0];
	_ =	sdelay $0x2  }
0x225: {  	v7 =	vadd.f32 v7, v5  }
0x226: {  	s8 =	sadd.s32 $0x3280, s24  }
0x227: {  	s11 =	sor.u32 s25, s8;
	[tilespmem:s30+$0xF000] =	vst v7;
	v6 =	vadd.f32 v6, v4  }
0x228: {  	s9 =	smov.u32 s6;
	v7 =	vld [tilespmem:s11+$0x0]  }
0x229: {  	s6 =	sor.u32 s9, s8;
	[tilespmem:s3+$0xF000] =	vst v6  }
0x22a: {  	v6 =	vld [tilespmem:s6+$0x0];
	_ =	sdelay $0x2  }
0x22b: {  	v7 =	vadd.f32 v7, v5  }
0x22c: {  	s12 =	sadd.s32 $0x4A80, s24  }
0x22d: {  	s15 =	sor.u32 s25, s12;
	[tilespmem:s11+$0xF000] =	vst v7;
	v6 =	vadd.f32 v6, v4  }
0x22e: {  	v7 =	vld [tilespmem:s15+$0x0]  }
0x22f: {  	s16 =	sor.u32 s9, s12;
	[tilespmem:s6+$0xF000] =	vst v6  }
0x230: {  	s18 =	sadd.s32 $0x1, s14;
	v6 =	vld [tilespmem:s16+$0x0]  }
0x231: {  	[tilespmem:s31+$0xF000] =	vst v0;
	s3 =	sand.u32 $0x3, s18  }
0x232: {  	s3 =	sshll.u32 s3, $0x5;
	s6 =	rddreg [dreg:$0x13]  }
0x233: {  	s2 =	sor.u32 $0x300, s2;
	s6 =	sadd.s32 s3, s6;
	v5 =	vadd.f32 v7, v5  }
0x234: {  	v0 =	vld [tilespmem:s2+$0xC000];
	s3 =	sadd.s32 $0x10, s6  }
0x235: {  	v2 =	vld [tilespmem:s2+$0x0];
	s19 =	sor.u32 $0x300, s3;
	[tilespmem:s15+$0xF000] =	vst v5;
	v4 =	vadd.f32 v6, v4  }
0x236: {  	v5 =	vld [tilespmem:s19+$0xC000]  }
0x237: {  	s6 =	sor.u32 $0x300, s6;
	v6 =	vld [tilespmem:s19+$0x0];
	[tilespmem:s16+$0xF000] =	vst v4  }
0x238: {  	v4 =	vld [tilespmem:s6+$0xC000]  }
0x239: {  	v7 =	vld [tilespmem:s6+$0x0]  }
0x23a: {  	v2 =	vadd.f32 v2, v0;
	_ =	sdelay $0x1  }
0x23b: {  	s1 =	sor.u32 s13, s1;
	[tilespmem:s2+$0xF000] =	vst v2;
	v2 =	vadd.f32 v6, v5  }
0x23c: {  	s20 =	sadd.s32 $0x1B00, s24;
	v6 =	vld [tilespmem:s1+$0x0]  }
0x23d: {  	s22 =	sor.u32 s25, s20;
	[tilespmem:s19+$0xF000] =	vst v2;
	v2 =	vadd.f32 v7, v4  }
0x23e: {  	v7 =	vld [tilespmem:s22+$0x0]  }
0x23f: {  	s2 =	sor.u32 s9, s20;
	[tilespmem:s6+$0xF000] =	vst v2  }
0x240: {  	v2 =	vld [tilespmem:s2+$0x0]  }
0x241: {  	v6 =	vadd.f32 v6, v0;
	_ =	sdelay $0x1  }
0x242: {  	s0 =	sor.u32 s13, s0;
	[tilespmem:s1+$0xF000] =	vst v6;
	v6 =	vadd.f32 v7, v5  }
0x243: {  	s26 =	sadd.s32 $0x3300, s24;
	v7 =	vld [tilespmem:s0+$0x0]  }
0x244: {  	s30 =	sor.u32 s25, s26;
	[tilespmem:s22+$0xF000] =	vst v6;
	v2 =	vadd.f32 v2, v4  }
0x245: {  	v6 =	vld [tilespmem:s30+$0x0]  }
0x246: {  	s1 =	sor.u32 s9, s26;
	[tilespmem:s2+$0xF000] =	vst v2  }
0x247: {  	s6 =	sadd.s32 $0x4B00, s21;
	v2 =	vld [tilespmem:s1+$0x0]  }
0x248: {  	s8 =	sor.u32 s23, s6;
	v7 =	vadd.f32 v7, v0  }
0x249: {  	v8 =	vld [tilespmem:s8+$0x0]  }
0x24a: {  	s2 =	sor.u32 s13, s6;
	[tilespmem:s0+$0xF000] =	vst v7;
	v6 =	vadd.f32 v6, v5  }
0x24b: {  	s11 =	sadd.s32 $0x4B00, s24;
	v7 =	vld [tilespmem:s2+$0x0]  }
0x24c: {  	s12 =	sor.u32 s25, s11;
	[tilespmem:s30+$0xF000] =	vst v6;
	v2 =	vadd.f32 v2, v4  }
0x24d: {  	v6 =	vld [tilespmem:s12+$0x0]  }
0x24e: {  	v3 =	vadd.f32 v8, v3;
	s0 =	sor.u32 s9, s11;
	[tilespmem:s1+$0xF000] =	vst v2  }
0x24f: {  	v2 =	vld [tilespmem:s0+$0x0]  }
0x250: {  	s14 =	sor.u32 $0x380, s10;
	[tilespmem:s8+$0xF000] =	vst v3;
	v0 =	vadd.f32 v7, v0  }
0x251: {  	v3 =	vld [tilespmem:s14+$0xC000]  }
0x252: {  	v7 =	vld [tilespmem:s14+$0x0];
	[tilespmem:s2+$0xF000] =	vst v0;
	v0 =	vadd.f32 v6, v5  }
0x253: {  	s6 =	rddreg [dreg:$0x10]  }
0x254: {  	v5 =	vld [tilespmem:s6+$0xC000];
	[tilespmem:s12+$0xF000] =	vst v0;
	v0 =	vadd.f32 v2, v4  }
0x255: {  	s15 =	sor.u32 $0x380, s3;
	v6 =	vld [tilespmem:s6+$0x0]  }
0x256: {  	v2 =	vld [tilespmem:s15+$0xC000];
	[tilespmem:s0+$0xF000] =	vst v0  }
0x257: {  	v7 =	vadd.f32 v7, v3;
	v4 =	vld [tilespmem:s15+$0x0];
	s5 =	rddreg [dreg:$0xf]  }
0x258: {  	s16 =	sadd.s32 $0x1B80, s21;
	v0 =	vld [tilespmem:s5+$0xC000]  }
0x259: {  	s18 =	sor.u32 s23, s16;
	[tilespmem:s14+$0xF000] =	vst v7;
	v8 =	vld [tilespmem:s5+$0x0]  }
0x25a: {  	v7 =	vld [tilespmem:s18+$0x0];
	_ =	sdelay $0x1  }
0x25b: {  	v4 =	vadd.f32 v4, v2  }
0x25c: {  	s19 =	sadd.s32 $0x1B80, s24;
	v6 =	vadd.f32 v6, v5  }
0x25d: {  	s20 =	sor.u32 s25, s19;
	[tilespmem:s15+$0xF000] =	vst v4;
	v4 =	vadd.f32 v8, v0  }
0x25e: {  	s0 =	sor.u32 s13, s16;
	[tilespmem:s6+$0xF000] =	vst v6;
	v6 =	vld [tilespmem:s20+$0x0];
	v7 =	vadd.f32 v7, v3  }
0x25f: {  	s3 =	sor.u32 s9, s19;
	s22 =	sadd.s32 $0x3380, s21;
	v8 =	vld [tilespmem:s0+$0x0];
	[tilespmem:s5+$0xF000] =	vst v4  }
0x260: {  	s26 =	sor.u32 s23, s22;
	[tilespmem:s18+$0xF000] =	vst v7;
	v4 =	vld [tilespmem:s3+$0x0]  }
0x261: {  	s4 =	sor.u32 s17, s4;
	v7 =	vld [tilespmem:s26+$0x0]  }
0x262: {  	v9 =	vld [tilespmem:s4+$0x0]  }
0x263: {  	v6 =	vadd.f32 v6, v2  }
0x264: {  	s30 =	sadd.s32 $0x3380, s24;
	v8 =	vadd.f32 v8, v5  }
0x265: {  	s8 =	sor.u32 s25, s30;
	[tilespmem:s20+$0xF000] =	vst v6;
	v4 =	vadd.f32 v4, v0  }
0x266: {  	s5 =	sor.u32 s13, s22;
	[tilespmem:s0+$0xF000] =	vst v8;
	v6 =	vld [tilespmem:s8+$0x0];
	v7 =	vadd.f32 v7, v3  }
0x267: {  	v9 =	vadd.f32 v9, v1;
	s11 =	sadd.s32 $0x4B80, s21;
	s10 =	sor.u32 s9, s30;
	v8 =	vld [tilespmem:s5+$0x0];
	[tilespmem:s3+$0xF000] =	vst v4  }
0x268: {  	s12 =	sor.u32 s23, s11;
	[tilespmem:s26+$0xF000] =	vst v7;
	v4 =	vld [tilespmem:s10+$0x0]  }
0x269: {  	s14 =	sor.u32 s17, s7;
	[tilespmem:s4+$0xF000] =	vst v9;
	v7 =	vld [tilespmem:s12+$0x0]  }
0x26a: {  	v9 =	vld [tilespmem:s14+$0x0]  }
0x26b: {  	v6 =	vadd.f32 v6, v2  }
0x26c: {  	s15 =	sadd.s32 $0x4B80, s24;
	v8 =	vadd.f32 v8, v5  }
0x26d: {  	s16 =	sor.u32 s25, s15;
	[tilespmem:s8+$0xF000] =	vst v6;
	v4 =	vadd.f32 v4, v0  }
0x26e: {  	s3 =	sor.u32 s13, s11;
	[tilespmem:s5+$0xF000] =	vst v8;
	v6 =	vld [tilespmem:s16+$0x0];
	v3 =	vadd.f32 v7, v3  }
0x26f: {  	s4 =	sor.u32 s9, s15;
	v1 =	vadd.f32 v9, v1;
	v8 =	vld [tilespmem:s3+$0x0];
	[tilespmem:s10+$0xF000] =	vst v4  }
0x270: {  	[tilespmem:s12+$0xF000] =	vst v3;
	v4 =	vld [tilespmem:s4+$0x0]  }
0x271: {  	s5 =	sld [smem:$0x7F2];
	[tilespmem:s14+$0xF000] =	vst v1  }
0x272: {  	s0 =	sld [smem:$0x7FA]  }
0x273: {  	v2 =	vadd.f32 v6, v2;
	s1 =	sld [smem:$0x7F3]  }
0x274: {  	v1 =	vadd.f32 v8, v5  }
0x275: {  	p0 =	seq.s32 s5, $0xF;
	[tilespmem:s16+$0xF000] =	vst v2;
	v0 =	vadd.f32 v4, v0  }
0x276: {  	s19 =	rddreg [dreg:$0x2];
	s0 =	sadd.s32 @!p0 s1, s0;
	[tilespmem:s3+$0xF000] =	vst v1  }
0x277: {  	s1 =	rddreg [dreg:$0x1];
	s0 =	smul.u32 @!p0 $0x300, s0;
	[tilespmem:s4+$0xF000] =	vst v0  }
0x278: {  	s21 =	simm.s32 $0x600000;
	s17 =	sshll.u32 s5, $0x4;
	s18 =	sld [smem:$0x7F5]  }
0x279: {  	s2 =	simm.s32 @!p0 $0x0;
	s3 =	simm.s32 @!p0 $0xC000;
	s1 =	sadd.s32 @!p0 s1, s0  }
0x27a: {  	[tilespmem:s3], [sflag:$0x1] =	stream.linear.gather @!p0 [hbm4b:s1+s2], $0x1800, $0x38;
	[tilespmem:$0x1B000] =	vst v63  }
0x27b: {  	s23 =	simm.s32 $0x2;
	s22 =	simm.s32 $0xF000;
	s1 =	sor.u32 s18, s17  }
0x27c: {  	s4 =	simm.s32 @!p0 $0x600000;
	s3 =	rddreg [dreg:$0x0];
	s1 =	sshrl.u32 s1, $0x3  }
0x27d: {  	s0 =	sadd.s32 @!p0 s3, s0;
	s3 =	simm.s32 @!p0 $0x1800;
	s1 =	smul.u32 $0x300, s1  }
0x27e: {  	[tilespmem:s2], [sflag:$0x1] =	stream.strided.gather @!p0 [hbm4b:s0+s3], $0x6000, s4, s3, $0x38;
	[tilespmem:$0x1B000] =	vst v63  }
0x27f: {  	s20 =	simm.s32 $0x1800;
	[smem:$0x7E1] =	sst s1;
	s0 =	sadd.s32 s19, s1  }
0x280: {  	[hbm4b:s0+s20] =	stream.strided.scatter [tilespmem:s22], [sflag:$0x3], $0x6000, s21, s20, $0x38;
	[tilespmem:$0x1B000] =	vst v63  }
0x281: {  	_ =	swait.ge [sflag:s23], $0x1800  }
0x282: {  	[sflag:s23] =	ssyncset.done $0x0  }
0x283: {  	[sflag:s23] =	ssyncadd.s32 $0xFFFFE800  }
0x284: {  	_ =	swait.ge [sflag:s23], $0x6000  }
0x285: {  	[sflag:s23] =	ssyncset.done $0x0  }
0x286: {  	s24 =	simm.s32 $0x0;
	s0 =	simm.s32 @!p1 $0x4;
	[sflag:s23] =	ssyncadd.s32 $0xFFFFA000  }
0x287: {  	s4 =	sand.u32 $0x60, s24;
	s18 =	sand.u32 $0x1C00, s24;
	_ =	swait.ge @!p1 [sflag:s0], $0x6000  }
0x288: {  	s1 =	sadd.s32 $0xD800, s18;
	s21 =	sor.u32 $0x10, s4;
	[sflag:s0] =	ssyncset.done @!p1 $0x0  }
0x289: {  	s25 =	sor.u32 s21, s1;
	[sflag:s0] =	ssyncadd.s32 @!p1 $0xFFFFA000  }
0x28a: {  	s8 =	sor.u32 s18, s21;
	v0 =	vld [tilespmem:s25+$0x0]  }
0x28b: {  	v1 =	vld [tilespmem:s8+$0x6000];
	_ =	sdelay $0x4  }
0x28c: {  	v1 =	vadd.f32 v1, v0  }
0x28d: {  	s26 =	sadd.s32 $0x7800, s18  }
0x28e: {  	s30 =	sor.u32 s21, s26;
	[tilespmem:s8+$0x15000] =	vst v1  }
0x28f: {  	v1 =	vld [tilespmem:s30+$0x0];
	_ =	sdelay $0x2  }
0x290: {  	s6 =	sor.u32 s4, s18  }
0x291: {  	s1 =	sor.u32 s4, s1;
	v2 =	vld [tilespmem:s6+$0x6000]  }
0x292: {  	v3 =	vld [tilespmem:s1+$0x0];
	v1 =	vadd.f32 v1, v0  }
0x293: {  	s3 =	sadd.s32 $0x9000, s18  }
0x294: {  	s5 =	sor.u32 s21, s3;
	[tilespmem:s30+$0xF000] =	vst v1  }
0x295: {  	v1 =	vld [tilespmem:s5+$0x0];
	_ =	sdelay $0x1  }
0x296: {  	v2 =	vadd.f32 v2, v3;
	_ =	sdelay $0x1  }
0x297: {  	s0 =	sor.u32 s4, s26;
	[tilespmem:s6+$0x15000] =	vst v2  }
0x298: {  	v2 =	vld [tilespmem:s0+$0x0];
	v1 =	vadd.f32 v1, v0  }
0x299: {  	s7 =	sadd.s32 $0xA800, s18  }
0x29a: {  	s9 =	sor.u32 s21, s7;
	[tilespmem:s5+$0xF000] =	vst v1  }
0x29b: {  	v1 =	vld [tilespmem:s9+$0x0];
	_ =	sdelay $0x1  }
0x29c: {  	v2 =	vadd.f32 v2, v3;
	_ =	sdelay $0x1  }
0x29d: {  	s10 =	sor.u32 s4, s3;
	[tilespmem:s0+$0xF000] =	vst v2  }
0x29e: {  	v2 =	vld [tilespmem:s10+$0x0];
	v0 =	vadd.f32 v1, v0  }
0x29f: {  	s11 =	sadd.s32 $0xD880, s18  }
0x2a0: {  	s13 =	simm.s32 $0x100;
	s14 =	simm.s32 $0x20;
	s12 =	sor.u32 s21, s11;
	[tilespmem:s9+$0xF000] =	vst v0  }
0x2a1: {  	s19 =	sand.u32 $0x60, s14;
	s0 =	sand.u32 $0x1C00, s13;
	v0 =	vld [tilespmem:s12+$0x0]  }
0x2a2: {  	s1 =	sor.u32 $0x10, s19;
	s15 =	sadd.s32 $0xD800, s0;
	v1 =	vld [tilespmem:s8+$0x6080]  }
0x2a3: {  	s16 =	sor.u32 s1, s15;
	v2 =	vadd.f32 v2, v3  }
0x2a4: {  	s14 =	sor.u32 s0, s1;
	v4 =	vld [tilespmem:s16+$0x0]  }
0x2a5: {  	s5 =	sor.u32 s4, s7;
	[tilespmem:s10+$0xF000] =	vst v2;
	v2 =	vld [tilespmem:s14+$0x6000]  }
0x2a6: {  	v5 =	vld [tilespmem:s5+$0x0]  }
0x2a7: {  	v1 =	vadd.f32 v1, v0  }
0x2a8: {  	s17 =	sadd.s32 $0x7880, s18  }
0x2a9: {  	s20 =	sor.u32 s21, s17;
	[tilespmem:s8+$0x15080] =	vst v1  }
0x2aa: {  	v2 =	vadd.f32 v2, v4;
	v1 =	vld [tilespmem:s20+$0x0]  }
0x2ab: {  	s22 =	sadd.s32 $0x7800, s0;
	v3 =	vadd.f32 v5, v3  }
0x2ac: {  	s23 =	sor.u32 s1, s22;
	[tilespmem:s14+$0x15000] =	vst v2  }
0x2ad: {  	s9 =	sor.u32 s4, s11;
	[tilespmem:s5+$0xF000] =	vst v3;
	v2 =	vld [tilespmem:s23+$0x0]  }
0x2ae: {  	v3 =	vld [tilespmem:s9+$0x0]  }
0x2af: {  	v5 =	vld [tilespmem:s6+$0x6080];
	v1 =	vadd.f32 v1, v0  }
0x2b0: {  	s24 =	sadd.s32 $0x9080, s18  }
0x2b1: {  	s25 =	sor.u32 s21, s24;
	[tilespmem:s20+$0xF000] =	vst v1  }
0x2b2: {  	s28 =	sor.u32 s19, s0;
	v2 =	vadd.f32 v2, v4;
	v1 =	vld [tilespmem:s25+$0x0]  }
0x2b3: {  	s26 =	sadd.s32 $0x9000, s0;
	v6 =	vld [tilespmem:s28+$0x6000];
	s10 =	sor.u32 s19, s15  }
0x2b4: {  	s30 =	sor.u32 s1, s26;
	v7 =	vld [tilespmem:s10+$0x0];
	v5 =	vadd.f32 v5, v3;
	[tilespmem:s23+$0xF000] =	vst v2  }
0x2b5: {  	v2 =	vld [tilespmem:s30+$0x0]  }
0x2b6: {  	s7 =	sor.u32 s4, s17;
	[tilespmem:s6+$0x15080] =	vst v5  }
0x2b7: {  	v5 =	vld [tilespmem:s7+$0x0];
	v1 =	vadd.f32 v1, v0  }
0x2b8: {  	s2 =	sadd.s32 $0xA880, s18  }
0x2b9: {  	s3 =	sor.u32 s21, s2;
	[tilespmem:s25+$0xF000] =	vst v1;
	v1 =	vadd.f32 v6, v7  }
0x2ba: {  	v2 =	vadd.f32 v2, v4;
	v6 =	vld [tilespmem:s3+$0x0]  }
0x2bb: {  	s13 =	sor.u32 s19, s22;
	s5 =	sadd.s32 $0xA800, s0;
	[tilespmem:s28+$0x15000] =	vst v1  }
0x2bc: {  	s11 =	sor.u32 s1, s5;
	[tilespmem:s30+$0xF000] =	vst v2;
	v1 =	vadd.f32 v5, v3;
	v5 =	vld [tilespmem:s13+$0x0]  }
0x2bd: {  	v2 =	vld [tilespmem:s11+$0x0]  }
0x2be: {  	s9 =	sor.u32 s4, s24;
	[tilespmem:s7+$0xF000] =	vst v1  }
0x2bf: {  	v1 =	vld [tilespmem:s9+$0x0];
	v0 =	vadd.f32 v6, v0  }
0x2c0: {  	s20 =	sadd.s32 $0xD900, s18  }
0x2c1: {  	s22 =	sor.u32 s21, s20;
	[tilespmem:s3+$0xF000] =	vst v0;
	v0 =	vadd.f32 v5, v7  }
0x2c2: {  	v2 =	vadd.f32 v2, v4;
	v5 =	vld [tilespmem:s22+$0x0]  }
0x2c3: {  	s24 =	sadd.s32 $0xD880, s0;
	s23 =	sor.u32 s19, s26;
	v4 =	vld [tilespmem:s8+$0x6100];
	[tilespmem:s13+$0xF000] =	vst v0  }
0x2c4: {  	[tilespmem:s11+$0xF000] =	vst v2;
	s25 =	sor.u32 s1, s24;
	v0 =	vadd.f32 v1, v3;
	v1 =	vld [tilespmem:s23+$0x0]  }
0x2c5: {  	v2 =	vld [tilespmem:s25+$0x0]  }
0x2c6: {  	s26 =	sor.u32 s4, s2;
	[tilespmem:s9+$0xF000] =	vst v0;
	v0 =	vld [tilespmem:s14+$0x6080]  }
0x2c7: {  	v6 =	vld [tilespmem:s26+$0x0]  }
0x2c8: {  	v4 =	vadd.f32 v4, v5  }
0x2c9: {  	s30 =	sadd.s32 $0x7900, s18;
	v1 =	vadd.f32 v1, v7  }
0x2ca: {  	s2 =	sor.u32 s21, s30;
	[tilespmem:s8+$0x15100] =	vst v4  }
0x2cb: {  	s3 =	sor.u32 s19, s5;
	v4 =	vld [tilespmem:s2+$0x0];
	v0 =	vadd.f32 v0, v2;
	[tilespmem:s23+$0xF000] =	vst v1  }
0x2cc: {  	s5 =	sadd.s32 $0x7880, s0;
	v1 =	vadd.f32 v6, v3;
	v3 =	vld [tilespmem:s3+$0x0]  }
0x2cd: {  	s11 =	sor.u32 s1, s5;
	[tilespmem:s14+$0x15080] =	vst v0  }
0x2ce: {  	s7 =	sor.u32 s4, s20;
	[tilespmem:s26+$0xF000] =	vst v1;
	v0 =	vld [tilespmem:s11+$0x0]  }
0x2cf: {  	v1 =	vld [tilespmem:s7+$0x0]  }
0x2d0: {  	v6 =	vld [tilespmem:s6+$0x6100];
	v4 =	vadd.f32 v4, v5  }
0x2d1: {  	s20 =	sadd.s32 $0x9100, s18;
	v3 =	vadd.f32 v3, v7  }
0x2d2: {  	s22 =	sor.u32 s21, s20;
	[tilespmem:s2+$0xF000] =	vst v4  }
0x2d3: {  	s13 =	sor.u32 s19, s24;
	v4 =	vld [tilespmem:s22+$0x0];
	v0 =	vadd.f32 v0, v2;
	[tilespmem:s3+$0xF000] =	vst v3  }
0x2d4: {  	s23 =	sadd.s32 $0x9080, s0;
	v3 =	vld [tilespmem:s13+$0x0]  }
0x2d5: {  	s24 =	sor.u32 s1, s23;
	v6 =	vadd.f32 v6, v1;
	v7 =	vld [tilespmem:s28+$0x6080];
	[tilespmem:s11+$0xF000] =	vst v0  }
0x2d6: {  	v0 =	vld [tilespmem:s24+$0x0]  }
0x2d7: {  	s9 =	sor.u32 s4, s30;
	[tilespmem:s6+$0x15100] =	vst v6  }
0x2d8: {  	v6 =	vld [tilespmem:s9+$0x0];
	v4 =	vadd.f32 v4, v5  }
0x2d9: {  	s25 =	sadd.s32 $0xA900, s18  }
0x2da: {  	s26 =	sor.u32 s21, s25;
	[tilespmem:s22+$0xF000] =	vst v4;
	v4 =	vadd.f32 v7, v3  }
0x2db: {  	v7 =	vld [tilespmem:s26+$0x0];
	v0 =	vadd.f32 v0, v2  }
0x2dc: {  	s12 =	sor.u32 s19, s5;
	s30 =	sadd.s32 $0xA880, s0;
	[tilespmem:s28+$0x15080] =	vst v4  }
0x2dd: {  	s2 =	sor.u32 s1, s30;
	v4 =	vadd.f32 v6, v1;
	v6 =	vld [tilespmem:s12+$0x0];
	[tilespmem:s24+$0xF000] =	vst v0  }
0x2de: {  	v0 =	vld [tilespmem:s2+$0x0]  }
0x2df: {  	s7 =	sor.u32 s4, s20;
	[tilespmem:s9+$0xF000] =	vst v4  }
0x2e0: {  	v4 =	vld [tilespmem:s7+$0x0];
	v5 =	vadd.f32 v7, v5  }
0x2e1: {  	s3 =	sadd.s32 $0xD980, s18  }
0x2e2: {  	s5 =	sor.u32 s21, s3;
	[tilespmem:s26+$0xF000] =	vst v5;
	v5 =	vadd.f32 v6, v3  }
0x2e3: {  	v6 =	vld [tilespmem:s5+$0x0];
	v0 =	vadd.f32 v0, v2  }
0x2e4: {  	s11 =	sor.u32 s19, s23;
	s13 =	sadd.s32 $0xD900, s0;
	v2 =	vld [tilespmem:s8+$0x6180];
	[tilespmem:s12+$0xF000] =	vst v5  }
0x2e5: {  	s15 =	sor.u32 s1, s13;
	v4 =	vadd.f32 v4, v1;
	v5 =	vld [tilespmem:s11+$0x0];
	[tilespmem:s2+$0xF000] =	vst v0  }
0x2e6: {  	v0 =	vld [tilespmem:s15+$0x0]  }
0x2e7: {  	s20 =	sor.u32 s4, s25;
	[tilespmem:s7+$0xF000] =	vst v4;
	v4 =	vld [tilespmem:s14+$0x6100]  }
0x2e8: {  	v7 =	vld [tilespmem:s20+$0x0]  }
0x2e9: {  	v2 =	vadd.f32 v2, v6  }
0x2ea: {  	s22 =	sadd.s32 $0x7980, s18;
	v5 =	vadd.f32 v5, v3  }
0x2eb: {  	s23 =	sor.u32 s21, s22;
	[tilespmem:s8+$0x15180] =	vst v2  }
0x2ec: {  	s24 =	sor.u32 s19, s30;
	v2 =	vld [tilespmem:s23+$0x0];
	v4 =	vadd.f32 v4, v0;
	[tilespmem:s11+$0xF000] =	vst v5  }
0x2ed: {  	s10 =	sadd.s32 $0x7900, s0;
	v1 =	vadd.f32 v7, v1;
	v5 =	vld [tilespmem:s24+$0x0]  }
0x2ee: {  	s25 =	sor.u32 s1, s10;
	[tilespmem:s14+$0x15100] =	vst v4  }
0x2ef: {  	s9 =	sor.u32 s4, s3;
	[tilespmem:s20+$0xF000] =	vst v1;
	v1 =	vld [tilespmem:s25+$0x0]  }
0x2f0: {  	v4 =	vld [tilespmem:s9+$0x0]  }
0x2f1: {  	v7 =	vld [tilespmem:s6+$0x6180];
	v2 =	vadd.f32 v2, v6  }
0x2f2: {  	s30 =	simm.s32 $0x40;
	s26 =	simm.s32 $0x200;
	s20 =	sadd.s32 $0x9180, s18;
	v3 =	vadd.f32 v5, v3  }
0x2f3: {  	s12 =	sand.u32 $0x1C00, s26;
	s11 =	sand.u32 $0x60, s30;
	s5 =	sor.u32 s21, s20;
	[tilespmem:s23+$0xF000] =	vst v2  }
0x2f4: {  	s13 =	sor.u32 s19, s13;
	s2 =	sor.u32 $0x10, s11;
	s23 =	sadd.s32 $0xD800, s12;
	v2 =	vld [tilespmem:s5+$0x0];
	v1 =	vadd.f32 v1, v0;
	[tilespmem:s24+$0xF000] =	vst v3  }
0x2f5: {  	s9 =	sadd.s32 $0x9100, s0;
	s24 =	sor.u32 s2, s23;
	v3 =	vld [tilespmem:s13+$0x0]  }
0x2f6: {  	v7 =	vadd.f32 v7, v4;
	v5 =	vld [tilespmem:s24+$0x0];
	[tilespmem:s25+$0xF000] =	vst v1;
	s25 =	sor.u32 s1, s9  }
0x2f7: {  	s3 =	sor.u32 s12, s2;
	v1 =	vld [tilespmem:s25+$0x0]  }
0x2f8: {  	s26 =	sor.u32 s4, s22;
	[tilespmem:s6+$0x15180] =	vst v7;
	v7 =	vld [tilespmem:s3+$0x6000]  }
0x2f9: {  	v8 =	vld [tilespmem:s26+$0x0];
	v2 =	vadd.f32 v2, v6  }
0x2fa: {  	s23 =	sor.u32 s11, s23;
	v9 =	vld [tilespmem:s28+$0x6100];
	s13 =	sadd.s32 $0xA980, s18  }
0x2fb: {  	s24 =	sor.u32 s21, s13;
	[tilespmem:s5+$0xF000] =	vst v2;
	v2 =	vld [tilespmem:s23+$0x0]  }
0x2fc: {  	s23 =	sor.u32 s11, s12;
	v10 =	vld [tilespmem:s24+$0x0];
	v1 =	vadd.f32 v1, v0  }
0x2fd: {  	s7 =	sadd.s32 $0xA900, s0;
	v11 =	vld [tilespmem:s23+$0x6000];
	v7 =	vadd.f32 v7, v5  }
0x2fe: {  	s30 =	sor.u32 s1, s7;
	[tilespmem:s25+$0xF000] =	vst v1;
	v1 =	vadd.f32 v8, v4;
	s25 =	sadd.s32 $0x7800, s12  }
0x2ff: {  	v8 =	vadd.f32 v9, v3;
	[tilespmem:s3+$0x15000] =	vst v7;
	v7 =	vld [tilespmem:s30+$0x0];
	s5 =	sor.u32 s2, s25  }
0x300: {  	s17 =	sor.u32 s4, s20;
	[tilespmem:s26+$0xF000] =	vst v1;
	v1 =	vld [tilespmem:s5+$0x0]  }
0x301: {  	s20 =	sor.u32 s19, s10;
	[tilespmem:s28+$0x15100] =	vst v8;
	v9 =	vld [tilespmem:s17+$0x0];
	v6 =	vadd.f32 v10, v6  }
0x302: {  	s26 =	sadd.s32 $0xDA00, s18;
	v8 =	vld [tilespmem:s20+$0x0];
	v10 =	vadd.f32 v11, v2  }
0x303: {  	s22 =	sor.u32 s21, s26;
	[tilespmem:s24+$0xF000] =	vst v6  }
0x304: {  	s16 =	sor.u32 s11, s25;
	[tilespmem:s23+$0x15000] =	vst v10;
	v6 =	vld [tilespmem:s22+$0x0];
	v0 =	vadd.f32 v7, v0  }
0x305: {  	s10 =	sadd.s32 $0xD980, s0;
	v7 =	vld [tilespmem:s16+$0x0];
	v1 =	vadd.f32 v1, v5  }
0x306: {  	s22 =	sadd.s32 $0x9000, s12;
	[tilespmem:s30+$0xF000] =	vst v0;
	v0 =	vadd.f32 v9, v4;
	v9 =	vld [tilespmem:s8+$0x6200];
	s30 =	sor.u32 s1, s10  }
0x307: {  	v8 =	vadd.f32 v8, v3;
	[tilespmem:s5+$0xF000] =	vst v1;
	v1 =	vld [tilespmem:s30+$0x0];
	s5 =	sor.u32 s2, s22  }
0x308: {  	s13 =	sor.u32 s4, s13;
	[tilespmem:s17+$0xF000] =	vst v0;
	v0 =	vld [tilespmem:s5+$0x0]  }
0x309: {  	s9 =	sor.u32 s19, s9;
	[tilespmem:s20+$0xF000] =	vst v8;
	v8 =	vld [tilespmem:s13+$0x0]  }
0x30a: {  	v10 =	vld [tilespmem:s9+$0x0];
	v7 =	vadd.f32 v7, v2  }
0x30b: {  	v11 =	vld [tilespmem:s14+$0x6180];
	v9 =	vadd.f32 v9, v6  }
0x30c: {  	s17 =	sadd.s32 $0x7A00, s18;
	[tilespmem:s16+$0xF000] =	vst v7;
	s16 =	sor.u32 s11, s22  }
0x30d: {  	s20 =	sor.u32 s21, s17;
	v7 =	vld [tilespmem:s16+$0x0];
	[tilespmem:s8+$0x15200] =	vst v9;
	v0 =	vadd.f32 v0, v5  }
0x30e: {  	s22 =	sadd.s32 $0xA800, s12;
	v4 =	vadd.f32 v8, v4;
	v8 =	vld [tilespmem:s20+$0x0]  }
0x30f: {  	s25 =	sor.u32 s2, s22;
	[tilespmem:s5+$0xF000] =	vst v0;
	v0 =	vadd.f32 v10, v3  }
0x310: {  	s30 =	sor.u32 s4, s26;
	v9 =	vadd.f32 v11, v1;
	[tilespmem:s13+$0xF000] =	vst v4;
	v4 =	vld [tilespmem:s25+$0x0]  }
0x311: {  	s7 =	sor.u32 s19, s7;
	v10 =	vld [tilespmem:s30+$0x0];
	[tilespmem:s9+$0xF000] =	vst v0;
	s9 =	sadd.s32 $0x7980, s0  }
0x312: {  	[tilespmem:s14+$0x15180] =	vst v9;
	v7 =	vadd.f32 v7, v2;
	v0 =	vld [tilespmem:s7+$0x0];
	s5 =	sor.u32 s1, s9  }
0x313: {  	v8 =	vadd.f32 v8, v6;
	v9 =	vld [tilespmem:s5+$0x0]  }
0x314: {  	[tilespmem:s16+$0xF000] =	vst v7;
	v7 =	vld [tilespmem:s6+$0x6200];
	s16 =	sor.u32 s11, s22;
	s22 =	sadd.s32 $0x9200, s18  }
0x315: {  	[tilespmem:s20+$0xF000] =	vst v8;
	v8 =	vld [tilespmem:s16+$0x0];
	v4 =	vadd.f32 v4, v5;
	s20 =	sor.u32 s21, s22  }
0x316: {  	s26 =	sadd.s32 $0xD880, s12;
	v5 =	vld [tilespmem:s20+$0x0]  }
0x317: {  	s24 =	sor.u32 s2, s26;
	[tilespmem:s25+$0xF000] =	vst v4;
	v0 =	vadd.f32 v0, v3  }
0x318: {  	v3 =	vld [tilespmem:s24+$0x0];
	v4 =	vadd.f32 v9, v1  }
0x319: {  	s13 =	sadd.s32 $0x9180, s0;
	s30 =	sor.u32 s19, s10;
	[tilespmem:s7+$0xF000] =	vst v0;
	v0 =	vadd.f32 v7, v10;
	v7 =	vld [tilespmem:s3+$0x6080]  }
0x31a: {  	v9 =	vld [tilespmem:s30+$0x0];
	[tilespmem:s5+$0xF000] =	vst v4;
	v2 =	vadd.f32 v8, v2;
	s5 =	sor.u32 s1, s13  }
0x31b: {  	s17 =	sor.u32 s4, s17;
	[tilespmem:s6+$0x15200] =	vst v0;
	v0 =	vadd.f32 v5, v6;
	v4 =	vld [tilespmem:s5+$0x0]  }
0x31c: {  	[tilespmem:s16+$0xF000] =	vst v2;
	v2 =	vld [tilespmem:s17+$0x0];
	s16 =	sadd.s32 $0xAA00, s18  }
0x31d: {  	v8 =	vld [tilespmem:s28+$0x6180];
	[tilespmem:s20+$0xF000] =	vst v0;
	s25 =	sor.u32 s21, s16  }
0x31e: {  	s24 =	sor.u32 s11, s26;
	v5 =	vld [tilespmem:s25+$0x0];
	v7 =	vadd.f32 v7, v3  }
0x31f: {  	s26 =	sadd.s32 $0x7880, s12;
	v0 =	vld [tilespmem:s24+$0x0]  }
0x320: {  	s30 =	sor.u32 s2, s26;
	v11 =	vld [tilespmem:s23+$0x6080];
	[tilespmem:s3+$0x15080] =	vst v7;
	v4 =	vadd.f32 v4, v1  }
0x321: {  	s7 =	sadd.s32 $0xA980, s0;
	v2 =	vadd.f32 v2, v10;
	v7 =	vld [tilespmem:s30+$0x0]  }
0x322: {  	[tilespmem:s5+$0xF000] =	vst v4;
	s5 =	sor.u32 s1, s7  }
0x323: {  	[tilespmem:s17+$0xF000] =	vst v2;
	s17 =	sor.u32 s4, s22;
	v2 =	vadd.f32 v5, v6;
	v4 =	vld [tilespmem:s5+$0x0]  }
0x324: {  	v6 =	vadd.f32 v8, v9;
	s22 =	sadd.s32 $0xDA80, s18;
	v5 =	vld [tilespmem:s17+$0x0]  }
0x325: {  	s20 =	sor.u32 s21, s22;
	[tilespmem:s25+$0xF000] =	vst v2;
	v2 =	vadd.f32 v11, v0  }
0x326: {  	s9 =	sor.u32 s19, s9;
	[tilespmem:s28+$0x15180] =	vst v6;
	v8 =	vld [tilespmem:s20+$0x0];
	v6 =	vadd.f32 v7, v3  }
0x327: {  	s24 =	sadd.s32 $0x9080, s12;
	v7 =	vld [tilespmem:s9+$0x0];
	s20 =	sor.u32 s11, s26;
	[tilespmem:s23+$0x15080] =	vst v2  }
0x328: {  	[tilespmem:s30+$0xF000] =	vst v6;
	v2 =	vld [tilespmem:s20+$0x0];
	v1 =	vadd.f32 v4, v1;
	s30 =	sor.u32 s2, s24  }
0x329: {  	v4 =	vadd.f32 v5, v10;
	v5 =	vld [tilespmem:s30+$0x0]  }
0x32a: {  	[tilespmem:s5+$0xF000] =	vst v1;
	v1 =	vld [tilespmem:s8+$0x6280]  }
0x32b: {  	s10 =	sadd.s32 $0xDA00, s0;
	s16 =	sor.u32 s4, s16;
	[tilespmem:s17+$0xF000] =	vst v4  }
0x32c: {  	s5 =	sor.u32 s1, s10;
	v7 =	vadd.f32 v7, v9;
	v4 =	vld [tilespmem:s16+$0x0]  }
0x32d: {  	v6 =	vld [tilespmem:s5+$0x0];
	v2 =	vadd.f32 v2, v0  }
0x32e: {  	s13 =	sor.u32 s19, s13;
	v11 =	vld [tilespmem:s14+$0x6200];
	[tilespmem:s9+$0xF000] =	vst v7;
	v5 =	vadd.f32 v5, v3  }
0x32f: {  	s26 =	sadd.s32 $0xA880, s12;
	[tilespmem:s20+$0xF000] =	vst v2;
	v1 =	vadd.f32 v1, v8;
	v2 =	vld [tilespmem:s13+$0x0];
	s20 =	sor.u32 s11, s24  }
0x330: {  	s24 =	sadd.s32 $0x7A80, s18;
	[tilespmem:s30+$0xF000] =	vst v5;
	v5 =	vld [tilespmem:s20+$0x0];
	s30 =	sor.u32 s2, s26  }
0x331: {  	[tilespmem:s8+$0x15280] =	vst v1;
	v1 =	vadd.f32 v4, v10;
	v4 =	vld [tilespmem:s30+$0x0];
	s8 =	sor.u32 s21, s24  }
0x332: {  	v7 =	vld [tilespmem:s8+$0x0]  }
0x333: {  	v10 =	vadd.f32 v11, v6  }
0x334: {  	s5 =	sor.u32 s4, s22;
	s9 =	sadd.s32 $0x7A00, s0;
	[tilespmem:s16+$0xF000] =	vst v1;
	v1 =	vadd.f32 v2, v9  }
0x335: {  	[tilespmem:s14+$0x15200] =	vst v10;
	s16 =	sor.u32 s1, s9;
	v11 =	vld [tilespmem:s5+$0x0];
	v2 =	vadd.f32 v5, v0  }
0x336: {  	v5 =	vld [tilespmem:s16+$0x0];
	[tilespmem:s13+$0xF000] =	vst v1;
	v3 =	vadd.f32 v4, v3  }
0x337: {  	v1 =	vld [tilespmem:s6+$0x6280];
	[tilespmem:s20+$0xF000] =	vst v2;
	v2 =	vadd.f32 v7, v8;
	s20 =	sor.u32 s11, s26  }
0x338: {  	s22 =	sadd.s32 $0x9280, s18;
	s13 =	sor.u32 s19, s7;
	[tilespmem:s30+$0xF000] =	vst v3;
	v3 =	vld [tilespmem:s20+$0x0]  }
0x339: {  	s5 =	sor.u32 s21, s22;
	v4 =	vld [tilespmem:s13+$0x0];
	[tilespmem:s8+$0xF000] =	vst v2  }
0x33a: {  	v2 =	vld [tilespmem:s5+$0x0]  }
0x33b: {  	s26 =	sadd.s32 $0xD900, s12;
	v5 =	vadd.f32 v5, v6  }
0x33c: {  	s30 =	sor.u32 s2, s26;
	v1 =	vadd.f32 v1, v11  }
0x33d: {  	s7 =	sadd.s32 $0x9200, s0;
	v10 =	vld [tilespmem:s30+$0x0];
	[tilespmem:s16+$0xF000] =	vst v5;
	v0 =	vadd.f32 v3, v0  }
0x33e: {  	s25 =	sor.u32 s1, s7;
	v7 =	vld [tilespmem:s3+$0x6100];
	v4 =	vadd.f32 v4, v9;
	[tilespmem:s6+$0x15280] =	vst v1  }
0x33f: {  	s16 =	sor.u32 s4, s24;
	v3 =	vld [tilespmem:s25+$0x0];
	[tilespmem:s20+$0xF000] =	vst v0;
	v0 =	vadd.f32 v2, v8  }
0x340: {  	s10 =	sor.u32 s19, s10;
	[tilespmem:s13+$0xF000] =	vst v4;
	v4 =	vld [tilespmem:s16+$0x0]  }
0x341: {  	s15 =	smov.u32 s0;
	s24 =	sor.u32 s11, s26;
	v1 =	vld [tilespmem:s10+$0x0];
	[tilespmem:s5+$0xF000] =	vst v0  }
0x342: {  	s17 =	sadd.s32 $0xAA80, s18;
	s30 =	simm.s32 $0x60;
	v2 =	vld [tilespmem:s24+$0x0];
	[smem:$0x7E2] =	sst s28  }
0x343: {  	s0 =	smov.u32 s28;
	s8 =	sand.u32 $0x60, s30;
	s26 =	simm.s32 $0x300;
	v5 =	vadd.f32 v7, v10;
	v0 =	vld [tilespmem:s28+$0x6200]  }
0x344: {  	s20 =	sor.u32 s21, s17;
	s10 =	sand.u32 $0x1C00, s26;
	s28 =	sadd.s32 $0x7900, s12  }
0x345: {  	s30 =	sadd.s32 $0xD800, s10;
	s24 =	sor.u32 $0x10, s8;
	v3 =	vadd.f32 v3, v6;
	v7 =	vld [tilespmem:s20+$0x0];
	[tilespmem:s3+$0x15100] =	vst v5;
	s29 =	sor.u32 s2, s28  }
0x346: {  	s13 =	sadd.s32 $0xAA00, s15;
	s5 =	sor.u32 s24, s30;
	v5 =	vadd.f32 v4, v11;
	v9 =	vld [tilespmem:s29+$0x0]  }
0x347: {  	v4 =	vld [tilespmem:s5+$0x0];
	[tilespmem:s25+$0xF000] =	vst v3;
	s25 =	sor.u32 s1, s13  }
0x348: {  	s6 =	sor.u32 s4, s22;
	[tilespmem:s16+$0xF000] =	vst v5;
	v3 =	vld [tilespmem:s25+$0x0];
	v0 =	vadd.f32 v0, v1  }
0x349: {  	v5 =	vld [tilespmem:s6+$0x0]  }
0x34a: {  	v39 =	vld [tilespmem:s23+$0x6100];
	s16 =	sor.u32 s10, s24;
	v7 =	vadd.f32 v7, v8;
	[tilespmem:s0+$0x15200] =	vst v0  }
0x34b: {  	s22 =	sor.u32 s19, s9;
	v0 =	vadd.f32 v9, v10;
	v9 =	vld [tilespmem:s16+$0x6000];
	[smem:$0x7E4] =	sst s16  }
0x34c: {  	[tilespmem:s20+$0xF000] =	vst v7;
	v13 =	vld [tilespmem:s22+$0x0]  }
0x34d: {  	s30 =	sor.u32 s8, s30;
	s20 =	sadd.s32 $0x9100, s12;
	[tilespmem:s29+$0xF000] =	vst v0;
	v0 =	vadd.f32 v3, v6  }
0x34e: {  	s31 =	sadd.s32 $0xDB00, s18;
	s9 =	sadd.s32 $0xDA80, s15;
	v3 =	vadd.f32 v5, v11;
	v8 =	vld [tilespmem:s30+$0x0];
	s29 =	sor.u32 s2, s20  }
0x34f: {  	s26 =	smov.u32 s1;
	s5 =	sor.u32 s21, s31;
	s30 =	simm.s32 $0x0;
	v5 =	vld [tilespmem:s29+$0x0];
	[tilespmem:s25+$0xF000] =	vst v0;
	v0 =	vadd.f32 v39, v2  }
0x350: {  	s0 =	smov.u32 s16;
	s16 =	sor.u32 s26, s9;
	v7 =	vld [tilespmem:s5+$0x0];
	s1 =	sand.u32 $0x3, s30;
	[tilespmem:s6+$0xF000] =	vst v3;
	v3 =	vadd.f32 v9, v4  }
0x351: {  	s17 =	sor.u32 s4, s17;
	s6 =	sshll.u32 s1, $0x5;
	v6 =	vld [tilespmem:s16+$0x0];
	[tilespmem:s23+$0x15100] =	vst v0;
	v40 =	vadd.f32 v13, v1  }
0x352: {  	s25 =	sor.u32 s11, s28;
	s28 =	sadd.s32 $0x7800, s10;
	v9 =	vld [tilespmem:s17+$0x0];
	s30 =	sadd.s32 $0x0, s6;
	[tilespmem:s0+$0x15000] =	vst v3  }
0x353: {  	s1 =	sor.u32 s24, s28;
	s5 =	sadd.s32 $0x10, s30;
	v0 =	vld [tilespmem:s25+$0x0];
	[tilespmem:s22+$0xF000] =	vst v40  }
0x354: {  	s16 =	smov.u32 s3;
	s3 =	sor.u32 s19, s7;
	v3 =	vadd.f32 v5, v10;
	v5 =	vld [tilespmem:s1+$0x0];
	[smem:$0x7E3] =	sst s5  }
0x355: {  	s6 =	sor.u32 $0x6300, s5;
	s5 =	sadd.s32 $0xA900, s12;
	v12 =	vld [tilespmem:s3+$0x0]  }
0x356: {  	[tilespmem:s29+$0xF000] =	vst v3;
	v3 =	vld [tilespmem:s6+$0x0];
	s29 =	sor.u32 s2, s5  }
0x357: {  	v9 =	vadd.f32 v9, v11;
	v11 =	vld [tilespmem:s29+$0x0]  }
0x358: {  	s7 =	sor.u32 s8, s10;
	v14 =	vadd.f32 v0, v2  }
0x359: {  	v41 =	vld [tilespmem:s7+$0x6000];
	[tilespmem:s17+$0xF000] =	vst v9;
	v5 =	vadd.f32 v5, v4  }
0x35a: {  	v9 =	vld [tilespmem:s14+$0x6280];
	s17 =	sor.u32 s11, s20;
	s20 =	sadd.s32 $0x9000, s10;
	[tilespmem:s25+$0xF000] =	vst v14;
	v12 =	vadd.f32 v12, v1  }
0x35b: {  	[tilespmem:s1+$0xF000] =	vst v5;
	v3 =	vadd.f32 v3, v7;
	v5 =	vld [tilespmem:s17+$0x0];
	s1 =	sor.u32 s24, s20  }
0x35c: {  	s22 =	sor.u32 s19, s13;
	s25 =	sadd.s32 $0x7B00, s18;
	v10 =	vadd.f32 v11, v10;
	v11 =	vld [tilespmem:s1+$0x0];
	[tilespmem:s3+$0xF000] =	vst v12  }
0x35d: {  	[tilespmem:s6+$0xF000] =	vst v3;
	s3 =	sor.u32 s21, s25;
	v43 =	vld [tilespmem:s22+$0x0]  }
0x35e: {  	v42 =	vadd.f32 v41, v8;
	[tilespmem:s29+$0xF000] =	vst v10;
	v10 =	vld [tilespmem:s3+$0x0]  }
0x35f: {  	s0 =	sor.u32 s4, s31;
	v9 =	vadd.f32 v9, v6  }
0x360: {  	s28 =	sor.u32 s8, s28;
	s13 =	sadd.s32 $0x7A80, s15;
	v0 =	vld [tilespmem:s0+$0x0];
	[tilespmem:s7+$0x15000] =	vst v42;
	v5 =	vadd.f32 v5, v2  }
0x361: {  	s0 =	sor.u32 s26, s13;
	[tilespmem:s14+$0x15280] =	vst v9;
	v9 =	vld [tilespmem:s28+$0x0];
	v11 =	vadd.f32 v11, v4  }
0x362: {  	s29 =	sor.u32 $0x6300, s30;
	v44 =	vld [tilespmem:s0+$0x0];
	[tilespmem:s17+$0xF000] =	vst v5;
	v1 =	vadd.f32 v43, v1  }
0x363: {  	s5 =	sor.u32 s11, s5;
	v5 =	vld [tilespmem:s29+$0x0];
	s17 =	sadd.s32 $0xA800, s10;
	[tilespmem:s1+$0xF000] =	vst v11;
	v10 =	vadd.f32 v10, v7  }
0x364: {  	v11 =	vld [tilespmem:s5+$0x0];
	s1 =	sor.u32 s24, s17;
	[tilespmem:s22+$0xF000] =	vst v1;
	s22 =	sadd.s32 $0x9300, s18  }
0x365: {  	v45 =	vld [tilespmem:s1+$0x0];
	[tilespmem:s3+$0xF000] =	vst v10;
	s30 =	sor.u32 s21, s22  }
0x366: {  	v9 =	vadd.f32 v9, v8;
	v10 =	vld [tilespmem:s30+$0x0]  }
0x367: {  	v12 =	vadd.f32 v44, v6  }
0x368: {  	s31 =	sadd.s32 $0xD980, s12;
	[tilespmem:s28+$0xF000] =	vst v9;
	v5 =	vadd.f32 v5, v0  }
0x369: {  	s6 =	sor.u32 s2, s31;
	[tilespmem:s0+$0xF000] =	vst v12;
	v2 =	vadd.f32 v11, v2  }
0x36a: {  	v3 =	vld [tilespmem:s6+$0x0];
	[tilespmem:s29+$0xF000] =	vst v5;
	v4 =	vadd.f32 v45, v4  }
0x36b: {  	s9 =	sor.u32 s19, s9;
	v9 =	vld [tilespmem:s16+$0x6180];
	[tilespmem:s5+$0xF000] =	vst v2;
	v10 =	vadd.f32 v10, v7  }
0x36c: {  	s20 =	sor.u32 s8, s20;
	v1 =	vld [tilespmem:s9+$0x0];
	s9 =	sadd.s32 $0x9280, s15;
	[tilespmem:s1+$0xF000] =	vst v4  }
0x36d: {  	s25 =	sor.u32 s4, s25;
	v46 =	vld [tilespmem:s20+$0x0];
	s14 =	sor.u32 s26, s9;
	[tilespmem:s30+$0xF000] =	vst v10  }
0x36e: {  	s6 =	smov.u32 s11;
	s0 =	sor.u32 s11, s31;
	v11 =	vld [tilespmem:s14+$0x0];
	s11 =	sld [smem:$0x7E2]  }
0x36f: {  	v2 =	vld [tilespmem:s25+$0x0]  }
0x370: {  	s28 =	sadd.s32 $0xD880, s10;
	v5 =	vld [tilespmem:s0+$0x0]  }
0x371: {  	s5 =	sor.u32 s24, s28;
	v9 =	vadd.f32 v9, v3;
	s1 =	sadd.s32 $0xAB00, s18;
	v47 =	vld [tilespmem:s11+$0x6280]  }
0x372: {  	v4 =	vld [tilespmem:s5+$0x0];
	s5 =	sadd.s32 $0x7980, s12;
	v10 =	vadd.f32 v46, v8;
	s30 =	sor.u32 s21, s1  }
0x373: {  	s29 =	sor.u32 s2, s5;
	v48 =	vld [tilespmem:s30+$0x0];
	[tilespmem:s16+$0x15180] =	vst v9;
	v9 =	vadd.f32 v11, v6  }
0x374: {  	v2 =	vadd.f32 v2, v0;
	[tilespmem:s20+$0xF000] =	vst v10;
	s20 =	sor.u32 s8, s17;
	v10 =	vld [tilespmem:s29+$0x0];
	s17 =	sadd.s32 $0xAA80, s15  }
0x375: {  	[tilespmem:s14+$0xF000] =	vst v9;
	v9 =	vld [tilespmem:s20+$0x0];
	s14 =	sor.u32 s26, s17  }
0x376: {  	s22 =	sor.u32 s4, s22;
	[tilespmem:s25+$0xF000] =	vst v2;
	v11 =	vld [tilespmem:s14+$0x0];
	v2 =	vadd.f32 v47, v1  }
0x377: {  	v49 =	vld [tilespmem:s22+$0x0];
	[dreg:$0x8] =	wrdreg s23  }
0x378: {  	[tilespmem:s11+$0x15280] =	vst v2  }
0x379: {  	s0 =	sld [smem:$0x7E4];
	_ =	sdelay $0x1  }
0x37a: {  	v50 =	vld [tilespmem:s23+$0x6180];
	v7 =	vadd.f32 v48, v7  }
0x37b: {  	v10 =	vadd.f32 v10, v3;
	v51 =	vld [tilespmem:s0+$0x6080]  }
0x37c: {  	s11 =	sor.u32 s19, s13;
	[tilespmem:s30+$0xF000] =	vst v7;
	v7 =	vadd.f32 v9, v8;
	s30 =	sadd.s32 $0x9180, s12  }
0x37d: {  	s25 =	sadd.s32 $0xDB80, s18;
	v6 =	vadd.f32 v11, v6;
	v9 =	vld [tilespmem:s11+$0x0];
	[tilespmem:s29+$0xF000] =	vst v10;
	s3 =	sor.u32 s2, s30  }
0x37e: {  	s13 =	sor.u32 s21, s25;
	[tilespmem:s20+$0xF000] =	vst v7;
	v7 =	vadd.f32 v49, v0;
	v10 =	vld [tilespmem:s3+$0x0]  }
0x37f: {  	v11 =	vadd.f32 v50, v5;
	[tilespmem:s14+$0xF000] =	vst v6;
	v2 =	vld [tilespmem:s13+$0x0];
	s13 =	sadd.s32 $0xDB00, s15;
	s20 =	sor.u32 s8, s28  }
0x380: {  	v8 =	vld [tilespmem:s20+$0x0];
	s20 =	sor.u32 s26, s13;
	[tilespmem:s22+$0xF000] =	vst v7;
	v7 =	vadd.f32 v51, v4  }
0x381: {  	s1 =	sor.u32 s4, s1;
	[tilespmem:s23+$0x15180] =	vst v11;
	v6 =	vld [tilespmem:s20+$0x0]  }
0x382: {  	s23 =	simm.s32 $0x1;
	s20 =	sor.u32 s6, s5;
	v52 =	vld [tilespmem:s1+$0x0];
	v9 =	vadd.f32 v9, v1;
	[tilespmem:s0+$0x15080] =	vst v7  }
0x383: {  	s14 =	simm.s32 $0x1;
	s22 =	sadd.s32 $0x7880, s10;
	v11 =	vld [tilespmem:s20+$0x0];
	v7 =	vadd.f32 v10, v3;
	[dreg:$0xc] =	wrdreg s23  }
0x384: {  	s14 =	sand.u32 $0x3, s14;
	s28 =	sor.u32 s24, s22;
	[tilespmem:s11+$0xF000] =	vst v9  }
0x385: {  	s0 =	sshll.u32 s14, $0x5;
	s11 =	sor.u32 s19, s9;
	v9 =	vld [tilespmem:s28+$0x0];
	[tilespmem:s3+$0xF000] =	vst v7  }
0x386: {  	s9 =	sadd.s32 $0x100, s0;
	v10 =	vld [tilespmem:s11+$0x0];
	[smem:$0x7E6] =	sst s7  }
0x387: {  	s29 =	sadd.s32 $0xA980, s12;
	s3 =	sadd.s32 $0x10, s9;
	s23 =	sld [smem:$0x7E3]  }
0x388: {  	s14 =	sor.u32 s2, s29;
	v0 =	vadd.f32 v52, v0;
	v7 =	vld [tilespmem:s7+$0x6080];
	[smem:$0x7E5] =	sst s3  }
0x389: {  	s31 =	sor.u32 $0x6300, s3;
	v53 =	vld [tilespmem:s14+$0x0]  }
0x38a: {  	s25 =	sor.u32 s4, s25;
	v11 =	vadd.f32 v11, v5;
	v54 =	vld [tilespmem:s31+$0x0];
	[tilespmem:s1+$0xF000] =	vst v0  }
0x38b: {  	s5 =	smov.u32 s7;
	s7 =	sor.u32 $0x6380, s23;
	v0 =	vld [tilespmem:s25+$0x0];
	v9 =	vadd.f32 v9, v4  }
0x38c: {  	[tilespmem:s20+$0xF000] =	vst v11;
	s20 =	sor.u32 s6, s30;
	s25 =	sadd.s32 $0x9080, s10;
	v55 =	vld [tilespmem:s7+$0x0];
	v10 =	vadd.f32 v10, v1  }
0x38d: {  	[tilespmem:s28+$0xF000] =	vst v9;
	v7 =	vadd.f32 v7, v8;
	v9 =	vld [tilespmem:s20+$0x0];
	s28 =	sor.u32 s24, s25  }
0x38e: {  	[tilespmem:s11+$0xF000] =	vst v10;
	v10 =	vld [tilespmem:s28+$0x0]  }
0x38f: {  	s11 =	sor.u32 s19, s17;
	v3 =	vadd.f32 v53, v3;
	s17 =	sor.u32 s8, s22;
	[tilespmem:s5+$0x15080] =	vst v7  }
0x390: {  	s22 =	sadd.s32 $0xDA00, s12;
	v7 =	vadd.f32 v54, v6;
	v57 =	vld [tilespmem:s17+$0x0]  }
0x391: {  	s1 =	sadd.s32 $0x7B00, s15;
	v11 =	vld [tilespmem:s11+$0x0];
	[tilespmem:s14+$0xF000] =	vst v3;
	v56 =	vadd.f32 v55, v2;
	s14 =	sor.u32 s2, s22  }
0x392: {  	s3 =	sadd.s32 $0x7B80, s18;
	s30 =	sor.u32 s26, s1;
	s23 =	simm.s32 $0x0;
	[tilespmem:s31+$0xF000] =	vst v7;
	v3 =	vld [tilespmem:s14+$0x0];
	v9 =	vadd.f32 v9, v5  }
0x393: {  	s5 =	sor.u32 s23, s23;
	s31 =	sor.u32 s21, s3;
	[tilespmem:s7+$0xF000] =	vst v56;
	v7 =	vld [tilespmem:s30+$0x0];
	v10 =	vadd.f32 v10, v4  }
0x394: {  	s7 =	sor.u32 $0x6380, s5;
	v12 =	vld [tilespmem:s31+$0x0];
	[tilespmem:s20+$0xF000] =	vst v9  }
0x395: {  	s14 =	sor.u32 s6, s29;
	s29 =	sadd.s32 $0xA880, s10;
	v9 =	vld [tilespmem:s7+$0x0];
	[tilespmem:s28+$0xF000] =	vst v10;
	v10 =	vadd.f32 v57, v8  }
0x396: {  	v1 =	vadd.f32 v11, v1;
	v11 =	vld [tilespmem:s14+$0x0];
	s28 =	sor.u32 s24, s29  }
0x397: {  	s23 =	sor.u32 s19, s13;
	s13 =	sor.u32 s8, s25;
	v58 =	vld [tilespmem:s28+$0x0];
	[tilespmem:s17+$0xF000] =	vst v10  }
0x398: {  	[tilespmem:s11+$0xF000] =	vst v1;
	v7 =	vadd.f32 v7, v6;
	v59 =	vld [tilespmem:s13+$0x0]  }
0x399: {  	s11 =	sadd.s32 $0x9300, s15;
	v1 =	vld [tilespmem:s23+$0x0];
	v10 =	vadd.f32 v12, v2  }
0x39a: {  	s17 =	sadd.s32 $0x9380, s18;
	s25 =	sor.u32 s26, s11;
	[tilespmem:s30+$0xF000] =	vst v7;
	v7 =	vadd.f32 v9, v0;
	v9 =	vld [tilespmem:s16+$0x6200]  }
0x39b: {  	s30 =	sor.u32 s21, s17;
	[tilespmem:s31+$0xF000] =	vst v10;
	v10 =	vld [tilespmem:s25+$0x0];
	v5 =	vadd.f32 v11, v5  }
0x39c: {  	s3 =	sor.u32 s4, s3;
	[tilespmem:s7+$0xF000] =	vst v7;
	v11 =	vld [tilespmem:s30+$0x0];
	v7 =	vadd.f32 v58, v4  }
0x39d: {  	s7 =	sor.u32 $0x6300, s9;
	[tilespmem:s14+$0xF000] =	vst v5;
	v5 =	vld [tilespmem:s3+$0x0];
	v12 =	vadd.f32 v59, v8  }
0x39e: {  	s5 =	smov.u32 s6;
	s6 =	sor.u32 s6, s22;
	s20 =	sadd.s32 $0xD900, s10;
	v60 =	vld [tilespmem:s7+$0x0];
	[tilespmem:s28+$0xF000] =	vst v7  }
0x39f: {  	s14 =	sor.u32 s24, s20;
	v4 =	vld [tilespmem:s6+$0x0];
	v9 =	vadd.f32 v9, v3;
	[tilespmem:s13+$0xF000] =	vst v12  }
0x3a0: {  	v7 =	vld [tilespmem:s14+$0x0];
	v10 =	vadd.f32 v10, v6;
	[dreg:$0xe] =	wrdreg s16  }
0x3a1: {  	v11 =	vadd.f32 v11, v2;
	[tilespmem:s16+$0x15200] =	vst v9  }
0x3a2: {  	s9 =	sor.u32 s8, s29;
	s13 =	sadd.s32 $0x7A00, s12;
	[tilespmem:s25+$0xF000] =	vst v10;
	v5 =	vadd.f32 v5, v0  }
0x3a3: {  	s29 =	sadd.s32 $0xAB00, s15;
	s22 =	sor.u32 s2, s13;
	v9 =	vld [tilespmem:s9+$0x0];
	v12 =	vadd.f32 v60, v1;
	[tilespmem:s30+$0xF000] =	vst v11  }
0x3a4: {  	s23 =	smov.u32 s2;
	s2 =	sadd.s32 $0xAB80, s18;
	s25 =	sor.u32 s26, s29;
	v10 =	vld [tilespmem:s22+$0x0];
	[tilespmem:s3+$0xF000] =	vst v5  }
0x3a5: {  	s0 =	smov.u32 s12;
	s21 =	sor.u32 s21, s2;
	v11 =	vld [tilespmem:s25+$0x0];
	s12 =	rddreg [dreg:$0x8];
	[tilespmem:s7+$0xF000] =	vst v12  }
0x3a6: {  	s3 =	sor.u32 s4, s17;
	v5 =	vld [tilespmem:s21+$0x0];
	s30 =	sld [smem:$0x7E4]  }
0x3a7: {  	v61 =	vld [tilespmem:s3+$0x0]  }
0x3a8: {  	s2 =	sor.u32 s4, s2;
	v62 =	vld [tilespmem:s12+$0x6200];
	v8 =	vadd.f32 v9, v8  }
0x3a9: {  	s16 =	simm.s32 $0x20;
	s17 =	simm.s32 $0x100;
	v9 =	vadd.f32 v10, v3;
	v10 =	vld [tilespmem:s30+$0x6100];
	[dreg:$0xb] =	wrdreg s2  }
0x3aa: {  	s1 =	sor.u32 s19, s1;
	s18 =	sor.u32 s17, s16;
	[tilespmem:s9+$0xF000] =	vst v8  }
0x3ab: {  	s20 =	sor.u32 s8, s20;
	v11 =	vadd.f32 v11, v6;
	v8 =	vld [tilespmem:s1+$0x0];
	[tilespmem:s22+$0xF000] =	vst v9;
	s22 =	sor.u32 $0x6380, s18  }
0x3ac: {  	s31 =	sor.u32 s19, s11;
	s6 =	simm.s32 $0x40;
	v6 =	vld [tilespmem:s20+$0x0];
	[dreg:$0xd] =	wrdreg s22  }
0x3ad: {  	s14 =	smov.u32 s26;
	s4 =	sadd.s32 $0xDB80, s15;
	[tilespmem:s25+$0xF000] =	vst v11;
	s25 =	simm.s32 $0x200  }
0x3ae: {  	v2 =	vadd.f32 v5, v2;
	s18 =	smov.u32 s15;
	s15 =	simm.s32 $0x300;
	[dreg:$0x4] =	wrdreg s25  }
0x3af: {  	s7 =	sadd.s32 $0x9200, s0;
	s9 =	simm.s32 $0x200;
	[dreg:$0x7] =	wrdreg s15  }
0x3b0: {  	s17 =	smov.u32 s12;
	s22 =	sor.u32 s23, s7;
	s12 =	sor.u32 s9, s6;
	[tilespmem:s21+$0xF000] =	vst v2  }
0x3b1: {  	s2 =	sor.u32 s26, s4;
	v5 =	vadd.f32 v61, v0;
	s6 =	sor.u32 $0x6380, s12;
	v9 =	vld [tilespmem:s22+$0x0];
	s9 =	sld [smem:$0x7E5]  }
0x3b2: {  	s28 =	sor.u32 s5, s13;
	s16 =	simm.s32 $0x60;
	v2 =	vld [tilespmem:s2+$0x0];
	[dreg:$0x18] =	wrdreg s6  }
0x3b3: {  	s26 =	sadd.s32 $0x7900, s10;
	s12 =	smov.u32 s19;
	s19 =	sor.u32 s19, s29;
	[tilespmem:s3+$0xF000] =	vst v5  }
0x3b4: {  	s13 =	sor.u32 s8, s26;
	[dreg:$0x15] =	wrdreg s19;
	s15 =	sor.u32 $0x6380, s9  }
0x3b5: {  	s20 =	simm.s32 $0x300;
	v11 =	vadd.f32 v62, v4;
	s2 =	sor.u32 s12, s4;
	v5 =	vld [tilespmem:s15+$0x0];
	[dreg:$0x9] =	wrdreg s12  }
0x3b6: {  	s25 =	sor.u32 s20, s16;
	s16 =	smov.u32 s5;
	[dreg:$0x16] =	wrdreg s2  }
0x3b7: {  	s5 =	smov.u32 s0;
	s21 =	sor.u32 $0x6380, s25;
	v63 =	vadd.f32 v10, v7;
	s25 =	sor.u32 s16, s7;
	[tilespmem:s17+$0x15200] =	vst v11  }
0x3b8: {  	s7 =	smov.u32 s10;
	s10 =	smov.u32 s8;
	v11 =	vadd.f32 v8, v1;
	s20 =	sld [smem:$0x7E6]  }
0x3b9: {  	s8 =	sadd.s32 $0xAA00, s0;
	s6 =	smov.u32 s30;
	s9 =	sor.u32 s24, s26;
	[tilespmem:s30+$0x15100] =	vst v63;
	v8 =	vld [tilespmem:s28+$0x0]  }
0x3ba: {  	s19 =	smov.u32 s16;
	s26 =	simm.s32 $0x6;
	s2 =	simm.s32 $0x80;
	[tilespmem:s1+$0xF000] =	vst v11;
	v11 =	vld [tilespmem:s9+$0x0]  }
0x3bb: {  	v9 =	vadd.f32 v9, v3;
	s17 =	smov.u32 s24;
	s1 =	simm.s32 $0x400;
	s29 =	smov.u32 s20;
	v10 =	vld [tilespmem:s20+$0x6100]  }
.LBB2_5:
0x3bc: {  	[dreg:$0x1e] =	wrdreg s21  }
0x3bd: {  	[dreg:$0x1a] =	wrdreg s2  }
0x3be: {  	[dreg:$0x19] =	wrdreg s1  }
0x3bf: {  	s4 =	sand.u32 $0x60, s2;
	s3 =	sand.u32 $0x1C00, s1;
	s12 =	sor.u32 s23, s8  }
0x3c0: {  	s11 =	smov.u32 s23;
	s16 =	sadd.s32 $0x7B80, s18;
	[tilespmem:s22+$0xF000] =	vst v9;
	v9 =	vld [tilespmem:s31+$0x0];
	s1 =	sadd.s32 $0xD800, s3  }
0x3c1: {  	s24 =	sor.u32 s4, s3;
	s21 =	sor.u32 $0x10, s4;
	s0 =	rddreg [dreg:$0x19];
	v12 =	vld [tilespmem:s12+$0x0];
	v13 =	vadd.f32 v5, v2  }
0x3c2: {  	s20 =	rddreg [dreg:$0x1a];
	s23 =	sor.u32 s4, s1;
	v14 =	vld [tilespmem:s24+$0x6000];
	s1 =	sor.u32 s21, s1;
	v10 =	vadd.f32 v10, v6  }
0x3c3: {  	s2 =	sor.u32 s0, s20;
	s0 =	sor.u32 s14, s16;
	v5 =	vld [tilespmem:s1+$0x0];
	s1 =	sor.u32 s19, s8;
	v8 =	vadd.f32 v8, v4;
	[tilespmem:s15+$0xF000] =	vst v13  }
0x3c4: {  	[smem:$0x7DE] =	sst s1;
	s1 =	sor.u32 s3, s21;
	[tilespmem:s29+$0x15100] =	vst v10;
	v10 =	vadd.f32 v11, v7;
	v11 =	vld [tilespmem:s0+$0x0]  }
0x3c5: {  	s20 =	sadd.s32 $0x9100, s7;
	v13 =	vld [tilespmem:s1+$0x6000];
	v9 =	vadd.f32 v9, v1;
	[tilespmem:s28+$0xF000] =	vst v8  }
0x3c6: {  	s30 =	smov.u32 s18;
	s28 =	sor.u32 s17, s20;
	v3 =	vadd.f32 v12, v3;
	v8 =	vld [tilespmem:s23+$0x0];
	[tilespmem:s9+$0xF000] =	vst v10  }
0x3c7: {  	s8 =	smov.u32 s5;
	s5 =	sadd.s32 $0xDA80, s5;
	s15 =	rddreg [dreg:$0x9];
	[tilespmem:s31+$0xF000] =	vst v9;
	v10 =	vld [tilespmem:s28+$0x0]  }
0x3c8: {  	s22 =	sor.u32 s15, s16;
	s16 =	sor.u32 s10, s20;
	s20 =	sor.u32 s11, s5;
	v9 =	vld [tilespmem:s13+$0x0];
	[tilespmem:s12+$0xF000] =	vst v3  }
0x3c9: {  	s18 =	smov.u32 s19;
	s9 =	sor.u32 s19, s5;
	s19 =	rddreg [dreg:$0xe];
	v3 =	vld [tilespmem:s20+$0x0];
	v11 =	vadd.f32 v11, v2  }
0x3ca: {  	[smem:$0x7E6] =	sst s29;
	s26 =	sadd.s32 $0x2, s26;
	v49 =	vld [tilespmem:s19+$0x6280];
	v48 =	vadd.f32 v13, v5  }
0x3cb: {  	[dreg:$0x17] =	wrdreg s26;
	p1 =	slt.u32 s26, $0x2E;
	s23 =	sadd.s32 $0x9380, s30;
	v15 =	vld [tilespmem:s25+$0x0];
	[tilespmem:s0+$0xF000] =	vst v11  }
0x3cc: {  	s26 =	sadd.s32 $0x7800, s3;
	s5 =	sor.u32 s15, s23;
	s29 =	sor.u32 s14, s23;
	v14 =	vadd.f32 v14, v8;
	[tilespmem:s1+$0x15000] =	vst v48  }
0x3cd: {  	[dreg:$0x1f] =	wrdreg s5;
	s5 =	sor.u32 s21, s26;
	v10 =	vadd.f32 v10, v7;
	v11 =	vld [tilespmem:s29+$0x0]  }
0x3ce: {  	s20 =	sadd.s32 $0xA900, s7;
	s0 =	sor.u32 s4, s26;
	v9 =	vadd.f32 v9, v6;
	[tilespmem:s24+$0x15000] =	vst v14;
	v12 =	vld [tilespmem:s5+$0x0]  }
0x3cf: {  	s26 =	sor.u32 s17, s20;
	v14 =	vld [tilespmem:s0+$0x0];
	[tilespmem:s28+$0xF000] =	vst v10;
	v10 =	vadd.f32 v49, v3  }
0x3d0: {  	s12 =	sor.u32 s10, s20;
	s20 =	sadd.s32 $0x7A80, s8;
	v15 =	vadd.f32 v15, v4;
	[tilespmem:s13+$0xF000] =	vst v9;
	v9 =	vld [tilespmem:s26+$0x0]  }
0x3d1: {  	s28 =	sor.u32 s18, s20;
	s13 =	sor.u32 s11, s20;
	s20 =	rddreg [dreg:$0x15];
	v50 =	vld [tilespmem:s16+$0x0];
	[tilespmem:s19+$0x15280] =	vst v10  }
0x3d2: {  	v10 =	vld [tilespmem:s20+$0x0];
	[tilespmem:s25+$0xF000] =	vst v15;
	s25 =	sld [smem:$0x7DE];
	v11 =	vadd.f32 v11, v2  }
0x3d3: {  	v12 =	vadd.f32 v12, v5  }
0x3d4: {  	s31 =	smov.u32 s24;
	s30 =	sadd.s32 $0xAB80, s30;
	s24 =	smov.u32 s14;
	v51 =	vld [tilespmem:s13+$0x0];
	[tilespmem:s29+$0xF000] =	vst v11  }
0x3d5: {  	s23 =	sadd.s32 $0x9000, s3;
	s14 =	smov.u32 s6;
	v14 =	vadd.f32 v14, v8;
	v16 =	vld [tilespmem:s25+$0x0];
	s29 =	sor.u32 s24, s30;
	[tilespmem:s5+$0xF000] =	vst v12  }
0x3d6: {  	s6 =	smov.u32 s8;
	s8 =	smov.u32 s7;
	v7 =	vadd.f32 v9, v7;
	s5 =	sor.u32 s21, s23;
	v9 =	vld [tilespmem:s29+$0x0]  }
0x3d7: {  	s15 =	sor.u32 s15, s30;
	s19 =	sor.u32 s4, s23;
	v52 =	vadd.f32 v50, v6;
	s30 =	sadd.s32 $0xD980, s8;
	[tilespmem:s0+$0xF000] =	vst v14;
	v11 =	vld [tilespmem:s5+$0x0]  }
0x3d8: {  	s0 =	sor.u32 s17, s30;
	v1 =	vadd.f32 v10, v1;
	v53 =	vld [tilespmem:s19+$0x0];
	[tilespmem:s26+$0xF000] =	vst v7  }
0x3d9: {  	[smem:$0x7E0] =	sst s15;
	s15 =	smov.u32 s18;
	s18 =	smov.u32 s10;
	[tilespmem:s16+$0xF000] =	vst v52;
	v10 =	vadd.f32 v51, v3;
	v7 =	vld [tilespmem:s0+$0x0]  }
0x3da: {  	s10 =	smov.u32 s11;
	s24 =	smov.u32 s4;
	s4 =	sadd.s32 $0x9280, s6;
	v54 =	vld [tilespmem:s14+$0x6180];
	[tilespmem:s20+$0xF000] =	vst v1;
	v4 =	vadd.f32 v16, v4  }
0x3db: {  	s2 =	sor.u32 $0x6380, s2;
	s0 =	sor.u32 s10, s4;
	v14 =	vld [tilespmem:s12+$0x0];
	[tilespmem:s13+$0xF000] =	vst v10;
	v2 =	vadd.f32 v9, v2  }
0x3dc: {  	[smem:$0x7DF] =	sst s2;
	s2 =	sor.u32 s18, s30;
	s30 =	smov.u32 s3;
	[tilespmem:s25+$0xF000] =	vst v4;
	v4 =	vld [tilespmem:s0+$0x0];
	v9 =	vadd.f32 v11, v5  }
0x3dd: {  	s7 =	rddreg [dreg:$0x8];
	s26 =	smov.u32 s21;
	s11 =	sadd.s32 $0xA800, s30;
	v10 =	vadd.f32 v53, v8;
	v1 =	vld [tilespmem:s9+$0x0];
	[tilespmem:s29+$0xF000] =	vst v2  }
0x3de: {  	s20 =	smov.u32 s1;
	s1 =	sor.u32 s26, s11;
	[tilespmem:s5+$0xF000] =	vst v9;
	v9 =	vld [tilespmem:s7+$0x6280]  }
0x3df: {  	s3 =	sor.u32 s24, s11;
	v2 =	vadd.f32 v54, v7;
	[tilespmem:s19+$0xF000] =	vst v10;
	v10 =	vld [tilespmem:s1+$0x0]  }
0x3e0: {  	s23 =	smov.u32 s17;
	s16 =	rddreg [dreg:$0x16];
	s13 =	sadd.s32 $0x7980, s8;
	v6 =	vadd.f32 v14, v6;
	v11 =	vld [tilespmem:s3+$0x0]  }
0x3e1: {  	s5 =	sor.u32 s23, s13;
	[tilespmem:s14+$0x15180] =	vst v2;
	v4 =	vadd.f32 v4, v3;
	v55 =	vld [tilespmem:s16+$0x0]  }
0x3e2: {  	s17 =	sadd.s32 $0xAA80, s6;
	s25 =	sld [smem:$0x7E6];
	[tilespmem:s12+$0xF000] =	vst v6;
	v6 =	vld [tilespmem:s5+$0x0]  }
0x3e3: {  	v2 =	vld [tilespmem:s2+$0x0];
	[tilespmem:s0+$0xF000] =	vst v4;
	s0 =	sor.u32 s10, s17;
	v9 =	vadd.f32 v9, v1  }
0x3e4: {  	v4 =	vadd.f32 v10, v5;
	v10 =	vld [tilespmem:s0+$0x0]  }
0x3e5: {  	s21 =	sor.u32 s15, s4;
	s11 =	sor.u32 s15, s17;
	s19 =	sadd.s32 $0xD880, s30;
	v5 =	vadd.f32 v11, v8;
	v8 =	vld [tilespmem:s25+$0x6180];
	[tilespmem:s7+$0x15280] =	vst v9  }
0x3e6: {  	s4 =	sor.u32 s18, s13;
	s13 =	rddreg [dreg:$0xc];
	s12 =	sor.u32 s26, s19;
	[tilespmem:s1+$0xF000] =	vst v4;
	v9 =	vld [tilespmem:s28+$0x0]  }
0x3e7: {  	s29 =	smov.u32 s25;
	s16 =	sadd.s32 $0x9180, s8;
	v6 =	vadd.f32 v6, v7;
	s1 =	sadd.s32 $0x1, s13;
	v4 =	vld [tilespmem:s12+$0x0]  }
0x3e8: {  	s9 =	sor.u32 s24, s19;
	s2 =	sor.u32 s23, s16;
	[tilespmem:s3+$0xF000] =	vst v5;
	v11 =	vld [tilespmem:s20+$0x6080];
	s19 =	sand.u32 $0x3, s1  }
0x3e9: {  	s17 =	smov.u32 s31;
	v5 =	vld [tilespmem:s9+$0x0];
	[tilespmem:s5+$0xF000] =	vst v6;
	s9 =	rddreg [dreg:$0x4];
	s3 =	sshll.u32 s19, $0x5;
	v3 =	vadd.f32 v10, v3  }
0x3ea: {  	s25 =	sadd.s32 $0xDB00, s6;
	[dreg:$0xc] =	wrdreg s1;
	v6 =	vadd.f32 v8, v2;
	v8 =	vld [tilespmem:s2+$0x0];
	s3 =	sadd.s32 s3, s9  }
0x3eb: {  	s1 =	sor.u32 s18, s16;
	s16 =	sor.u32 s10, s25;
	v10 =	vld [tilespmem:s17+$0x6080];
	s7 =	sadd.s32 $0x10, s3;
	v9 =	vadd.f32 v9, v1;
	[tilespmem:s0+$0xF000] =	vst v3  }
0x3ec: {  	s12 =	rddreg [dreg:$0x7];
	[tilespmem:s29+$0x15180] =	vst v6;
	s0 =	sor.u32 $0x6300, s7;
	v6 =	vld [tilespmem:s16+$0x0]  }
0x3ed: {  	s13 =	smov.u32 s12;
	s19 =	rddreg [dreg:$0x19];
	v3 =	vadd.f32 v11, v4;
	[tilespmem:s28+$0xF000] =	vst v9;
	v9 =	vld [tilespmem:s0+$0x0]  }
0x3ee: {  	[dreg:$0x4] =	wrdreg s13;
	s13 =	sadd.s32 $0x7880, s30;
	v11 =	vld [tilespmem:s4+$0x0]  }
0x3ef: {  	s9 =	sor.u32 s15, s25;
	s25 =	smov.u32 s19;
	s19 =	sor.u32 s26, s13;
	[tilespmem:s20+$0x15080] =	vst v3;
	v3 =	vadd.f32 v8, v7;
	v8 =	vld [tilespmem:s21+$0x0]  }
0x3f0: {  	s31 =	rddreg [dreg:$0xd];
	v56 =	vld [tilespmem:s19+$0x0]  }
0x3f1: {  	[tilespmem:s2+$0xF000] =	vst v3;
	v3 =	vld [tilespmem:s31+$0x0]  }
0x3f2: {  	s16 =	sadd.s32 $0xA980, s8;
	v10 =	vadd.f32 v10, v5  }
0x3f3: {  	s2 =	sor.u32 s23, s16;
	v9 =	vadd.f32 v9, v6  }
0x3f4: {  	s5 =	sor.u32 s24, s13;
	[tilespmem:s17+$0x15080] =	vst v10;
	v10 =	vld [tilespmem:s2+$0x0];
	v11 =	vadd.f32 v11, v2  }
0x3f5: {  	s28 =	rddreg [dreg:$0xb];
	v57 =	vld [tilespmem:s5+$0x0];
	v8 =	vadd.f32 v8, v1;
	[tilespmem:s0+$0xF000] =	vst v9  }
0x3f6: {  	[dreg:$0x7] =	wrdreg s25;
	s25 =	sadd.s32 $0x7B00, s6;
	v9 =	vld [tilespmem:s28+$0x0];
	[tilespmem:s4+$0xF000] =	vst v11;
	v3 =	vadd.f32 v3, v55  }
0x3f7: {  	s12 =	sor.u32 $0x6300, s3;
	s3 =	sor.u32 s18, s16;
	s16 =	sor.u32 s15, s25;
	v13 =	vadd.f32 v56, v4;
	v58 =	vld [tilespmem:s1+$0x0];
	[tilespmem:s21+$0xF000] =	vst v8  }
0x3f8: {  	s0 =	sor.u32 s10, s25;
	s25 =	sadd.s32 $0x9080, s30;
	v8 =	vld [tilespmem:s11+$0x0];
	[tilespmem:s31+$0xF000] =	vst v3;
	s31 =	rddreg [dreg:$0x18]  }
0x3f9: {  	v11 =	vld [tilespmem:s0+$0x0];
	s13 =	sor.u32 s24, s25;
	[tilespmem:s19+$0xF000] =	vst v13;
	s19 =	sor.u32 s26, s25;
	s25 =	smov.u32 s31  }
0x3fa: {  	[dreg:$0xd] =	wrdreg s25  }
0x3fb: {  	v7 =	vadd.f32 v10, v7;
	s25 =	rddreg [dreg:$0x1e]  }
0x3fc: {  	s21 =	sadd.s32 $0xDA00, s8;
	v13 =	vld [tilespmem:s19+$0x0];
	s4 =	smov.u32 s25;
	s25 =	sld [smem:$0x7DF]  }
0x3fd: {  	v10 =	vadd.f32 v57, v5;
	[tilespmem:s2+$0xF000] =	vst v7;
	s2 =	sor.u32 s23, s21;
	v7 =	vld [tilespmem:s22+$0x0]  }
0x3fe: {  	v9 =	vadd.f32 v9, v0;
	v3 =	vld [tilespmem:s2+$0x0];
	[dreg:$0x18] =	wrdreg s4  }
0x3ff: {  	[tilespmem:s5+$0xF000] =	vst v10;
	v59 =	vld [tilespmem:s14+$0x6200];
	v10 =	vadd.f32 v11, v6;
	s4 =	sor.u32 s18, s21;
	s21 =	smov.u32 s25;
	s25 =	sld [smem:$0x7E0]  }
0x400: {  	s2 =	sadd.s32 $0x9300, s6;
	v11 =	vadd.f32 v58, v2;
	[tilespmem:s28+$0xF000] =	vst v9  }
0x401: {  	v9 =	vld [tilespmem:s13+$0x0];
	v1 =	vadd.f32 v8, v1;
	[tilespmem:s0+$0xF000] =	vst v10;
	s0 =	sor.u32 s10, s2  }
0x402: {  	v0 =	vmov v55;
	v8 =	vadd.f32 v13, v4;
	[tilespmem:s1+$0xF000] =	vst v11;
	v10 =	vld [tilespmem:s0+$0x0];
	s5 =	smov.u32 s25  }
0x403: {  	v7 =	vadd.f32 v7, v0;
	v11 =	vld [tilespmem:s3+$0x0];
	[tilespmem:s11+$0xF000] =	vst v1;
	[dreg:$0xb] =	wrdreg s5;
	s5 =	sadd.s32 $0xA880, s30  }
0x404: {  	[tilespmem:s19+$0xF000] =	vst v8;
	v12 =	vadd.f32 v59, v3;
	v1 =	vld [tilespmem:s9+$0x0];
	s1 =	sor.u32 s26, s5  }
0x405: {  	[dreg:$0xe] =	wrdreg s14;
	s31 =	sor.u32 s15, s2;
	[tilespmem:s22+$0xF000] =	vst v7;
	v8 =	vld [tilespmem:s1+$0x0]  }
0x406: {  	s11 =	smov.u32 s15;
	s22 =	sadd.s32 $0x7A00, s8;
	v7 =	vadd.f32 v9, v5;
	v9 =	vld [tilespmem:s12+$0x0];
	[tilespmem:s14+$0x15200] =	vst v12;
	s14 =	rddreg [dreg:$0x1f]  }
0x407: {  	s25 =	sadd.s32 $0xAB00, s6;
	s2 =	sor.u32 s24, s5;
	s5 =	sor.u32 s23, s22;
	v10 =	vadd.f32 v10, v6;
	v60 =	vld [tilespmem:s14+$0x0]  }
0x408: {  	s15 =	smov.u32 s6;
	s6 =	sor.u32 s11, s25;
	v2 =	vadd.f32 v11, v2;
	[tilespmem:s13+$0xF000] =	vst v7;
	v11 =	vld [tilespmem:s5+$0x0]  }
0x409: {  	[dreg:$0x15] =	wrdreg s6;
	s6 =	sor.u32 s10, s25;
	[tilespmem:s0+$0xF000] =	vst v10;
	v61 =	vld [tilespmem:s2+$0x0]  }
0x40a: {  	[tilespmem:s3+$0xF000] =	vst v2;
	v2 =	vld [tilespmem:s6+$0x0];
	v7 =	vadd.f32 v8, v4  }
0x40b: {  	[dreg:$0x8] =	wrdreg s29;
	s9 =	sadd.s32 $0xD900, s30;
	v4 =	vld [tilespmem:s4+$0x0];
	v8 =	vadd.f32 v9, v1  }
0x40c: {  	[dreg:$0x9] =	wrdreg s11;
	s19 =	sor.u32 s26, s9;
	v9 =	vld [tilespmem:s29+$0x6200];
	v10 =	vadd.f32 v60, v0;
	[tilespmem:s1+$0xF000] =	vst v7  }
0x40d: {  	s28 =	sor.u32 s18, s22;
	s22 =	sadd.s32 $0x9200, s8;
	s3 =	sadd.s32 $0xDB80, s15;
	v11 =	vadd.f32 v11, v3;
	[tilespmem:s12+$0xF000] =	vst v8;
	v7 =	vld [tilespmem:s19+$0x0]  }
0x40e: {  	s25 =	sor.u32 s18, s22;
	s4 =	sor.u32 s11, s3;
	s11 =	rddreg [dreg:$0x19];
	v5 =	vadd.f32 v61, v5;
	v8 =	vld [tilespmem:s20+$0x6100];
	[tilespmem:s14+$0xF000] =	vst v10  }
0x40f: {  	s22 =	sor.u32 s23, s22;
	s13 =	sor.u32 s24, s9;
	[dreg:$0x16] =	wrdreg s4;
	v2 =	vadd.f32 v2, v6;
	[tilespmem:s5+$0xF000] =	vst v11;
	v11 =	vld [tilespmem:s16+$0x0]  }
0x410: {  	s12 =	sadd.s32 $0x7900, s30;
	s1 =	sadd.s32 $0x100, s11;
	s19 =	smov.u32 s18;
	[tilespmem:s2+$0xF000] =	vst v5;
	v62 =	vld [tilespmem:s22+$0x0]  }
0x411: {  	s18 =	smov.u32 s15;
	s14 =	smov.u32 s10;
	s10 =	sor.u32 s10, s3;
	[tilespmem:s6+$0xF000] =	vst v2;
	v6 =	vld [tilespmem:s13+$0x0];
	v5 =	vadd.f32 v9, v4  }
.Ltmp1:
0x412: {  	s5 =	rddreg [dreg:$0x1a];
	s15 =	sor.u32 $0x6380, s7;
	v2 =	vld [tilespmem:s10+$0x0];
	(pc) =	sbr.rel @p1 .LBB2_5-.Ltmp1, $4  }
0x413: {  	s7 =	smov.u32 s30;
	s30 =	smov.u32 s26;
	s26 =	rddreg [dreg:$0x17];
	[tilespmem:s29+$0x15200] =	vst v5;
	v5 =	vld [tilespmem:s15+$0x0];
	v8 =	vadd.f32 v8, v7  }
0x414: {  	s6 =	smov.u32 s20;
	s9 =	sor.u32 s30, s12;
	s2 =	sadd.s32 $0x20, s5;
	v10 =	vld [tilespmem:s17+$0x6100];
	v63 =	vadd.f32 v11, v1  }
0x415: {  	s5 =	smov.u32 s8;
	s8 =	sadd.s32 $0xAA00, s8;
	s10 =	smov.u32 s24;
	[tilespmem:s20+$0x15100] =	vst v8;
	v8 =	vld [tilespmem:s28+$0x0]  }
0x416: {  	s13 =	sor.u32 s24, s12;
	s29 =	smov.u32 s17;
	s17 =	smov.u32 s30;
	v9 =	vadd.f32 v62, v3;
	v11 =	vld [tilespmem:s9+$0x0];
	[tilespmem:s16+$0xF000] =	vst v63  }
0x417: {  	_ =	sdelay $0x1  }
0x418: {  	v10 =	vadd.f32 v10, v6;
	_ =	sdelay $0x1  }
0x419: {  	[tilespmem:s29+$0x15100] =	vst v10  }
0x41a: {  	v10 =	vld [tilespmem:s13+$0x0];
	_ =	sdelay $0x1  }
0x41b: {  	v11 =	vadd.f32 v11, v7  }
0x41c: {  	s0 =	sadd.s32 $0x9100, s7  }
0x41d: {  	s1 =	sor.u32 s17, s0;
	[tilespmem:s9+$0xF000] =	vst v11  }
0x41e: {  	v11 =	vld [tilespmem:s1+$0x0];
	v10 =	vadd.f32 v10, v6;
	_ =	sdelay $0x1  }
0x41f: {  	s0 =	sor.u32 s10, s0;
	[tilespmem:s13+$0xF000] =	vst v10  }
0x420: {  	v10 =	vld [tilespmem:s0+$0x0];
	_ =	sdelay $0x1  }
0x421: {  	v11 =	vadd.f32 v11, v7  }
0x422: {  	s2 =	sadd.s32 $0xA900, s7  }
0x423: {  	s20 =	sor.u32 s17, s2;
	[tilespmem:s1+$0xF000] =	vst v11  }
0x424: {  	v11 =	vld [tilespmem:s20+$0x0];
	v10 =	vadd.f32 v10, v6;
	_ =	sdelay $0x1  }
0x425: {  	s24 =	sor.u32 s10, s2;
	[tilespmem:s0+$0xF000] =	vst v10  }
0x426: {  	v10 =	vld [tilespmem:s24+$0x0];
	_ =	sdelay $0x1  }
0x427: {  	v31 =	vadd.f32 v11, v7  }
0x428: {  	s26 =	sadd.s32 $0xD980, s7  }
0x429: {  	s30 =	sor.u32 s17, s26;
	[tilespmem:s20+$0xF000] =	vst v31  }
0x42a: {  	v7 =	vld [tilespmem:s30+$0x0];
	v33 =	vadd.f32 v10, v6  }
0x42b: {  	v32 =	vld [tilespmem:s6+$0x6180]  }
0x42c: {  	s3 =	sor.u32 s10, s26;
	[tilespmem:s24+$0xF000] =	vst v33  }
0x42d: {  	v6 =	vld [tilespmem:s3+$0x0]  }
0x42e: {  	v34 =	vld [tilespmem:s29+$0x6180];
	_ =	sdelay $0x1  }
0x42f: {  	v11 =	vadd.f32 v32, v7  }
0x430: {  	s4 =	sadd.s32 $0x7980, s7  }
0x431: {  	s9 =	sor.u32 s17, s4;
	[tilespmem:s6+$0x15180] =	vst v11  }
0x432: {  	v11 =	vld [tilespmem:s9+$0x0];
	v10 =	vadd.f32 v34, v6;
	_ =	sdelay $0x1  }
0x433: {  	s0 =	sor.u32 s10, s4;
	[tilespmem:s29+$0x15180] =	vst v10  }
0x434: {  	v10 =	vld [tilespmem:s0+$0x0];
	_ =	sdelay $0x1  }
0x435: {  	v11 =	vadd.f32 v11, v7  }
0x436: {  	s11 =	sadd.s32 $0x9180, s7  }
0x437: {  	s12 =	sor.u32 s17, s11;
	[tilespmem:s9+$0xF000] =	vst v11  }
0x438: {  	v11 =	vld [tilespmem:s12+$0x0];
	v10 =	vadd.f32 v10, v6;
	_ =	sdelay $0x1  }
0x439: {  	s13 =	sor.u32 s10, s11;
	[tilespmem:s0+$0xF000] =	vst v10  }
0x43a: {  	v10 =	vld [tilespmem:s13+$0x0];
	_ =	sdelay $0x1  }
0x43b: {  	v11 =	vadd.f32 v11, v7  }
0x43c: {  	s16 =	sadd.s32 $0xA980, s7  }
0x43d: {  	s20 =	sor.u32 s17, s16;
	[tilespmem:s12+$0xF000] =	vst v11  }
0x43e: {  	v11 =	vld [tilespmem:s20+$0x0];
	v10 =	vadd.f32 v10, v6;
	_ =	sdelay $0x1  }
0x43f: {  	s24 =	sor.u32 s10, s16;
	[tilespmem:s13+$0xF000] =	vst v10  }
0x440: {  	v10 =	vld [tilespmem:s24+$0x0];
	_ =	sdelay $0x1  }
0x441: {  	v7 =	vadd.f32 v11, v7  }
0x442: {  	s26 =	sadd.s32 $0xDA00, s7  }
0x443: {  	s30 =	sor.u32 s17, s26;
	[tilespmem:s20+$0xF000] =	vst v7  }
0x444: {  	v7 =	vld [tilespmem:s30+$0x0];
	v6 =	vadd.f32 v10, v6  }
0x445: {  	v35 =	vld [tilespmem:s6+$0x6200]  }
0x446: {  	s2 =	sor.u32 s10, s26;
	[tilespmem:s24+$0xF000] =	vst v6  }
0x447: {  	v6 =	vld [tilespmem:s2+$0x0]  }
0x448: {  	v36 =	vld [tilespmem:s29+$0x6200];
	_ =	sdelay $0x1  }
0x449: {  	v11 =	vadd.f32 v35, v7  }
0x44a: {  	s3 =	sadd.s32 $0x7A00, s7  }
0x44b: {  	v8 =	vadd.f32 v8, v4;
	s4 =	sor.u32 s17, s3;
	[tilespmem:s6+$0x15200] =	vst v11  }
0x44c: {  	v11 =	vld [tilespmem:s4+$0x0];
	v10 =	vadd.f32 v36, v6  }
0x44d: {  	[tilespmem:s28+$0xF000] =	vst v8  }
0x44e: {  	v8 =	vld [tilespmem:s25+$0x0];
	s0 =	sor.u32 s10, s3;
	[tilespmem:s29+$0x15200] =	vst v10  }
0x44f: {  	v10 =	vld [tilespmem:s0+$0x0];
	_ =	sdelay $0x1  }
0x450: {  	v11 =	vadd.f32 v11, v7  }
0x451: {  	s9 =	sadd.s32 $0x9200, s7  }
0x452: {  	v8 =	vadd.f32 v8, v4;
	s11 =	sor.u32 s17, s9;
	[tilespmem:s4+$0xF000] =	vst v11  }
0x453: {  	[tilespmem:s22+$0xF000] =	vst v9;
	s3 =	sor.u32 s23, s8;
	v11 =	vld [tilespmem:s11+$0x0];
	v37 =	vadd.f32 v10, v6  }
0x454: {  	[tilespmem:s25+$0xF000] =	vst v8;
	v38 =	vld [tilespmem:s3+$0x0];
	s4 =	sor.u32 s19, s8  }
0x455: {  	s12 =	sor.u32 s10, s9;
	v39 =	vld [tilespmem:s4+$0x0];
	[tilespmem:s0+$0xF000] =	vst v37  }
0x456: {  	v40 =	vld [tilespmem:s12+$0x0];
	_ =	sdelay $0x1  }
0x457: {  	v11 =	vadd.f32 v11, v7  }
0x458: {  	v3 =	vadd.f32 v38, v3;
	s13 =	sadd.s32 $0xAA00, s7  }
0x459: {  	s16 =	sor.u32 s17, s13;
	v41 =	vadd.f32 v39, v4;
	[tilespmem:s11+$0xF000] =	vst v11  }
0x45a: {  	[tilespmem:s3+$0xF000] =	vst v3;
	s20 =	sadd.s32 $0xDA80, s5;
	v42 =	vld [tilespmem:s16+$0x0];
	v43 =	vadd.f32 v40, v6  }
0x45b: {  	s22 =	sor.u32 s23, s20;
	[tilespmem:s4+$0xF000] =	vst v41  }
0x45c: {  	s25 =	sor.u32 s10, s13;
	v44 =	vld [tilespmem:s22+$0x0];
	[tilespmem:s12+$0xF000] =	vst v43  }
0x45d: {  	v3 =	vld [tilespmem:s25+$0x0];
	s4 =	rddreg [dreg:$0xe]  }
0x45e: {  	s24 =	sor.u32 s19, s20;
	v45 =	vld [tilespmem:s4+$0x6280]  }
0x45f: {  	v4 =	vld [tilespmem:s24+$0x0];
	v7 =	vadd.f32 v42, v7;
	s26 =	rddreg [dreg:$0x8]  }
0x460: {  	s28 =	sadd.s32 $0xDA80, s7;
	v46 =	vld [tilespmem:s26+$0x6280]  }
0x461: {  	s30 =	sor.u32 s17, s28;
	[tilespmem:s16+$0xF000] =	vst v7  }
0x462: {  	v7 =	vld [tilespmem:s30+$0x0];
	v3 =	vadd.f32 v3, v6  }
0x463: {  	s8 =	smov.u32 s5;
	v11 =	vld [tilespmem:s6+$0x6280];
	v47 =	vadd.f32 v45, v44  }
0x464: {  	s1 =	sor.u32 s10, s28;
	s2 =	sadd.s32 $0x7A80, s8;
	[tilespmem:s25+$0xF000] =	vst v3  }
0x465: {  	s5 =	sor.u32 s23, s2;
	v48 =	vadd.f32 v46, v4;
	[tilespmem:s4+$0x15280] =	vst v47;
	v49 =	vld [tilespmem:s1+$0x0]  }
0x466: {  	v50 =	vld [tilespmem:s5+$0x0]  }
0x467: {  	[tilespmem:s26+$0x15280] =	vst v48;
	s1 =	sor.u32 s19, s2;
	v53 =	vld [tilespmem:s29+$0x6280]  }
0x468: {  	v52 =	vadd.f32 v11, v7;
	v51 =	vld [tilespmem:s1+$0x0]  }
0x469: {  	s9 =	sadd.s32 $0x7A80, s7  }
0x46a: {  	s11 =	sor.u32 s17, s9;
	[tilespmem:s6+$0x15280] =	vst v52  }
0x46b: {  	v10 =	vld [tilespmem:s11+$0x0];
	v3 =	vadd.f32 v50, v44  }
0x46c: {  	s12 =	sadd.s32 $0x9280, s8;
	v54 =	vadd.f32 v53, v49  }
0x46d: {  	s13 =	sor.u32 s23, s12;
	v8 =	vadd.f32 v51, v4;
	[tilespmem:s5+$0xF000] =	vst v3  }
0x46e: {  	s2 =	sor.u32 s10, s9;
	[tilespmem:s29+$0x15280] =	vst v54;
	v55 =	vld [tilespmem:s13+$0x0]  }
0x46f: {  	s16 =	sor.u32 s19, s12;
	[tilespmem:s1+$0xF000] =	vst v8;
	v57 =	vld [tilespmem:s2+$0x0]  }
0x470: {  	v10 =	vadd.f32 v10, v7;
	v56 =	vld [tilespmem:s16+$0x0]  }
0x471: {  	s20 =	sadd.s32 $0x9280, s7  }
0x472: {  	s22 =	sor.u32 s17, s20;
	[tilespmem:s11+$0xF000] =	vst v10  }
0x473: {  	v10 =	vld [tilespmem:s22+$0x0];
	v8 =	vadd.f32 v55, v44  }
0x474: {  	s24 =	sadd.s32 $0xAA80, s8;
	v58 =	vadd.f32 v57, v49  }
0x475: {  	s25 =	sor.u32 s23, s24;
	v3 =	vadd.f32 v56, v4;
	[tilespmem:s13+$0xF000] =	vst v8  }
0x476: {  	s28 =	sor.u32 s10, s20;
	[tilespmem:s2+$0xF000] =	vst v58;
	v59 =	vld [tilespmem:s25+$0x0]  }
0x477: {  	s26 =	sor.u32 s19, s24;
	[tilespmem:s16+$0xF000] =	vst v3;
	v61 =	vld [tilespmem:s28+$0x0]  }
0x478: {  	v10 =	vadd.f32 v10, v7;
	v60 =	vld [tilespmem:s26+$0x0]  }
0x479: {  	s29 =	sadd.s32 $0xAA80, s7  }
0x47a: {  	s30 =	sor.u32 s17, s29;
	[tilespmem:s22+$0xF000] =	vst v10  }
0x47b: {  	s12 =	smov.u32 s7;
	v10 =	vld [tilespmem:s30+$0x0];
	s6 =	rddreg [dreg:$0xc];
	v3 =	vadd.f32 v59, v44  }
0x47c: {  	s4 =	sor.u32 s10, s29;
	s11 =	sadd.s32 $0xDB00, s8;
	s5 =	sadd.s32 $0x1, s6;
	v62 =	vadd.f32 v61, v49  }
0x47d: {  	s16 =	sor.u32 s23, s11;
	s9 =	sand.u32 $0x3, s5;
	s5 =	sadd.s32 $0x1, s5;
	v4 =	vadd.f32 v60, v4;
	[tilespmem:s25+$0xF000] =	vst v3  }
0x47e: {  	s13 =	sshll.u32 s9, $0x5;
	s5 =	sand.u32 $0x3, s5;
	s9 =	rddreg [dreg:$0x4];
	v63 =	vld [tilespmem:s16+$0x0];
	[tilespmem:s28+$0xF000] =	vst v62  }
0x47f: {  	s20 =	sor.u32 s19, s11;
	s5 =	sshll.u32 s5, $0x5;
	[tilespmem:s26+$0xF000] =	vst v4;
	s0 =	sadd.s32 s13, s9;
	v3 =	vld [tilespmem:s4+$0x0]  }
0x480: {  	v7 =	vadd.f32 v10, v7;
	v4 =	vld [tilespmem:s20+$0x0];
	s25 =	rddreg [dreg:$0x7];
	s1 =	sadd.s32 $0x10, s0;
	s0 =	sor.u32 $0x6300, s0  }
0x481: {  	s24 =	sadd.s32 $0xDB00, s12;
	s5 =	sadd.s32 s5, s25;
	s22 =	sor.u32 $0x6300, s1;
	v17 =	vld [tilespmem:s0+$0x0]  }
0x482: {  	s26 =	sor.u32 s17, s24;
	[tilespmem:s30+$0xF000] =	vst v7;
	s3 =	sadd.s32 $0x10, s5;
	v16 =	vld [tilespmem:s22+$0x0]  }
0x483: {  	v7 =	vld [tilespmem:s26+$0x0];
	s28 =	sor.u32 $0x6300, s3  }
0x484: {  	v18 =	vld [tilespmem:s28+$0x0];
	v3 =	vadd.f32 v3, v49;
	_ =	sdelay $0x1  }
0x485: {  	s29 =	sor.u32 s10, s24;
	[tilespmem:s4+$0xF000] =	vst v3;
	v21 =	vadd.f32 v17, v4  }
0x486: {  	s30 =	sadd.s32 $0x7B00, s8;
	s5 =	sor.u32 $0x6300, s5;
	v19 =	vadd.f32 v16, v63;
	v20 =	vld [tilespmem:s29+$0x0]  }
0x487: {  	s4 =	sor.u32 s19, s30;
	v23 =	vld [tilespmem:s5+$0x0];
	[tilespmem:s0+$0xF000] =	vst v21  }
0x488: {  	s6 =	sor.u32 s23, s30;
	v22 =	vadd.f32 v18, v7;
	[tilespmem:s22+$0xF000] =	vst v19;
	v9 =	vld [tilespmem:s4+$0x0]  }
0x489: {  	s9 =	sadd.s32 $0x7B00, s12;
	v24 =	vld [tilespmem:s6+$0x0]  }
0x48a: {  	s11 =	sor.u32 s17, s9;
	[tilespmem:s28+$0xF000] =	vst v22  }
0x48b: {  	v3 =	vld [tilespmem:s11+$0x0]  }
0x48c: {  	v12 =	vld [tilespmem:s31+$0x0];
	v10 =	vadd.f32 v23, v20  }
0x48d: {  	v9 =	vadd.f32 v9, v4  }
0x48e: {  	s13 =	sadd.s32 $0x9300, s8;
	s0 =	sor.u32 s10, s9;
	[tilespmem:s5+$0xF000] =	vst v10;
	v11 =	vadd.f32 v24, v63  }
0x48f: {  	s5 =	sor.u32 s19, s13;
	v10 =	vld [tilespmem:s0+$0x0];
	[tilespmem:s4+$0xF000] =	vst v9  }
0x490: {  	s16 =	sor.u32 s23, s13;
	v3 =	vadd.f32 v3, v7;
	[tilespmem:s6+$0xF000] =	vst v11;
	v9 =	vld [tilespmem:s5+$0x0]  }
0x491: {  	v12 =	vadd.f32 v12, v1;
	s20 =	sadd.s32 $0x9300, s12;
	v11 =	vld [tilespmem:s16+$0x0]  }
0x492: {  	s22 =	sor.u32 s17, s20;
	[tilespmem:s11+$0xF000] =	vst v3  }
0x493: {  	[tilespmem:s31+$0xF000] =	vst v12;
	v3 =	vld [tilespmem:s22+$0x0]  }
0x494: {  	s7 =	rddreg [dreg:$0x15];
	v10 =	vadd.f32 v10, v20  }
0x495: {  	v12 =	vld [tilespmem:s7+$0x0];
	v9 =	vadd.f32 v9, v4  }
0x496: {  	s24 =	sadd.s32 $0xAB00, s8;
	s4 =	sor.u32 s10, s20;
	[tilespmem:s0+$0xF000] =	vst v10;
	v11 =	vadd.f32 v11, v63  }
0x497: {  	s0 =	sor.u32 s19, s24;
	v10 =	vld [tilespmem:s4+$0x0];
	[tilespmem:s5+$0xF000] =	vst v9  }
0x498: {  	s25 =	sor.u32 s23, s24;
	v3 =	vadd.f32 v3, v7;
	[tilespmem:s16+$0xF000] =	vst v11;
	v9 =	vld [tilespmem:s0+$0x0]  }
0x499: {  	s26 =	sadd.s32 $0xAB00, s12;
	v11 =	vld [tilespmem:s25+$0x0]  }
0x49a: {  	s28 =	sor.u32 s17, s26;
	v25 =	vadd.f32 v12, v1;
	[tilespmem:s22+$0xF000] =	vst v3  }
0x49b: {  	v3 =	vld [tilespmem:s28+$0x0]  }
0x49c: {  	[tilespmem:s7+$0xF000] =	vst v25;
	v10 =	vadd.f32 v10, v20  }
0x49d: {  	s7 =	rddreg [dreg:$0x16];
	v4 =	vadd.f32 v9, v4  }
0x49e: {  	s29 =	sadd.s32 $0xDB80, s8;
	s5 =	sor.u32 s10, s26;
	v27 =	vld [tilespmem:s7+$0x0];
	[tilespmem:s4+$0xF000] =	vst v10;
	v26 =	vadd.f32 v11, v63  }
0x49f: {  	s31 =	sor.u32 s19, s29;
	v29 =	vld [tilespmem:s5+$0x0];
	[tilespmem:s0+$0xF000] =	vst v4  }
0x4a0: {  	s30 =	sor.u32 s23, s29;
	v28 =	vadd.f32 v3, v7;
	[tilespmem:s25+$0xF000] =	vst v26;
	v4 =	vld [tilespmem:s31+$0x0]  }
0x4a1: {  	s1 =	sor.u32 $0x6380, s1;
	s4 =	sadd.s32 $0xDB80, s12;
	v30 =	vld [tilespmem:s30+$0x0]  }
0x4a2: {  	s7 =	sor.u32 s17, s4;
	[tilespmem:s28+$0xF000] =	vst v28;
	v32 =	vld [tilespmem:s1+$0x0]  }
0x4a3: {  	v1 =	vld [tilespmem:s7+$0x0];
	s6 =	rddreg [dreg:$0xd]  }
0x4a4: {  	v35 =	vadd.f32 v5, v2;
	s11 =	sor.u32 $0x6380, s3;
	v31 =	vld [tilespmem:s6+$0x0]  }
0x4a5: {  	s13 =	sadd.s32 $0x7B80, s18;
	s9 =	rddreg [dreg:$0x18];
	v34 =	vld [tilespmem:s11+$0x0];
	v3 =	vadd.f32 v29, v20  }
0x4a6: {  	s16 =	sor.u32 s14, s13;
	[tilespmem:s15+$0xF000] =	vst v35;
	v33 =	vld [tilespmem:s9+$0x0]  }
0x4a7: {  	s0 =	sor.u32 s10, s4;
	v39 =	vld [tilespmem:s16+$0x0];
	[tilespmem:s5+$0xF000] =	vst v3;
	v38 =	vadd.f32 v32, v30  }
0x4a8: {  	s20 =	sadd.s32 $0x7B80, s8;
	v36 =	vld [tilespmem:s0+$0x0]  }
0x4a9: {  	s22 =	sor.u32 s23, s20;
	v37 =	vld [tilespmem:s21+$0x0];
	v9 =	vadd.f32 v31, v27;
	[tilespmem:s1+$0xF000] =	vst v38  }
0x4aa: {  	s15 =	rddreg [dreg:$0x9];
	v41 =	vld [tilespmem:s22+$0x0]  }
0x4ab: {  	v40 =	vadd.f32 v34, v1;
	s0 =	sor.u32 s15, s13;
	[tilespmem:s6+$0xF000] =	vst v9  }
0x4ac: {  	s24 =	sadd.s32 $0x7B80, s12;
	v6 =	vadd.f32 v33, v4;
	v42 =	vld [tilespmem:s0+$0x0]  }
0x4ad: {  	s25 =	sor.u32 s17, s24;
	v10 =	vadd.f32 v39, v2;
	[tilespmem:s11+$0xF000] =	vst v40  }
0x4ae: {  	s26 =	sadd.s32 $0x9380, s18;
	s4 =	sor.u32 s19, s20;
	[tilespmem:s9+$0xF000] =	vst v6;
	v44 =	vld [tilespmem:s25+$0x0];
	v43 =	vadd.f32 v37, v36  }
0x4af: {  	s28 =	sor.u32 s14, s26;
	[tilespmem:s16+$0xF000] =	vst v10;
	v45 =	vld [tilespmem:s4+$0x0];
	v9 =	vadd.f32 v41, v30  }
0x4b0: {  	s29 =	sadd.s32 $0x9380, s8;
	s5 =	sor.u32 s10, s24;
	v10 =	vld [tilespmem:s28+$0x0];
	[tilespmem:s21+$0xF000] =	vst v43  }
0x4b1: {  	s30 =	sor.u32 s23, s29;
	v3 =	vld [tilespmem:s5+$0x0];
	v11 =	vadd.f32 v42, v27;
	[tilespmem:s22+$0xF000] =	vst v9  }
0x4b2: {  	v9 =	vld [tilespmem:s30+$0x0]  }
0x4b3: {  	s6 =	sor.u32 s15, s26;
	v6 =	vadd.f32 v44, v1;
	[tilespmem:s0+$0xF000] =	vst v11  }
0x4b4: {  	s31 =	sadd.s32 $0x9380, s12;
	v46 =	vadd.f32 v45, v4;
	v47 =	vld [tilespmem:s6+$0x0]  }
0x4b5: {  	s9 =	sor.u32 s17, s31;
	v48 =	vadd.f32 v10, v2;
	[tilespmem:s25+$0xF000] =	vst v6  }
0x4b6: {  	s11 =	sor.u32 s19, s29;
	s13 =	sadd.s32 $0xAB80, s18;
	[tilespmem:s4+$0xF000] =	vst v46;
	v6 =	vld [tilespmem:s9+$0x0];
	v3 =	vadd.f32 v3, v36  }
0x4b7: {  	s16 =	sor.u32 s14, s13;
	[tilespmem:s28+$0xF000] =	vst v48;
	v49 =	vld [tilespmem:s11+$0x0];
	v51 =	vadd.f32 v9, v30  }
0x4b8: {  	s18 =	sadd.s32 $0xAB80, s8;
	s0 =	sor.u32 s10, s31;
	v52 =	vld [tilespmem:s16+$0x0];
	[tilespmem:s5+$0xF000] =	vst v3  }
0x4b9: {  	s21 =	sor.u32 s23, s18;
	v50 =	vld [tilespmem:s0+$0x0];
	v12 =	vadd.f32 v47, v27;
	[tilespmem:s30+$0xF000] =	vst v51  }
0x4ba: {  	s20 =	rddreg [dreg:$0xb];
	v54 =	vld [tilespmem:s21+$0x0]  }
0x4bb: {  	s5 =	sor.u32 s15, s13;
	v6 =	vadd.f32 v6, v1;
	v53 =	vld [tilespmem:s20+$0x0];
	[tilespmem:s6+$0xF000] =	vst v12  }
0x4bc: {  	v10 =	vadd.f32 v49, v4;
	v55 =	vld [tilespmem:s5+$0x0]  }
0x4bd: {  	v57 =	vadd.f32 v52, v2;
	[tilespmem:s9+$0xF000] =	vst v6  }
0x4be: {  	[tilespmem:s11+$0xF000] =	vst v10;
	v11 =	vadd.f32 v50, v36  }
0x4bf: {  	s22 =	sadd.s32 $0xAB80, s12;
	[tilespmem:s16+$0xF000] =	vst v57;
	v60 =	vadd.f32 v54, v30  }
0x4c0: {  	s23 =	sor.u32 s17, s22;
	[tilespmem:s0+$0xF000] =	vst v11;
	v0 =	vadd.f32 v53, v0  }
0x4c1: {  	s7 =	sor.u32 s19, s18;
	v56 =	vld [tilespmem:s23+$0x0];
	v61 =	vadd.f32 v55, v27;
	[tilespmem:s21+$0xF000] =	vst v60  }
0x4c2: {  	s24 =	sor.u32 s10, s22;
	v58 =	vld [tilespmem:s7+$0x0];
	[tilespmem:s20+$0xF000] =	vst v0  }
0x4c3: {  	v59 =	vld [tilespmem:s24+$0x0];
	[tilespmem:s5+$0xF000] =	vst v61  }
0x4c4: {  	s0 =	sld [smem:$0x7FB]  }
0x4c5: {  	s1 =	sld [smem:$0x7F3]  }
0x4c6: {  	v1 =	vadd.f32 v56, v1  }
0x4c7: {  	v62 =	vadd.f32 v58, v4  }
0x4c8: {  	[tilespmem:s23+$0xF000] =	vst v1;
	v63 =	vadd.f32 v59, v36;
	s0 =	sadd.s32 @!p0 s1, s0  }
0x4c9: {  	[tilespmem:s7+$0xF000] =	vst v62;
	s0 =	smul.u32 @!p0 $0x300, s0  }
0x4ca: {  	s2 =	simm.s32 @!p0 $0x0;
	[tilespmem:s24+$0xF000] =	vst v63;
	s1 =	rddreg [dreg:$0x1]  }
0x4cb: {  	s3 =	simm.s32 @!p0 $0xD800;
	s31 =	sld [smem:$0x7F2];
	s1 =	sadd.s32 @!p0 s1, s0  }
0x4cc: {  	[tilespmem:s3], [sflag:$0x2] =	stream.linear.gather @!p0 [hbm4b:s1+s2], $0x1800, $0x38;
	[tilespmem:$0x1B000] =	vst v63  }
0x4cd: {  	s1 =	rddreg [dreg:$0x0];
	s2 =	simm.s32 @!p0 $0x600000  }
0x4ce: {  	s3 =	simm.s32 @!p0 $0x6000;
	s0 =	sadd.s32 @!p0 s1, s0;
	s1 =	simm.s32 @!p0 $0x1800  }
0x4cf: {  	[tilespmem:s3], [sflag:$0x2] =	stream.strided.gather @!p0 [hbm4b:s0+s1], $0x6000, s2, s1, $0x38;
	[tilespmem:$0x1B000] =	vst v63  }
0x4d0: {  	s1 =	sadd.s32 $0x1, s31  }
0x4d1: {  	s25 =	sld [smem:$0x7FD];
	p0 =	sne.s32 s1, $0x10  }
.Ltmp2:
0x4d2: {  	s26 =	sld [smem:$0x7E1];
	(pc) =	sbr.rel @p0 .LBB2_2-.Ltmp2, $4  }
0x4d3: {  	_ = 	snop  }
0x4d4: {  	s29 =	simm.s32 $0x600000  }
0x4d5: {  	s28 =	simm.s32 $0x1800;
	s30 =	simm.s32 $0x15000;
	s0 =	sadd.s32 s25, s26  }
0x4d6: {  	[hbm4b:s0+s28] =	stream.strided.scatter [tilespmem:s30], [sflag:$0x4], $0x6000, s29, s28, $0x38;
	[tilespmem:$0x1B000] =	vst v63  }
0x4d7: {  	s0 =	simm.s32 $0x3  }
0x4d8: {  	_ =	swait.ge [sflag:s0], $0x6000  }
0x4d9: {  	[sflag:s0] =	ssyncset.done $0x0  }
0x4da: {  	s1 =	simm.s32 $0x4;
	[sflag:s0] =	ssyncadd.s32 $0xFFFFA000  }
0x4db: {  	_ =	swait.ge [sflag:s1], $0x6000  }
0x4dc: {  	s2 =	sld [smem:$0x7F4]  }
0x4dd: {  	s31 =	sld [smem:$0x7FC];
	_ =	sdelay $0x1  }
0x4de: {  	s2 =	sadd.s32 $0x1, s2  }
0x4df: {  	p0 =	sne.s32 s2, s31  }
.Ltmp3:
0x4e0: {  	_ = 	snop;
	(pc) =	sbr.rel @p0 .LBB2_1-.Ltmp3, $3  }
0x4e1: {  	_ =	sdelay $0x1  }
0x4e2: {  	[sflag:s1] =	ssyncset.done $0x0  }
0x4e3: {  	[sflag:s1] =	ssyncadd.s32 $0xFFFFA000  }
0x4e4: {  	_ =	sfence.sel $0x180000  }
0x4e5: {  	[bflag:$0x0] =	sbarrier.arrive $0xFFFF  }
0x4e6: {  	_ =	strace $0x90000047  }
0x4e7: {  	s0 =	stileid.u32;
	[bflag:$0x2] =	sbarrier.arrive $0xFFFF  }
0x4e8: {  	p0 =	sne.s32 s0, $0x0;
	s0 =	rddreg [dreg:$0x3]  }
0x4e9: {  	s0 =	sadd.s32 @!p0 $0x100000, s0  }
0x4ea: {  	[sflag:s0] =	ssyncadd.tile.s32 @!p0 $0x1;
	_ =	shalt  }
.Lfunc_end2:
_tile_overlayer_lowered:
.L_overlay_start_2:
0x4eb: {  	(tag) =	ssettag $0x2  }
0x4ec: {  	s0 =	rddreg [dreg:$0x0];
	s2 =	stileid.u32  }
0x4ed: {  	s1 =	rddreg [dreg:$0x1];
	p0 =	sne.s32 s2, $0x0  }
0x4ee: {  	s3 =	rddreg [dreg:$0x2];
	[bflag:$0x3] =	sbarrier.arrive $0xFFFF;
	s2 =	simm.s32 @!p0 $0x1C05  }
0x4ef: {  	[timem:s3], [sflag:s2] =	dma.local @!p0 [hbm:s0], s1  }
0x4f0: {  	s0 =	simm.s32 @!p0 $0x5  }
0x4f1: {  	_ =	swait.ge @!p0 [sflag:s0], s1  }
0x4f2: {  	s1 =	ssub.s32 @!p0 $0x0, s1;
	[sflag:s0] =	ssyncset.done @!p0 $0x0  }
0x4f3: {  	[sflag:s0] =	ssyncadd.s32 @!p0 s1  }
0x4f4: {  	[bflag:$0x3] =	sbarrier.arrive $0xFFFF  }
0x4f5: {  	_ =	shalt  }

</sc_bundles>
